<compile_context>
chip_gen: v7x
topology: tpu7x:2x2x1
jax: 0.10.2.dev20260603
libtpu: 0.0.44.dev20260713+nightly
codegen_flags: <defaults>
</compile_context>

<pallas_src>
import functools
import jax
import jax.numpy as jnp
from jax import lax
from jax.experimental import pallas as pl
from jax.experimental.pallas import tpu as pltpu
from jax.experimental.pallas import tpu_sc as plsc

BATCH = 16384
HIST = 50
DIM = 32
NC = 2
NS = 16
NW = NC * NS
BBLK = BATCH // NW
HP = 56

_mesh = plsc.VectorSubcoreMesh(core_axis_name="c", subcore_axis_name="s")


@functools.partial(
    pl.kernel,
    mesh=_mesh,
    out_type=jax.ShapeDtypeStruct((HIST, 4, BATCH // 128, 8, 128), jnp.float32),
    scratch_types=[
        pltpu.VMEM((HP // 8, 4, 8, 128), jnp.int32),
        pltpu.VMEM((2, BBLK, DIM), jnp.float32),
        pltpu.VMEM((2, 4, 4, 8, 128), jnp.float32),
        pltpu.SemaphoreType.DMA,
        pltpu.SemaphoreType.DMA,
    ],
    compiler_params=pltpu.CompilerParams(
        use_tc_tiling_on_sc=False, needs_layout_passes=False),
)
def _emb_lookup(idx_hbm, table_hbm, out_hbm, idx_v, g_v, t_v, gsem, ssem):
    wid = lax.axis_index("s") * NC + lax.axis_index("c")
    for r in range(HP // 8):
        pltpu.sync_copy(idx_hbm.at[r, pl.ds(wid * 4, 4)], idx_v.at[r])

    lanes = lax.iota(jnp.int32, 16)

    def gathers(h, buf):
        r = lax.shift_right_logical(h, 3)
        hh = lax.rem(h, 8)
        return [pltpu.make_async_copy(
            table_hbm.at[idx_v.at[r, cl, hh]],
            g_v.at[buf, pl.ds(cl * 128, 128)], gsem)
            for cl in range(4)]

    def stores(h, buf):
        return [pltpu.make_async_copy(
            t_v.at[buf, r], out_hbm.at[h, r, pl.ds(wid * 4, 4)], ssem)
            for r in range(4)]

    def transpose(h, buf):
        g_b = g_v.at[buf]

        def per_rd(rd, c2):
            r = lax.shift_right_logical(rd, 3)
            dd = lax.rem(rd, 8)
            cols = jnp.full((16,), rd, jnp.int32)
            for c in range(4):
                for j in range(8):
                    vals = plsc.load_gather(
                        g_b, [c * 128 + j * 16 + lanes, cols])
                    t_v[buf, r, c, dd, pl.ds(j * 16, 16)] = vals
            return c2
        lax.fori_loop(0, 32, per_rd, 0)

    for g in gathers(0, 0):
        g.start()
    for g in gathers(0, 0):
        g.wait()
    for g in gathers(1, 1):
        g.start()
    transpose(0, 0)
    for s in stores(0, 0):
        s.start()

    def body(h, carry):
        cur = h % 2
        for g in gathers(h, cur):
            g.wait()
        for g in gathers(h + 1, 1 - cur):
            g.start()
        for s in stores(h - 1, 1 - cur):
            s.wait()
        transpose(h, cur)
        for s in stores(h, cur):
            s.start()
        return carry

    lax.fori_loop(1, HIST - 1, body, 0)

    last = HIST - 1
    cur = last % 2
    for g in gathers(last, cur):
        g.wait()
    for s in stores(last - 1, 1 - cur):
        s.wait()
    transpose(last, cur)
    for s in stores(last, cur):
        s.start()
    for s in stores(last, cur):
        s.wait()


def kernel(input, table):
    inp = jnp.pad(input.astype(jnp.int32), ((0, 0), (0, HP - HIST)))
    idx6 = inp.reshape(128, 128, HP // 8, 8).transpose(2, 0, 3, 1)
    out6 = _emb_lookup(idx6, table)
    return out6.transpose(2, 4, 0, 1, 3).reshape(BATCH, HIST, DIM)

# --- scband reference (transcript-rebuilt; emitter-appended) ---
"""Pipeline reference for scband-embedding-22247930593859 (READ-ONLY COPY).

The authoritative reference and input builder live on the scoring server;
editing this copy changes nothing except your own understanding.
"""

import jax, jax.numpy as jnp
import numpy as np

BATCH = 16384
HIST = 50
VOCAB = 1000000
DIM = 32


def setup_inputs(seed: int = 0) -> dict:
    key = jax.random.key(seed)
    k1, k2 = jax.random.split(key)
    indices = jax.random.randint(k1, (BATCH, HIST), 0, VOCAB, dtype=jnp.int64)
    # 'uniform' keras initializer: uniform in [-0.05, 0.05]
    table = jax.random.uniform(k2, (VOCAB, DIM), dtype=jnp.float32, minval=-0.05, maxval=0.05)
    return {"input": indices, "table": table}


def reference(input, table):
    # Dense input path, combiner=None: plain embedding lookup.
    # Output shape: (batch, input_length, output_dim)
    idx = input.astype(jnp.int64)
    out = jnp.take(table, idx, axis=0)
    return out

if __name__ == "__main__":
    import jax
    _d = setup_inputs()
    print(jax.jit(kernel)(*tuple(_d.values())))

</pallas_src>

<mosaic_0001>
#map = affine_map<(d0, d1) -> (0, 0, 0, 0)>
#map1 = affine_map<(d0, d1) -> (0, 0)>
#map2 = affine_map<(d0, d1) -> (0, 0, 0, 0, 0)>
module attributes {stable_mosaic.version = 14 : i64} {
  func.func @_emb_lookup(%arg0: i32, %arg1: i32, %arg2: memref<7x128x8x128xi32, #tpu.memory_space<hbm>>, %arg3: memref<1000000x32xf32, #tpu.memory_space<hbm>>, %arg4: memref<50x4x128x8x128xf32, #tpu.memory_space<hbm>>, %arg5: memref<7x4x8x128xi32, #tpu.memory_space<vmem>>, %arg6: memref<2x512x32xf32, #tpu.memory_space<vmem>>, %arg7: memref<2x4x4x8x128xf32, #tpu.memory_space<vmem>>, %arg8: memref<!tpu.dma_semaphore, #tpu.memory_space<semaphore_mem>>, %arg9: memref<!tpu.dma_semaphore, #tpu.memory_space<semaphore_mem>>) attributes {dimension_semantics = [#tpu.dimension_semantics<core_parallel>, #tpu.dimension_semantics<subcore_parallel>], iteration_bounds = array<i64: 2, 16>, scalar_prefetch = 0 : i64, scratch_operands = 5 : i64, tpu.core_type = #tpu.core_type<sc_vector_subcore>, window_params = [{transform_indices = #map}, {transform_indices = #map1}, {transform_indices = #map2}]} {
    %mul3A = arith.constant 2 : i32
    %mul3A_0 = arith.muli %arg1, %mul3A : i32
    %add3A = arith.addi %mul3A_0, %arg0 : i32
    %mul3A_1 = arith.constant 4 : i32
    %mul3A_2 = arith.muli %add3A, %mul3A_1 : i32
    %run_scoped3A = arith.constant 0 : i32
    %run_scoped3A_3 = arith.constant 0 : i32
    "tpu.region"() ({
      %run_scoped3A_643 = tpu.sem_alloc : memref<!tpu.dma_semaphore, #tpu.memory_space<semaphore_mem>>
      %dma_start3A_644 = arith.constant 0 : i32
      %dma_start3A_645 = arith.constant 0 : i32
      %dma_start3A_646 = arith.constant 0 : i32
      %dma_start3A_647 = tpu.memref_slice %arg5[%run_scoped3A_3, %dma_start3A_644, %dma_start3A_645, %dma_start3A_646] : memref<7x4x8x128xi32, #tpu.memory_space<vmem>> -> memref<1x4x8x128xi32, #tpu.memory_space<vmem>>
      %dma_start3A_648 = tpu.memref_squeeze %dma_start3A_647 : memref<1x4x8x128xi32, #tpu.memory_space<vmem>> -> memref<4x8x128xi32, #tpu.memory_space<vmem>>
      %dma_start3A_649 = arith.constant 0 : i32
      %dma_start3A_650 = arith.constant 0 : i32
      %dma_start3A_651 = tpu.memref_slice %arg2[%run_scoped3A, %mul3A_2, %dma_start3A_649, %dma_start3A_650] : memref<7x128x8x128xi32, #tpu.memory_space<hbm>> -> memref<1x4x8x128xi32, #tpu.memory_space<hbm>>
      %dma_start3A_652 = tpu.memref_squeeze %dma_start3A_651 : memref<1x4x8x128xi32, #tpu.memory_space<hbm>> -> memref<4x8x128xi32, #tpu.memory_space<hbm>>
      %dma_start3A_653 = arith.constant 0 : i32
      %dma_start3A_654 = arith.constant 0 : i32
      %dma_start3A_655 = arith.constant 0 : i32
      %dma_start3A_656 = tpu.memref_slice %arg5[%run_scoped3A_3, %dma_start3A_653, %dma_start3A_654, %dma_start3A_655] : memref<7x4x8x128xi32, #tpu.memory_space<vmem>> -> memref<1x4x8x128xi32, #tpu.memory_space<vmem>>
      %dma_start3A_657 = tpu.memref_squeeze %dma_start3A_656 : memref<1x4x8x128xi32, #tpu.memory_space<vmem>> -> memref<4x8x128xi32, #tpu.memory_space<vmem>>
      %dma_start3A_658 = arith.constant 0 : i32
      %dma_start3A_659 = arith.constant 0 : i32
      %dma_start3A_660 = tpu.memref_slice %arg2[%run_scoped3A, %mul3A_2, %dma_start3A_658, %dma_start3A_659] : memref<7x128x8x128xi32, #tpu.memory_space<hbm>> -> memref<1x4x8x128xi32, #tpu.memory_space<hbm>>
      %dma_start3A_661 = tpu.memref_squeeze %dma_start3A_660 : memref<1x4x8x128xi32, #tpu.memory_space<hbm>> -> memref<4x8x128xi32, #tpu.memory_space<hbm>>
      tpu.enqueue_dma source(%dma_start3A_661 : memref<4x8x128xi32, #tpu.memory_space<hbm>>) target(%dma_start3A_657 : memref<4x8x128xi32, #tpu.memory_space<vmem>>) target_semaphore(%run_scoped3A_643 : memref<!tpu.dma_semaphore, #tpu.memory_space<semaphore_mem>>)
      %dma_wait3A_662 = arith.constant 0 : i32
      %dma_wait3A_663 = arith.constant 0 : i32
      %dma_wait3A_664 = arith.constant 0 : i32
      %dma_wait3A_665 = tpu.memref_slice %arg5[%run_scoped3A_3, %dma_wait3A_662, %dma_wait3A_663, %dma_wait3A_664] : memref<7x4x8x128xi32, #tpu.memory_space<vmem>> -> memref<1x4x8x128xi32, #tpu.memory_space<vmem>>
      %dma_wait3A_666 = tpu.memref_squeeze %dma_wait3A_665 : memref<1x4x8x128xi32, #tpu.memory_space<vmem>> -> memref<4x8x128xi32, #tpu.memory_space<vmem>>
      %dma_wait3A_667 = arith.constant 0 : i32
      %dma_wait3A_668 = arith.constant 0 : i32
      %dma_wait3A_669 = tpu.memref_slice %arg2[%run_scoped3A, %mul3A_2, %dma_wait3A_667, %dma_wait3A_668] : memref<7x128x8x128xi32, #tpu.memory_space<hbm>> -> memref<1x4x8x128xi32, #tpu.memory_space<hbm>>
      %dma_wait3A_670 = tpu.memref_squeeze %dma_wait3A_669 : memref<1x4x8x128xi32, #tpu.memory_space<hbm>> -> memref<4x8x128xi32, #tpu.memory_space<hbm>>
      %dma_wait3A_671 = arith.constant 0 : i32
      %dma_wait3A_672 = arith.constant 0 : i32
      %dma_wait3A_673 = arith.constant 0 : i32
      %dma_wait3A_674 = tpu.memref_slice %arg5[%run_scoped3A_3, %dma_wait3A_671, %dma_wait3A_672, %dma_wait3A_673] : memref<7x4x8x128xi32, #tpu.memory_space<vmem>> -> memref<1x4x8x128xi32, #tpu.memory_space<vmem>>
      %dma_wait3A_675 = tpu.memref_squeeze %dma_wait3A_674 : memref<1x4x8x128xi32, #tpu.memory_space<vmem>> -> memref<4x8x128xi32, #tpu.memory_space<vmem>>
      %dma_wait3A_676 = arith.constant 0 : i32
      %dma_wait3A_677 = arith.constant 0 : i32
      %dma_wait3A_678 = tpu.memref_slice %arg2[%run_scoped3A, %mul3A_2, %dma_wait3A_676, %dma_wait3A_677] : memref<7x128x8x128xi32, #tpu.memory_space<hbm>> -> memref<1x4x8x128xi32, #tpu.memory_space<hbm>>
      %dma_wait3A_679 = tpu.memref_squeeze %dma_wait3A_678 : memref<1x4x8x128xi32, #tpu.memory_space<hbm>> -> memref<4x8x128xi32, #tpu.memory_space<hbm>>
      tpu.wait_dma2 semaphore(%run_scoped3A_643 : memref<!tpu.dma_semaphore, #tpu.memory_space<semaphore_mem>>) src(%dma_wait3A_679 : memref<4x8x128xi32, #tpu.memory_space<hbm>>) dst(%dma_wait3A_675 : memref<4x8x128xi32, #tpu.memory_space<vmem>>)
      tpu.yield
    }) : () -> ()
    %mul3A_4 = arith.constant 4 : i32
    %mul3A_5 = arith.muli %add3A, %mul3A_4 : i32
    %run_scoped3A_6 = arith.constant 1 : i32
    %run_scoped3A_7 = arith.constant 1 : i32
    "tpu.region"() ({
      %run_scoped3A_643 = tpu.sem_alloc : memref<!tpu.dma_semaphore, #tpu.memory_space<semaphore_mem>>
      %dma_start3A_644 = arith.constant 0 : i32
      %dma_start3A_645 = arith.constant 0 : i32
      %dma_start3A_646 = arith.constant 0 : i32
      %dma_start3A_647 = tpu.memref_slice %arg5[%run_scoped3A_7, %dma_start3A_644, %dma_start3A_645, %dma_start3A_646] : memref<7x4x8x128xi32, #tpu.memory_space<vmem>> -> memref<1x4x8x128xi32, #tpu.memory_space<vmem>>
      %dma_start3A_648 = tpu.memref_squeeze %dma_start3A_647 : memref<1x4x8x128xi32, #tpu.memory_space<vmem>> -> memref<4x8x128xi32, #tpu.memory_space<vmem>>
      %dma_start3A_649 = arith.constant 0 : i32
      %dma_start3A_650 = arith.constant 0 : i32
      %dma_start3A_651 = tpu.memref_slice %arg2[%run_scoped3A_6, %mul3A_5, %dma_start3A_649, %dma_start3A_650] : memref<7x128x8x128xi32, #tpu.memory_space<hbm>> -> memref<1x4x8x128xi32, #tpu.memory_space<hbm>>
      %dma_start3A_652 = tpu.memref_squeeze %dma_start3A_651 : memref<1x4x8x128xi32, #tpu.memory_space<hbm>> -> memref<4x8x128xi32, #tpu.memory_space<hbm>>
      %dma_start3A_653 = arith.constant 0 : i32
      %dma_start3A_654 = arith.constant 0 : i32
      %dma_start3A_655 = arith.constant 0 : i32
      %dma_start3A_656 = tpu.memref_slice %arg5[%run_scoped3A_7, %dma_start3A_653, %dma_start3A_654, %dma_start3A_655] : memref<7x4x8x128xi32, #tpu.memory_space<vmem>> -> memref<1x4x8x128xi32, #tpu.memory_space<vmem>>
      %dma_start3A_657 = tpu.memref_squeeze %dma_start3A_656 : memref<1x4x8x128xi32, #tpu.memory_space<vmem>> -> memref<4x8x128xi32, #tpu.memory_space<vmem>>
      %dma_start3A_658 = arith.constant 0 : i32
      %dma_start3A_659 = arith.constant 0 : i32
      %dma_start3A_660 = tpu.memref_slice %arg2[%run_scoped3A_6, %mul3A_5, %dma_start3A_658, %dma_start3A_659] : memref<7x128x8x128xi32, #tpu.memory_space<hbm>> -> memref<1x4x8x128xi32, #tpu.memory_space<hbm>>
      %dma_start3A_661 = tpu.memref_squeeze %dma_start3A_660 : memref<1x4x8x128xi32, #tpu.memory_space<hbm>> -> memref<4x8x128xi32, #tpu.memory_space<hbm>>
      tpu.enqueue_dma source(%dma_start3A_661 : memref<4x8x128xi32, #tpu.memory_space<hbm>>) target(%dma_start3A_657 : memref<4x8x128xi32, #tpu.memory_space<vmem>>) target_semaphore(%run_scoped3A_643 : memref<!tpu.dma_semaphore, #tpu.memory_space<semaphore_mem>>)
      %dma_wait3A_662 = arith.constant 0 : i32
      %dma_wait3A_663 = arith.constant 0 : i32
      %dma_wait3A_664 = arith.constant 0 : i32
      %dma_wait3A_665 = tpu.memref_slice %arg5[%run_scoped3A_7, %dma_wait3A_662, %dma_wait3A_663, %dma_wait3A_664] : memref<7x4x8x128xi32, #tpu.memory_space<vmem>> -> memref<1x4x8x128xi32, #tpu.memory_space<vmem>>
      %dma_wait3A_666 = tpu.memref_squeeze %dma_wait3A_665 : memref<1x4x8x128xi32, #tpu.memory_space<vmem>> -> memref<4x8x128xi32, #tpu.memory_space<vmem>>
      %dma_wait3A_667 = arith.constant 0 : i32
      %dma_wait3A_668 = arith.constant 0 : i32
      %dma_wait3A_669 = tpu.memref_slice %arg2[%run_scoped3A_6, %mul3A_5, %dma_wait3A_667, %dma_wait3A_668] : memref<7x128x8x128xi32, #tpu.memory_space<hbm>> -> memref<1x4x8x128xi32, #tpu.memory_space<hbm>>
      %dma_wait3A_670 = tpu.memref_squeeze %dma_wait3A_669 : memref<1x4x8x128xi32, #tpu.memory_space<hbm>> -> memref<4x8x128xi32, #tpu.memory_space<hbm>>
      %dma_wait3A_671 = arith.constant 0 : i32
      %dma_wait3A_672 = arith.constant 0 : i32
      %dma_wait3A_673 = arith.constant 0 : i32
      %dma_wait3A_674 = tpu.memref_slice %arg5[%run_scoped3A_7, %dma_wait3A_671, %dma_wait3A_672, %dma_wait3A_673] : memref<7x4x8x128xi32, #tpu.memory_space<vmem>> -> memref<1x4x8x128xi32, #tpu.memory_space<vmem>>
      %dma_wait3A_675 = tpu.memref_squeeze %dma_wait3A_674 : memref<1x4x8x128xi32, #tpu.memory_space<vmem>> -> memref<4x8x128xi32, #tpu.memory_space<vmem>>
      %dma_wait3A_676 = arith.constant 0 : i32
      %dma_wait3A_677 = arith.constant 0 : i32
      %dma_wait3A_678 = tpu.memref_slice %arg2[%run_scoped3A_6, %mul3A_5, %dma_wait3A_676, %dma_wait3A_677] : memref<7x128x8x128xi32, #tpu.memory_space<hbm>> -> memref<1x4x8x128xi32, #tpu.memory_space<hbm>>
      %dma_wait3A_679 = tpu.memref_squeeze %dma_wait3A_678 : memref<1x4x8x128xi32, #tpu.memory_space<hbm>> -> memref<4x8x128xi32, #tpu.memory_space<hbm>>
      tpu.wait_dma2 semaphore(%run_scoped3A_643 : memref<!tpu.dma_semaphore, #tpu.memory_space<semaphore_mem>>) src(%dma_wait3A_679 : memref<4x8x128xi32, #tpu.memory_space<hbm>>) dst(%dma_wait3A_675 : memref<4x8x128xi32, #tpu.memory_space<vmem>>)
      tpu.yield
    }) : () -> ()
    %mul3A_8 = arith.constant 4 : i32
    %mul3A_9 = arith.muli %add3A, %mul3A_8 : i32
    %run_scoped3A_10 = arith.constant 2 : i32
    %run_scoped3A_11 = arith.constant 2 : i32
    "tpu.region"() ({
      %run_scoped3A_643 = tpu.sem_alloc : memref<!tpu.dma_semaphore, #tpu.memory_space<semaphore_mem>>
      %dma_start3A_644 = arith.constant 0 : i32
      %dma_start3A_645 = arith.constant 0 : i32
      %dma_start3A_646 = arith.constant 0 : i32
      %dma_start3A_647 = tpu.memref_slice %arg5[%run_scoped3A_11, %dma_start3A_644, %dma_start3A_645, %dma_start3A_646] : memref<7x4x8x128xi32, #tpu.memory_space<vmem>> -> memref<1x4x8x128xi32, #tpu.memory_space<vmem>>
      %dma_start3A_648 = tpu.memref_squeeze %dma_start3A_647 : memref<1x4x8x128xi32, #tpu.memory_space<vmem>> -> memref<4x8x128xi32, #tpu.memory_space<vmem>>
      %dma_start3A_649 = arith.constant 0 : i32
      %dma_start3A_650 = arith.constant 0 : i32
      %dma_start3A_651 = tpu.memref_slice %arg2[%run_scoped3A_10, %mul3A_9, %dma_start3A_649, %dma_start3A_650] : memref<7x128x8x128xi32, #tpu.memory_space<hbm>> -> memref<1x4x8x128xi32, #tpu.memory_space<hbm>>
      %dma_start3A_652 = tpu.memref_squeeze %dma_start3A_651 : memref<1x4x8x128xi32, #tpu.memory_space<hbm>> -> memref<4x8x128xi32, #tpu.memory_space<hbm>>
      %dma_start3A_653 = arith.constant 0 : i32
      %dma_start3A_654 = arith.constant 0 : i32
      %dma_start3A_655 = arith.constant 0 : i32
      %dma_start3A_656 = tpu.memref_slice %arg5[%run_scoped3A_11, %dma_start3A_653, %dma_start3A_654, %dma_start3A_655] : memref<7x4x8x128xi32, #tpu.memory_space<vmem>> -> memref<1x4x8x128xi32, #tpu.memory_space<vmem>>
      %dma_start3A_657 = tpu.memref_squeeze %dma_start3A_656 : memref<1x4x8x128xi32, #tpu.memory_space<vmem>> -> memref<4x8x128xi32, #tpu.memory_space<vmem>>
      %dma_start3A_658 = arith.constant 0 : i32
      %dma_start3A_659 = arith.constant 0 : i32
      %dma_start3A_660 = tpu.memref_slice %arg2[%run_scoped3A_10, %mul3A_9, %dma_start3A_658, %dma_start3A_659] : memref<7x128x8x128xi32, #tpu.memory_space<hbm>> -> memref<1x4x8x128xi32, #tpu.memory_space<hbm>>
      %dma_start3A_661 = tpu.memref_squeeze %dma_start3A_660 : memref<1x4x8x128xi32, #tpu.memory_space<hbm>> -> memref<4x8x128xi32, #tpu.memory_space<hbm>>
      tpu.enqueue_dma source(%dma_start3A_661 : memref<4x8x128xi32, #tpu.memory_space<hbm>>) target(%dma_start3A_657 : memref<4x8x128xi32, #tpu.memory_space<vmem>>) target_semaphore(%run_scoped3A_643 : memref<!tpu.dma_semaphore, #tpu.memory_space<semaphore_mem>>)
      %dma_wait3A_662 = arith.constant 0 : i32
      %dma_wait3A_663 = arith.constant 0 : i32
      %dma_wait3A_664 = arith.constant 0 : i32
      %dma_wait3A_665 = tpu.memref_slice %arg5[%run_scoped3A_11, %dma_wait3A_662, %dma_wait3A_663, %dma_wait3A_664] : memref<7x4x8x128xi32, #tpu.memory_space<vmem>> -> memref<1x4x8x128xi32, #tpu.memory_space<vmem>>
      %dma_wait3A_666 = tpu.memref_squeeze %dma_wait3A_665 : memref<1x4x8x128xi32, #tpu.memory_space<vmem>> -> memref<4x8x128xi32, #tpu.memory_space<vmem>>
      %dma_wait3A_667 = arith.constant 0 : i32
      %dma_wait3A_668 = arith.constant 0 : i32
      %dma_wait3A_669 = tpu.memref_slice %arg2[%run_scoped3A_10, %mul3A_9, %dma_wait3A_667, %dma_wait3A_668] : memref<7x128x8x128xi32, #tpu.memory_space<hbm>> -> memref<1x4x8x128xi32, #tpu.memory_space<hbm>>
      %dma_wait3A_670 = tpu.memref_squeeze %dma_wait3A_669 : memref<1x4x8x128xi32, #tpu.memory_space<hbm>> -> memref<4x8x128xi32, #tpu.memory_space<hbm>>
      %dma_wait3A_671 = arith.constant 0 : i32
      %dma_wait3A_672 = arith.constant 0 : i32
      %dma_wait3A_673 = arith.constant 0 : i32
      %dma_wait3A_674 = tpu.memref_slice %arg5[%run_scoped3A_11, %dma_wait3A_671, %dma_wait3A_672, %dma_wait3A_673] : memref<7x4x8x128xi32, #tpu.memory_space<vmem>> -> memref<1x4x8x128xi32, #tpu.memory_space<vmem>>
      %dma_wait3A_675 = tpu.memref_squeeze %dma_wait3A_674 : memref<1x4x8x128xi32, #tpu.memory_space<vmem>> -> memref<4x8x128xi32, #tpu.memory_space<vmem>>
      %dma_wait3A_676 = arith.constant 0 : i32
      %dma_wait3A_677 = arith.constant 0 : i32
      %dma_wait3A_678 = tpu.memref_slice %arg2[%run_scoped3A_10, %mul3A_9, %dma_wait3A_676, %dma_wait3A_677] : memref<7x128x8x128xi32, #tpu.memory_space<hbm>> -> memref<1x4x8x128xi32, #tpu.memory_space<hbm>>
      %dma_wait3A_679 = tpu.memref_squeeze %dma_wait3A_678 : memref<1x4x8x128xi32, #tpu.memory_space<hbm>> -> memref<4x8x128xi32, #tpu.memory_space<hbm>>
      tpu.wait_dma2 semaphore(%run_scoped3A_643 : memref<!tpu.dma_semaphore, #tpu.memory_space<semaphore_mem>>) src(%dma_wait3A_679 : memref<4x8x128xi32, #tpu.memory_space<hbm>>) dst(%dma_wait3A_675 : memref<4x8x128xi32, #tpu.memory_space<vmem>>)
      tpu.yield
    }) : () -> ()
    %mul3A_12 = arith.constant 4 : i32
    %mul3A_13 = arith.muli %add3A, %mul3A_12 : i32
    %run_scoped3A_14 = arith.constant 3 : i32
    %run_scoped3A_15 = arith.constant 3 : i32
    "tpu.region"() ({
      %run_scoped3A_643 = tpu.sem_alloc : memref<!tpu.dma_semaphore, #tpu.memory_space<semaphore_mem>>
      %dma_start3A_644 = arith.constant 0 : i32
      %dma_start3A_645 = arith.constant 0 : i32
      %dma_start3A_646 = arith.constant 0 : i32
      %dma_start3A_647 = tpu.memref_slice %arg5[%run_scoped3A_15, %dma_start3A_644, %dma_start3A_645, %dma_start3A_646] : memref<7x4x8x128xi32, #tpu.memory_space<vmem>> -> memref<1x4x8x128xi32, #tpu.memory_space<vmem>>
      %dma_start3A_648 = tpu.memref_squeeze %dma_start3A_647 : memref<1x4x8x128xi32, #tpu.memory_space<vmem>> -> memref<4x8x128xi32, #tpu.memory_space<vmem>>
      %dma_start3A_649 = arith.constant 0 : i32
      %dma_start3A_650 = arith.constant 0 : i32
      %dma_start3A_651 = tpu.memref_slice %arg2[%run_scoped3A_14, %mul3A_13, %dma_start3A_649, %dma_start3A_650] : memref<7x128x8x128xi32, #tpu.memory_space<hbm>> -> memref<1x4x8x128xi32, #tpu.memory_space<hbm>>
      %dma_start3A_652 = tpu.memref_squeeze %dma_start3A_651 : memref<1x4x8x128xi32, #tpu.memory_space<hbm>> -> memref<4x8x128xi32, #tpu.memory_space<hbm>>
      %dma_start3A_653 = arith.constant 0 : i32
      %dma_start3A_654 = arith.constant 0 : i32
      %dma_start3A_655 = arith.constant 0 : i32
      %dma_start3A_656 = tpu.memref_slice %arg5[%run_scoped3A_15, %dma_start3A_653, %dma_start3A_654, %dma_start3A_655] : memref<7x4x8x128xi32, #tpu.memory_space<vmem>> -> memref<1x4x8x128xi32, #tpu.memory_space<vmem>>
      %dma_start3A_657 = tpu.memref_squeeze %dma_start3A_656 : memref<1x4x8x128xi32, #tpu.memory_space<vmem>> -> memref<4x8x128xi32, #tpu.memory_space<vmem>>
      %dma_start3A_658 = arith.constant 0 : i32
      %dma_start3A_659 = arith.constant 0 : i32
      %dma_start3A_660 = tpu.memref_slice %arg2[%run_scoped3A_14, %mul3A_13, %dma_start3A_658, %dma_start3A_659] : memref<7x128x8x128xi32, #tpu.memory_space<hbm>> -> memref<1x4x8x128xi32, #tpu.memory_space<hbm>>
      %dma_start3A_661 = tpu.memref_squeeze %dma_start3A_660 : memref<1x4x8x128xi32, #tpu.memory_space<hbm>> -> memref<4x8x128xi32, #tpu.memory_space<hbm>>
      tpu.enqueue_dma source(%dma_start3A_661 : memref<4x8x128xi32, #tpu.memory_space<hbm>>) target(%dma_start3A_657 : memref<4x8x128xi32, #tpu.memory_space<vmem>>) target_semaphore(%run_scoped3A_643 : memref<!tpu.dma_semaphore, #tpu.memory_space<semaphore_mem>>)
      %dma_wait3A_662 = arith.constant 0 : i32
      %dma_wait3A_663 = arith.constant 0 : i32
      %dma_wait3A_664 = arith.constant 0 : i32
      %dma_wait3A_665 = tpu.memref_slice %arg5[%run_scoped3A_15, %dma_wait3A_662, %dma_wait3A_663, %dma_wait3A_664] : memref<7x4x8x128xi32, #tpu.memory_space<vmem>> -> memref<1x4x8x128xi32, #tpu.memory_space<vmem>>
      %dma_wait3A_666 = tpu.memref_squeeze %dma_wait3A_665 : memref<1x4x8x128xi32, #tpu.memory_space<vmem>> -> memref<4x8x128xi32, #tpu.memory_space<vmem>>
      %dma_wait3A_667 = arith.constant 0 : i32
      %dma_wait3A_668 = arith.constant 0 : i32
      %dma_wait3A_669 = tpu.memref_slice %arg2[%run_scoped3A_14, %mul3A_13, %dma_wait3A_667, %dma_wait3A_668] : memref<7x128x8x128xi32, #tpu.memory_space<hbm>> -> memref<1x4x8x128xi32, #tpu.memory_space<hbm>>
      %dma_wait3A_670 = tpu.memref_squeeze %dma_wait3A_669 : memref<1x4x8x128xi32, #tpu.memory_space<hbm>> -> memref<4x8x128xi32, #tpu.memory_space<hbm>>
      %dma_wait3A_671 = arith.constant 0 : i32
      %dma_wait3A_672 = arith.constant 0 : i32
      %dma_wait3A_673 = arith.constant 0 : i32
      %dma_wait3A_674 = tpu.memref_slice %arg5[%run_scoped3A_15, %dma_wait3A_671, %dma_wait3A_672, %dma_wait3A_673] : memref<7x4x8x128xi32, #tpu.memory_space<vmem>> -> memref<1x4x8x128xi32, #tpu.memory_space<vmem>>
      %dma_wait3A_675 = tpu.memref_squeeze %dma_wait3A_674 : memref<1x4x8x128xi32, #tpu.memory_space<vmem>> -> memref<4x8x128xi32, #tpu.memory_space<vmem>>
      %dma_wait3A_676 = arith.constant 0 : i32
      %dma_wait3A_677 = arith.constant 0 : i32
      %dma_wait3A_678 = tpu.memref_slice %arg2[%run_scoped3A_14, %mul3A_13, %dma_wait3A_676, %dma_wait3A_677] : memref<7x128x8x128xi32, #tpu.memory_space<hbm>> -> memref<1x4x8x128xi32, #tpu.memory_space<hbm>>
      %dma_wait3A_679 = tpu.memref_squeeze %dma_wait3A_678 : memref<1x4x8x128xi32, #tpu.memory_space<hbm>> -> memref<4x8x128xi32, #tpu.memory_space<hbm>>
      tpu.wait_dma2 semaphore(%run_scoped3A_643 : memref<!tpu.dma_semaphore, #tpu.memory_space<semaphore_mem>>) src(%dma_wait3A_679 : memref<4x8x128xi32, #tpu.memory_space<hbm>>) dst(%dma_wait3A_675 : memref<4x8x128xi32, #tpu.memory_space<vmem>>)
      tpu.yield
    }) : () -> ()
    %mul3A_16 = arith.constant 4 : i32
    %mul3A_17 = arith.muli %add3A, %mul3A_16 : i32
    %run_scoped3A_18 = arith.constant 4 : i32
    %run_scoped3A_19 = arith.constant 4 : i32
    "tpu.region"() ({
      %run_scoped3A_643 = tpu.sem_alloc : memref<!tpu.dma_semaphore, #tpu.memory_space<semaphore_mem>>
      %dma_start3A_644 = arith.constant 0 : i32
      %dma_start3A_645 = arith.constant 0 : i32
      %dma_start3A_646 = arith.constant 0 : i32
      %dma_start3A_647 = tpu.memref_slice %arg5[%run_scoped3A_19, %dma_start3A_644, %dma_start3A_645, %dma_start3A_646] : memref<7x4x8x128xi32, #tpu.memory_space<vmem>> -> memref<1x4x8x128xi32, #tpu.memory_space<vmem>>
      %dma_start3A_648 = tpu.memref_squeeze %dma_start3A_647 : memref<1x4x8x128xi32, #tpu.memory_space<vmem>> -> memref<4x8x128xi32, #tpu.memory_space<vmem>>
      %dma_start3A_649 = arith.constant 0 : i32
      %dma_start3A_650 = arith.constant 0 : i32
      %dma_start3A_651 = tpu.memref_slice %arg2[%run_scoped3A_18, %mul3A_17, %dma_start3A_649, %dma_start3A_650] : memref<7x128x8x128xi32, #tpu.memory_space<hbm>> -> memref<1x4x8x128xi32, #tpu.memory_space<hbm>>
      %dma_start3A_652 = tpu.memref_squeeze %dma_start3A_651 : memref<1x4x8x128xi32, #tpu.memory_space<hbm>> -> memref<4x8x128xi32, #tpu.memory_space<hbm>>
      %dma_start3A_653 = arith.constant 0 : i32
      %dma_start3A_654 = arith.constant 0 : i32
      %dma_start3A_655 = arith.constant 0 : i32
      %dma_start3A_656 = tpu.memref_slice %arg5[%run_scoped3A_19, %dma_start3A_653, %dma_start3A_654, %dma_start3A_655] : memref<7x4x8x128xi32, #tpu.memory_space<vmem>> -> memref<1x4x8x128xi32, #tpu.memory_space<vmem>>
      %dma_start3A_657 = tpu.memref_squeeze %dma_start3A_656 : memref<1x4x8x128xi32, #tpu.memory_space<vmem>> -> memref<4x8x128xi32, #tpu.memory_space<vmem>>
      %dma_start3A_658 = arith.constant 0 : i32
      %dma_start3A_659 = arith.constant 0 : i32
      %dma_start3A_660 = tpu.memref_slice %arg2[%run_scoped3A_18, %mul3A_17, %dma_start3A_658, %dma_start3A_659] : memref<7x128x8x128xi32, #tpu.memory_space<hbm>> -> memref<1x4x8x128xi32, #tpu.memory_space<hbm>>
      %dma_start3A_661 = tpu.memref_squeeze %dma_start3A_660 : memref<1x4x8x128xi32, #tpu.memory_space<hbm>> -> memref<4x8x128xi32, #tpu.memory_space<hbm>>
      tpu.enqueue_dma source(%dma_start3A_661 : memref<4x8x128xi32, #tpu.memory_space<hbm>>) target(%dma_start3A_657 : memref<4x8x128xi32, #tpu.memory_space<vmem>>) target_semaphore(%run_scoped3A_643 : memref<!tpu.dma_semaphore, #tpu.memory_space<semaphore_mem>>)
      %dma_wait3A_662 = arith.constant 0 : i32
      %dma_wait3A_663 = arith.constant 0 : i32
      %dma_wait3A_664 = arith.constant 0 : i32
      %dma_wait3A_665 = tpu.memref_slice %arg5[%run_scoped3A_19, %dma_wait3A_662, %dma_wait3A_663, %dma_wait3A_664] : memref<7x4x8x128xi32, #tpu.memory_space<vmem>> -> memref<1x4x8x128xi32, #tpu.memory_space<vmem>>
      %dma_wait3A_666 = tpu.memref_squeeze %dma_wait3A_665 : memref<1x4x8x128xi32, #tpu.memory_space<vmem>> -> memref<4x8x128xi32, #tpu.memory_space<vmem>>
      %dma_wait3A_667 = arith.constant 0 : i32
      %dma_wait3A_668 = arith.constant 0 : i32
      %dma_wait3A_669 = tpu.memref_slice %arg2[%run_scoped3A_18, %mul3A_17, %dma_wait3A_667, %dma_wait3A_668] : memref<7x128x8x128xi32, #tpu.memory_space<hbm>> -> memref<1x4x8x128xi32, #tpu.memory_space<hbm>>
      %dma_wait3A_670 = tpu.memref_squeeze %dma_wait3A_669 : memref<1x4x8x128xi32, #tpu.memory_space<hbm>> -> memref<4x8x128xi32, #tpu.memory_space<hbm>>
      %dma_wait3A_671 = arith.constant 0 : i32
      %dma_wait3A_672 = arith.constant 0 : i32
      %dma_wait3A_673 = arith.constant 0 : i32
      %dma_wait3A_674 = tpu.memref_slice %arg5[%run_scoped3A_19, %dma_wait3A_671, %dma_wait3A_672, %dma_wait3A_673] : memref<7x4x8x128xi32, #tpu.memory_space<vmem>> -> memref<1x4x8x128xi32, #tpu.memory_space<vmem>>
      %dma_wait3A_675 = tpu.memref_squeeze %dma_wait3A_674 : memref<1x4x8x128xi32, #tpu.memory_space<vmem>> -> memref<4x8x128xi32, #tpu.memory_space<vmem>>
      %dma_wait3A_676 = arith.constant 0 : i32
      %dma_wait3A_677 = arith.constant 0 : i32
      %dma_wait3A_678 = tpu.memref_slice %arg2[%run_scoped3A_18, %mul3A_17, %dma_wait3A_676, %dma_wait3A_677] : memref<7x128x8x128xi32, #tpu.memory_space<hbm>> -> memref<1x4x8x128xi32, #tpu.memory_space<hbm>>
      %dma_wait3A_679 = tpu.memref_squeeze %dma_wait3A_678 : memref<1x4x8x128xi32, #tpu.memory_space<hbm>> -> memref<4x8x128xi32, #tpu.memory_space<hbm>>
      tpu.wait_dma2 semaphore(%run_scoped3A_643 : memref<!tpu.dma_semaphore, #tpu.memory_space<semaphore_mem>>) src(%dma_wait3A_679 : memref<4x8x128xi32, #tpu.memory_space<hbm>>) dst(%dma_wait3A_675 : memref<4x8x128xi32, #tpu.memory_space<vmem>>)
      tpu.yield
    }) : () -> ()
    %mul3A_20 = arith.constant 4 : i32
    %mul3A_21 = arith.muli %add3A, %mul3A_20 : i32
    %run_scoped3A_22 = arith.constant 5 : i32
    %run_scoped3A_23 = arith.constant 5 : i32
    "tpu.region"() ({
      %run_scoped3A_643 = tpu.sem_alloc : memref<!tpu.dma_semaphore, #tpu.memory_space<semaphore_mem>>
      %dma_start3A_644 = arith.constant 0 : i32
      %dma_start3A_645 = arith.constant 0 : i32
      %dma_start3A_646 = arith.constant 0 : i32
      %dma_start3A_647 = tpu.memref_slice %arg5[%run_scoped3A_23, %dma_start3A_644, %dma_start3A_645, %dma_start3A_646] : memref<7x4x8x128xi32, #tpu.memory_space<vmem>> -> memref<1x4x8x128xi32, #tpu.memory_space<vmem>>
      %dma_start3A_648 = tpu.memref_squeeze %dma_start3A_647 : memref<1x4x8x128xi32, #tpu.memory_space<vmem>> -> memref<4x8x128xi32, #tpu.memory_space<vmem>>
      %dma_start3A_649 = arith.constant 0 : i32
      %dma_start3A_650 = arith.constant 0 : i32
      %dma_start3A_651 = tpu.memref_slice %arg2[%run_scoped3A_22, %mul3A_21, %dma_start3A_649, %dma_start3A_650] : memref<7x128x8x128xi32, #tpu.memory_space<hbm>> -> memref<1x4x8x128xi32, #tpu.memory_space<hbm>>
      %dma_start3A_652 = tpu.memref_squeeze %dma_start3A_651 : memref<1x4x8x128xi32, #tpu.memory_space<hbm>> -> memref<4x8x128xi32, #tpu.memory_space<hbm>>
      %dma_start3A_653 = arith.constant 0 : i32
      %dma_start3A_654 = arith.constant 0 : i32
      %dma_start3A_655 = arith.constant 0 : i32
      %dma_start3A_656 = tpu.memref_slice %arg5[%run_scoped3A_23, %dma_start3A_653, %dma_start3A_654, %dma_start3A_655] : memref<7x4x8x128xi32, #tpu.memory_space<vmem>> -> memref<1x4x8x128xi32, #tpu.memory_space<vmem>>
      %dma_start3A_657 = tpu.memref_squeeze %dma_start3A_656 : memref<1x4x8x128xi32, #tpu.memory_space<vmem>> -> memref<4x8x128xi32, #tpu.memory_space<vmem>>
      %dma_start3A_658 = arith.constant 0 : i32
      %dma_start3A_659 = arith.constant 0 : i32
      %dma_start3A_660 = tpu.memref_slice %arg2[%run_scoped3A_22, %mul3A_21, %dma_start3A_658, %dma_start3A_659] : memref<7x128x8x128xi32, #tpu.memory_space<hbm>> -> memref<1x4x8x128xi32, #tpu.memory_space<hbm>>
      %dma_start3A_661 = tpu.memref_squeeze %dma_start3A_660 : memref<1x4x8x128xi32, #tpu.memory_space<hbm>> -> memref<4x8x128xi32, #tpu.memory_space<hbm>>
      tpu.enqueue_dma source(%dma_start3A_661 : memref<4x8x128xi32, #tpu.memory_space<hbm>>) target(%dma_start3A_657 : memref<4x8x128xi32, #tpu.memory_space<vmem>>) target_semaphore(%run_scoped3A_643 : memref<!tpu.dma_semaphore, #tpu.memory_space<semaphore_mem>>)
      %dma_wait3A_662 = arith.constant 0 : i32
      %dma_wait3A_663 = arith.constant 0 : i32
      %dma_wait3A_664 = arith.constant 0 : i32
      %dma_wait3A_665 = tpu.memref_slice %arg5[%run_scoped3A_23, %dma_wait3A_662, %dma_wait3A_663, %dma_wait3A_664] : memref<7x4x8x128xi32, #tpu.memory_space<vmem>> -> memref<1x4x8x128xi32, #tpu.memory_space<vmem>>
      %dma_wait3A_666 = tpu.memref_squeeze %dma_wait3A_665 : memref<1x4x8x128xi32, #tpu.memory_space<vmem>> -> memref<4x8x128xi32, #tpu.memory_space<vmem>>
      %dma_wait3A_667 = arith.constant 0 : i32
      %dma_wait3A_668 = arith.constant 0 : i32
      %dma_wait3A_669 = tpu.memref_slice %arg2[%run_scoped3A_22, %mul3A_21, %dma_wait3A_667, %dma_wait3A_668] : memref<7x128x8x128xi32, #tpu.memory_space<hbm>> -> memref<1x4x8x128xi32, #tpu.memory_space<hbm>>
      %dma_wait3A_670 = tpu.memref_squeeze %dma_wait3A_669 : memref<1x4x8x128xi32, #tpu.memory_space<hbm>> -> memref<4x8x128xi32, #tpu.memory_space<hbm>>
      %dma_wait3A_671 = arith.constant 0 : i32
      %dma_wait3A_672 = arith.constant 0 : i32
      %dma_wait3A_673 = arith.constant 0 : i32
      %dma_wait3A_674 = tpu.memref_slice %arg5[%run_scoped3A_23, %dma_wait3A_671, %dma_wait3A_672, %dma_wait3A_673] : memref<7x4x8x128xi32, #tpu.memory_space<vmem>> -> memref<1x4x8x128xi32, #tpu.memory_space<vmem>>
      %dma_wait3A_675 = tpu.memref_squeeze %dma_wait3A_674 : memref<1x4x8x128xi32, #tpu.memory_space<vmem>> -> memref<4x8x128xi32, #tpu.memory_space<vmem>>
      %dma_wait3A_676 = arith.constant 0 : i32
      %dma_wait3A_677 = arith.constant 0 : i32
      %dma_wait3A_678 = tpu.memref_slice %arg2[%run_scoped3A_22, %mul3A_21, %dma_wait3A_676, %dma_wait3A_677] : memref<7x128x8x128xi32, #tpu.memory_space<hbm>> -> memref<1x4x8x128xi32, #tpu.memory_space<hbm>>
      %dma_wait3A_679 = tpu.memref_squeeze %dma_wait3A_678 : memref<1x4x8x128xi32, #tpu.memory_space<hbm>> -> memref<4x8x128xi32, #tpu.memory_space<hbm>>
      tpu.wait_dma2 semaphore(%run_scoped3A_643 : memref<!tpu.dma_semaphore, #tpu.memory_space<semaphore_mem>>) src(%dma_wait3A_679 : memref<4x8x128xi32, #tpu.memory_space<hbm>>) dst(%dma_wait3A_675 : memref<4x8x128xi32, #tpu.memory_space<vmem>>)
      tpu.yield
    }) : () -> ()
    %mul3A_24 = arith.constant 4 : i32
    %mul3A_25 = arith.muli %add3A, %mul3A_24 : i32
    %run_scoped3A_26 = arith.constant 6 : i32
    %run_scoped3A_27 = arith.constant 6 : i32
    "tpu.region"() ({
      %run_scoped3A_643 = tpu.sem_alloc : memref<!tpu.dma_semaphore, #tpu.memory_space<semaphore_mem>>
      %dma_start3A_644 = arith.constant 0 : i32
      %dma_start3A_645 = arith.constant 0 : i32
      %dma_start3A_646 = arith.constant 0 : i32
      %dma_start3A_647 = tpu.memref_slice %arg5[%run_scoped3A_27, %dma_start3A_644, %dma_start3A_645, %dma_start3A_646] : memref<7x4x8x128xi32, #tpu.memory_space<vmem>> -> memref<1x4x8x128xi32, #tpu.memory_space<vmem>>
      %dma_start3A_648 = tpu.memref_squeeze %dma_start3A_647 : memref<1x4x8x128xi32, #tpu.memory_space<vmem>> -> memref<4x8x128xi32, #tpu.memory_space<vmem>>
      %dma_start3A_649 = arith.constant 0 : i32
      %dma_start3A_650 = arith.constant 0 : i32
      %dma_start3A_651 = tpu.memref_slice %arg2[%run_scoped3A_26, %mul3A_25, %dma_start3A_649, %dma_start3A_650] : memref<7x128x8x128xi32, #tpu.memory_space<hbm>> -> memref<1x4x8x128xi32, #tpu.memory_space<hbm>>
      %dma_start3A_652 = tpu.memref_squeeze %dma_start3A_651 : memref<1x4x8x128xi32, #tpu.memory_space<hbm>> -> memref<4x8x128xi32, #tpu.memory_space<hbm>>
      %dma_start3A_653 = arith.constant 0 : i32
      %dma_start3A_654 = arith.constant 0 : i32
      %dma_start3A_655 = arith.constant 0 : i32
      %dma_start3A_656 = tpu.memref_slice %arg5[%run_scoped3A_27, %dma_start3A_653, %dma_start3A_654, %dma_start3A_655] : memref<7x4x8x128xi32, #tpu.memory_space<vmem>> -> memref<1x4x8x128xi32, #tpu.memory_space<vmem>>
      %dma_start3A_657 = tpu.memref_squeeze %dma_start3A_656 : memref<1x4x8x128xi32, #tpu.memory_space<vmem>> -> memref<4x8x128xi32, #tpu.memory_space<vmem>>
      %dma_start3A_658 = arith.constant 0 : i32
      %dma_start3A_659 = arith.constant 0 : i32
      %dma_start3A_660 = tpu.memref_slice %arg2[%run_scoped3A_26, %mul3A_25, %dma_start3A_658, %dma_start3A_659] : memref<7x128x8x128xi32, #tpu.memory_space<hbm>> -> memref<1x4x8x128xi32, #tpu.memory_space<hbm>>
      %dma_start3A_661 = tpu.memref_squeeze %dma_start3A_660 : memref<1x4x8x128xi32, #tpu.memory_space<hbm>> -> memref<4x8x128xi32, #tpu.memory_space<hbm>>
      tpu.enqueue_dma source(%dma_start3A_661 : memref<4x8x128xi32, #tpu.memory_space<hbm>>) target(%dma_start3A_657 : memref<4x8x128xi32, #tpu.memory_space<vmem>>) target_semaphore(%run_scoped3A_643 : memref<!tpu.dma_semaphore, #tpu.memory_space<semaphore_mem>>)
      %dma_wait3A_662 = arith.constant 0 : i32
      %dma_wait3A_663 = arith.constant 0 : i32
      %dma_wait3A_664 = arith.constant 0 : i32
      %dma_wait3A_665 = tpu.memref_slice %arg5[%run_scoped3A_27, %dma_wait3A_662, %dma_wait3A_663, %dma_wait3A_664] : memref<7x4x8x128xi32, #tpu.memory_space<vmem>> -> memref<1x4x8x128xi32, #tpu.memory_space<vmem>>
      %dma_wait3A_666 = tpu.memref_squeeze %dma_wait3A_665 : memref<1x4x8x128xi32, #tpu.memory_space<vmem>> -> memref<4x8x128xi32, #tpu.memory_space<vmem>>
      %dma_wait3A_667 = arith.constant 0 : i32
      %dma_wait3A_668 = arith.constant 0 : i32
      %dma_wait3A_669 = tpu.memref_slice %arg2[%run_scoped3A_26, %mul3A_25, %dma_wait3A_667, %dma_wait3A_668] : memref<7x128x8x128xi32, #tpu.memory_space<hbm>> -> memref<1x4x8x128xi32, #tpu.memory_space<hbm>>
      %dma_wait3A_670 = tpu.memref_squeeze %dma_wait3A_669 : memref<1x4x8x128xi32, #tpu.memory_space<hbm>> -> memref<4x8x128xi32, #tpu.memory_space<hbm>>
      %dma_wait3A_671 = arith.constant 0 : i32
      %dma_wait3A_672 = arith.constant 0 : i32
      %dma_wait3A_673 = arith.constant 0 : i32
      %dma_wait3A_674 = tpu.memref_slice %arg5[%run_scoped3A_27, %dma_wait3A_671, %dma_wait3A_672, %dma_wait3A_673] : memref<7x4x8x128xi32, #tpu.memory_space<vmem>> -> memref<1x4x8x128xi32, #tpu.memory_space<vmem>>
      %dma_wait3A_675 = tpu.memref_squeeze %dma_wait3A_674 : memref<1x4x8x128xi32, #tpu.memory_space<vmem>> -> memref<4x8x128xi32, #tpu.memory_space<vmem>>
      %dma_wait3A_676 = arith.constant 0 : i32
      %dma_wait3A_677 = arith.constant 0 : i32
      %dma_wait3A_678 = tpu.memref_slice %arg2[%run_scoped3A_26, %mul3A_25, %dma_wait3A_676, %dma_wait3A_677] : memref<7x128x8x128xi32, #tpu.memory_space<hbm>> -> memref<1x4x8x128xi32, #tpu.memory_space<hbm>>
      %dma_wait3A_679 = tpu.memref_squeeze %dma_wait3A_678 : memref<1x4x8x128xi32, #tpu.memory_space<hbm>> -> memref<4x8x128xi32, #tpu.memory_space<hbm>>
      tpu.wait_dma2 semaphore(%run_scoped3A_643 : memref<!tpu.dma_semaphore, #tpu.memory_space<semaphore_mem>>) src(%dma_wait3A_679 : memref<4x8x128xi32, #tpu.memory_space<hbm>>) dst(%dma_wait3A_675 : memref<4x8x128xi32, #tpu.memory_space<vmem>>)
      tpu.yield
    }) : () -> ()
    %iota3A = tpu.iota {dimensions = array<i32: 0>} : vector<16xi32>
    %shift_right_logical3A = arith.constant 0 : i32
    %shift_right_logical3A_28 = arith.constant 3 : i32
    %shift_right_logical3A_29 = arith.shrui %shift_right_logical3A, %shift_right_logical3A_28 : i32
    %rem3A = arith.constant 0 : i32
    %rem3A_30 = arith.constant 8 : i32
    %rem3A_31 = arith.remsi %rem3A, %rem3A_30 : i32
    %dma_start3A = arith.constant 0 : i32
    %dma_start3A_32 = arith.constant 0 : i32
    %dma_start3A_33 = arith.constant 0 : i32
    %dma_start3A_34 = arith.constant 0 : i32
    %dma_start3A_35 = tpu.memref_slice %arg6[%dma_start3A_32, %dma_start3A_33, %dma_start3A_34] : memref<2x512x32xf32, #tpu.memory_space<vmem>> -> memref<1x128x32xf32, #tpu.memory_space<vmem>>
    %dma_start3A_36 = tpu.memref_squeeze %dma_start3A_35 : memref<1x128x32xf32, #tpu.memory_space<vmem>> -> memref<128x32xf32, #tpu.memory_space<vmem>>
    %dma_start3A_37 = arith.constant 0 : i32
    %dma_start3A_38 = tpu.memref_slice %arg5[%shift_right_logical3A_29, %dma_start3A, %rem3A_31, %dma_start3A_37] : memref<7x4x8x128xi32, #tpu.memory_space<vmem>> -> memref<1x1x1x128xi32, #tpu.memory_space<vmem>>
    %dma_start3A_39 = tpu.memref_squeeze %dma_start3A_38 : memref<1x1x1x128xi32, #tpu.memory_space<vmem>> -> memref<128xi32, #tpu.memory_space<vmem>>
    %dma_start3A_40 = arith.constant 0 : i32
    %dma_start3A_41 = arith.constant 0 : i32
    %dma_start3A_42 = tpu.memref_slice %arg3[%dma_start3A_40, %dma_start3A_41] : memref<1000000x32xf32, #tpu.memory_space<hbm>> -> memref<1000000x32xf32, #tpu.memory_space<hbm>>
    tpu.enqueue_indirect_dma source(%dma_start3A_42 : memref<1000000x32xf32, #tpu.memory_space<hbm>>) target(%dma_start3A_36 : memref<128x32xf32, #tpu.memory_space<vmem>>) offsets(%dma_start3A_39 : memref<128xi32, #tpu.memory_space<vmem>>) semaphore(%arg8 : memref<!tpu.dma_semaphore, #tpu.memory_space<semaphore_mem>>)
    %dma_start3A_43 = arith.constant 1 : i32
    %dma_start3A_44 = arith.constant 0 : i32
    %dma_start3A_45 = arith.constant 128 : i32
    %dma_start3A_46 = arith.constant 0 : i32
    %dma_start3A_47 = tpu.memref_slice %arg6[%dma_start3A_44, %dma_start3A_45, %dma_start3A_46] : memref<2x512x32xf32, #tpu.memory_space<vmem>> -> memref<1x128x32xf32, #tpu.memory_space<vmem>>
    %dma_start3A_48 = tpu.memref_squeeze %dma_start3A_47 : memref<1x128x32xf32, #tpu.memory_space<vmem>> -> memref<128x32xf32, #tpu.memory_space<vmem>>
    %dma_start3A_49 = arith.constant 0 : i32
    %dma_start3A_50 = tpu.memref_slice %arg5[%shift_right_logical3A_29, %dma_start3A_43, %rem3A_31, %dma_start3A_49] : memref<7x4x8x128xi32, #tpu.memory_space<vmem>> -> memref<1x1x1x128xi32, #tpu.memory_space<vmem>>
    %dma_start3A_51 = tpu.memref_squeeze %dma_start3A_50 : memref<1x1x1x128xi32, #tpu.memory_space<vmem>> -> memref<128xi32, #tpu.memory_space<vmem>>
    %dma_start3A_52 = arith.constant 0 : i32
    %dma_start3A_53 = arith.constant 0 : i32
    %dma_start3A_54 = tpu.memref_slice %arg3[%dma_start3A_52, %dma_start3A_53] : memref<1000000x32xf32, #tpu.memory_space<hbm>> -> memref<1000000x32xf32, #tpu.memory_space<hbm>>
    tpu.enqueue_indirect_dma source(%dma_start3A_54 : memref<1000000x32xf32, #tpu.memory_space<hbm>>) target(%dma_start3A_48 : memref<128x32xf32, #tpu.memory_space<vmem>>) offsets(%dma_start3A_51 : memref<128xi32, #tpu.memory_space<vmem>>) semaphore(%arg8 : memref<!tpu.dma_semaphore, #tpu.memory_space<semaphore_mem>>)
    %dma_start3A_55 = arith.constant 2 : i32
    %dma_start3A_56 = arith.constant 0 : i32
    %dma_start3A_57 = arith.constant 256 : i32
    %dma_start3A_58 = arith.constant 0 : i32
    %dma_start3A_59 = tpu.memref_slice %arg6[%dma_start3A_56, %dma_start3A_57, %dma_start3A_58] : memref<2x512x32xf32, #tpu.memory_space<vmem>> -> memref<1x128x32xf32, #tpu.memory_space<vmem>>
    %dma_start3A_60 = tpu.memref_squeeze %dma_start3A_59 : memref<1x128x32xf32, #tpu.memory_space<vmem>> -> memref<128x32xf32, #tpu.memory_space<vmem>>
    %dma_start3A_61 = arith.constant 0 : i32
    %dma_start3A_62 = tpu.memref_slice %arg5[%shift_right_logical3A_29, %dma_start3A_55, %rem3A_31, %dma_start3A_61] : memref<7x4x8x128xi32, #tpu.memory_space<vmem>> -> memref<1x1x1x128xi32, #tpu.memory_space<vmem>>
    %dma_start3A_63 = tpu.memref_squeeze %dma_start3A_62 : memref<1x1x1x128xi32, #tpu.memory_space<vmem>> -> memref<128xi32, #tpu.memory_space<vmem>>
    %dma_start3A_64 = arith.constant 0 : i32
    %dma_start3A_65 = arith.constant 0 : i32
    %dma_start3A_66 = tpu.memref_slice %arg3[%dma_start3A_64, %dma_start3A_65] : memref<1000000x32xf32, #tpu.memory_space<hbm>> -> memref<1000000x32xf32, #tpu.memory_space<hbm>>
    tpu.enqueue_indirect_dma source(%dma_start3A_66 : memref<1000000x32xf32, #tpu.memory_space<hbm>>) target(%dma_start3A_60 : memref<128x32xf32, #tpu.memory_space<vmem>>) offsets(%dma_start3A_63 : memref<128xi32, #tpu.memory_space<vmem>>) semaphore(%arg8 : memref<!tpu.dma_semaphore, #tpu.memory_space<semaphore_mem>>)
    %dma_start3A_67 = arith.constant 3 : i32
    %dma_start3A_68 = arith.constant 0 : i32
    %dma_start3A_69 = arith.constant 384 : i32
    %dma_start3A_70 = arith.constant 0 : i32
    %dma_start3A_71 = tpu.memref_slice %arg6[%dma_start3A_68, %dma_start3A_69, %dma_start3A_70] : memref<2x512x32xf32, #tpu.memory_space<vmem>> -> memref<1x128x32xf32, #tpu.memory_space<vmem>>
    %dma_start3A_72 = tpu.memref_squeeze %dma_start3A_71 : memref<1x128x32xf32, #tpu.memory_space<vmem>> -> memref<128x32xf32, #tpu.memory_space<vmem>>
    %dma_start3A_73 = arith.constant 0 : i32
    %dma_start3A_74 = tpu.memref_slice %arg5[%shift_right_logical3A_29, %dma_start3A_67, %rem3A_31, %dma_start3A_73] : memref<7x4x8x128xi32, #tpu.memory_space<vmem>> -> memref<1x1x1x128xi32, #tpu.memory_space<vmem>>
    %dma_start3A_75 = tpu.memref_squeeze %dma_start3A_74 : memref<1x1x1x128xi32, #tpu.memory_space<vmem>> -> memref<128xi32, #tpu.memory_space<vmem>>
    %dma_start3A_76 = arith.constant 0 : i32
    %dma_start3A_77 = arith.constant 0 : i32
    %dma_start3A_78 = tpu.memref_slice %arg3[%dma_start3A_76, %dma_start3A_77] : memref<1000000x32xf32, #tpu.memory_space<hbm>> -> memref<1000000x32xf32, #tpu.memory_space<hbm>>
    tpu.enqueue_indirect_dma source(%dma_start3A_78 : memref<1000000x32xf32, #tpu.memory_space<hbm>>) target(%dma_start3A_72 : memref<128x32xf32, #tpu.memory_space<vmem>>) offsets(%dma_start3A_75 : memref<128xi32, #tpu.memory_space<vmem>>) semaphore(%arg8 : memref<!tpu.dma_semaphore, #tpu.memory_space<semaphore_mem>>)
    %shift_right_logical3A_79 = arith.constant 0 : i32
    %shift_right_logical3A_80 = arith.constant 3 : i32
    %shift_right_logical3A_81 = arith.shrui %shift_right_logical3A_79, %shift_right_logical3A_80 : i32
    %rem3A_82 = arith.constant 0 : i32
    %rem3A_83 = arith.constant 8 : i32
    %rem3A_84 = arith.remsi %rem3A_82, %rem3A_83 : i32
    %dma_wait3A = arith.constant 0 : i32
    %dma_wait3A_85 = arith.constant 0 : i32
    %dma_wait3A_86 = arith.constant 0 : i32
    %dma_wait3A_87 = arith.constant 0 : i32
    %dma_wait3A_88 = tpu.memref_slice %arg6[%dma_wait3A_85, %dma_wait3A_86, %dma_wait3A_87] : memref<2x512x32xf32, #tpu.memory_space<vmem>> -> memref<1x128x32xf32, #tpu.memory_space<vmem>>
    %dma_wait3A_89 = tpu.memref_squeeze %dma_wait3A_88 : memref<1x128x32xf32, #tpu.memory_space<vmem>> -> memref<128x32xf32, #tpu.memory_space<vmem>>
    %dma_wait3A_90 = arith.constant 0 : i32
    %dma_wait3A_91 = tpu.memref_slice %arg5[%shift_right_logical3A_81, %dma_wait3A, %rem3A_84, %dma_wait3A_90] : memref<7x4x8x128xi32, #tpu.memory_space<vmem>> -> memref<1x1x1x128xi32, #tpu.memory_space<vmem>>
    %dma_wait3A_92 = tpu.memref_squeeze %dma_wait3A_91 : memref<1x1x1x128xi32, #tpu.memory_space<vmem>> -> memref<128xi32, #tpu.memory_space<vmem>>
    %dma_wait3A_93 = arith.constant 0 : i32
    %dma_wait3A_94 = arith.constant 0 : i32
    %dma_wait3A_95 = tpu.memref_slice %arg3[%dma_wait3A_93, %dma_wait3A_94] : memref<1000000x32xf32, #tpu.memory_space<hbm>> -> memref<1000000x32xf32, #tpu.memory_space<hbm>>
    tpu.wait_indirect_dma semaphore(%arg8 : memref<!tpu.dma_semaphore, #tpu.memory_space<semaphore_mem>>) src(%dma_wait3A_95 : memref<1000000x32xf32, #tpu.memory_space<hbm>>) dst(%dma_wait3A_89 : memref<128x32xf32, #tpu.memory_space<vmem>>)
    %dma_wait3A_96 = arith.constant 1 : i32
    %dma_wait3A_97 = arith.constant 0 : i32
    %dma_wait3A_98 = arith.constant 128 : i32
    %dma_wait3A_99 = arith.constant 0 : i32
    %dma_wait3A_100 = tpu.memref_slice %arg6[%dma_wait3A_97, %dma_wait3A_98, %dma_wait3A_99] : memref<2x512x32xf32, #tpu.memory_space<vmem>> -> memref<1x128x32xf32, #tpu.memory_space<vmem>>
    %dma_wait3A_101 = tpu.memref_squeeze %dma_wait3A_100 : memref<1x128x32xf32, #tpu.memory_space<vmem>> -> memref<128x32xf32, #tpu.memory_space<vmem>>
    %dma_wait3A_102 = arith.constant 0 : i32
    %dma_wait3A_103 = tpu.memref_slice %arg5[%shift_right_logical3A_81, %dma_wait3A_96, %rem3A_84, %dma_wait3A_102] : memref<7x4x8x128xi32, #tpu.memory_space<vmem>> -> memref<1x1x1x128xi32, #tpu.memory_space<vmem>>
    %dma_wait3A_104 = tpu.memref_squeeze %dma_wait3A_103 : memref<1x1x1x128xi32, #tpu.memory_space<vmem>> -> memref<128xi32, #tpu.memory_space<vmem>>
    %dma_wait3A_105 = arith.constant 0 : i32
    %dma_wait3A_106 = arith.constant 0 : i32
    %dma_wait3A_107 = tpu.memref_slice %arg3[%dma_wait3A_105, %dma_wait3A_106] : memref<1000000x32xf32, #tpu.memory_space<hbm>> -> memref<1000000x32xf32, #tpu.memory_space<hbm>>
    tpu.wait_indirect_dma semaphore(%arg8 : memref<!tpu.dma_semaphore, #tpu.memory_space<semaphore_mem>>) src(%dma_wait3A_107 : memref<1000000x32xf32, #tpu.memory_space<hbm>>) dst(%dma_wait3A_101 : memref<128x32xf32, #tpu.memory_space<vmem>>)
    %dma_wait3A_108 = arith.constant 2 : i32
    %dma_wait3A_109 = arith.constant 0 : i32
    %dma_wait3A_110 = arith.constant 256 : i32
    %dma_wait3A_111 = arith.constant 0 : i32
    %dma_wait3A_112 = tpu.memref_slice %arg6[%dma_wait3A_109, %dma_wait3A_110, %dma_wait3A_111] : memref<2x512x32xf32, #tpu.memory_space<vmem>> -> memref<1x128x32xf32, #tpu.memory_space<vmem>>
    %dma_wait3A_113 = tpu.memref_squeeze %dma_wait3A_112 : memref<1x128x32xf32, #tpu.memory_space<vmem>> -> memref<128x32xf32, #tpu.memory_space<vmem>>
    %dma_wait3A_114 = arith.constant 0 : i32
    %dma_wait3A_115 = tpu.memref_slice %arg5[%shift_right_logical3A_81, %dma_wait3A_108, %rem3A_84, %dma_wait3A_114] : memref<7x4x8x128xi32, #tpu.memory_space<vmem>> -> memref<1x1x1x128xi32, #tpu.memory_space<vmem>>
    %dma_wait3A_116 = tpu.memref_squeeze %dma_wait3A_115 : memref<1x1x1x128xi32, #tpu.memory_space<vmem>> -> memref<128xi32, #tpu.memory_space<vmem>>
    %dma_wait3A_117 = arith.constant 0 : i32
    %dma_wait3A_118 = arith.constant 0 : i32
    %dma_wait3A_119 = tpu.memref_slice %arg3[%dma_wait3A_117, %dma_wait3A_118] : memref<1000000x32xf32, #tpu.memory_space<hbm>> -> memref<1000000x32xf32, #tpu.memory_space<hbm>>
    tpu.wait_indirect_dma semaphore(%arg8 : memref<!tpu.dma_semaphore, #tpu.memory_space<semaphore_mem>>) src(%dma_wait3A_119 : memref<1000000x32xf32, #tpu.memory_space<hbm>>) dst(%dma_wait3A_113 : memref<128x32xf32, #tpu.memory_space<vmem>>)
    %dma_wait3A_120 = arith.constant 3 : i32
    %dma_wait3A_121 = arith.constant 0 : i32
    %dma_wait3A_122 = arith.constant 384 : i32
    %dma_wait3A_123 = arith.constant 0 : i32
    %dma_wait3A_124 = tpu.memref_slice %arg6[%dma_wait3A_121, %dma_wait3A_122, %dma_wait3A_123] : memref<2x512x32xf32, #tpu.memory_space<vmem>> -> memref<1x128x32xf32, #tpu.memory_space<vmem>>
    %dma_wait3A_125 = tpu.memref_squeeze %dma_wait3A_124 : memref<1x128x32xf32, #tpu.memory_space<vmem>> -> memref<128x32xf32, #tpu.memory_space<vmem>>
    %dma_wait3A_126 = arith.constant 0 : i32
    %dma_wait3A_127 = tpu.memref_slice %arg5[%shift_right_logical3A_81, %dma_wait3A_120, %rem3A_84, %dma_wait3A_126] : memref<7x4x8x128xi32, #tpu.memory_space<vmem>> -> memref<1x1x1x128xi32, #tpu.memory_space<vmem>>
    %dma_wait3A_128 = tpu.memref_squeeze %dma_wait3A_127 : memref<1x1x1x128xi32, #tpu.memory_space<vmem>> -> memref<128xi32, #tpu.memory_space<vmem>>
    %dma_wait3A_129 = arith.constant 0 : i32
    %dma_wait3A_130 = arith.constant 0 : i32
    %dma_wait3A_131 = tpu.memref_slice %arg3[%dma_wait3A_129, %dma_wait3A_130] : memref<1000000x32xf32, #tpu.memory_space<hbm>> -> memref<1000000x32xf32, #tpu.memory_space<hbm>>
    tpu.wait_indirect_dma semaphore(%arg8 : memref<!tpu.dma_semaphore, #tpu.memory_space<semaphore_mem>>) src(%dma_wait3A_131 : memref<1000000x32xf32, #tpu.memory_space<hbm>>) dst(%dma_wait3A_125 : memref<128x32xf32, #tpu.memory_space<vmem>>)
    %shift_right_logical3A_132 = arith.constant 1 : i32
    %shift_right_logical3A_133 = arith.constant 3 : i32
    %shift_right_logical3A_134 = arith.shrui %shift_right_logical3A_132, %shift_right_logical3A_133 : i32
    %rem3A_135 = arith.constant 1 : i32
    %rem3A_136 = arith.constant 8 : i32
    %rem3A_137 = arith.remsi %rem3A_135, %rem3A_136 : i32
    %dma_start3A_138 = arith.constant 0 : i32
    %dma_start3A_139 = arith.constant 1 : i32
    %dma_start3A_140 = arith.constant 0 : i32
    %dma_start3A_141 = arith.constant 0 : i32
    %dma_start3A_142 = tpu.memref_slice %arg6[%dma_start3A_139, %dma_start3A_140, %dma_start3A_141] : memref<2x512x32xf32, #tpu.memory_space<vmem>> -> memref<1x128x32xf32, #tpu.memory_space<vmem>>
    %dma_start3A_143 = tpu.memref_squeeze %dma_start3A_142 : memref<1x128x32xf32, #tpu.memory_space<vmem>> -> memref<128x32xf32, #tpu.memory_space<vmem>>
    %dma_start3A_144 = arith.constant 0 : i32
    %dma_start3A_145 = tpu.memref_slice %arg5[%shift_right_logical3A_134, %dma_start3A_138, %rem3A_137, %dma_start3A_144] : memref<7x4x8x128xi32, #tpu.memory_space<vmem>> -> memref<1x1x1x128xi32, #tpu.memory_space<vmem>>
    %dma_start3A_146 = tpu.memref_squeeze %dma_start3A_145 : memref<1x1x1x128xi32, #tpu.memory_space<vmem>> -> memref<128xi32, #tpu.memory_space<vmem>>
    %dma_start3A_147 = arith.constant 0 : i32
    %dma_start3A_148 = arith.constant 0 : i32
    %dma_start3A_149 = tpu.memref_slice %arg3[%dma_start3A_147, %dma_start3A_148] : memref<1000000x32xf32, #tpu.memory_space<hbm>> -> memref<1000000x32xf32, #tpu.memory_space<hbm>>
    tpu.enqueue_indirect_dma source(%dma_start3A_149 : memref<1000000x32xf32, #tpu.memory_space<hbm>>) target(%dma_start3A_143 : memref<128x32xf32, #tpu.memory_space<vmem>>) offsets(%dma_start3A_146 : memref<128xi32, #tpu.memory_space<vmem>>) semaphore(%arg8 : memref<!tpu.dma_semaphore, #tpu.memory_space<semaphore_mem>>)
    %dma_start3A_150 = arith.constant 1 : i32
    %dma_start3A_151 = arith.constant 1 : i32
    %dma_start3A_152 = arith.constant 128 : i32
    %dma_start3A_153 = arith.constant 0 : i32
    %dma_start3A_154 = tpu.memref_slice %arg6[%dma_start3A_151, %dma_start3A_152, %dma_start3A_153] : memref<2x512x32xf32, #tpu.memory_space<vmem>> -> memref<1x128x32xf32, #tpu.memory_space<vmem>>
    %dma_start3A_155 = tpu.memref_squeeze %dma_start3A_154 : memref<1x128x32xf32, #tpu.memory_space<vmem>> -> memref<128x32xf32, #tpu.memory_space<vmem>>
    %dma_start3A_156 = arith.constant 0 : i32
    %dma_start3A_157 = tpu.memref_slice %arg5[%shift_right_logical3A_134, %dma_start3A_150, %rem3A_137, %dma_start3A_156] : memref<7x4x8x128xi32, #tpu.memory_space<vmem>> -> memref<1x1x1x128xi32, #tpu.memory_space<vmem>>
    %dma_start3A_158 = tpu.memref_squeeze %dma_start3A_157 : memref<1x1x1x128xi32, #tpu.memory_space<vmem>> -> memref<128xi32, #tpu.memory_space<vmem>>
    %dma_start3A_159 = arith.constant 0 : i32
    %dma_start3A_160 = arith.constant 0 : i32
    %dma_start3A_161 = tpu.memref_slice %arg3[%dma_start3A_159, %dma_start3A_160] : memref<1000000x32xf32, #tpu.memory_space<hbm>> -> memref<1000000x32xf32, #tpu.memory_space<hbm>>
    tpu.enqueue_indirect_dma source(%dma_start3A_161 : memref<1000000x32xf32, #tpu.memory_space<hbm>>) target(%dma_start3A_155 : memref<128x32xf32, #tpu.memory_space<vmem>>) offsets(%dma_start3A_158 : memref<128xi32, #tpu.memory_space<vmem>>) semaphore(%arg8 : memref<!tpu.dma_semaphore, #tpu.memory_space<semaphore_mem>>)
    %dma_start3A_162 = arith.constant 2 : i32
    %dma_start3A_163 = arith.constant 1 : i32
    %dma_start3A_164 = arith.constant 256 : i32
    %dma_start3A_165 = arith.constant 0 : i32
    %dma_start3A_166 = tpu.memref_slice %arg6[%dma_start3A_163, %dma_start3A_164, %dma_start3A_165] : memref<2x512x32xf32, #tpu.memory_space<vmem>> -> memref<1x128x32xf32, #tpu.memory_space<vmem>>
    %dma_start3A_167 = tpu.memref_squeeze %dma_start3A_166 : memref<1x128x32xf32, #tpu.memory_space<vmem>> -> memref<128x32xf32, #tpu.memory_space<vmem>>
    %dma_start3A_168 = arith.constant 0 : i32
    %dma_start3A_169 = tpu.memref_slice %arg5[%shift_right_logical3A_134, %dma_start3A_162, %rem3A_137, %dma_start3A_168] : memref<7x4x8x128xi32, #tpu.memory_space<vmem>> -> memref<1x1x1x128xi32, #tpu.memory_space<vmem>>
    %dma_start3A_170 = tpu.memref_squeeze %dma_start3A_169 : memref<1x1x1x128xi32, #tpu.memory_space<vmem>> -> memref<128xi32, #tpu.memory_space<vmem>>
    %dma_start3A_171 = arith.constant 0 : i32
    %dma_start3A_172 = arith.constant 0 : i32
    %dma_start3A_173 = tpu.memref_slice %arg3[%dma_start3A_171, %dma_start3A_172] : memref<1000000x32xf32, #tpu.memory_space<hbm>> -> memref<1000000x32xf32, #tpu.memory_space<hbm>>
    tpu.enqueue_indirect_dma source(%dma_start3A_173 : memref<1000000x32xf32, #tpu.memory_space<hbm>>) target(%dma_start3A_167 : memref<128x32xf32, #tpu.memory_space<vmem>>) offsets(%dma_start3A_170 : memref<128xi32, #tpu.memory_space<vmem>>) semaphore(%arg8 : memref<!tpu.dma_semaphore, #tpu.memory_space<semaphore_mem>>)
    %dma_start3A_174 = arith.constant 3 : i32
    %dma_start3A_175 = arith.constant 1 : i32
    %dma_start3A_176 = arith.constant 384 : i32
    %dma_start3A_177 = arith.constant 0 : i32
    %dma_start3A_178 = tpu.memref_slice %arg6[%dma_start3A_175, %dma_start3A_176, %dma_start3A_177] : memref<2x512x32xf32, #tpu.memory_space<vmem>> -> memref<1x128x32xf32, #tpu.memory_space<vmem>>
    %dma_start3A_179 = tpu.memref_squeeze %dma_start3A_178 : memref<1x128x32xf32, #tpu.memory_space<vmem>> -> memref<128x32xf32, #tpu.memory_space<vmem>>
    %dma_start3A_180 = arith.constant 0 : i32
    %dma_start3A_181 = tpu.memref_slice %arg5[%shift_right_logical3A_134, %dma_start3A_174, %rem3A_137, %dma_start3A_180] : memref<7x4x8x128xi32, #tpu.memory_space<vmem>> -> memref<1x1x1x128xi32, #tpu.memory_space<vmem>>
    %dma_start3A_182 = tpu.memref_squeeze %dma_start3A_181 : memref<1x1x1x128xi32, #tpu.memory_space<vmem>> -> memref<128xi32, #tpu.memory_space<vmem>>
    %dma_start3A_183 = arith.constant 0 : i32
    %dma_start3A_184 = arith.constant 0 : i32
    %dma_start3A_185 = tpu.memref_slice %arg3[%dma_start3A_183, %dma_start3A_184] : memref<1000000x32xf32, #tpu.memory_space<hbm>> -> memref<1000000x32xf32, #tpu.memory_space<hbm>>
    tpu.enqueue_indirect_dma source(%dma_start3A_185 : memref<1000000x32xf32, #tpu.memory_space<hbm>>) target(%dma_start3A_179 : memref<128x32xf32, #tpu.memory_space<vmem>>) offsets(%dma_start3A_182 : memref<128xi32, #tpu.memory_space<vmem>>) semaphore(%arg8 : memref<!tpu.dma_semaphore, #tpu.memory_space<semaphore_mem>>)
    %scan3A = arith.constant 0 : i32
    %scan3A_186 = arith.constant 0 : i32
    %scan3A_187 = arith.constant 0 : i32
    %scan3A_188 = arith.constant 32 : i32
    %scan3A_189 = arith.addi %scan3A_187, %scan3A_188 : i32
    %scan3A_190 = arith.constant 1 : i32
    scf.for %scan3A_643 = %scan3A_187 to %scan3A_189 step %scan3A_190  : i32 {
      %shift_right_logical3A_644 = arith.constant 3 : i32
      %shift_right_logical3A_645 = arith.shrui %scan3A_643, %shift_right_logical3A_644 : i32
      %rem3A_646 = arith.constant 8 : i32
      %rem3A_647 = arith.remsi %scan3A_643, %rem3A_646 : i32
      %broadcast_in_dim3A = vector.broadcast %scan3A_643 : i32 to vector<16xi32>
      %add3A_648 = arith.constant 0 : i32
      %add3A_649 = vector.broadcast %add3A_648 : i32 to vector<16xi32>
      %add3A_650 = arith.addi %add3A_649, %iota3A : vector<16xi32>
      %gather3A = arith.constant 0 : i32
      %gather3A_651 = arith.constant 0 : i32
      %gather3A_652 = tpu.memref_slice %arg6[%scan3A_186, %gather3A, %gather3A_651] : memref<2x512x32xf32, #tpu.memory_space<vmem>> -> memref<1x512x32xf32, #tpu.memory_space<vmem>>
      %gather3A_653 = tpu.memref_squeeze %gather3A_652 : memref<1x512x32xf32, #tpu.memory_space<vmem>> -> memref<512x32xf32, #tpu.memory_space<vmem>>
      %gather3A_654 = tpu.vector_load_idx %gather3A_653[%add3A_650, %broadcast_in_dim3A] : memref<512x32xf32, #tpu.memory_space<vmem>>[vector<16xi32>, vector<16xi32>], vector<16xf32>,
      %swap3A = arith.constant 0 : i32
      %swap3A_655 = arith.constant 0 : i32
      %swap3A_656 = arith.index_cast %swap3A : i32 to index
      %swap3A_657 = arith.index_cast %shift_right_logical3A_645 : i32 to index
      %swap3A_658 = arith.index_cast %swap3A_655 : i32 to index
      %swap3A_659 = arith.index_cast %rem3A_647 : i32 to index
      %swap3A_660 = arith.constant 0 : index
      %swap3A_661 = tpu.vector_load %arg7[%swap3A_656, %swap3A_657, %swap3A_658, %swap3A_659, %swap3A_660] {strides = array<i32>} : memref<2x4x4x8x128xf32, #tpu.memory_space<vmem>>, vector<16xf32>,
      tpu.vector_store %arg7[%swap3A_656, %swap3A_657, %swap3A_658, %swap3A_659, %swap3A_660], %gather3A_654 {strides = array<i32>} : memref<2x4x4x8x128xf32, #tpu.memory_space<vmem>>, vector<16xf32>,
      %add3A_662 = arith.constant 16 : i32
      %add3A_663 = vector.broadcast %add3A_662 : i32 to vector<16xi32>
      %add3A_664 = arith.addi %add3A_663, %iota3A : vector<16xi32>
      %gather3A_665 = arith.constant 0 : i32
      %gather3A_666 = arith.constant 0 : i32
      %gather3A_667 = tpu.memref_slice %arg6[%scan3A_186, %gather3A_665, %gather3A_666] : memref<2x512x32xf32, #tpu.memory_space<vmem>> -> memref<1x512x32xf32, #tpu.memory_space<vmem>>
      %gather3A_668 = tpu.memref_squeeze %gather3A_667 : memref<1x512x32xf32, #tpu.memory_space<vmem>> -> memref<512x32xf32, #tpu.memory_space<vmem>>
      %gather3A_669 = tpu.vector_load_idx %gather3A_668[%add3A_664, %broadcast_in_dim3A] : memref<512x32xf32, #tpu.memory_space<vmem>>[vector<16xi32>, vector<16xi32>], vector<16xf32>,
      %swap3A_670 = arith.constant 0 : i32
      %swap3A_671 = arith.constant 0 : i32
      %swap3A_672 = arith.index_cast %swap3A_670 : i32 to index
      %swap3A_673 = arith.index_cast %shift_right_logical3A_645 : i32 to index
      %swap3A_674 = arith.index_cast %swap3A_671 : i32 to index
      %swap3A_675 = arith.index_cast %rem3A_647 : i32 to index
      %swap3A_676 = arith.constant 16 : index
      %swap3A_677 = tpu.vector_load %arg7[%swap3A_672, %swap3A_673, %swap3A_674, %swap3A_675, %swap3A_676] {strides = array<i32>} : memref<2x4x4x8x128xf32, #tpu.memory_space<vmem>>, vector<16xf32>,
      tpu.vector_store %arg7[%swap3A_672, %swap3A_673, %swap3A_674, %swap3A_675, %swap3A_676], %gather3A_669 {strides = array<i32>} : memref<2x4x4x8x128xf32, #tpu.memory_space<vmem>>, vector<16xf32>,
      %add3A_678 = arith.constant 32 : i32
      %add3A_679 = vector.broadcast %add3A_678 : i32 to vector<16xi32>
      %add3A_680 = arith.addi %add3A_679, %iota3A : vector<16xi32>
      %gather3A_681 = arith.constant 0 : i32
      %gather3A_682 = arith.constant 0 : i32
      %gather3A_683 = tpu.memref_slice %arg6[%scan3A_186, %gather3A_681, %gather3A_682] : memref<2x512x32xf32, #tpu.memory_space<vmem>> -> memref<1x512x32xf32, #tpu.memory_space<vmem>>
      %gather3A_684 = tpu.memref_squeeze %gather3A_683 : memref<1x512x32xf32, #tpu.memory_space<vmem>> -> memref<512x32xf32, #tpu.memory_space<vmem>>
      %gather3A_685 = tpu.vector_load_idx %gather3A_684[%add3A_680, %broadcast_in_dim3A] : memref<512x32xf32, #tpu.memory_space<vmem>>[vector<16xi32>, vector<16xi32>], vector<16xf32>,
      %swap3A_686 = arith.constant 0 : i32
      %swap3A_687 = arith.constant 0 : i32
      %swap3A_688 = arith.index_cast %swap3A_686 : i32 to index
      %swap3A_689 = arith.index_cast %shift_right_logical3A_645 : i32 to index
      %swap3A_690 = arith.index_cast %swap3A_687 : i32 to index
      %swap3A_691 = arith.index_cast %rem3A_647 : i32 to index
      %swap3A_692 = arith.constant 32 : index
      %swap3A_693 = tpu.vector_load %arg7[%swap3A_688, %swap3A_689, %swap3A_690, %swap3A_691, %swap3A_692] {strides = array<i32>} : memref<2x4x4x8x128xf32, #tpu.memory_space<vmem>>, vector<16xf32>,
      tpu.vector_store %arg7[%swap3A_688, %swap3A_689, %swap3A_690, %swap3A_691, %swap3A_692], %gather3A_685 {strides = array<i32>} : memref<2x4x4x8x128xf32, #tpu.memory_space<vmem>>, vector<16xf32>,
      %add3A_694 = arith.constant 48 : i32
      %add3A_695 = vector.broadcast %add3A_694 : i32 to vector<16xi32>
      %add3A_696 = arith.addi %add3A_695, %iota3A : vector<16xi32>
      %gather3A_697 = arith.constant 0 : i32
      %gather3A_698 = arith.constant 0 : i32
      %gather3A_699 = tpu.memref_slice %arg6[%scan3A_186, %gather3A_697, %gather3A_698] : memref<2x512x32xf32, #tpu.memory_space<vmem>> -> memref<1x512x32xf32, #tpu.memory_space<vmem>>
      %gather3A_700 = tpu.memref_squeeze %gather3A_699 : memref<1x512x32xf32, #tpu.memory_space<vmem>> -> memref<512x32xf32, #tpu.memory_space<vmem>>
      %gather3A_701 = tpu.vector_load_idx %gather3A_700[%add3A_696, %broadcast_in_dim3A] : memref<512x32xf32, #tpu.memory_space<vmem>>[vector<16xi32>, vector<16xi32>], vector<16xf32>,
      %swap3A_702 = arith.constant 0 : i32
      %swap3A_703 = arith.constant 0 : i32
      %swap3A_704 = arith.index_cast %swap3A_702 : i32 to index
      %swap3A_705 = arith.index_cast %shift_right_logical3A_645 : i32 to index
      %swap3A_706 = arith.index_cast %swap3A_703 : i32 to index
      %swap3A_707 = arith.index_cast %rem3A_647 : i32 to index
      %swap3A_708 = arith.constant 48 : index
      %swap3A_709 = tpu.vector_load %arg7[%swap3A_704, %swap3A_705, %swap3A_706, %swap3A_707, %swap3A_708] {strides = array<i32>} : memref<2x4x4x8x128xf32, #tpu.memory_space<vmem>>, vector<16xf32>,
      tpu.vector_store %arg7[%swap3A_704, %swap3A_705, %swap3A_706, %swap3A_707, %swap3A_708], %gather3A_701 {strides = array<i32>} : memref<2x4x4x8x128xf32, #tpu.memory_space<vmem>>, vector<16xf32>,
      %add3A_710 = arith.constant 64 : i32
      %add3A_711 = vector.broadcast %add3A_710 : i32 to vector<16xi32>
      %add3A_712 = arith.addi %add3A_711, %iota3A : vector<16xi32>
      %gather3A_713 = arith.constant 0 : i32
      %gather3A_714 = arith.constant 0 : i32
      %gather3A_715 = tpu.memref_slice %arg6[%scan3A_186, %gather3A_713, %gather3A_714] : memref<2x512x32xf32, #tpu.memory_space<vmem>> -> memref<1x512x32xf32, #tpu.memory_space<vmem>>
      %gather3A_716 = tpu.memref_squeeze %gather3A_715 : memref<1x512x32xf32, #tpu.memory_space<vmem>> -> memref<512x32xf32, #tpu.memory_space<vmem>>
      %gather3A_717 = tpu.vector_load_idx %gather3A_716[%add3A_712, %broadcast_in_dim3A] : memref<512x32xf32, #tpu.memory_space<vmem>>[vector<16xi32>, vector<16xi32>], vector<16xf32>,
      %swap3A_718 = arith.constant 0 : i32
      %swap3A_719 = arith.constant 0 : i32
      %swap3A_720 = arith.index_cast %swap3A_718 : i32 to index
      %swap3A_721 = arith.index_cast %shift_right_logical3A_645 : i32 to index
      %swap3A_722 = arith.index_cast %swap3A_719 : i32 to index
      %swap3A_723 = arith.index_cast %rem3A_647 : i32 to index
      %swap3A_724 = arith.constant 64 : index
      %swap3A_725 = tpu.vector_load %arg7[%swap3A_720, %swap3A_721, %swap3A_722, %swap3A_723, %swap3A_724] {strides = array<i32>} : memref<2x4x4x8x128xf32, #tpu.memory_space<vmem>>, vector<16xf32>,
      tpu.vector_store %arg7[%swap3A_720, %swap3A_721, %swap3A_722, %swap3A_723, %swap3A_724], %gather3A_717 {strides = array<i32>} : memref<2x4x4x8x128xf32, #tpu.memory_space<vmem>>, vector<16xf32>,
      %add3A_726 = arith.constant 80 : i32
      %add3A_727 = vector.broadcast %add3A_726 : i32 to vector<16xi32>
      %add3A_728 = arith.addi %add3A_727, %iota3A : vector<16xi32>
      %gather3A_729 = arith.constant 0 : i32
      %gather3A_730 = arith.constant 0 : i32
      %gather3A_731 = tpu.memref_slice %arg6[%scan3A_186, %gather3A_729, %gather3A_730] : memref<2x512x32xf32, #tpu.memory_space<vmem>> -> memref<1x512x32xf32, #tpu.memory_space<vmem>>
      %gather3A_732 = tpu.memref_squeeze %gather3A_731 : memref<1x512x32xf32, #tpu.memory_space<vmem>> -> memref<512x32xf32, #tpu.memory_space<vmem>>
      %gather3A_733 = tpu.vector_load_idx %gather3A_732[%add3A_728, %broadcast_in_dim3A] : memref<512x32xf32, #tpu.memory_space<vmem>>[vector<16xi32>, vector<16xi32>], vector<16xf32>,
      %swap3A_734 = arith.constant 0 : i32
      %swap3A_735 = arith.constant 0 : i32
      %swap3A_736 = arith.index_cast %swap3A_734 : i32 to index
      %swap3A_737 = arith.index_cast %shift_right_logical3A_645 : i32 to index
      %swap3A_738 = arith.index_cast %swap3A_735 : i32 to index
      %swap3A_739 = arith.index_cast %rem3A_647 : i32 to index
      %swap3A_740 = arith.constant 80 : index
      %swap3A_741 = tpu.vector_load %arg7[%swap3A_736, %swap3A_737, %swap3A_738, %swap3A_739, %swap3A_740] {strides = array<i32>} : memref<2x4x4x8x128xf32, #tpu.memory_space<vmem>>, vector<16xf32>,
      tpu.vector_store %arg7[%swap3A_736, %swap3A_737, %swap3A_738, %swap3A_739, %swap3A_740], %gather3A_733 {strides = array<i32>} : memref<2x4x4x8x128xf32, #tpu.memory_space<vmem>>, vector<16xf32>,
      %add3A_742 = arith.constant 96 : i32
      %add3A_743 = vector.broadcast %add3A_742 : i32 to vector<16xi32>
      %add3A_744 = arith.addi %add3A_743, %iota3A : vector<16xi32>
      %gather3A_745 = arith.constant 0 : i32
      %gather3A_746 = arith.constant 0 : i32
      %gather3A_747 = tpu.memref_slice %arg6[%scan3A_186, %gather3A_745, %gather3A_746] : memref<2x512x32xf32, #tpu.memory_space<vmem>> -> memref<1x512x32xf32, #tpu.memory_space<vmem>>
      %gather3A_748 = tpu.memref_squeeze %gather3A_747 : memref<1x512x32xf32, #tpu.memory_space<vmem>> -> memref<512x32xf32, #tpu.memory_space<vmem>>
      %gather3A_749 = tpu.vector_load_idx %gather3A_748[%add3A_744, %broadcast_in_dim3A] : memref<512x32xf32, #tpu.memory_space<vmem>>[vector<16xi32>, vector<16xi32>], vector<16xf32>,
      %swap3A_750 = arith.constant 0 : i32
      %swap3A_751 = arith.constant 0 : i32
      %swap3A_752 = arith.index_cast %swap3A_750 : i32 to index
      %swap3A_753 = arith.index_cast %shift_right_logical3A_645 : i32 to index
      %swap3A_754 = arith.index_cast %swap3A_751 : i32 to index
      %swap3A_755 = arith.index_cast %rem3A_647 : i32 to index
      %swap3A_756 = arith.constant 96 : index
      %swap3A_757 = tpu.vector_load %arg7[%swap3A_752, %swap3A_753, %swap3A_754, %swap3A_755, %swap3A_756] {strides = array<i32>} : memref<2x4x4x8x128xf32, #tpu.memory_space<vmem>>, vector<16xf32>,
      tpu.vector_store %arg7[%swap3A_752, %swap3A_753, %swap3A_754, %swap3A_755, %swap3A_756], %gather3A_749 {strides = array<i32>} : memref<2x4x4x8x128xf32, #tpu.memory_space<vmem>>, vector<16xf32>,
      %add3A_758 = arith.constant 112 : i32
      %add3A_759 = vector.broadcast %add3A_758 : i32 to vector<16xi32>
      %add3A_760 = arith.addi %add3A_759, %iota3A : vector<16xi32>
      %gather3A_761 = arith.constant 0 : i32
      %gather3A_762 = arith.constant 0 : i32
      %gather3A_763 = tpu.memref_slice %arg6[%scan3A_186, %gather3A_761, %gather3A_762] : memref<2x512x32xf32, #tpu.memory_space<vmem>> -> memref<1x512x32xf32, #tpu.memory_space<vmem>>
      %gather3A_764 = tpu.memref_squeeze %gather3A_763 : memref<1x512x32xf32, #tpu.memory_space<vmem>> -> memref<512x32xf32, #tpu.memory_space<vmem>>
      %gather3A_765 = tpu.vector_load_idx %gather3A_764[%add3A_760, %broadcast_in_dim3A] : memref<512x32xf32, #tpu.memory_space<vmem>>[vector<16xi32>, vector<16xi32>], vector<16xf32>,
      %swap3A_766 = arith.constant 0 : i32
      %swap3A_767 = arith.constant 0 : i32
      %swap3A_768 = arith.index_cast %swap3A_766 : i32 to index
      %swap3A_769 = arith.index_cast %shift_right_logical3A_645 : i32 to index
      %swap3A_770 = arith.index_cast %swap3A_767 : i32 to index
      %swap3A_771 = arith.index_cast %rem3A_647 : i32 to index
      %swap3A_772 = arith.constant 112 : index
      %swap3A_773 = tpu.vector_load %arg7[%swap3A_768, %swap3A_769, %swap3A_770, %swap3A_771, %swap3A_772] {strides = array<i32>} : memref<2x4x4x8x128xf32, #tpu.memory_space<vmem>>, vector<16xf32>,
      tpu.vector_store %arg7[%swap3A_768, %swap3A_769, %swap3A_770, %swap3A_771, %swap3A_772], %gather3A_765 {strides = array<i32>} : memref<2x4x4x8x128xf32, #tpu.memory_space<vmem>>, vector<16xf32>,
      %add3A_774 = arith.constant 128 : i32
      %add3A_775 = vector.broadcast %add3A_774 : i32 to vector<16xi32>
      %add3A_776 = arith.addi %add3A_775, %iota3A : vector<16xi32>
      %gather3A_777 = arith.constant 0 : i32
      %gather3A_778 = arith.constant 0 : i32
      %gather3A_779 = tpu.memref_slice %arg6[%scan3A_186, %gather3A_777, %gather3A_778] : memref<2x512x32xf32, #tpu.memory_space<vmem>> -> memref<1x512x32xf32, #tpu.memory_space<vmem>>
      %gather3A_780 = tpu.memref_squeeze %gather3A_779 : memref<1x512x32xf32, #tpu.memory_space<vmem>> -> memref<512x32xf32, #tpu.memory_space<vmem>>
      %gather3A_781 = tpu.vector_load_idx %gather3A_780[%add3A_776, %broadcast_in_dim3A] : memref<512x32xf32, #tpu.memory_space<vmem>>[vector<16xi32>, vector<16xi32>], vector<16xf32>,
      %swap3A_782 = arith.constant 0 : i32
      %swap3A_783 = arith.constant 1 : i32
      %swap3A_784 = arith.index_cast %swap3A_782 : i32 to index
      %swap3A_785 = arith.index_cast %shift_right_logical3A_645 : i32 to index
      %swap3A_786 = arith.index_cast %swap3A_783 : i32 to index
      %swap3A_787 = arith.index_cast %rem3A_647 : i32 to index
      %swap3A_788 = arith.constant 0 : index
      %swap3A_789 = tpu.vector_load %arg7[%swap3A_784, %swap3A_785, %swap3A_786, %swap3A_787, %swap3A_788] {strides = array<i32>} : memref<2x4x4x8x128xf32, #tpu.memory_space<vmem>>, vector<16xf32>,
      tpu.vector_store %arg7[%swap3A_784, %swap3A_785, %swap3A_786, %swap3A_787, %swap3A_788], %gather3A_781 {strides = array<i32>} : memref<2x4x4x8x128xf32, #tpu.memory_space<vmem>>, vector<16xf32>,
      %add3A_790 = arith.constant 144 : i32
      %add3A_791 = vector.broadcast %add3A_790 : i32 to vector<16xi32>
      %add3A_792 = arith.addi %add3A_791, %iota3A : vector<16xi32>
      %gather3A_793 = arith.constant 0 : i32
      %gather3A_794 = arith.constant 0 : i32
      %gather3A_795 = tpu.memref_slice %arg6[%scan3A_186, %gather3A_793, %gather3A_794] : memref<2x512x32xf32, #tpu.memory_space<vmem>> -> memref<1x512x32xf32, #tpu.memory_space<vmem>>
      %gather3A_796 = tpu.memref_squeeze %gather3A_795 : memref<1x512x32xf32, #tpu.memory_space<vmem>> -> memref<512x32xf32, #tpu.memory_space<vmem>>
      %gather3A_797 = tpu.vector_load_idx %gather3A_796[%add3A_792, %broadcast_in_dim3A] : memref<512x32xf32, #tpu.memory_space<vmem>>[vector<16xi32>, vector<16xi32>], vector<16xf32>,
      %swap3A_798 = arith.constant 0 : i32
      %swap3A_799 = arith.constant 1 : i32
      %swap3A_800 = arith.index_cast %swap3A_798 : i32 to index
      %swap3A_801 = arith.index_cast %shift_right_logical3A_645 : i32 to index
      %swap3A_802 = arith.index_cast %swap3A_799 : i32 to index
      %swap3A_803 = arith.index_cast %rem3A_647 : i32 to index
      %swap3A_804 = arith.constant 16 : index
      %swap3A_805 = tpu.vector_load %arg7[%swap3A_800, %swap3A_801, %swap3A_802, %swap3A_803, %swap3A_804] {strides = array<i32>} : memref<2x4x4x8x128xf32, #tpu.memory_space<vmem>>, vector<16xf32>,
      tpu.vector_store %arg7[%swap3A_800, %swap3A_801, %swap3A_802, %swap3A_803, %swap3A_804], %gather3A_797 {strides = array<i32>} : memref<2x4x4x8x128xf32, #tpu.memory_space<vmem>>, vector<16xf32>,
      %add3A_806 = arith.constant 160 : i32
      %add3A_807 = vector.broadcast %add3A_806 : i32 to vector<16xi32>
      %add3A_808 = arith.addi %add3A_807, %iota3A : vector<16xi32>
      %gather3A_809 = arith.constant 0 : i32
      %gather3A_810 = arith.constant 0 : i32
      %gather3A_811 = tpu.memref_slice %arg6[%scan3A_186, %gather3A_809, %gather3A_810] : memref<2x512x32xf32, #tpu.memory_space<vmem>> -> memref<1x512x32xf32, #tpu.memory_space<vmem>>
      %gather3A_812 = tpu.memref_squeeze %gather3A_811 : memref<1x512x32xf32, #tpu.memory_space<vmem>> -> memref<512x32xf32, #tpu.memory_space<vmem>>
      %gather3A_813 = tpu.vector_load_idx %gather3A_812[%add3A_808, %broadcast_in_dim3A] : memref<512x32xf32, #tpu.memory_space<vmem>>[vector<16xi32>, vector<16xi32>], vector<16xf32>,
      %swap3A_814 = arith.constant 0 : i32
      %swap3A_815 = arith.constant 1 : i32
      %swap3A_816 = arith.index_cast %swap3A_814 : i32 to index
      %swap3A_817 = arith.index_cast %shift_right_logical3A_645 : i32 to index
      %swap3A_818 = arith.index_cast %swap3A_815 : i32 to index
      %swap3A_819 = arith.index_cast %rem3A_647 : i32 to index
      %swap3A_820 = arith.constant 32 : index
      %swap3A_821 = tpu.vector_load %arg7[%swap3A_816, %swap3A_817, %swap3A_818, %swap3A_819, %swap3A_820] {strides = array<i32>} : memref<2x4x4x8x128xf32, #tpu.memory_space<vmem>>, vector<16xf32>,
      tpu.vector_store %arg7[%swap3A_816, %swap3A_817, %swap3A_818, %swap3A_819, %swap3A_820], %gather3A_813 {strides = array<i32>} : memref<2x4x4x8x128xf32, #tpu.memory_space<vmem>>, vector<16xf32>,
      %add3A_822 = arith.constant 176 : i32
      %add3A_823 = vector.broadcast %add3A_822 : i32 to vector<16xi32>
      %add3A_824 = arith.addi %add3A_823, %iota3A : vector<16xi32>
      %gather3A_825 = arith.constant 0 : i32
      %gather3A_826 = arith.constant 0 : i32
      %gather3A_827 = tpu.memref_slice %arg6[%scan3A_186, %gather3A_825, %gather3A_826] : memref<2x512x32xf32, #tpu.memory_space<vmem>> -> memref<1x512x32xf32, #tpu.memory_space<vmem>>
      %gather3A_828 = tpu.memref_squeeze %gather3A_827 : memref<1x512x32xf32, #tpu.memory_space<vmem>> -> memref<512x32xf32, #tpu.memory_space<vmem>>
      %gather3A_829 = tpu.vector_load_idx %gather3A_828[%add3A_824, %broadcast_in_dim3A] : memref<512x32xf32, #tpu.memory_space<vmem>>[vector<16xi32>, vector<16xi32>], vector<16xf32>,
      %swap3A_830 = arith.constant 0 : i32
      %swap3A_831 = arith.constant 1 : i32
      %swap3A_832 = arith.index_cast %swap3A_830 : i32 to index
      %swap3A_833 = arith.index_cast %shift_right_logical3A_645 : i32 to index
      %swap3A_834 = arith.index_cast %swap3A_831 : i32 to index
      %swap3A_835 = arith.index_cast %rem3A_647 : i32 to index
      %swap3A_836 = arith.constant 48 : index
      %swap3A_837 = tpu.vector_load %arg7[%swap3A_832, %swap3A_833, %swap3A_834, %swap3A_835, %swap3A_836] {strides = array<i32>} : memref<2x4x4x8x128xf32, #tpu.memory_space<vmem>>, vector<16xf32>,
      tpu.vector_store %arg7[%swap3A_832, %swap3A_833, %swap3A_834, %swap3A_835, %swap3A_836], %gather3A_829 {strides = array<i32>} : memref<2x4x4x8x128xf32, #tpu.memory_space<vmem>>, vector<16xf32>,
      %add3A_838 = arith.constant 192 : i32
      %add3A_839 = vector.broadcast %add3A_838 : i32 to vector<16xi32>
      %add3A_840 = arith.addi %add3A_839, %iota3A : vector<16xi32>
      %gather3A_841 = arith.constant 0 : i32
      %gather3A_842 = arith.constant 0 : i32
      %gather3A_843 = tpu.memref_slice %arg6[%scan3A_186, %gather3A_841, %gather3A_842] : memref<2x512x32xf32, #tpu.memory_space<vmem>> -> memref<1x512x32xf32, #tpu.memory_space<vmem>>
      %gather3A_844 = tpu.memref_squeeze %gather3A_843 : memref<1x512x32xf32, #tpu.memory_space<vmem>> -> memref<512x32xf32, #tpu.memory_space<vmem>>
      %gather3A_845 = tpu.vector_load_idx %gather3A_844[%add3A_840, %broadcast_in_dim3A] : memref<512x32xf32, #tpu.memory_space<vmem>>[vector<16xi32>, vector<16xi32>], vector<16xf32>,
      %swap3A_846 = arith.constant 0 : i32
      %swap3A_847 = arith.constant 1 : i32
      %swap3A_848 = arith.index_cast %swap3A_846 : i32 to index
      %swap3A_849 = arith.index_cast %shift_right_logical3A_645 : i32 to index
      %swap3A_850 = arith.index_cast %swap3A_847 : i32 to index
      %swap3A_851 = arith.index_cast %rem3A_647 : i32 to index
      %swap3A_852 = arith.constant 64 : index
      %swap3A_853 = tpu.vector_load %arg7[%swap3A_848, %swap3A_849, %swap3A_850, %swap3A_851, %swap3A_852] {strides = array<i32>} : memref<2x4x4x8x128xf32, #tpu.memory_space<vmem>>, vector<16xf32>,
      tpu.vector_store %arg7[%swap3A_848, %swap3A_849, %swap3A_850, %swap3A_851, %swap3A_852], %gather3A_845 {strides = array<i32>} : memref<2x4x4x8x128xf32, #tpu.memory_space<vmem>>, vector<16xf32>,
      %add3A_854 = arith.constant 208 : i32
      %add3A_855 = vector.broadcast %add3A_854 : i32 to vector<16xi32>
      %add3A_856 = arith.addi %add3A_855, %iota3A : vector<16xi32>
      %gather3A_857 = arith.constant 0 : i32
      %gather3A_858 = arith.constant 0 : i32
      %gather3A_859 = tpu.memref_slice %arg6[%scan3A_186, %gather3A_857, %gather3A_858] : memref<2x512x32xf32, #tpu.memory_space<vmem>> -> memref<1x512x32xf32, #tpu.memory_space<vmem>>
      %gather3A_860 = tpu.memref_squeeze %gather3A_859 : memref<1x512x32xf32, #tpu.memory_space<vmem>> -> memref<512x32xf32, #tpu.memory_space<vmem>>
      %gather3A_861 = tpu.vector_load_idx %gather3A_860[%add3A_856, %broadcast_in_dim3A] : memref<512x32xf32, #tpu.memory_space<vmem>>[vector<16xi32>, vector<16xi32>], vector<16xf32>,
      %swap3A_862 = arith.constant 0 : i32
      %swap3A_863 = arith.constant 1 : i32
      %swap3A_864 = arith.index_cast %swap3A_862 : i32 to index
      %swap3A_865 = arith.index_cast %shift_right_logical3A_645 : i32 to index
      %swap3A_866 = arith.index_cast %swap3A_863 : i32 to index
      %swap3A_867 = arith.index_cast %rem3A_647 : i32 to index
      %swap3A_868 = arith.constant 80 : index
      %swap3A_869 = tpu.vector_load %arg7[%swap3A_864, %swap3A_865, %swap3A_866, %swap3A_867, %swap3A_868] {strides = array<i32>} : memref<2x4x4x8x128xf32, #tpu.memory_space<vmem>>, vector<16xf32>,
      tpu.vector_store %arg7[%swap3A_864, %swap3A_865, %swap3A_866, %swap3A_867, %swap3A_868], %gather3A_861 {strides = array<i32>} : memref<2x4x4x8x128xf32, #tpu.memory_space<vmem>>, vector<16xf32>,
      %add3A_870 = arith.constant 224 : i32
      %add3A_871 = vector.broadcast %add3A_870 : i32 to vector<16xi32>
      %add3A_872 = arith.addi %add3A_871, %iota3A : vector<16xi32>
      %gather3A_873 = arith.constant 0 : i32
      %gather3A_874 = arith.constant 0 : i32
      %gather3A_875 = tpu.memref_slice %arg6[%scan3A_186, %gather3A_873, %gather3A_874] : memref<2x512x32xf32, #tpu.memory_space<vmem>> -> memref<1x512x32xf32, #tpu.memory_space<vmem>>
      %gather3A_876 = tpu.memref_squeeze %gather3A_875 : memref<1x512x32xf32, #tpu.memory_space<vmem>> -> memref<512x32xf32, #tpu.memory_space<vmem>>
      %gather3A_877 = tpu.vector_load_idx %gather3A_876[%add3A_872, %broadcast_in_dim3A] : memref<512x32xf32, #tpu.memory_space<vmem>>[vector<16xi32>, vector<16xi32>], vector<16xf32>,
      %swap3A_878 = arith.constant 0 : i32
      %swap3A_879 = arith.constant 1 : i32
      %swap3A_880 = arith.index_cast %swap3A_878 : i32 to index
      %swap3A_881 = arith.index_cast %shift_right_logical3A_645 : i32 to index
      %swap3A_882 = arith.index_cast %swap3A_879 : i32 to index
      %swap3A_883 = arith.index_cast %rem3A_647 : i32 to index
      %swap3A_884 = arith.constant 96 : index
      %swap3A_885 = tpu.vector_load %arg7[%swap3A_880, %swap3A_881, %swap3A_882, %swap3A_883, %swap3A_884] {strides = array<i32>} : memref<2x4x4x8x128xf32, #tpu.memory_space<vmem>>, vector<16xf32>,
      tpu.vector_store %arg7[%swap3A_880, %swap3A_881, %swap3A_882, %swap3A_883, %swap3A_884], %gather3A_877 {strides = array<i32>} : memref<2x4x4x8x128xf32, #tpu.memory_space<vmem>>, vector<16xf32>,
      %add3A_886 = arith.constant 240 : i32
      %add3A_887 = vector.broadcast %add3A_886 : i32 to vector<16xi32>
      %add3A_888 = arith.addi %add3A_887, %iota3A : vector<16xi32>
      %gather3A_889 = arith.constant 0 : i32
      %gather3A_890 = arith.constant 0 : i32
      %gather3A_891 = tpu.memref_slice %arg6[%scan3A_186, %gather3A_889, %gather3A_890] : memref<2x512x32xf32, #tpu.memory_space<vmem>> -> memref<1x512x32xf32, #tpu.memory_space<vmem>>
      %gather3A_892 = tpu.memref_squeeze %gather3A_891 : memref<1x512x32xf32, #tpu.memory_space<vmem>> -> memref<512x32xf32, #tpu.memory_space<vmem>>
      %gather3A_893 = tpu.vector_load_idx %gather3A_892[%add3A_888, %broadcast_in_dim3A] : memref<512x32xf32, #tpu.memory_space<vmem>>[vector<16xi32>, vector<16xi32>], vector<16xf32>,
      %swap3A_894 = arith.constant 0 : i32
      %swap3A_895 = arith.constant 1 : i32
      %swap3A_896 = arith.index_cast %swap3A_894 : i32 to index
      %swap3A_897 = arith.index_cast %shift_right_logical3A_645 : i32 to index
      %swap3A_898 = arith.index_cast %swap3A_895 : i32 to index
      %swap3A_899 = arith.index_cast %rem3A_647 : i32 to index
      %swap3A_900 = arith.constant 112 : index
      %swap3A_901 = tpu.vector_load %arg7[%swap3A_896, %swap3A_897, %swap3A_898, %swap3A_899, %swap3A_900] {strides = array<i32>} : memref<2x4x4x8x128xf32, #tpu.memory_space<vmem>>, vector<16xf32>,
      tpu.vector_store %arg7[%swap3A_896, %swap3A_897, %swap3A_898, %swap3A_899, %swap3A_900], %gather3A_893 {strides = array<i32>} : memref<2x4x4x8x128xf32, #tpu.memory_space<vmem>>, vector<16xf32>,
      %add3A_902 = arith.constant 256 : i32
      %add3A_903 = vector.broadcast %add3A_902 : i32 to vector<16xi32>
      %add3A_904 = arith.addi %add3A_903, %iota3A : vector<16xi32>
      %gather3A_905 = arith.constant 0 : i32
      %gather3A_906 = arith.constant 0 : i32
      %gather3A_907 = tpu.memref_slice %arg6[%scan3A_186, %gather3A_905, %gather3A_906] : memref<2x512x32xf32, #tpu.memory_space<vmem>> -> memref<1x512x32xf32, #tpu.memory_space<vmem>>
      %gather3A_908 = tpu.memref_squeeze %gather3A_907 : memref<1x512x32xf32, #tpu.memory_space<vmem>> -> memref<512x32xf32, #tpu.memory_space<vmem>>
      %gather3A_909 = tpu.vector_load_idx %gather3A_908[%add3A_904, %broadcast_in_dim3A] : memref<512x32xf32, #tpu.memory_space<vmem>>[vector<16xi32>, vector<16xi32>], vector<16xf32>,
      %swap3A_910 = arith.constant 0 : i32
      %swap3A_911 = arith.constant 2 : i32
      %swap3A_912 = arith.index_cast %swap3A_910 : i32 to index
      %swap3A_913 = arith.index_cast %shift_right_logical3A_645 : i32 to index
      %swap3A_914 = arith.index_cast %swap3A_911 : i32 to index
      %swap3A_915 = arith.index_cast %rem3A_647 : i32 to index
      %swap3A_916 = arith.constant 0 : index
      %swap3A_917 = tpu.vector_load %arg7[%swap3A_912, %swap3A_913, %swap3A_914, %swap3A_915, %swap3A_916] {strides = array<i32>} : memref<2x4x4x8x128xf32, #tpu.memory_space<vmem>>, vector<16xf32>,
      tpu.vector_store %arg7[%swap3A_912, %swap3A_913, %swap3A_914, %swap3A_915, %swap3A_916], %gather3A_909 {strides = array<i32>} : memref<2x4x4x8x128xf32, #tpu.memory_space<vmem>>, vector<16xf32>,
      %add3A_918 = arith.constant 272 : i32
      %add3A_919 = vector.broadcast %add3A_918 : i32 to vector<16xi32>
      %add3A_920 = arith.addi %add3A_919, %iota3A : vector<16xi32>
      %gather3A_921 = arith.constant 0 : i32
      %gather3A_922 = arith.constant 0 : i32
      %gather3A_923 = tpu.memref_slice %arg6[%scan3A_186, %gather3A_921, %gather3A_922] : memref<2x512x32xf32, #tpu.memory_space<vmem>> -> memref<1x512x32xf32, #tpu.memory_space<vmem>>
      %gather3A_924 = tpu.memref_squeeze %gather3A_923 : memref<1x512x32xf32, #tpu.memory_space<vmem>> -> memref<512x32xf32, #tpu.memory_space<vmem>>
      %gather3A_925 = tpu.vector_load_idx %gather3A_924[%add3A_920, %broadcast_in_dim3A] : memref<512x32xf32, #tpu.memory_space<vmem>>[vector<16xi32>, vector<16xi32>], vector<16xf32>,
      %swap3A_926 = arith.constant 0 : i32
      %swap3A_927 = arith.constant 2 : i32
      %swap3A_928 = arith.index_cast %swap3A_926 : i32 to index
      %swap3A_929 = arith.index_cast %shift_right_logical3A_645 : i32 to index
      %swap3A_930 = arith.index_cast %swap3A_927 : i32 to index
      %swap3A_931 = arith.index_cast %rem3A_647 : i32 to index
      %swap3A_932 = arith.constant 16 : index
      %swap3A_933 = tpu.vector_load %arg7[%swap3A_928, %swap3A_929, %swap3A_930, %swap3A_931, %swap3A_932] {strides = array<i32>} : memref<2x4x4x8x128xf32, #tpu.memory_space<vmem>>, vector<16xf32>,
      tpu.vector_store %arg7[%swap3A_928, %swap3A_929, %swap3A_930, %swap3A_931, %swap3A_932], %gather3A_925 {strides = array<i32>} : memref<2x4x4x8x128xf32, #tpu.memory_space<vmem>>, vector<16xf32>,
      %add3A_934 = arith.constant 288 : i32
      %add3A_935 = vector.broadcast %add3A_934 : i32 to vector<16xi32>
      %add3A_936 = arith.addi %add3A_935, %iota3A : vector<16xi32>
      %gather3A_937 = arith.constant 0 : i32
      %gather3A_938 = arith.constant 0 : i32
      %gather3A_939 = tpu.memref_slice %arg6[%scan3A_186, %gather3A_937, %gather3A_938] : memref<2x512x32xf32, #tpu.memory_space<vmem>> -> memref<1x512x32xf32, #tpu.memory_space<vmem>>
      %gather3A_940 = tpu.memref_squeeze %gather3A_939 : memref<1x512x32xf32, #tpu.memory_space<vmem>> -> memref<512x32xf32, #tpu.memory_space<vmem>>
      %gather3A_941 = tpu.vector_load_idx %gather3A_940[%add3A_936, %broadcast_in_dim3A] : memref<512x32xf32, #tpu.memory_space<vmem>>[vector<16xi32>, vector<16xi32>], vector<16xf32>,
      %swap3A_942 = arith.constant 0 : i32
      %swap3A_943 = arith.constant 2 : i32
      %swap3A_944 = arith.index_cast %swap3A_942 : i32 to index
      %swap3A_945 = arith.index_cast %shift_right_logical3A_645 : i32 to index
      %swap3A_946 = arith.index_cast %swap3A_943 : i32 to index
      %swap3A_947 = arith.index_cast %rem3A_647 : i32 to index
      %swap3A_948 = arith.constant 32 : index
      %swap3A_949 = tpu.vector_load %arg7[%swap3A_944, %swap3A_945, %swap3A_946, %swap3A_947, %swap3A_948] {strides = array<i32>} : memref<2x4x4x8x128xf32, #tpu.memory_space<vmem>>, vector<16xf32>,
      tpu.vector_store %arg7[%swap3A_944, %swap3A_945, %swap3A_946, %swap3A_947, %swap3A_948], %gather3A_941 {strides = array<i32>} : memref<2x4x4x8x128xf32, #tpu.memory_space<vmem>>, vector<16xf32>,
      %add3A_950 = arith.constant 304 : i32
      %add3A_951 = vector.broadcast %add3A_950 : i32 to vector<16xi32>
      %add3A_952 = arith.addi %add3A_951, %iota3A : vector<16xi32>
      %gather3A_953 = arith.constant 0 : i32
      %gather3A_954 = arith.constant 0 : i32
      %gather3A_955 = tpu.memref_slice %arg6[%scan3A_186, %gather3A_953, %gather3A_954] : memref<2x512x32xf32, #tpu.memory_space<vmem>> -> memref<1x512x32xf32, #tpu.memory_space<vmem>>
      %gather3A_956 = tpu.memref_squeeze %gather3A_955 : memref<1x512x32xf32, #tpu.memory_space<vmem>> -> memref<512x32xf32, #tpu.memory_space<vmem>>
      %gather3A_957 = tpu.vector_load_idx %gather3A_956[%add3A_952, %broadcast_in_dim3A] : memref<512x32xf32, #tpu.memory_space<vmem>>[vector<16xi32>, vector<16xi32>], vector<16xf32>,
      %swap3A_958 = arith.constant 0 : i32
      %swap3A_959 = arith.constant 2 : i32
      %swap3A_960 = arith.index_cast %swap3A_958 : i32 to index
      %swap3A_961 = arith.index_cast %shift_right_logical3A_645 : i32 to index
      %swap3A_962 = arith.index_cast %swap3A_959 : i32 to index
      %swap3A_963 = arith.index_cast %rem3A_647 : i32 to index
      %swap3A_964 = arith.constant 48 : index
      %swap3A_965 = tpu.vector_load %arg7[%swap3A_960, %swap3A_961, %swap3A_962, %swap3A_963, %swap3A_964] {strides = array<i32>} : memref<2x4x4x8x128xf32, #tpu.memory_space<vmem>>, vector<16xf32>,
      tpu.vector_store %arg7[%swap3A_960, %swap3A_961, %swap3A_962, %swap3A_963, %swap3A_964], %gather3A_957 {strides = array<i32>} : memref<2x4x4x8x128xf32, #tpu.memory_space<vmem>>, vector<16xf32>,
      %add3A_966 = arith.constant 320 : i32
      %add3A_967 = vector.broadcast %add3A_966 : i32 to vector<16xi32>
      %add3A_968 = arith.addi %add3A_967, %iota3A : vector<16xi32>
      %gather3A_969 = arith.constant 0 : i32
      %gather3A_970 = arith.constant 0 : i32
      %gather3A_971 = tpu.memref_slice %arg6[%scan3A_186, %gather3A_969, %gather3A_970] : memref<2x512x32xf32, #tpu.memory_space<vmem>> -> memref<1x512x32xf32, #tpu.memory_space<vmem>>
      %gather3A_972 = tpu.memref_squeeze %gather3A_971 : memref<1x512x32xf32, #tpu.memory_space<vmem>> -> memref<512x32xf32, #tpu.memory_space<vmem>>
      %gather3A_973 = tpu.vector_load_idx %gather3A_972[%add3A_968, %broadcast_in_dim3A] : memref<512x32xf32, #tpu.memory_space<vmem>>[vector<16xi32>, vector<16xi32>], vector<16xf32>,
      %swap3A_974 = arith.constant 0 : i32
      %swap3A_975 = arith.constant 2 : i32
      %swap3A_976 = arith.index_cast %swap3A_974 : i32 to index
      %swap3A_977 = arith.index_cast %shift_right_logical3A_645 : i32 to index
      %swap3A_978 = arith.index_cast %swap3A_975 : i32 to index
      %swap3A_979 = arith.index_cast %rem3A_647 : i32 to index
      %swap3A_980 = arith.constant 64 : index
      %swap3A_981 = tpu.vector_load %arg7[%swap3A_976, %swap3A_977, %swap3A_978, %swap3A_979, %swap3A_980] {strides = array<i32>} : memref<2x4x4x8x128xf32, #tpu.memory_space<vmem>>, vector<16xf32>,
      tpu.vector_store %arg7[%swap3A_976, %swap3A_977, %swap3A_978, %swap3A_979, %swap3A_980], %gather3A_973 {strides = array<i32>} : memref<2x4x4x8x128xf32, #tpu.memory_space<vmem>>, vector<16xf32>,
      %add3A_982 = arith.constant 336 : i32
      %add3A_983 = vector.broadcast %add3A_982 : i32 to vector<16xi32>
      %add3A_984 = arith.addi %add3A_983, %iota3A : vector<16xi32>
      %gather3A_985 = arith.constant 0 : i32
      %gather3A_986 = arith.constant 0 : i32
      %gather3A_987 = tpu.memref_slice %arg6[%scan3A_186, %gather3A_985, %gather3A_986] : memref<2x512x32xf32, #tpu.memory_space<vmem>> -> memref<1x512x32xf32, #tpu.memory_space<vmem>>
      %gather3A_988 = tpu.memref_squeeze %gather3A_987 : memref<1x512x32xf32, #tpu.memory_space<vmem>> -> memref<512x32xf32, #tpu.memory_space<vmem>>
      %gather3A_989 = tpu.vector_load_idx %gather3A_988[%add3A_984, %broadcast_in_dim3A] : memref<512x32xf32, #tpu.memory_space<vmem>>[vector<16xi32>, vector<16xi32>], vector<16xf32>,
      %swap3A_990 = arith.constant 0 : i32
      %swap3A_991 = arith.constant 2 : i32
      %swap3A_992 = arith.index_cast %swap3A_990 : i32 to index
      %swap3A_993 = arith.index_cast %shift_right_logical3A_645 : i32 to index
      %swap3A_994 = arith.index_cast %swap3A_991 : i32 to index
      %swap3A_995 = arith.index_cast %rem3A_647 : i32 to index
      %swap3A_996 = arith.constant 80 : index
      %swap3A_997 = tpu.vector_load %arg7[%swap3A_992, %swap3A_993, %swap3A_994, %swap3A_995, %swap3A_996] {strides = array<i32>} : memref<2x4x4x8x128xf32, #tpu.memory_space<vmem>>, vector<16xf32>,
      tpu.vector_store %arg7[%swap3A_992, %swap3A_993, %swap3A_994, %swap3A_995, %swap3A_996], %gather3A_989 {strides = array<i32>} : memref<2x4x4x8x128xf32, #tpu.memory_space<vmem>>, vector<16xf32>,
      %add3A_998 = arith.constant 352 : i32
      %add3A_999 = vector.broadcast %add3A_998 : i32 to vector<16xi32>
      %add3A_1000 = arith.addi %add3A_999, %iota3A : vector<16xi32>
      %gather3A_1001 = arith.constant 0 : i32
      %gather3A_1002 = arith.constant 0 : i32
      %gather3A_1003 = tpu.memref_slice %arg6[%scan3A_186, %gather3A_1001, %gather3A_1002] : memref<2x512x32xf32, #tpu.memory_space<vmem>> -> memref<1x512x32xf32, #tpu.memory_space<vmem>>
      %gather3A_1004 = tpu.memref_squeeze %gather3A_1003 : memref<1x512x32xf32, #tpu.memory_space<vmem>> -> memref<512x32xf32, #tpu.memory_space<vmem>>
      %gather3A_1005 = tpu.vector_load_idx %gather3A_1004[%add3A_1000, %broadcast_in_dim3A] : memref<512x32xf32, #tpu.memory_space<vmem>>[vector<16xi32>, vector<16xi32>], vector<16xf32>,
      %swap3A_1006 = arith.constant 0 : i32
      %swap3A_1007 = arith.constant 2 : i32
      %swap3A_1008 = arith.index_cast %swap3A_1006 : i32 to index
      %swap3A_1009 = arith.index_cast %shift_right_logical3A_645 : i32 to index
      %swap3A_1010 = arith.index_cast %swap3A_1007 : i32 to index
      %swap3A_1011 = arith.index_cast %rem3A_647 : i32 to index
      %swap3A_1012 = arith.constant 96 : index
      %swap3A_1013 = tpu.vector_load %arg7[%swap3A_1008, %swap3A_1009, %swap3A_1010, %swap3A_1011, %swap3A_1012] {strides = array<i32>} : memref<2x4x4x8x128xf32, #tpu.memory_space<vmem>>, vector<16xf32>,
      tpu.vector_store %arg7[%swap3A_1008, %swap3A_1009, %swap3A_1010, %swap3A_1011, %swap3A_1012], %gather3A_1005 {strides = array<i32>} : memref<2x4x4x8x128xf32, #tpu.memory_space<vmem>>, vector<16xf32>,
      %add3A_1014 = arith.constant 368 : i32
      %add3A_1015 = vector.broadcast %add3A_1014 : i32 to vector<16xi32>
      %add3A_1016 = arith.addi %add3A_1015, %iota3A : vector<16xi32>
      %gather3A_1017 = arith.constant 0 : i32
      %gather3A_1018 = arith.constant 0 : i32
      %gather3A_1019 = tpu.memref_slice %arg6[%scan3A_186, %gather3A_1017, %gather3A_1018] : memref<2x512x32xf32, #tpu.memory_space<vmem>> -> memref<1x512x32xf32, #tpu.memory_space<vmem>>
      %gather3A_1020 = tpu.memref_squeeze %gather3A_1019 : memref<1x512x32xf32, #tpu.memory_space<vmem>> -> memref<512x32xf32, #tpu.memory_space<vmem>>
      %gather3A_1021 = tpu.vector_load_idx %gather3A_1020[%add3A_1016, %broadcast_in_dim3A] : memref<512x32xf32, #tpu.memory_space<vmem>>[vector<16xi32>, vector<16xi32>], vector<16xf32>,
      %swap3A_1022 = arith.constant 0 : i32
      %swap3A_1023 = arith.constant 2 : i32
      %swap3A_1024 = arith.index_cast %swap3A_1022 : i32 to index
      %swap3A_1025 = arith.index_cast %shift_right_logical3A_645 : i32 to index
      %swap3A_1026 = arith.index_cast %swap3A_1023 : i32 to index
      %swap3A_1027 = arith.index_cast %rem3A_647 : i32 to index
      %swap3A_1028 = arith.constant 112 : index
      %swap3A_1029 = tpu.vector_load %arg7[%swap3A_1024, %swap3A_1025, %swap3A_1026, %swap3A_1027, %swap3A_1028] {strides = array<i32>} : memref<2x4x4x8x128xf32, #tpu.memory_space<vmem>>, vector<16xf32>,
      tpu.vector_store %arg7[%swap3A_1024, %swap3A_1025, %swap3A_1026, %swap3A_1027, %swap3A_1028], %gather3A_1021 {strides = array<i32>} : memref<2x4x4x8x128xf32, #tpu.memory_space<vmem>>, vector<16xf32>,
      %add3A_1030 = arith.constant 384 : i32
      %add3A_1031 = vector.broadcast %add3A_1030 : i32 to vector<16xi32>
      %add3A_1032 = arith.addi %add3A_1031, %iota3A : vector<16xi32>
      %gather3A_1033 = arith.constant 0 : i32
      %gather3A_1034 = arith.constant 0 : i32
      %gather3A_1035 = tpu.memref_slice %arg6[%scan3A_186, %gather3A_1033, %gather3A_1034] : memref<2x512x32xf32, #tpu.memory_space<vmem>> -> memref<1x512x32xf32, #tpu.memory_space<vmem>>
      %gather3A_1036 = tpu.memref_squeeze %gather3A_1035 : memref<1x512x32xf32, #tpu.memory_space<vmem>> -> memref<512x32xf32, #tpu.memory_space<vmem>>
      %gather3A_1037 = tpu.vector_load_idx %gather3A_1036[%add3A_1032, %broadcast_in_dim3A] : memref<512x32xf32, #tpu.memory_space<vmem>>[vector<16xi32>, vector<16xi32>], vector<16xf32>,
      %swap3A_1038 = arith.constant 0 : i32
      %swap3A_1039 = arith.constant 3 : i32
      %swap3A_1040 = arith.index_cast %swap3A_1038 : i32 to index
      %swap3A_1041 = arith.index_cast %shift_right_logical3A_645 : i32 to index
      %swap3A_1042 = arith.index_cast %swap3A_1039 : i32 to index
      %swap3A_1043 = arith.index_cast %rem3A_647 : i32 to index
      %swap3A_1044 = arith.constant 0 : index
      %swap3A_1045 = tpu.vector_load %arg7[%swap3A_1040, %swap3A_1041, %swap3A_1042, %swap3A_1043, %swap3A_1044] {strides = array<i32>} : memref<2x4x4x8x128xf32, #tpu.memory_space<vmem>>, vector<16xf32>,
      tpu.vector_store %arg7[%swap3A_1040, %swap3A_1041, %swap3A_1042, %swap3A_1043, %swap3A_1044], %gather3A_1037 {strides = array<i32>} : memref<2x4x4x8x128xf32, #tpu.memory_space<vmem>>, vector<16xf32>,
      %add3A_1046 = arith.constant 400 : i32
      %add3A_1047 = vector.broadcast %add3A_1046 : i32 to vector<16xi32>
      %add3A_1048 = arith.addi %add3A_1047, %iota3A : vector<16xi32>
      %gather3A_1049 = arith.constant 0 : i32
      %gather3A_1050 = arith.constant 0 : i32
      %gather3A_1051 = tpu.memref_slice %arg6[%scan3A_186, %gather3A_1049, %gather3A_1050] : memref<2x512x32xf32, #tpu.memory_space<vmem>> -> memref<1x512x32xf32, #tpu.memory_space<vmem>>
      %gather3A_1052 = tpu.memref_squeeze %gather3A_1051 : memref<1x512x32xf32, #tpu.memory_space<vmem>> -> memref<512x32xf32, #tpu.memory_space<vmem>>
      %gather3A_1053 = tpu.vector_load_idx %gather3A_1052[%add3A_1048, %broadcast_in_dim3A] : memref<512x32xf32, #tpu.memory_space<vmem>>[vector<16xi32>, vector<16xi32>], vector<16xf32>,
      %swap3A_1054 = arith.constant 0 : i32
      %swap3A_1055 = arith.constant 3 : i32
      %swap3A_1056 = arith.index_cast %swap3A_1054 : i32 to index
      %swap3A_1057 = arith.index_cast %shift_right_logical3A_645 : i32 to index
      %swap3A_1058 = arith.index_cast %swap3A_1055 : i32 to index
      %swap3A_1059 = arith.index_cast %rem3A_647 : i32 to index
      %swap3A_1060 = arith.constant 16 : index
      %swap3A_1061 = tpu.vector_load %arg7[%swap3A_1056, %swap3A_1057, %swap3A_1058, %swap3A_1059, %swap3A_1060] {strides = array<i32>} : memref<2x4x4x8x128xf32, #tpu.memory_space<vmem>>, vector<16xf32>,
      tpu.vector_store %arg7[%swap3A_1056, %swap3A_1057, %swap3A_1058, %swap3A_1059, %swap3A_1060], %gather3A_1053 {strides = array<i32>} : memref<2x4x4x8x128xf32, #tpu.memory_space<vmem>>, vector<16xf32>,
      %add3A_1062 = arith.constant 416 : i32
      %add3A_1063 = vector.broadcast %add3A_1062 : i32 to vector<16xi32>
      %add3A_1064 = arith.addi %add3A_1063, %iota3A : vector<16xi32>
      %gather3A_1065 = arith.constant 0 : i32
      %gather3A_1066 = arith.constant 0 : i32
      %gather3A_1067 = tpu.memref_slice %arg6[%scan3A_186, %gather3A_1065, %gather3A_1066] : memref<2x512x32xf32, #tpu.memory_space<vmem>> -> memref<1x512x32xf32, #tpu.memory_space<vmem>>
      %gather3A_1068 = tpu.memref_squeeze %gather3A_1067 : memref<1x512x32xf32, #tpu.memory_space<vmem>> -> memref<512x32xf32, #tpu.memory_space<vmem>>
      %gather3A_1069 = tpu.vector_load_idx %gather3A_1068[%add3A_1064, %broadcast_in_dim3A] : memref<512x32xf32, #tpu.memory_space<vmem>>[vector<16xi32>, vector<16xi32>], vector<16xf32>,
      %swap3A_1070 = arith.constant 0 : i32
      %swap3A_1071 = arith.constant 3 : i32
      %swap3A_1072 = arith.index_cast %swap3A_1070 : i32 to index
      %swap3A_1073 = arith.index_cast %shift_right_logical3A_645 : i32 to index
      %swap3A_1074 = arith.index_cast %swap3A_1071 : i32 to index
      %swap3A_1075 = arith.index_cast %rem3A_647 : i32 to index
      %swap3A_1076 = arith.constant 32 : index
      %swap3A_1077 = tpu.vector_load %arg7[%swap3A_1072, %swap3A_1073, %swap3A_1074, %swap3A_1075, %swap3A_1076] {strides = array<i32>} : memref<2x4x4x8x128xf32, #tpu.memory_space<vmem>>, vector<16xf32>,
      tpu.vector_store %arg7[%swap3A_1072, %swap3A_1073, %swap3A_1074, %swap3A_1075, %swap3A_1076], %gather3A_1069 {strides = array<i32>} : memref<2x4x4x8x128xf32, #tpu.memory_space<vmem>>, vector<16xf32>,
      %add3A_1078 = arith.constant 432 : i32
      %add3A_1079 = vector.broadcast %add3A_1078 : i32 to vector<16xi32>
      %add3A_1080 = arith.addi %add3A_1079, %iota3A : vector<16xi32>
      %gather3A_1081 = arith.constant 0 : i32
      %gather3A_1082 = arith.constant 0 : i32
      %gather3A_1083 = tpu.memref_slice %arg6[%scan3A_186, %gather3A_1081, %gather3A_1082] : memref<2x512x32xf32, #tpu.memory_space<vmem>> -> memref<1x512x32xf32, #tpu.memory_space<vmem>>
      %gather3A_1084 = tpu.memref_squeeze %gather3A_1083 : memref<1x512x32xf32, #tpu.memory_space<vmem>> -> memref<512x32xf32, #tpu.memory_space<vmem>>
      %gather3A_1085 = tpu.vector_load_idx %gather3A_1084[%add3A_1080, %broadcast_in_dim3A] : memref<512x32xf32, #tpu.memory_space<vmem>>[vector<16xi32>, vector<16xi32>], vector<16xf32>,
      %swap3A_1086 = arith.constant 0 : i32
      %swap3A_1087 = arith.constant 3 : i32
      %swap3A_1088 = arith.index_cast %swap3A_1086 : i32 to index
      %swap3A_1089 = arith.index_cast %shift_right_logical3A_645 : i32 to index
      %swap3A_1090 = arith.index_cast %swap3A_1087 : i32 to index
      %swap3A_1091 = arith.index_cast %rem3A_647 : i32 to index
      %swap3A_1092 = arith.constant 48 : index
      %swap3A_1093 = tpu.vector_load %arg7[%swap3A_1088, %swap3A_1089, %swap3A_1090, %swap3A_1091, %swap3A_1092] {strides = array<i32>} : memref<2x4x4x8x128xf32, #tpu.memory_space<vmem>>, vector<16xf32>,
      tpu.vector_store %arg7[%swap3A_1088, %swap3A_1089, %swap3A_1090, %swap3A_1091, %swap3A_1092], %gather3A_1085 {strides = array<i32>} : memref<2x4x4x8x128xf32, #tpu.memory_space<vmem>>, vector<16xf32>,
      %add3A_1094 = arith.constant 448 : i32
      %add3A_1095 = vector.broadcast %add3A_1094 : i32 to vector<16xi32>
      %add3A_1096 = arith.addi %add3A_1095, %iota3A : vector<16xi32>
      %gather3A_1097 = arith.constant 0 : i32
      %gather3A_1098 = arith.constant 0 : i32
      %gather3A_1099 = tpu.memref_slice %arg6[%scan3A_186, %gather3A_1097, %gather3A_1098] : memref<2x512x32xf32, #tpu.memory_space<vmem>> -> memref<1x512x32xf32, #tpu.memory_space<vmem>>
      %gather3A_1100 = tpu.memref_squeeze %gather3A_1099 : memref<1x512x32xf32, #tpu.memory_space<vmem>> -> memref<512x32xf32, #tpu.memory_space<vmem>>
      %gather3A_1101 = tpu.vector_load_idx %gather3A_1100[%add3A_1096, %broadcast_in_dim3A] : memref<512x32xf32, #tpu.memory_space<vmem>>[vector<16xi32>, vector<16xi32>], vector<16xf32>,
      %swap3A_1102 = arith.constant 0 : i32
      %swap3A_1103 = arith.constant 3 : i32
      %swap3A_1104 = arith.index_cast %swap3A_1102 : i32 to index
      %swap3A_1105 = arith.index_cast %shift_right_logical3A_645 : i32 to index
      %swap3A_1106 = arith.index_cast %swap3A_1103 : i32 to index
      %swap3A_1107 = arith.index_cast %rem3A_647 : i32 to index
      %swap3A_1108 = arith.constant 64 : index
      %swap3A_1109 = tpu.vector_load %arg7[%swap3A_1104, %swap3A_1105, %swap3A_1106, %swap3A_1107, %swap3A_1108] {strides = array<i32>} : memref<2x4x4x8x128xf32, #tpu.memory_space<vmem>>, vector<16xf32>,
      tpu.vector_store %arg7[%swap3A_1104, %swap3A_1105, %swap3A_1106, %swap3A_1107, %swap3A_1108], %gather3A_1101 {strides = array<i32>} : memref<2x4x4x8x128xf32, #tpu.memory_space<vmem>>, vector<16xf32>,
      %add3A_1110 = arith.constant 464 : i32
      %add3A_1111 = vector.broadcast %add3A_1110 : i32 to vector<16xi32>
      %add3A_1112 = arith.addi %add3A_1111, %iota3A : vector<16xi32>
      %gather3A_1113 = arith.constant 0 : i32
      %gather3A_1114 = arith.constant 0 : i32
      %gather3A_1115 = tpu.memref_slice %arg6[%scan3A_186, %gather3A_1113, %gather3A_1114] : memref<2x512x32xf32, #tpu.memory_space<vmem>> -> memref<1x512x32xf32, #tpu.memory_space<vmem>>
      %gather3A_1116 = tpu.memref_squeeze %gather3A_1115 : memref<1x512x32xf32, #tpu.memory_space<vmem>> -> memref<512x32xf32, #tpu.memory_space<vmem>>
      %gather3A_1117 = tpu.vector_load_idx %gather3A_1116[%add3A_1112, %broadcast_in_dim3A] : memref<512x32xf32, #tpu.memory_space<vmem>>[vector<16xi32>, vector<16xi32>], vector<16xf32>,
      %swap3A_1118 = arith.constant 0 : i32
      %swap3A_1119 = arith.constant 3 : i32
      %swap3A_1120 = arith.index_cast %swap3A_1118 : i32 to index
      %swap3A_1121 = arith.index_cast %shift_right_logical3A_645 : i32 to index
      %swap3A_1122 = arith.index_cast %swap3A_1119 : i32 to index
      %swap3A_1123 = arith.index_cast %rem3A_647 : i32 to index
      %swap3A_1124 = arith.constant 80 : index
      %swap3A_1125 = tpu.vector_load %arg7[%swap3A_1120, %swap3A_1121, %swap3A_1122, %swap3A_1123, %swap3A_1124] {strides = array<i32>} : memref<2x4x4x8x128xf32, #tpu.memory_space<vmem>>, vector<16xf32>,
      tpu.vector_store %arg7[%swap3A_1120, %swap3A_1121, %swap3A_1122, %swap3A_1123, %swap3A_1124], %gather3A_1117 {strides = array<i32>} : memref<2x4x4x8x128xf32, #tpu.memory_space<vmem>>, vector<16xf32>,
      %add3A_1126 = arith.constant 480 : i32
      %add3A_1127 = vector.broadcast %add3A_1126 : i32 to vector<16xi32>
      %add3A_1128 = arith.addi %add3A_1127, %iota3A : vector<16xi32>
      %gather3A_1129 = arith.constant 0 : i32
      %gather3A_1130 = arith.constant 0 : i32
      %gather3A_1131 = tpu.memref_slice %arg6[%scan3A_186, %gather3A_1129, %gather3A_1130] : memref<2x512x32xf32, #tpu.memory_space<vmem>> -> memref<1x512x32xf32, #tpu.memory_space<vmem>>
      %gather3A_1132 = tpu.memref_squeeze %gather3A_1131 : memref<1x512x32xf32, #tpu.memory_space<vmem>> -> memref<512x32xf32, #tpu.memory_space<vmem>>
      %gather3A_1133 = tpu.vector_load_idx %gather3A_1132[%add3A_1128, %broadcast_in_dim3A] : memref<512x32xf32, #tpu.memory_space<vmem>>[vector<16xi32>, vector<16xi32>], vector<16xf32>,
      %swap3A_1134 = arith.constant 0 : i32
      %swap3A_1135 = arith.constant 3 : i32
      %swap3A_1136 = arith.index_cast %swap3A_1134 : i32 to index
      %swap3A_1137 = arith.index_cast %shift_right_logical3A_645 : i32 to index
      %swap3A_1138 = arith.index_cast %swap3A_1135 : i32 to index
      %swap3A_1139 = arith.index_cast %rem3A_647 : i32 to index
      %swap3A_1140 = arith.constant 96 : index
      %swap3A_1141 = tpu.vector_load %arg7[%swap3A_1136, %swap3A_1137, %swap3A_1138, %swap3A_1139, %swap3A_1140] {strides = array<i32>} : memref<2x4x4x8x128xf32, #tpu.memory_space<vmem>>, vector<16xf32>,
      tpu.vector_store %arg7[%swap3A_1136, %swap3A_1137, %swap3A_1138, %swap3A_1139, %swap3A_1140], %gather3A_1133 {strides = array<i32>} : memref<2x4x4x8x128xf32, #tpu.memory_space<vmem>>, vector<16xf32>,
      %add3A_1142 = arith.constant 496 : i32
      %add3A_1143 = vector.broadcast %add3A_1142 : i32 to vector<16xi32>
      %add3A_1144 = arith.addi %add3A_1143, %iota3A : vector<16xi32>
      %gather3A_1145 = arith.constant 0 : i32
      %gather3A_1146 = arith.constant 0 : i32
      %gather3A_1147 = tpu.memref_slice %arg6[%scan3A_186, %gather3A_1145, %gather3A_1146] : memref<2x512x32xf32, #tpu.memory_space<vmem>> -> memref<1x512x32xf32, #tpu.memory_space<vmem>>
      %gather3A_1148 = tpu.memref_squeeze %gather3A_1147 : memref<1x512x32xf32, #tpu.memory_space<vmem>> -> memref<512x32xf32, #tpu.memory_space<vmem>>
      %gather3A_1149 = tpu.vector_load_idx %gather3A_1148[%add3A_1144, %broadcast_in_dim3A] : memref<512x32xf32, #tpu.memory_space<vmem>>[vector<16xi32>, vector<16xi32>], vector<16xf32>,
      %swap3A_1150 = arith.constant 0 : i32
      %swap3A_1151 = arith.constant 3 : i32
      %swap3A_1152 = arith.index_cast %swap3A_1150 : i32 to index
      %swap3A_1153 = arith.index_cast %shift_right_logical3A_645 : i32 to index
      %swap3A_1154 = arith.index_cast %swap3A_1151 : i32 to index
      %swap3A_1155 = arith.index_cast %rem3A_647 : i32 to index
      %swap3A_1156 = arith.constant 112 : index
      %swap3A_1157 = tpu.vector_load %arg7[%swap3A_1152, %swap3A_1153, %swap3A_1154, %swap3A_1155, %swap3A_1156] {strides = array<i32>} : memref<2x4x4x8x128xf32, #tpu.memory_space<vmem>>, vector<16xf32>,
      tpu.vector_store %arg7[%swap3A_1152, %swap3A_1153, %swap3A_1154, %swap3A_1155, %swap3A_1156], %gather3A_1149 {strides = array<i32>} : memref<2x4x4x8x128xf32, #tpu.memory_space<vmem>>, vector<16xf32>,
    }
    %scan3A_191 = arith.constant 32 : i32
    %mul3A_192 = arith.constant 4 : i32
    %mul3A_193 = arith.muli %add3A, %mul3A_192 : i32
    %mul3A_194 = arith.constant 4 : i32
    %mul3A_195 = arith.muli %add3A, %mul3A_194 : i32
    %mul3A_196 = arith.constant 4 : i32
    %mul3A_197 = arith.muli %add3A, %mul3A_196 : i32
    %mul3A_198 = arith.constant 4 : i32
    %mul3A_199 = arith.muli %add3A, %mul3A_198 : i32
    %dma_start3A_200 = arith.constant 0 : i32
    %dma_start3A_201 = arith.constant 0 : i32
    %dma_start3A_202 = arith.constant 0 : i32
    %dma_start3A_203 = arith.constant 0 : i32
    %dma_start3A_204 = arith.constant 0 : i32
    %dma_start3A_205 = arith.constant 0 : i32
    %dma_start3A_206 = arith.constant 0 : i32
    %dma_start3A_207 = tpu.memref_slice %arg7[%dma_start3A_200, %dma_start3A_201, %dma_start3A_204, %dma_start3A_205, %dma_start3A_206] : memref<2x4x4x8x128xf32, #tpu.memory_space<vmem>> -> memref<1x1x4x8x128xf32, #tpu.memory_space<vmem>>
    %dma_start3A_208 = tpu.memref_squeeze %dma_start3A_207 : memref<1x1x4x8x128xf32, #tpu.memory_space<vmem>> -> memref<4x8x128xf32, #tpu.memory_space<vmem>>
    %dma_start3A_209 = arith.constant 0 : i32
    %dma_start3A_210 = arith.constant 0 : i32
    %dma_start3A_211 = tpu.memref_slice %arg4[%dma_start3A_202, %dma_start3A_203, %mul3A_193, %dma_start3A_209, %dma_start3A_210] : memref<50x4x128x8x128xf32, #tpu.memory_space<hbm>> -> memref<1x1x4x8x128xf32, #tpu.memory_space<hbm>>
    %dma_start3A_212 = tpu.memref_squeeze %dma_start3A_211 : memref<1x1x4x8x128xf32, #tpu.memory_space<hbm>> -> memref<4x8x128xf32, #tpu.memory_space<hbm>>
    %dma_start3A_213 = arith.constant 0 : i32
    %dma_start3A_214 = arith.constant 0 : i32
    %dma_start3A_215 = tpu.memref_slice %arg4[%dma_start3A_202, %dma_start3A_203, %mul3A_193, %dma_start3A_213, %dma_start3A_214] : memref<50x4x128x8x128xf32, #tpu.memory_space<hbm>> -> memref<1x1x4x8x128xf32, #tpu.memory_space<hbm>>
    %dma_start3A_216 = tpu.memref_squeeze %dma_start3A_215 : memref<1x1x4x8x128xf32, #tpu.memory_space<hbm>> -> memref<4x8x128xf32, #tpu.memory_space<hbm>>
    %dma_start3A_217 = arith.constant 0 : i32
    %dma_start3A_218 = arith.constant 0 : i32
    %dma_start3A_219 = arith.constant 0 : i32
    %dma_start3A_220 = tpu.memref_slice %arg7[%dma_start3A_200, %dma_start3A_201, %dma_start3A_217, %dma_start3A_218, %dma_start3A_219] : memref<2x4x4x8x128xf32, #tpu.memory_space<vmem>> -> memref<1x1x4x8x128xf32, #tpu.memory_space<vmem>>
    %dma_start3A_221 = tpu.memref_squeeze %dma_start3A_220 : memref<1x1x4x8x128xf32, #tpu.memory_space<vmem>> -> memref<4x8x128xf32, #tpu.memory_space<vmem>>
    tpu.enqueue_dma source(%dma_start3A_221 : memref<4x8x128xf32, #tpu.memory_space<vmem>>) target(%dma_start3A_216 : memref<4x8x128xf32, #tpu.memory_space<hbm>>) target_semaphore(%arg9 : memref<!tpu.dma_semaphore, #tpu.memory_space<semaphore_mem>>)
    %dma_start3A_222 = arith.constant 0 : i32
    %dma_start3A_223 = arith.constant 1 : i32
    %dma_start3A_224 = arith.constant 0 : i32
    %dma_start3A_225 = arith.constant 1 : i32
    %dma_start3A_226 = arith.constant 0 : i32
    %dma_start3A_227 = arith.constant 0 : i32
    %dma_start3A_228 = arith.constant 0 : i32
    %dma_start3A_229 = tpu.memref_slice %arg7[%dma_start3A_222, %dma_start3A_223, %dma_start3A_226, %dma_start3A_227, %dma_start3A_228] : memref<2x4x4x8x128xf32, #tpu.memory_space<vmem>> -> memref<1x1x4x8x128xf32, #tpu.memory_space<vmem>>
    %dma_start3A_230 = tpu.memref_squeeze %dma_start3A_229 : memref<1x1x4x8x128xf32, #tpu.memory_space<vmem>> -> memref<4x8x128xf32, #tpu.memory_space<vmem>>
    %dma_start3A_231 = arith.constant 0 : i32
    %dma_start3A_232 = arith.constant 0 : i32
    %dma_start3A_233 = tpu.memref_slice %arg4[%dma_start3A_224, %dma_start3A_225, %mul3A_195, %dma_start3A_231, %dma_start3A_232] : memref<50x4x128x8x128xf32, #tpu.memory_space<hbm>> -> memref<1x1x4x8x128xf32, #tpu.memory_space<hbm>>
    %dma_start3A_234 = tpu.memref_squeeze %dma_start3A_233 : memref<1x1x4x8x128xf32, #tpu.memory_space<hbm>> -> memref<4x8x128xf32, #tpu.memory_space<hbm>>
    %dma_start3A_235 = arith.constant 0 : i32
    %dma_start3A_236 = arith.constant 0 : i32
    %dma_start3A_237 = tpu.memref_slice %arg4[%dma_start3A_224, %dma_start3A_225, %mul3A_195, %dma_start3A_235, %dma_start3A_236] : memref<50x4x128x8x128xf32, #tpu.memory_space<hbm>> -> memref<1x1x4x8x128xf32, #tpu.memory_space<hbm>>
    %dma_start3A_238 = tpu.memref_squeeze %dma_start3A_237 : memref<1x1x4x8x128xf32, #tpu.memory_space<hbm>> -> memref<4x8x128xf32, #tpu.memory_space<hbm>>
    %dma_start3A_239 = arith.constant 0 : i32
    %dma_start3A_240 = arith.constant 0 : i32
    %dma_start3A_241 = arith.constant 0 : i32
    %dma_start3A_242 = tpu.memref_slice %arg7[%dma_start3A_222, %dma_start3A_223, %dma_start3A_239, %dma_start3A_240, %dma_start3A_241] : memref<2x4x4x8x128xf32, #tpu.memory_space<vmem>> -> memref<1x1x4x8x128xf32, #tpu.memory_space<vmem>>
    %dma_start3A_243 = tpu.memref_squeeze %dma_start3A_242 : memref<1x1x4x8x128xf32, #tpu.memory_space<vmem>> -> memref<4x8x128xf32, #tpu.memory_space<vmem>>
    tpu.enqueue_dma source(%dma_start3A_243 : memref<4x8x128xf32, #tpu.memory_space<vmem>>) target(%dma_start3A_238 : memref<4x8x128xf32, #tpu.memory_space<hbm>>) target_semaphore(%arg9 : memref<!tpu.dma_semaphore, #tpu.memory_space<semaphore_mem>>)
    %dma_start3A_244 = arith.constant 0 : i32
    %dma_start3A_245 = arith.constant 2 : i32
    %dma_start3A_246 = arith.constant 0 : i32
    %dma_start3A_247 = arith.constant 2 : i32
    %dma_start3A_248 = arith.constant 0 : i32
    %dma_start3A_249 = arith.constant 0 : i32
    %dma_start3A_250 = arith.constant 0 : i32
    %dma_start3A_251 = tpu.memref_slice %arg7[%dma_start3A_244, %dma_start3A_245, %dma_start3A_248, %dma_start3A_249, %dma_start3A_250] : memref<2x4x4x8x128xf32, #tpu.memory_space<vmem>> -> memref<1x1x4x8x128xf32, #tpu.memory_space<vmem>>
    %dma_start3A_252 = tpu.memref_squeeze %dma_start3A_251 : memref<1x1x4x8x128xf32, #tpu.memory_space<vmem>> -> memref<4x8x128xf32, #tpu.memory_space<vmem>>
    %dma_start3A_253 = arith.constant 0 : i32
    %dma_start3A_254 = arith.constant 0 : i32
    %dma_start3A_255 = tpu.memref_slice %arg4[%dma_start3A_246, %dma_start3A_247, %mul3A_197, %dma_start3A_253, %dma_start3A_254] : memref<50x4x128x8x128xf32, #tpu.memory_space<hbm>> -> memref<1x1x4x8x128xf32, #tpu.memory_space<hbm>>
    %dma_start3A_256 = tpu.memref_squeeze %dma_start3A_255 : memref<1x1x4x8x128xf32, #tpu.memory_space<hbm>> -> memref<4x8x128xf32, #tpu.memory_space<hbm>>
    %dma_start3A_257 = arith.constant 0 : i32
    %dma_start3A_258 = arith.constant 0 : i32
    %dma_start3A_259 = tpu.memref_slice %arg4[%dma_start3A_246, %dma_start3A_247, %mul3A_197, %dma_start3A_257, %dma_start3A_258] : memref<50x4x128x8x128xf32, #tpu.memory_space<hbm>> -> memref<1x1x4x8x128xf32, #tpu.memory_space<hbm>>
    %dma_start3A_260 = tpu.memref_squeeze %dma_start3A_259 : memref<1x1x4x8x128xf32, #tpu.memory_space<hbm>> -> memref<4x8x128xf32, #tpu.memory_space<hbm>>
    %dma_start3A_261 = arith.constant 0 : i32
    %dma_start3A_262 = arith.constant 0 : i32
    %dma_start3A_263 = arith.constant 0 : i32
    %dma_start3A_264 = tpu.memref_slice %arg7[%dma_start3A_244, %dma_start3A_245, %dma_start3A_261, %dma_start3A_262, %dma_start3A_263] : memref<2x4x4x8x128xf32, #tpu.memory_space<vmem>> -> memref<1x1x4x8x128xf32, #tpu.memory_space<vmem>>
    %dma_start3A_265 = tpu.memref_squeeze %dma_start3A_264 : memref<1x1x4x8x128xf32, #tpu.memory_space<vmem>> -> memref<4x8x128xf32, #tpu.memory_space<vmem>>
    tpu.enqueue_dma source(%dma_start3A_265 : memref<4x8x128xf32, #tpu.memory_space<vmem>>) target(%dma_start3A_260 : memref<4x8x128xf32, #tpu.memory_space<hbm>>) target_semaphore(%arg9 : memref<!tpu.dma_semaphore, #tpu.memory_space<semaphore_mem>>)
    %dma_start3A_266 = arith.constant 0 : i32
    %dma_start3A_267 = arith.constant 3 : i32
    %dma_start3A_268 = arith.constant 0 : i32
    %dma_start3A_269 = arith.constant 3 : i32
    %dma_start3A_270 = arith.constant 0 : i32
    %dma_start3A_271 = arith.constant 0 : i32
    %dma_start3A_272 = arith.constant 0 : i32
    %dma_start3A_273 = tpu.memref_slice %arg7[%dma_start3A_266, %dma_start3A_267, %dma_start3A_270, %dma_start3A_271, %dma_start3A_272] : memref<2x4x4x8x128xf32, #tpu.memory_space<vmem>> -> memref<1x1x4x8x128xf32, #tpu.memory_space<vmem>>
    %dma_start3A_274 = tpu.memref_squeeze %dma_start3A_273 : memref<1x1x4x8x128xf32, #tpu.memory_space<vmem>> -> memref<4x8x128xf32, #tpu.memory_space<vmem>>
    %dma_start3A_275 = arith.constant 0 : i32
    %dma_start3A_276 = arith.constant 0 : i32
    %dma_start3A_277 = tpu.memref_slice %arg4[%dma_start3A_268, %dma_start3A_269, %mul3A_199, %dma_start3A_275, %dma_start3A_276] : memref<50x4x128x8x128xf32, #tpu.memory_space<hbm>> -> memref<1x1x4x8x128xf32, #tpu.memory_space<hbm>>
    %dma_start3A_278 = tpu.memref_squeeze %dma_start3A_277 : memref<1x1x4x8x128xf32, #tpu.memory_space<hbm>> -> memref<4x8x128xf32, #tpu.memory_space<hbm>>
    %dma_start3A_279 = arith.constant 0 : i32
    %dma_start3A_280 = arith.constant 0 : i32
    %dma_start3A_281 = tpu.memref_slice %arg4[%dma_start3A_268, %dma_start3A_269, %mul3A_199, %dma_start3A_279, %dma_start3A_280] : memref<50x4x128x8x128xf32, #tpu.memory_space<hbm>> -> memref<1x1x4x8x128xf32, #tpu.memory_space<hbm>>
    %dma_start3A_282 = tpu.memref_squeeze %dma_start3A_281 : memref<1x1x4x8x128xf32, #tpu.memory_space<hbm>> -> memref<4x8x128xf32, #tpu.memory_space<hbm>>
    %dma_start3A_283 = arith.constant 0 : i32
    %dma_start3A_284 = arith.constant 0 : i32
    %dma_start3A_285 = arith.constant 0 : i32
    %dma_start3A_286 = tpu.memref_slice %arg7[%dma_start3A_266, %dma_start3A_267, %dma_start3A_283, %dma_start3A_284, %dma_start3A_285] : memref<2x4x4x8x128xf32, #tpu.memory_space<vmem>> -> memref<1x1x4x8x128xf32, #tpu.memory_space<vmem>>
    %dma_start3A_287 = tpu.memref_squeeze %dma_start3A_286 : memref<1x1x4x8x128xf32, #tpu.memory_space<vmem>> -> memref<4x8x128xf32, #tpu.memory_space<vmem>>
    tpu.enqueue_dma source(%dma_start3A_287 : memref<4x8x128xf32, #tpu.memory_space<vmem>>) target(%dma_start3A_282 : memref<4x8x128xf32, #tpu.memory_space<hbm>>) target_semaphore(%arg9 : memref<!tpu.dma_semaphore, #tpu.memory_space<semaphore_mem>>)
    %scan3A_288 = arith.constant 0 : i32
    %scan3A_289 = arith.constant 1 : i32
    %scan3A_290 = arith.constant 48 : i32
    %scan3A_291 = arith.addi %scan3A_289, %scan3A_290 : i32
    %scan3A_292 = arith.constant 1 : i32
    scf.for %scan3A_643 = %scan3A_289 to %scan3A_291 step %scan3A_292  : i32 {
      %jit3A = arith.constant 2 : i32
      %eq3A = arith.constant 0 : i32
      %eq3A_644 = arith.cmpi eq, %jit3A, %eq3A : i32
      %jit3A_645 = arith.constant 1 : i32
      %select_n3A = arith.select %eq3A_644, %jit3A_645, %jit3A : i32
      %rem3A_646 = arith.remsi %scan3A_643, %select_n3A : i32
      %ne3A = arith.constant 0 : i32
      %ne3A_647 = arith.cmpi ne, %rem3A_646, %ne3A : i32
      %lt3A = arith.constant 0 : i32
      %lt3A_648 = arith.cmpi slt, %rem3A_646, %lt3A : i32
      %lt3A_649 = arith.constant 0 : i32
      %lt3A_650 = arith.cmpi slt, %select_n3A, %lt3A_649 : i32
      %ne3A_651 = arith.xori %lt3A_648, %lt3A_650 : i1
      %and3A = arith.andi %ne3A_651, %ne3A_647 : i1
      %add3A_652 = arith.addi %rem3A_646, %select_n3A : i32
      %select_n3A_653 = arith.select %and3A, %add3A_652, %rem3A_646 : i32
      %shift_right_logical3A_654 = arith.constant 3 : i32
      %shift_right_logical3A_655 = arith.shrui %scan3A_643, %shift_right_logical3A_654 : i32
      %rem3A_656 = arith.constant 8 : i32
      %rem3A_657 = arith.remsi %scan3A_643, %rem3A_656 : i32
      %dma_wait3A_658 = arith.constant 0 : i32
      %dma_wait3A_659 = arith.constant 0 : i32
      %dma_wait3A_660 = arith.constant 0 : i32
      %dma_wait3A_661 = tpu.memref_slice %arg6[%select_n3A_653, %dma_wait3A_659, %dma_wait3A_660] : memref<2x512x32xf32, #tpu.memory_space<vmem>> -> memref<1x128x32xf32, #tpu.memory_space<vmem>>
      %dma_wait3A_662 = tpu.memref_squeeze %dma_wait3A_661 : memref<1x128x32xf32, #tpu.memory_space<vmem>> -> memref<128x32xf32, #tpu.memory_space<vmem>>
      %dma_wait3A_663 = arith.constant 0 : i32
      %dma_wait3A_664 = tpu.memref_slice %arg5[%shift_right_logical3A_655, %dma_wait3A_658, %rem3A_657, %dma_wait3A_663] : memref<7x4x8x128xi32, #tpu.memory_space<vmem>> -> memref<1x1x1x128xi32, #tpu.memory_space<vmem>>
      %dma_wait3A_665 = tpu.memref_squeeze %dma_wait3A_664 : memref<1x1x1x128xi32, #tpu.memory_space<vmem>> -> memref<128xi32, #tpu.memory_space<vmem>>
      %dma_wait3A_666 = arith.constant 0 : i32
      %dma_wait3A_667 = arith.constant 0 : i32
      %dma_wait3A_668 = tpu.memref_slice %arg3[%dma_wait3A_666, %dma_wait3A_667] : memref<1000000x32xf32, #tpu.memory_space<hbm>> -> memref<1000000x32xf32, #tpu.memory_space<hbm>>
      tpu.wait_indirect_dma semaphore(%arg8 : memref<!tpu.dma_semaphore, #tpu.memory_space<semaphore_mem>>) src(%dma_wait3A_668 : memref<1000000x32xf32, #tpu.memory_space<hbm>>) dst(%dma_wait3A_662 : memref<128x32xf32, #tpu.memory_space<vmem>>)
      %dma_wait3A_669 = arith.constant 1 : i32
      %dma_wait3A_670 = arith.constant 128 : i32
      %dma_wait3A_671 = arith.constant 0 : i32
      %dma_wait3A_672 = tpu.memref_slice %arg6[%select_n3A_653, %dma_wait3A_670, %dma_wait3A_671] : memref<2x512x32xf32, #tpu.memory_space<vmem>> -> memref<1x128x32xf32, #tpu.memory_space<vmem>>
      %dma_wait3A_673 = tpu.memref_squeeze %dma_wait3A_672 : memref<1x128x32xf32, #tpu.memory_space<vmem>> -> memref<128x32xf32, #tpu.memory_space<vmem>>
      %dma_wait3A_674 = arith.constant 0 : i32
      %dma_wait3A_675 = tpu.memref_slice %arg5[%shift_right_logical3A_655, %dma_wait3A_669, %rem3A_657, %dma_wait3A_674] : memref<7x4x8x128xi32, #tpu.memory_space<vmem>> -> memref<1x1x1x128xi32, #tpu.memory_space<vmem>>
      %dma_wait3A_676 = tpu.memref_squeeze %dma_wait3A_675 : memref<1x1x1x128xi32, #tpu.memory_space<vmem>> -> memref<128xi32, #tpu.memory_space<vmem>>
      %dma_wait3A_677 = arith.constant 0 : i32
      %dma_wait3A_678 = arith.constant 0 : i32
      %dma_wait3A_679 = tpu.memref_slice %arg3[%dma_wait3A_677, %dma_wait3A_678] : memref<1000000x32xf32, #tpu.memory_space<hbm>> -> memref<1000000x32xf32, #tpu.memory_space<hbm>>
      tpu.wait_indirect_dma semaphore(%arg8 : memref<!tpu.dma_semaphore, #tpu.memory_space<semaphore_mem>>) src(%dma_wait3A_679 : memref<1000000x32xf32, #tpu.memory_space<hbm>>) dst(%dma_wait3A_673 : memref<128x32xf32, #tpu.memory_space<vmem>>)
      %dma_wait3A_680 = arith.constant 2 : i32
      %dma_wait3A_681 = arith.constant 256 : i32
      %dma_wait3A_682 = arith.constant 0 : i32
      %dma_wait3A_683 = tpu.memref_slice %arg6[%select_n3A_653, %dma_wait3A_681, %dma_wait3A_682] : memref<2x512x32xf32, #tpu.memory_space<vmem>> -> memref<1x128x32xf32, #tpu.memory_space<vmem>>
      %dma_wait3A_684 = tpu.memref_squeeze %dma_wait3A_683 : memref<1x128x32xf32, #tpu.memory_space<vmem>> -> memref<128x32xf32, #tpu.memory_space<vmem>>
      %dma_wait3A_685 = arith.constant 0 : i32
      %dma_wait3A_686 = tpu.memref_slice %arg5[%shift_right_logical3A_655, %dma_wait3A_680, %rem3A_657, %dma_wait3A_685] : memref<7x4x8x128xi32, #tpu.memory_space<vmem>> -> memref<1x1x1x128xi32, #tpu.memory_space<vmem>>
      %dma_wait3A_687 = tpu.memref_squeeze %dma_wait3A_686 : memref<1x1x1x128xi32, #tpu.memory_space<vmem>> -> memref<128xi32, #tpu.memory_space<vmem>>
      %dma_wait3A_688 = arith.constant 0 : i32
      %dma_wait3A_689 = arith.constant 0 : i32
      %dma_wait3A_690 = tpu.memref_slice %arg3[%dma_wait3A_688, %dma_wait3A_689] : memref<1000000x32xf32, #tpu.memory_space<hbm>> -> memref<1000000x32xf32, #tpu.memory_space<hbm>>
      tpu.wait_indirect_dma semaphore(%arg8 : memref<!tpu.dma_semaphore, #tpu.memory_space<semaphore_mem>>) src(%dma_wait3A_690 : memref<1000000x32xf32, #tpu.memory_space<hbm>>) dst(%dma_wait3A_684 : memref<128x32xf32, #tpu.memory_space<vmem>>)
      %dma_wait3A_691 = arith.constant 3 : i32
      %dma_wait3A_692 = arith.constant 384 : i32
      %dma_wait3A_693 = arith.constant 0 : i32
      %dma_wait3A_694 = tpu.memref_slice %arg6[%select_n3A_653, %dma_wait3A_692, %dma_wait3A_693] : memref<2x512x32xf32, #tpu.memory_space<vmem>> -> memref<1x128x32xf32, #tpu.memory_space<vmem>>
      %dma_wait3A_695 = tpu.memref_squeeze %dma_wait3A_694 : memref<1x128x32xf32, #tpu.memory_space<vmem>> -> memref<128x32xf32, #tpu.memory_space<vmem>>
      %dma_wait3A_696 = arith.constant 0 : i32
      %dma_wait3A_697 = tpu.memref_slice %arg5[%shift_right_logical3A_655, %dma_wait3A_691, %rem3A_657, %dma_wait3A_696] : memref<7x4x8x128xi32, #tpu.memory_space<vmem>> -> memref<1x1x1x128xi32, #tpu.memory_space<vmem>>
      %dma_wait3A_698 = tpu.memref_squeeze %dma_wait3A_697 : memref<1x1x1x128xi32, #tpu.memory_space<vmem>> -> memref<128xi32, #tpu.memory_space<vmem>>
      %dma_wait3A_699 = arith.constant 0 : i32
      %dma_wait3A_700 = arith.constant 0 : i32
      %dma_wait3A_701 = tpu.memref_slice %arg3[%dma_wait3A_699, %dma_wait3A_700] : memref<1000000x32xf32, #tpu.memory_space<hbm>> -> memref<1000000x32xf32, #tpu.memory_space<hbm>>
      tpu.wait_indirect_dma semaphore(%arg8 : memref<!tpu.dma_semaphore, #tpu.memory_space<semaphore_mem>>) src(%dma_wait3A_701 : memref<1000000x32xf32, #tpu.memory_space<hbm>>) dst(%dma_wait3A_695 : memref<128x32xf32, #tpu.memory_space<vmem>>)
      %add3A_702 = arith.constant 1 : i32
      %add3A_703 = arith.addi %scan3A_643, %add3A_702 : i32
      %sub3A = arith.constant 1 : i32
      %sub3A_704 = arith.subi %sub3A, %select_n3A_653 : i32
      %shift_right_logical3A_705 = arith.constant 3 : i32
      %shift_right_logical3A_706 = arith.shrui %add3A_703, %shift_right_logical3A_705 : i32
      %rem3A_707 = arith.constant 8 : i32
      %rem3A_708 = arith.remsi %add3A_703, %rem3A_707 : i32
      %dma_start3A_709 = arith.constant 0 : i32
      %dma_start3A_710 = arith.constant 0 : i32
      %dma_start3A_711 = arith.constant 0 : i32
      %dma_start3A_712 = tpu.memref_slice %arg6[%sub3A_704, %dma_start3A_710, %dma_start3A_711] : memref<2x512x32xf32, #tpu.memory_space<vmem>> -> memref<1x128x32xf32, #tpu.memory_space<vmem>>
      %dma_start3A_713 = tpu.memref_squeeze %dma_start3A_712 : memref<1x128x32xf32, #tpu.memory_space<vmem>> -> memref<128x32xf32, #tpu.memory_space<vmem>>
      %dma_start3A_714 = arith.constant 0 : i32
      %dma_start3A_715 = tpu.memref_slice %arg5[%shift_right_logical3A_706, %dma_start3A_709, %rem3A_708, %dma_start3A_714] : memref<7x4x8x128xi32, #tpu.memory_space<vmem>> -> memref<1x1x1x128xi32, #tpu.memory_space<vmem>>
      %dma_start3A_716 = tpu.memref_squeeze %dma_start3A_715 : memref<1x1x1x128xi32, #tpu.memory_space<vmem>> -> memref<128xi32, #tpu.memory_space<vmem>>
      %dma_start3A_717 = arith.constant 0 : i32
      %dma_start3A_718 = arith.constant 0 : i32
      %dma_start3A_719 = tpu.memref_slice %arg3[%dma_start3A_717, %dma_start3A_718] : memref<1000000x32xf32, #tpu.memory_space<hbm>> -> memref<1000000x32xf32, #tpu.memory_space<hbm>>
      tpu.enqueue_indirect_dma source(%dma_start3A_719 : memref<1000000x32xf32, #tpu.memory_space<hbm>>) target(%dma_start3A_713 : memref<128x32xf32, #tpu.memory_space<vmem>>) offsets(%dma_start3A_716 : memref<128xi32, #tpu.memory_space<vmem>>) semaphore(%arg8 : memref<!tpu.dma_semaphore, #tpu.memory_space<semaphore_mem>>)
      %dma_start3A_720 = arith.constant 1 : i32
      %dma_start3A_721 = arith.constant 128 : i32
      %dma_start3A_722 = arith.constant 0 : i32
      %dma_start3A_723 = tpu.memref_slice %arg6[%sub3A_704, %dma_start3A_721, %dma_start3A_722] : memref<2x512x32xf32, #tpu.memory_space<vmem>> -> memref<1x128x32xf32, #tpu.memory_space<vmem>>
      %dma_start3A_724 = tpu.memref_squeeze %dma_start3A_723 : memref<1x128x32xf32, #tpu.memory_space<vmem>> -> memref<128x32xf32, #tpu.memory_space<vmem>>
      %dma_start3A_725 = arith.constant 0 : i32
      %dma_start3A_726 = tpu.memref_slice %arg5[%shift_right_logical3A_706, %dma_start3A_720, %rem3A_708, %dma_start3A_725] : memref<7x4x8x128xi32, #tpu.memory_space<vmem>> -> memref<1x1x1x128xi32, #tpu.memory_space<vmem>>
      %dma_start3A_727 = tpu.memref_squeeze %dma_start3A_726 : memref<1x1x1x128xi32, #tpu.memory_space<vmem>> -> memref<128xi32, #tpu.memory_space<vmem>>
      %dma_start3A_728 = arith.constant 0 : i32
      %dma_start3A_729 = arith.constant 0 : i32
      %dma_start3A_730 = tpu.memref_slice %arg3[%dma_start3A_728, %dma_start3A_729] : memref<1000000x32xf32, #tpu.memory_space<hbm>> -> memref<1000000x32xf32, #tpu.memory_space<hbm>>
      tpu.enqueue_indirect_dma source(%dma_start3A_730 : memref<1000000x32xf32, #tpu.memory_space<hbm>>) target(%dma_start3A_724 : memref<128x32xf32, #tpu.memory_space<vmem>>) offsets(%dma_start3A_727 : memref<128xi32, #tpu.memory_space<vmem>>) semaphore(%arg8 : memref<!tpu.dma_semaphore, #tpu.memory_space<semaphore_mem>>)
      %dma_start3A_731 = arith.constant 2 : i32
      %dma_start3A_732 = arith.constant 256 : i32
      %dma_start3A_733 = arith.constant 0 : i32
      %dma_start3A_734 = tpu.memref_slice %arg6[%sub3A_704, %dma_start3A_732, %dma_start3A_733] : memref<2x512x32xf32, #tpu.memory_space<vmem>> -> memref<1x128x32xf32, #tpu.memory_space<vmem>>
      %dma_start3A_735 = tpu.memref_squeeze %dma_start3A_734 : memref<1x128x32xf32, #tpu.memory_space<vmem>> -> memref<128x32xf32, #tpu.memory_space<vmem>>
      %dma_start3A_736 = arith.constant 0 : i32
      %dma_start3A_737 = tpu.memref_slice %arg5[%shift_right_logical3A_706, %dma_start3A_731, %rem3A_708, %dma_start3A_736] : memref<7x4x8x128xi32, #tpu.memory_space<vmem>> -> memref<1x1x1x128xi32, #tpu.memory_space<vmem>>
      %dma_start3A_738 = tpu.memref_squeeze %dma_start3A_737 : memref<1x1x1x128xi32, #tpu.memory_space<vmem>> -> memref<128xi32, #tpu.memory_space<vmem>>
      %dma_start3A_739 = arith.constant 0 : i32
      %dma_start3A_740 = arith.constant 0 : i32
      %dma_start3A_741 = tpu.memref_slice %arg3[%dma_start3A_739, %dma_start3A_740] : memref<1000000x32xf32, #tpu.memory_space<hbm>> -> memref<1000000x32xf32, #tpu.memory_space<hbm>>
      tpu.enqueue_indirect_dma source(%dma_start3A_741 : memref<1000000x32xf32, #tpu.memory_space<hbm>>) target(%dma_start3A_735 : memref<128x32xf32, #tpu.memory_space<vmem>>) offsets(%dma_start3A_738 : memref<128xi32, #tpu.memory_space<vmem>>) semaphore(%arg8 : memref<!tpu.dma_semaphore, #tpu.memory_space<semaphore_mem>>)
      %dma_start3A_742 = arith.constant 3 : i32
      %dma_start3A_743 = arith.constant 384 : i32
      %dma_start3A_744 = arith.constant 0 : i32
      %dma_start3A_745 = tpu.memref_slice %arg6[%sub3A_704, %dma_start3A_743, %dma_start3A_744] : memref<2x512x32xf32, #tpu.memory_space<vmem>> -> memref<1x128x32xf32, #tpu.memory_space<vmem>>
      %dma_start3A_746 = tpu.memref_squeeze %dma_start3A_745 : memref<1x128x32xf32, #tpu.memory_space<vmem>> -> memref<128x32xf32, #tpu.memory_space<vmem>>
      %dma_start3A_747 = arith.constant 0 : i32
      %dma_start3A_748 = tpu.memref_slice %arg5[%shift_right_logical3A_706, %dma_start3A_742, %rem3A_708, %dma_start3A_747] : memref<7x4x8x128xi32, #tpu.memory_space<vmem>> -> memref<1x1x1x128xi32, #tpu.memory_space<vmem>>
      %dma_start3A_749 = tpu.memref_squeeze %dma_start3A_748 : memref<1x1x1x128xi32, #tpu.memory_space<vmem>> -> memref<128xi32, #tpu.memory_space<vmem>>
      %dma_start3A_750 = arith.constant 0 : i32
      %dma_start3A_751 = arith.constant 0 : i32
      %dma_start3A_752 = tpu.memref_slice %arg3[%dma_start3A_750, %dma_start3A_751] : memref<1000000x32xf32, #tpu.memory_space<hbm>> -> memref<1000000x32xf32, #tpu.memory_space<hbm>>
      tpu.enqueue_indirect_dma source(%dma_start3A_752 : memref<1000000x32xf32, #tpu.memory_space<hbm>>) target(%dma_start3A_746 : memref<128x32xf32, #tpu.memory_space<vmem>>) offsets(%dma_start3A_749 : memref<128xi32, #tpu.memory_space<vmem>>) semaphore(%arg8 : memref<!tpu.dma_semaphore, #tpu.memory_space<semaphore_mem>>)
      %sub3A_753 = arith.constant 1 : i32
      %sub3A_754 = arith.subi %scan3A_643, %sub3A_753 : i32
      %sub3A_755 = arith.constant 1 : i32
      %sub3A_756 = arith.subi %sub3A_755, %select_n3A_653 : i32
      %mul3A_757 = arith.constant 4 : i32
      %mul3A_758 = arith.muli %add3A, %mul3A_757 : i32
      %mul3A_759 = arith.constant 4 : i32
      %mul3A_760 = arith.muli %add3A, %mul3A_759 : i32
      %mul3A_761 = arith.constant 4 : i32
      %mul3A_762 = arith.muli %add3A, %mul3A_761 : i32
      %mul3A_763 = arith.constant 4 : i32
      %mul3A_764 = arith.muli %add3A, %mul3A_763 : i32
      %dma_wait3A_765 = arith.constant 0 : i32
      %dma_wait3A_766 = arith.constant 0 : i32
      %dma_wait3A_767 = arith.constant 0 : i32
      %dma_wait3A_768 = arith.constant 0 : i32
      %dma_wait3A_769 = arith.constant 0 : i32
      %dma_wait3A_770 = tpu.memref_slice %arg7[%sub3A_756, %dma_wait3A_765, %dma_wait3A_767, %dma_wait3A_768, %dma_wait3A_769] : memref<2x4x4x8x128xf32, #tpu.memory_space<vmem>> -> memref<1x1x4x8x128xf32, #tpu.memory_space<vmem>>
      %dma_wait3A_771 = tpu.memref_squeeze %dma_wait3A_770 : memref<1x1x4x8x128xf32, #tpu.memory_space<vmem>> -> memref<4x8x128xf32, #tpu.memory_space<vmem>>
      %dma_wait3A_772 = arith.constant 0 : i32
      %dma_wait3A_773 = arith.constant 0 : i32
      %dma_wait3A_774 = tpu.memref_slice %arg4[%sub3A_754, %dma_wait3A_766, %mul3A_758, %dma_wait3A_772, %dma_wait3A_773] : memref<50x4x128x8x128xf32, #tpu.memory_space<hbm>> -> memref<1x1x4x8x128xf32, #tpu.memory_space<hbm>>
      %dma_wait3A_775 = tpu.memref_squeeze %dma_wait3A_774 : memref<1x1x4x8x128xf32, #tpu.memory_space<hbm>> -> memref<4x8x128xf32, #tpu.memory_space<hbm>>
      %dma_wait3A_776 = arith.constant 0 : i32
      %dma_wait3A_777 = arith.constant 0 : i32
      %dma_wait3A_778 = tpu.memref_slice %arg4[%sub3A_754, %dma_wait3A_766, %mul3A_758, %dma_wait3A_776, %dma_wait3A_777] : memref<50x4x128x8x128xf32, #tpu.memory_space<hbm>> -> memref<1x1x4x8x128xf32, #tpu.memory_space<hbm>>
      %dma_wait3A_779 = tpu.memref_squeeze %dma_wait3A_778 : memref<1x1x4x8x128xf32, #tpu.memory_space<hbm>> -> memref<4x8x128xf32, #tpu.memory_space<hbm>>
      %dma_wait3A_780 = arith.constant 0 : i32
      %dma_wait3A_781 = arith.constant 0 : i32
      %dma_wait3A_782 = arith.constant 0 : i32
      %dma_wait3A_783 = tpu.memref_slice %arg7[%sub3A_756, %dma_wait3A_765, %dma_wait3A_780, %dma_wait3A_781, %dma_wait3A_782] : memref<2x4x4x8x128xf32, #tpu.memory_space<vmem>> -> memref<1x1x4x8x128xf32, #tpu.memory_space<vmem>>
      %dma_wait3A_784 = tpu.memref_squeeze %dma_wait3A_783 : memref<1x1x4x8x128xf32, #tpu.memory_space<vmem>> -> memref<4x8x128xf32, #tpu.memory_space<vmem>>
      tpu.wait_dma2 semaphore(%arg9 : memref<!tpu.dma_semaphore, #tpu.memory_space<semaphore_mem>>) src(%dma_wait3A_784 : memref<4x8x128xf32, #tpu.memory_space<vmem>>) dst(%dma_wait3A_779 : memref<4x8x128xf32, #tpu.memory_space<hbm>>)
      %dma_wait3A_785 = arith.constant 1 : i32
      %dma_wait3A_786 = arith.constant 1 : i32
      %dma_wait3A_787 = arith.constant 0 : i32
      %dma_wait3A_788 = arith.constant 0 : i32
      %dma_wait3A_789 = arith.constant 0 : i32
      %dma_wait3A_790 = tpu.memref_slice %arg7[%sub3A_756, %dma_wait3A_785, %dma_wait3A_787, %dma_wait3A_788, %dma_wait3A_789] : memref<2x4x4x8x128xf32, #tpu.memory_space<vmem>> -> memref<1x1x4x8x128xf32, #tpu.memory_space<vmem>>
      %dma_wait3A_791 = tpu.memref_squeeze %dma_wait3A_790 : memref<1x1x4x8x128xf32, #tpu.memory_space<vmem>> -> memref<4x8x128xf32, #tpu.memory_space<vmem>>
      %dma_wait3A_792 = arith.constant 0 : i32
      %dma_wait3A_793 = arith.constant 0 : i32
      %dma_wait3A_794 = tpu.memref_slice %arg4[%sub3A_754, %dma_wait3A_786, %mul3A_760, %dma_wait3A_792, %dma_wait3A_793] : memref<50x4x128x8x128xf32, #tpu.memory_space<hbm>> -> memref<1x1x4x8x128xf32, #tpu.memory_space<hbm>>
      %dma_wait3A_795 = tpu.memref_squeeze %dma_wait3A_794 : memref<1x1x4x8x128xf32, #tpu.memory_space<hbm>> -> memref<4x8x128xf32, #tpu.memory_space<hbm>>
      %dma_wait3A_796 = arith.constant 0 : i32
      %dma_wait3A_797 = arith.constant 0 : i32
      %dma_wait3A_798 = tpu.memref_slice %arg4[%sub3A_754, %dma_wait3A_786, %mul3A_760, %dma_wait3A_796, %dma_wait3A_797] : memref<50x4x128x8x128xf32, #tpu.memory_space<hbm>> -> memref<1x1x4x8x128xf32, #tpu.memory_space<hbm>>
      %dma_wait3A_799 = tpu.memref_squeeze %dma_wait3A_798 : memref<1x1x4x8x128xf32, #tpu.memory_space<hbm>> -> memref<4x8x128xf32, #tpu.memory_space<hbm>>
      %dma_wait3A_800 = arith.constant 0 : i32
      %dma_wait3A_801 = arith.constant 0 : i32
      %dma_wait3A_802 = arith.constant 0 : i32
      %dma_wait3A_803 = tpu.memref_slice %arg7[%sub3A_756, %dma_wait3A_785, %dma_wait3A_800, %dma_wait3A_801, %dma_wait3A_802] : memref<2x4x4x8x128xf32, #tpu.memory_space<vmem>> -> memref<1x1x4x8x128xf32, #tpu.memory_space<vmem>>
      %dma_wait3A_804 = tpu.memref_squeeze %dma_wait3A_803 : memref<1x1x4x8x128xf32, #tpu.memory_space<vmem>> -> memref<4x8x128xf32, #tpu.memory_space<vmem>>
      tpu.wait_dma2 semaphore(%arg9 : memref<!tpu.dma_semaphore, #tpu.memory_space<semaphore_mem>>) src(%dma_wait3A_804 : memref<4x8x128xf32, #tpu.memory_space<vmem>>) dst(%dma_wait3A_799 : memref<4x8x128xf32, #tpu.memory_space<hbm>>)
      %dma_wait3A_805 = arith.constant 2 : i32
      %dma_wait3A_806 = arith.constant 2 : i32
      %dma_wait3A_807 = arith.constant 0 : i32
      %dma_wait3A_808 = arith.constant 0 : i32
      %dma_wait3A_809 = arith.constant 0 : i32
      %dma_wait3A_810 = tpu.memref_slice %arg7[%sub3A_756, %dma_wait3A_805, %dma_wait3A_807, %dma_wait3A_808, %dma_wait3A_809] : memref<2x4x4x8x128xf32, #tpu.memory_space<vmem>> -> memref<1x1x4x8x128xf32, #tpu.memory_space<vmem>>
      %dma_wait3A_811 = tpu.memref_squeeze %dma_wait3A_810 : memref<1x1x4x8x128xf32, #tpu.memory_space<vmem>> -> memref<4x8x128xf32, #tpu.memory_space<vmem>>
      %dma_wait3A_812 = arith.constant 0 : i32
      %dma_wait3A_813 = arith.constant 0 : i32
      %dma_wait3A_814 = tpu.memref_slice %arg4[%sub3A_754, %dma_wait3A_806, %mul3A_762, %dma_wait3A_812, %dma_wait3A_813] : memref<50x4x128x8x128xf32, #tpu.memory_space<hbm>> -> memref<1x1x4x8x128xf32, #tpu.memory_space<hbm>>
      %dma_wait3A_815 = tpu.memref_squeeze %dma_wait3A_814 : memref<1x1x4x8x128xf32, #tpu.memory_space<hbm>> -> memref<4x8x128xf32, #tpu.memory_space<hbm>>
      %dma_wait3A_816 = arith.constant 0 : i32
      %dma_wait3A_817 = arith.constant 0 : i32
      %dma_wait3A_818 = tpu.memref_slice %arg4[%sub3A_754, %dma_wait3A_806, %mul3A_762, %dma_wait3A_816, %dma_wait3A_817] : memref<50x4x128x8x128xf32, #tpu.memory_space<hbm>> -> memref<1x1x4x8x128xf32, #tpu.memory_space<hbm>>
      %dma_wait3A_819 = tpu.memref_squeeze %dma_wait3A_818 : memref<1x1x4x8x128xf32, #tpu.memory_space<hbm>> -> memref<4x8x128xf32, #tpu.memory_space<hbm>>
      %dma_wait3A_820 = arith.constant 0 : i32
      %dma_wait3A_821 = arith.constant 0 : i32
      %dma_wait3A_822 = arith.constant 0 : i32
      %dma_wait3A_823 = tpu.memref_slice %arg7[%sub3A_756, %dma_wait3A_805, %dma_wait3A_820, %dma_wait3A_821, %dma_wait3A_822] : memref<2x4x4x8x128xf32, #tpu.memory_space<vmem>> -> memref<1x1x4x8x128xf32, #tpu.memory_space<vmem>>
      %dma_wait3A_824 = tpu.memref_squeeze %dma_wait3A_823 : memref<1x1x4x8x128xf32, #tpu.memory_space<vmem>> -> memref<4x8x128xf32, #tpu.memory_space<vmem>>
      tpu.wait_dma2 semaphore(%arg9 : memref<!tpu.dma_semaphore, #tpu.memory_space<semaphore_mem>>) src(%dma_wait3A_824 : memref<4x8x128xf32, #tpu.memory_space<vmem>>) dst(%dma_wait3A_819 : memref<4x8x128xf32, #tpu.memory_space<hbm>>)
      %dma_wait3A_825 = arith.constant 3 : i32
      %dma_wait3A_826 = arith.constant 3 : i32
      %dma_wait3A_827 = arith.constant 0 : i32
      %dma_wait3A_828 = arith.constant 0 : i32
      %dma_wait3A_829 = arith.constant 0 : i32
      %dma_wait3A_830 = tpu.memref_slice %arg7[%sub3A_756, %dma_wait3A_825, %dma_wait3A_827, %dma_wait3A_828, %dma_wait3A_829] : memref<2x4x4x8x128xf32, #tpu.memory_space<vmem>> -> memref<1x1x4x8x128xf32, #tpu.memory_space<vmem>>
      %dma_wait3A_831 = tpu.memref_squeeze %dma_wait3A_830 : memref<1x1x4x8x128xf32, #tpu.memory_space<vmem>> -> memref<4x8x128xf32, #tpu.memory_space<vmem>>
      %dma_wait3A_832 = arith.constant 0 : i32
      %dma_wait3A_833 = arith.constant 0 : i32
      %dma_wait3A_834 = tpu.memref_slice %arg4[%sub3A_754, %dma_wait3A_826, %mul3A_764, %dma_wait3A_832, %dma_wait3A_833] : memref<50x4x128x8x128xf32, #tpu.memory_space<hbm>> -> memref<1x1x4x8x128xf32, #tpu.memory_space<hbm>>
      %dma_wait3A_835 = tpu.memref_squeeze %dma_wait3A_834 : memref<1x1x4x8x128xf32, #tpu.memory_space<hbm>> -> memref<4x8x128xf32, #tpu.memory_space<hbm>>
      %dma_wait3A_836 = arith.constant 0 : i32
      %dma_wait3A_837 = arith.constant 0 : i32
      %dma_wait3A_838 = tpu.memref_slice %arg4[%sub3A_754, %dma_wait3A_826, %mul3A_764, %dma_wait3A_836, %dma_wait3A_837] : memref<50x4x128x8x128xf32, #tpu.memory_space<hbm>> -> memref<1x1x4x8x128xf32, #tpu.memory_space<hbm>>
      %dma_wait3A_839 = tpu.memref_squeeze %dma_wait3A_838 : memref<1x1x4x8x128xf32, #tpu.memory_space<hbm>> -> memref<4x8x128xf32, #tpu.memory_space<hbm>>
      %dma_wait3A_840 = arith.constant 0 : i32
      %dma_wait3A_841 = arith.constant 0 : i32
      %dma_wait3A_842 = arith.constant 0 : i32
      %dma_wait3A_843 = tpu.memref_slice %arg7[%sub3A_756, %dma_wait3A_825, %dma_wait3A_840, %dma_wait3A_841, %dma_wait3A_842] : memref<2x4x4x8x128xf32, #tpu.memory_space<vmem>> -> memref<1x1x4x8x128xf32, #tpu.memory_space<vmem>>
      %dma_wait3A_844 = tpu.memref_squeeze %dma_wait3A_843 : memref<1x1x4x8x128xf32, #tpu.memory_space<vmem>> -> memref<4x8x128xf32, #tpu.memory_space<vmem>>
      tpu.wait_dma2 semaphore(%arg9 : memref<!tpu.dma_semaphore, #tpu.memory_space<semaphore_mem>>) src(%dma_wait3A_844 : memref<4x8x128xf32, #tpu.memory_space<vmem>>) dst(%dma_wait3A_839 : memref<4x8x128xf32, #tpu.memory_space<hbm>>)
      %scan3A_845 = arith.constant 0 : i32
      %scan3A_846 = arith.constant 0 : i32
      %scan3A_847 = arith.constant 32 : i32
      %scan3A_848 = arith.addi %scan3A_846, %scan3A_847 : i32
      %scan3A_849 = arith.constant 1 : i32
      scf.for %scan3A_939 = %scan3A_846 to %scan3A_848 step %scan3A_849  : i32 {
        %shift_right_logical3A_940 = arith.constant 3 : i32
        %shift_right_logical3A_941 = arith.shrui %scan3A_939, %shift_right_logical3A_940 : i32
        %rem3A_942 = arith.constant 8 : i32
        %rem3A_943 = arith.remsi %scan3A_939, %rem3A_942 : i32
        %broadcast_in_dim3A = vector.broadcast %scan3A_939 : i32 to vector<16xi32>
        %add3A_944 = arith.constant 0 : i32
        %add3A_945 = vector.broadcast %add3A_944 : i32 to vector<16xi32>
        %add3A_946 = arith.addi %add3A_945, %iota3A : vector<16xi32>
        %gather3A = arith.constant 0 : i32
        %gather3A_947 = arith.constant 0 : i32
        %gather3A_948 = tpu.memref_slice %arg6[%select_n3A_653, %gather3A, %gather3A_947] : memref<2x512x32xf32, #tpu.memory_space<vmem>> -> memref<1x512x32xf32, #tpu.memory_space<vmem>>
        %gather3A_949 = tpu.memref_squeeze %gather3A_948 : memref<1x512x32xf32, #tpu.memory_space<vmem>> -> memref<512x32xf32, #tpu.memory_space<vmem>>
        %gather3A_950 = tpu.vector_load_idx %gather3A_949[%add3A_946, %broadcast_in_dim3A] : memref<512x32xf32, #tpu.memory_space<vmem>>[vector<16xi32>, vector<16xi32>], vector<16xf32>,
        %swap3A = arith.constant 0 : i32
        %swap3A_951 = arith.index_cast %select_n3A_653 : i32 to index
        %swap3A_952 = arith.index_cast %shift_right_logical3A_941 : i32 to index
        %swap3A_953 = arith.index_cast %swap3A : i32 to index
        %swap3A_954 = arith.index_cast %rem3A_943 : i32 to index
        %swap3A_955 = arith.constant 0 : index
        %swap3A_956 = tpu.vector_load %arg7[%swap3A_951, %swap3A_952, %swap3A_953, %swap3A_954, %swap3A_955] {strides = array<i32>} : memref<2x4x4x8x128xf32, #tpu.memory_space<vmem>>, vector<16xf32>,
        tpu.vector_store %arg7[%swap3A_951, %swap3A_952, %swap3A_953, %swap3A_954, %swap3A_955], %gather3A_950 {strides = array<i32>} : memref<2x4x4x8x128xf32, #tpu.memory_space<vmem>>, vector<16xf32>,
        %add3A_957 = arith.constant 16 : i32
        %add3A_958 = vector.broadcast %add3A_957 : i32 to vector<16xi32>
        %add3A_959 = arith.addi %add3A_958, %iota3A : vector<16xi32>
        %gather3A_960 = arith.constant 0 : i32
        %gather3A_961 = arith.constant 0 : i32
        %gather3A_962 = tpu.memref_slice %arg6[%select_n3A_653, %gather3A_960, %gather3A_961] : memref<2x512x32xf32, #tpu.memory_space<vmem>> -> memref<1x512x32xf32, #tpu.memory_space<vmem>>
        %gather3A_963 = tpu.memref_squeeze %gather3A_962 : memref<1x512x32xf32, #tpu.memory_space<vmem>> -> memref<512x32xf32, #tpu.memory_space<vmem>>
        %gather3A_964 = tpu.vector_load_idx %gather3A_963[%add3A_959, %broadcast_in_dim3A] : memref<512x32xf32, #tpu.memory_space<vmem>>[vector<16xi32>, vector<16xi32>], vector<16xf32>,
        %swap3A_965 = arith.constant 0 : i32
        %swap3A_966 = arith.index_cast %select_n3A_653 : i32 to index
        %swap3A_967 = arith.index_cast %shift_right_logical3A_941 : i32 to index
        %swap3A_968 = arith.index_cast %swap3A_965 : i32 to index
        %swap3A_969 = arith.index_cast %rem3A_943 : i32 to index
        %swap3A_970 = arith.constant 16 : index
        %swap3A_971 = tpu.vector_load %arg7[%swap3A_966, %swap3A_967, %swap3A_968, %swap3A_969, %swap3A_970] {strides = array<i32>} : memref<2x4x4x8x128xf32, #tpu.memory_space<vmem>>, vector<16xf32>,
        tpu.vector_store %arg7[%swap3A_966, %swap3A_967, %swap3A_968, %swap3A_969, %swap3A_970], %gather3A_964 {strides = array<i32>} : memref<2x4x4x8x128xf32, #tpu.memory_space<vmem>>, vector<16xf32>,
        %add3A_972 = arith.constant 32 : i32
        %add3A_973 = vector.broadcast %add3A_972 : i32 to vector<16xi32>
        %add3A_974 = arith.addi %add3A_973, %iota3A : vector<16xi32>
        %gather3A_975 = arith.constant 0 : i32
        %gather3A_976 = arith.constant 0 : i32
        %gather3A_977 = tpu.memref_slice %arg6[%select_n3A_653, %gather3A_975, %gather3A_976] : memref<2x512x32xf32, #tpu.memory_space<vmem>> -> memref<1x512x32xf32, #tpu.memory_space<vmem>>
        %gather3A_978 = tpu.memref_squeeze %gather3A_977 : memref<1x512x32xf32, #tpu.memory_space<vmem>> -> memref<512x32xf32, #tpu.memory_space<vmem>>
        %gather3A_979 = tpu.vector_load_idx %gather3A_978[%add3A_974, %broadcast_in_dim3A] : memref<512x32xf32, #tpu.memory_space<vmem>>[vector<16xi32>, vector<16xi32>], vector<16xf32>,
        %swap3A_980 = arith.constant 0 : i32
        %swap3A_981 = arith.index_cast %select_n3A_653 : i32 to index
        %swap3A_982 = arith.index_cast %shift_right_logical3A_941 : i32 to index
        %swap3A_983 = arith.index_cast %swap3A_980 : i32 to index
        %swap3A_984 = arith.index_cast %rem3A_943 : i32 to index
        %swap3A_985 = arith.constant 32 : index
        %swap3A_986 = tpu.vector_load %arg7[%swap3A_981, %swap3A_982, %swap3A_983, %swap3A_984, %swap3A_985] {strides = array<i32>} : memref<2x4x4x8x128xf32, #tpu.memory_space<vmem>>, vector<16xf32>,
        tpu.vector_store %arg7[%swap3A_981, %swap3A_982, %swap3A_983, %swap3A_984, %swap3A_985], %gather3A_979 {strides = array<i32>} : memref<2x4x4x8x128xf32, #tpu.memory_space<vmem>>, vector<16xf32>,
        %add3A_987 = arith.constant 48 : i32
        %add3A_988 = vector.broadcast %add3A_987 : i32 to vector<16xi32>
        %add3A_989 = arith.addi %add3A_988, %iota3A : vector<16xi32>
        %gather3A_990 = arith.constant 0 : i32
        %gather3A_991 = arith.constant 0 : i32
        %gather3A_992 = tpu.memref_slice %arg6[%select_n3A_653, %gather3A_990, %gather3A_991] : memref<2x512x32xf32, #tpu.memory_space<vmem>> -> memref<1x512x32xf32, #tpu.memory_space<vmem>>
        %gather3A_993 = tpu.memref_squeeze %gather3A_992 : memref<1x512x32xf32, #tpu.memory_space<vmem>> -> memref<512x32xf32, #tpu.memory_space<vmem>>
        %gather3A_994 = tpu.vector_load_idx %gather3A_993[%add3A_989, %broadcast_in_dim3A] : memref<512x32xf32, #tpu.memory_space<vmem>>[vector<16xi32>, vector<16xi32>], vector<16xf32>,
        %swap3A_995 = arith.constant 0 : i32
        %swap3A_996 = arith.index_cast %select_n3A_653 : i32 to index
        %swap3A_997 = arith.index_cast %shift_right_logical3A_941 : i32 to index
        %swap3A_998 = arith.index_cast %swap3A_995 : i32 to index
        %swap3A_999 = arith.index_cast %rem3A_943 : i32 to index
        %swap3A_1000 = arith.constant 48 : index
        %swap3A_1001 = tpu.vector_load %arg7[%swap3A_996, %swap3A_997, %swap3A_998, %swap3A_999, %swap3A_1000] {strides = array<i32>} : memref<2x4x4x8x128xf32, #tpu.memory_space<vmem>>, vector<16xf32>,
        tpu.vector_store %arg7[%swap3A_996, %swap3A_997, %swap3A_998, %swap3A_999, %swap3A_1000], %gather3A_994 {strides = array<i32>} : memref<2x4x4x8x128xf32, #tpu.memory_space<vmem>>, vector<16xf32>,
        %add3A_1002 = arith.constant 64 : i32
        %add3A_1003 = vector.broadcast %add3A_1002 : i32 to vector<16xi32>
        %add3A_1004 = arith.addi %add3A_1003, %iota3A : vector<16xi32>
        %gather3A_1005 = arith.constant 0 : i32
        %gather3A_1006 = arith.constant 0 : i32
        %gather3A_1007 = tpu.memref_slice %arg6[%select_n3A_653, %gather3A_1005, %gather3A_1006] : memref<2x512x32xf32, #tpu.memory_space<vmem>> -> memref<1x512x32xf32, #tpu.memory_space<vmem>>
        %gather3A_1008 = tpu.memref_squeeze %gather3A_1007 : memref<1x512x32xf32, #tpu.memory_space<vmem>> -> memref<512x32xf32, #tpu.memory_space<vmem>>
        %gather3A_1009 = tpu.vector_load_idx %gather3A_1008[%add3A_1004, %broadcast_in_dim3A] : memref<512x32xf32, #tpu.memory_space<vmem>>[vector<16xi32>, vector<16xi32>], vector<16xf32>,
        %swap3A_1010 = arith.constant 0 : i32
        %swap3A_1011 = arith.index_cast %select_n3A_653 : i32 to index
        %swap3A_1012 = arith.index_cast %shift_right_logical3A_941 : i32 to index
        %swap3A_1013 = arith.index_cast %swap3A_1010 : i32 to index
        %swap3A_1014 = arith.index_cast %rem3A_943 : i32 to index
        %swap3A_1015 = arith.constant 64 : index
        %swap3A_1016 = tpu.vector_load %arg7[%swap3A_1011, %swap3A_1012, %swap3A_1013, %swap3A_1014, %swap3A_1015] {strides = array<i32>} : memref<2x4x4x8x128xf32, #tpu.memory_space<vmem>>, vector<16xf32>,
        tpu.vector_store %arg7[%swap3A_1011, %swap3A_1012, %swap3A_1013, %swap3A_1014, %swap3A_1015], %gather3A_1009 {strides = array<i32>} : memref<2x4x4x8x128xf32, #tpu.memory_space<vmem>>, vector<16xf32>,
        %add3A_1017 = arith.constant 80 : i32
        %add3A_1018 = vector.broadcast %add3A_1017 : i32 to vector<16xi32>
        %add3A_1019 = arith.addi %add3A_1018, %iota3A : vector<16xi32>
        %gather3A_1020 = arith.constant 0 : i32
        %gather3A_1021 = arith.constant 0 : i32
        %gather3A_1022 = tpu.memref_slice %arg6[%select_n3A_653, %gather3A_1020, %gather3A_1021] : memref<2x512x32xf32, #tpu.memory_space<vmem>> -> memref<1x512x32xf32, #tpu.memory_space<vmem>>
        %gather3A_1023 = tpu.memref_squeeze %gather3A_1022 : memref<1x512x32xf32, #tpu.memory_space<vmem>> -> memref<512x32xf32, #tpu.memory_space<vmem>>
        %gather3A_1024 = tpu.vector_load_idx %gather3A_1023[%add3A_1019, %broadcast_in_dim3A] : memref<512x32xf32, #tpu.memory_space<vmem>>[vector<16xi32>, vector<16xi32>], vector<16xf32>,
        %swap3A_1025 = arith.constant 0 : i32
        %swap3A_1026 = arith.index_cast %select_n3A_653 : i32 to index
        %swap3A_1027 = arith.index_cast %shift_right_logical3A_941 : i32 to index
        %swap3A_1028 = arith.index_cast %swap3A_1025 : i32 to index
        %swap3A_1029 = arith.index_cast %rem3A_943 : i32 to index
        %swap3A_1030 = arith.constant 80 : index
        %swap3A_1031 = tpu.vector_load %arg7[%swap3A_1026, %swap3A_1027, %swap3A_1028, %swap3A_1029, %swap3A_1030] {strides = array<i32>} : memref<2x4x4x8x128xf32, #tpu.memory_space<vmem>>, vector<16xf32>,
        tpu.vector_store %arg7[%swap3A_1026, %swap3A_1027, %swap3A_1028, %swap3A_1029, %swap3A_1030], %gather3A_1024 {strides = array<i32>} : memref<2x4x4x8x128xf32, #tpu.memory_space<vmem>>, vector<16xf32>,
        %add3A_1032 = arith.constant 96 : i32
        %add3A_1033 = vector.broadcast %add3A_1032 : i32 to vector<16xi32>
        %add3A_1034 = arith.addi %add3A_1033, %iota3A : vector<16xi32>
        %gather3A_1035 = arith.constant 0 : i32
        %gather3A_1036 = arith.constant 0 : i32
        %gather3A_1037 = tpu.memref_slice %arg6[%select_n3A_653, %gather3A_1035, %gather3A_1036] : memref<2x512x32xf32, #tpu.memory_space<vmem>> -> memref<1x512x32xf32, #tpu.memory_space<vmem>>
        %gather3A_1038 = tpu.memref_squeeze %gather3A_1037 : memref<1x512x32xf32, #tpu.memory_space<vmem>> -> memref<512x32xf32, #tpu.memory_space<vmem>>
        %gather3A_1039 = tpu.vector_load_idx %gather3A_1038[%add3A_1034, %broadcast_in_dim3A] : memref<512x32xf32, #tpu.memory_space<vmem>>[vector<16xi32>, vector<16xi32>], vector<16xf32>,
        %swap3A_1040 = arith.constant 0 : i32
        %swap3A_1041 = arith.index_cast %select_n3A_653 : i32 to index
        %swap3A_1042 = arith.index_cast %shift_right_logical3A_941 : i32 to index
        %swap3A_1043 = arith.index_cast %swap3A_1040 : i32 to index
        %swap3A_1044 = arith.index_cast %rem3A_943 : i32 to index
        %swap3A_1045 = arith.constant 96 : index
        %swap3A_1046 = tpu.vector_load %arg7[%swap3A_1041, %swap3A_1042, %swap3A_1043, %swap3A_1044, %swap3A_1045] {strides = array<i32>} : memref<2x4x4x8x128xf32, #tpu.memory_space<vmem>>, vector<16xf32>,
        tpu.vector_store %arg7[%swap3A_1041, %swap3A_1042, %swap3A_1043, %swap3A_1044, %swap3A_1045], %gather3A_1039 {strides = array<i32>} : memref<2x4x4x8x128xf32, #tpu.memory_space<vmem>>, vector<16xf32>,
        %add3A_1047 = arith.constant 112 : i32
        %add3A_1048 = vector.broadcast %add3A_1047 : i32 to vector<16xi32>
        %add3A_1049 = arith.addi %add3A_1048, %iota3A : vector<16xi32>
        %gather3A_1050 = arith.constant 0 : i32
        %gather3A_1051 = arith.constant 0 : i32
        %gather3A_1052 = tpu.memref_slice %arg6[%select_n3A_653, %gather3A_1050, %gather3A_1051] : memref<2x512x32xf32, #tpu.memory_space<vmem>> -> memref<1x512x32xf32, #tpu.memory_space<vmem>>
        %gather3A_1053 = tpu.memref_squeeze %gather3A_1052 : memref<1x512x32xf32, #tpu.memory_space<vmem>> -> memref<512x32xf32, #tpu.memory_space<vmem>>
        %gather3A_1054 = tpu.vector_load_idx %gather3A_1053[%add3A_1049, %broadcast_in_dim3A] : memref<512x32xf32, #tpu.memory_space<vmem>>[vector<16xi32>, vector<16xi32>], vector<16xf32>,
        %swap3A_1055 = arith.constant 0 : i32
        %swap3A_1056 = arith.index_cast %select_n3A_653 : i32 to index
        %swap3A_1057 = arith.index_cast %shift_right_logical3A_941 : i32 to index
        %swap3A_1058 = arith.index_cast %swap3A_1055 : i32 to index
        %swap3A_1059 = arith.index_cast %rem3A_943 : i32 to index
        %swap3A_1060 = arith.constant 112 : index
        %swap3A_1061 = tpu.vector_load %arg7[%swap3A_1056, %swap3A_1057, %swap3A_1058, %swap3A_1059, %swap3A_1060] {strides = array<i32>} : memref<2x4x4x8x128xf32, #tpu.memory_space<vmem>>, vector<16xf32>,
        tpu.vector_store %arg7[%swap3A_1056, %swap3A_1057, %swap3A_1058, %swap3A_1059, %swap3A_1060], %gather3A_1054 {strides = array<i32>} : memref<2x4x4x8x128xf32, #tpu.memory_space<vmem>>, vector<16xf32>,
        %add3A_1062 = arith.constant 128 : i32
        %add3A_1063 = vector.broadcast %add3A_1062 : i32 to vector<16xi32>
        %add3A_1064 = arith.addi %add3A_1063, %iota3A : vector<16xi32>
        %gather3A_1065 = arith.constant 0 : i32
        %gather3A_1066 = arith.constant 0 : i32
        %gather3A_1067 = tpu.memref_slice %arg6[%select_n3A_653, %gather3A_1065, %gather3A_1066] : memref<2x512x32xf32, #tpu.memory_space<vmem>> -> memref<1x512x32xf32, #tpu.memory_space<vmem>>
        %gather3A_1068 = tpu.memref_squeeze %gather3A_1067 : memref<1x512x32xf32, #tpu.memory_space<vmem>> -> memref<512x32xf32, #tpu.memory_space<vmem>>
        %gather3A_1069 = tpu.vector_load_idx %gather3A_1068[%add3A_1064, %broadcast_in_dim3A] : memref<512x32xf32, #tpu.memory_space<vmem>>[vector<16xi32>, vector<16xi32>], vector<16xf32>,
        %swap3A_1070 = arith.constant 1 : i32
        %swap3A_1071 = arith.index_cast %select_n3A_653 : i32 to index
        %swap3A_1072 = arith.index_cast %shift_right_logical3A_941 : i32 to index
        %swap3A_1073 = arith.index_cast %swap3A_1070 : i32 to index
        %swap3A_1074 = arith.index_cast %rem3A_943 : i32 to index
        %swap3A_1075 = arith.constant 0 : index
        %swap3A_1076 = tpu.vector_load %arg7[%swap3A_1071, %swap3A_1072, %swap3A_1073, %swap3A_1074, %swap3A_1075] {strides = array<i32>} : memref<2x4x4x8x128xf32, #tpu.memory_space<vmem>>, vector<16xf32>,
        tpu.vector_store %arg7[%swap3A_1071, %swap3A_1072, %swap3A_1073, %swap3A_1074, %swap3A_1075], %gather3A_1069 {strides = array<i32>} : memref<2x4x4x8x128xf32, #tpu.memory_space<vmem>>, vector<16xf32>,
        %add3A_1077 = arith.constant 144 : i32
        %add3A_1078 = vector.broadcast %add3A_1077 : i32 to vector<16xi32>
        %add3A_1079 = arith.addi %add3A_1078, %iota3A : vector<16xi32>
        %gather3A_1080 = arith.constant 0 : i32
        %gather3A_1081 = arith.constant 0 : i32
        %gather3A_1082 = tpu.memref_slice %arg6[%select_n3A_653, %gather3A_1080, %gather3A_1081] : memref<2x512x32xf32, #tpu.memory_space<vmem>> -> memref<1x512x32xf32, #tpu.memory_space<vmem>>
        %gather3A_1083 = tpu.memref_squeeze %gather3A_1082 : memref<1x512x32xf32, #tpu.memory_space<vmem>> -> memref<512x32xf32, #tpu.memory_space<vmem>>
        %gather3A_1084 = tpu.vector_load_idx %gather3A_1083[%add3A_1079, %broadcast_in_dim3A] : memref<512x32xf32, #tpu.memory_space<vmem>>[vector<16xi32>, vector<16xi32>], vector<16xf32>,
        %swap3A_1085 = arith.constant 1 : i32
        %swap3A_1086 = arith.index_cast %select_n3A_653 : i32 to index
        %swap3A_1087 = arith.index_cast %shift_right_logical3A_941 : i32 to index
        %swap3A_1088 = arith.index_cast %swap3A_1085 : i32 to index
        %swap3A_1089 = arith.index_cast %rem3A_943 : i32 to index
        %swap3A_1090 = arith.constant 16 : index
        %swap3A_1091 = tpu.vector_load %arg7[%swap3A_1086, %swap3A_1087, %swap3A_1088, %swap3A_1089, %swap3A_1090] {strides = array<i32>} : memref<2x4x4x8x128xf32, #tpu.memory_space<vmem>>, vector<16xf32>,
        tpu.vector_store %arg7[%swap3A_1086, %swap3A_1087, %swap3A_1088, %swap3A_1089, %swap3A_1090], %gather3A_1084 {strides = array<i32>} : memref<2x4x4x8x128xf32, #tpu.memory_space<vmem>>, vector<16xf32>,
        %add3A_1092 = arith.constant 160 : i32
        %add3A_1093 = vector.broadcast %add3A_1092 : i32 to vector<16xi32>
        %add3A_1094 = arith.addi %add3A_1093, %iota3A : vector<16xi32>
        %gather3A_1095 = arith.constant 0 : i32
        %gather3A_1096 = arith.constant 0 : i32
        %gather3A_1097 = tpu.memref_slice %arg6[%select_n3A_653, %gather3A_1095, %gather3A_1096] : memref<2x512x32xf32, #tpu.memory_space<vmem>> -> memref<1x512x32xf32, #tpu.memory_space<vmem>>
        %gather3A_1098 = tpu.memref_squeeze %gather3A_1097 : memref<1x512x32xf32, #tpu.memory_space<vmem>> -> memref<512x32xf32, #tpu.memory_space<vmem>>
        %gather3A_1099 = tpu.vector_load_idx %gather3A_1098[%add3A_1094, %broadcast_in_dim3A] : memref<512x32xf32, #tpu.memory_space<vmem>>[vector<16xi32>, vector<16xi32>], vector<16xf32>,
        %swap3A_1100 = arith.constant 1 : i32
        %swap3A_1101 = arith.index_cast %select_n3A_653 : i32 to index
        %swap3A_1102 = arith.index_cast %shift_right_logical3A_941 : i32 to index
        %swap3A_1103 = arith.index_cast %swap3A_1100 : i32 to index
        %swap3A_1104 = arith.index_cast %rem3A_943 : i32 to index
        %swap3A_1105 = arith.constant 32 : index
        %swap3A_1106 = tpu.vector_load %arg7[%swap3A_1101, %swap3A_1102, %swap3A_1103, %swap3A_1104, %swap3A_1105] {strides = array<i32>} : memref<2x4x4x8x128xf32, #tpu.memory_space<vmem>>, vector<16xf32>,
        tpu.vector_store %arg7[%swap3A_1101, %swap3A_1102, %swap3A_1103, %swap3A_1104, %swap3A_1105], %gather3A_1099 {strides = array<i32>} : memref<2x4x4x8x128xf32, #tpu.memory_space<vmem>>, vector<16xf32>,
        %add3A_1107 = arith.constant 176 : i32
        %add3A_1108 = vector.broadcast %add3A_1107 : i32 to vector<16xi32>
        %add3A_1109 = arith.addi %add3A_1108, %iota3A : vector<16xi32>
        %gather3A_1110 = arith.constant 0 : i32
        %gather3A_1111 = arith.constant 0 : i32
        %gather3A_1112 = tpu.memref_slice %arg6[%select_n3A_653, %gather3A_1110, %gather3A_1111] : memref<2x512x32xf32, #tpu.memory_space<vmem>> -> memref<1x512x32xf32, #tpu.memory_space<vmem>>
        %gather3A_1113 = tpu.memref_squeeze %gather3A_1112 : memref<1x512x32xf32, #tpu.memory_space<vmem>> -> memref<512x32xf32, #tpu.memory_space<vmem>>
        %gather3A_1114 = tpu.vector_load_idx %gather3A_1113[%add3A_1109, %broadcast_in_dim3A] : memref<512x32xf32, #tpu.memory_space<vmem>>[vector<16xi32>, vector<16xi32>], vector<16xf32>,
        %swap3A_1115 = arith.constant 1 : i32
        %swap3A_1116 = arith.index_cast %select_n3A_653 : i32 to index
        %swap3A_1117 = arith.index_cast %shift_right_logical3A_941 : i32 to index
        %swap3A_1118 = arith.index_cast %swap3A_1115 : i32 to index
        %swap3A_1119 = arith.index_cast %rem3A_943 : i32 to index
        %swap3A_1120 = arith.constant 48 : index
        %swap3A_1121 = tpu.vector_load %arg7[%swap3A_1116, %swap3A_1117, %swap3A_1118, %swap3A_1119, %swap3A_1120] {strides = array<i32>} : memref<2x4x4x8x128xf32, #tpu.memory_space<vmem>>, vector<16xf32>,
        tpu.vector_store %arg7[%swap3A_1116, %swap3A_1117, %swap3A_1118, %swap3A_1119, %swap3A_1120], %gather3A_1114 {strides = array<i32>} : memref<2x4x4x8x128xf32, #tpu.memory_space<vmem>>, vector<16xf32>,
        %add3A_1122 = arith.constant 192 : i32
        %add3A_1123 = vector.broadcast %add3A_1122 : i32 to vector<16xi32>
        %add3A_1124 = arith.addi %add3A_1123, %iota3A : vector<16xi32>
        %gather3A_1125 = arith.constant 0 : i32
        %gather3A_1126 = arith.constant 0 : i32
        %gather3A_1127 = tpu.memref_slice %arg6[%select_n3A_653, %gather3A_1125, %gather3A_1126] : memref<2x512x32xf32, #tpu.memory_space<vmem>> -> memref<1x512x32xf32, #tpu.memory_space<vmem>>
        %gather3A_1128 = tpu.memref_squeeze %gather3A_1127 : memref<1x512x32xf32, #tpu.memory_space<vmem>> -> memref<512x32xf32, #tpu.memory_space<vmem>>
        %gather3A_1129 = tpu.vector_load_idx %gather3A_1128[%add3A_1124, %broadcast_in_dim3A] : memref<512x32xf32, #tpu.memory_space<vmem>>[vector<16xi32>, vector<16xi32>], vector<16xf32>,
        %swap3A_1130 = arith.constant 1 : i32
        %swap3A_1131 = arith.index_cast %select_n3A_653 : i32 to index
        %swap3A_1132 = arith.index_cast %shift_right_logical3A_941 : i32 to index
        %swap3A_1133 = arith.index_cast %swap3A_1130 : i32 to index
        %swap3A_1134 = arith.index_cast %rem3A_943 : i32 to index
        %swap3A_1135 = arith.constant 64 : index
        %swap3A_1136 = tpu.vector_load %arg7[%swap3A_1131, %swap3A_1132, %swap3A_1133, %swap3A_1134, %swap3A_1135] {strides = array<i32>} : memref<2x4x4x8x128xf32, #tpu.memory_space<vmem>>, vector<16xf32>,
        tpu.vector_store %arg7[%swap3A_1131, %swap3A_1132, %swap3A_1133, %swap3A_1134, %swap3A_1135], %gather3A_1129 {strides = array<i32>} : memref<2x4x4x8x128xf32, #tpu.memory_space<vmem>>, vector<16xf32>,
        %add3A_1137 = arith.constant 208 : i32
        %add3A_1138 = vector.broadcast %add3A_1137 : i32 to vector<16xi32>
        %add3A_1139 = arith.addi %add3A_1138, %iota3A : vector<16xi32>
        %gather3A_1140 = arith.constant 0 : i32
        %gather3A_1141 = arith.constant 0 : i32
        %gather3A_1142 = tpu.memref_slice %arg6[%select_n3A_653, %gather3A_1140, %gather3A_1141] : memref<2x512x32xf32, #tpu.memory_space<vmem>> -> memref<1x512x32xf32, #tpu.memory_space<vmem>>
        %gather3A_1143 = tpu.memref_squeeze %gather3A_1142 : memref<1x512x32xf32, #tpu.memory_space<vmem>> -> memref<512x32xf32, #tpu.memory_space<vmem>>
        %gather3A_1144 = tpu.vector_load_idx %gather3A_1143[%add3A_1139, %broadcast_in_dim3A] : memref<512x32xf32, #tpu.memory_space<vmem>>[vector<16xi32>, vector<16xi32>], vector<16xf32>,
        %swap3A_1145 = arith.constant 1 : i32
        %swap3A_1146 = arith.index_cast %select_n3A_653 : i32 to index
        %swap3A_1147 = arith.index_cast %shift_right_logical3A_941 : i32 to index
        %swap3A_1148 = arith.index_cast %swap3A_1145 : i32 to index
        %swap3A_1149 = arith.index_cast %rem3A_943 : i32 to index
        %swap3A_1150 = arith.constant 80 : index
        %swap3A_1151 = tpu.vector_load %arg7[%swap3A_1146, %swap3A_1147, %swap3A_1148, %swap3A_1149, %swap3A_1150] {strides = array<i32>} : memref<2x4x4x8x128xf32, #tpu.memory_space<vmem>>, vector<16xf32>,
        tpu.vector_store %arg7[%swap3A_1146, %swap3A_1147, %swap3A_1148, %swap3A_1149, %swap3A_1150], %gather3A_1144 {strides = array<i32>} : memref<2x4x4x8x128xf32, #tpu.memory_space<vmem>>, vector<16xf32>,
        %add3A_1152 = arith.constant 224 : i32
        %add3A_1153 = vector.broadcast %add3A_1152 : i32 to vector<16xi32>
        %add3A_1154 = arith.addi %add3A_1153, %iota3A : vector<16xi32>
        %gather3A_1155 = arith.constant 0 : i32
        %gather3A_1156 = arith.constant 0 : i32
        %gather3A_1157 = tpu.memref_slice %arg6[%select_n3A_653, %gather3A_1155, %gather3A_1156] : memref<2x512x32xf32, #tpu.memory_space<vmem>> -> memref<1x512x32xf32, #tpu.memory_space<vmem>>
        %gather3A_1158 = tpu.memref_squeeze %gather3A_1157 : memref<1x512x32xf32, #tpu.memory_space<vmem>> -> memref<512x32xf32, #tpu.memory_space<vmem>>
        %gather3A_1159 = tpu.vector_load_idx %gather3A_1158[%add3A_1154, %broadcast_in_dim3A] : memref<512x32xf32, #tpu.memory_space<vmem>>[vector<16xi32>, vector<16xi32>], vector<16xf32>,
        %swap3A_1160 = arith.constant 1 : i32
        %swap3A_1161 = arith.index_cast %select_n3A_653 : i32 to index
        %swap3A_1162 = arith.index_cast %shift_right_logical3A_941 : i32 to index
        %swap3A_1163 = arith.index_cast %swap3A_1160 : i32 to index
        %swap3A_1164 = arith.index_cast %rem3A_943 : i32 to index
        %swap3A_1165 = arith.constant 96 : index
        %swap3A_1166 = tpu.vector_load %arg7[%swap3A_1161, %swap3A_1162, %swap3A_1163, %swap3A_1164, %swap3A_1165] {strides = array<i32>} : memref<2x4x4x8x128xf32, #tpu.memory_space<vmem>>, vector<16xf32>,
        tpu.vector_store %arg7[%swap3A_1161, %swap3A_1162, %swap3A_1163, %swap3A_1164, %swap3A_1165], %gather3A_1159 {strides = array<i32>} : memref<2x4x4x8x128xf32, #tpu.memory_space<vmem>>, vector<16xf32>,
        %add3A_1167 = arith.constant 240 : i32
        %add3A_1168 = vector.broadcast %add3A_1167 : i32 to vector<16xi32>
        %add3A_1169 = arith.addi %add3A_1168, %iota3A : vector<16xi32>
        %gather3A_1170 = arith.constant 0 : i32
        %gather3A_1171 = arith.constant 0 : i32
        %gather3A_1172 = tpu.memref_slice %arg6[%select_n3A_653, %gather3A_1170, %gather3A_1171] : memref<2x512x32xf32, #tpu.memory_space<vmem>> -> memref<1x512x32xf32, #tpu.memory_space<vmem>>
        %gather3A_1173 = tpu.memref_squeeze %gather3A_1172 : memref<1x512x32xf32, #tpu.memory_space<vmem>> -> memref<512x32xf32, #tpu.memory_space<vmem>>
        %gather3A_1174 = tpu.vector_load_idx %gather3A_1173[%add3A_1169, %broadcast_in_dim3A] : memref<512x32xf32, #tpu.memory_space<vmem>>[vector<16xi32>, vector<16xi32>], vector<16xf32>,
        %swap3A_1175 = arith.constant 1 : i32
        %swap3A_1176 = arith.index_cast %select_n3A_653 : i32 to index
        %swap3A_1177 = arith.index_cast %shift_right_logical3A_941 : i32 to index
        %swap3A_1178 = arith.index_cast %swap3A_1175 : i32 to index
        %swap3A_1179 = arith.index_cast %rem3A_943 : i32 to index
        %swap3A_1180 = arith.constant 112 : index
        %swap3A_1181 = tpu.vector_load %arg7[%swap3A_1176, %swap3A_1177, %swap3A_1178, %swap3A_1179, %swap3A_1180] {strides = array<i32>} : memref<2x4x4x8x128xf32, #tpu.memory_space<vmem>>, vector<16xf32>,
        tpu.vector_store %arg7[%swap3A_1176, %swap3A_1177, %swap3A_1178, %swap3A_1179, %swap3A_1180], %gather3A_1174 {strides = array<i32>} : memref<2x4x4x8x128xf32, #tpu.memory_space<vmem>>, vector<16xf32>,
        %add3A_1182 = arith.constant 256 : i32
        %add3A_1183 = vector.broadcast %add3A_1182 : i32 to vector<16xi32>
        %add3A_1184 = arith.addi %add3A_1183, %iota3A : vector<16xi32>
        %gather3A_1185 = arith.constant 0 : i32
        %gather3A_1186 = arith.constant 0 : i32
        %gather3A_1187 = tpu.memref_slice %arg6[%select_n3A_653, %gather3A_1185, %gather3A_1186] : memref<2x512x32xf32, #tpu.memory_space<vmem>> -> memref<1x512x32xf32, #tpu.memory_space<vmem>>
        %gather3A_1188 = tpu.memref_squeeze %gather3A_1187 : memref<1x512x32xf32, #tpu.memory_space<vmem>> -> memref<512x32xf32, #tpu.memory_space<vmem>>
        %gather3A_1189 = tpu.vector_load_idx %gather3A_1188[%add3A_1184, %broadcast_in_dim3A] : memref<512x32xf32, #tpu.memory_space<vmem>>[vector<16xi32>, vector<16xi32>], vector<16xf32>,
        %swap3A_1190 = arith.constant 2 : i32
        %swap3A_1191 = arith.index_cast %select_n3A_653 : i32 to index
        %swap3A_1192 = arith.index_cast %shift_right_logical3A_941 : i32 to index
        %swap3A_1193 = arith.index_cast %swap3A_1190 : i32 to index
        %swap3A_1194 = arith.index_cast %rem3A_943 : i32 to index
        %swap3A_1195 = arith.constant 0 : index
        %swap3A_1196 = tpu.vector_load %arg7[%swap3A_1191, %swap3A_1192, %swap3A_1193, %swap3A_1194, %swap3A_1195] {strides = array<i32>} : memref<2x4x4x8x128xf32, #tpu.memory_space<vmem>>, vector<16xf32>,
        tpu.vector_store %arg7[%swap3A_1191, %swap3A_1192, %swap3A_1193, %swap3A_1194, %swap3A_1195], %gather3A_1189 {strides = array<i32>} : memref<2x4x4x8x128xf32, #tpu.memory_space<vmem>>, vector<16xf32>,
        %add3A_1197 = arith.constant 272 : i32
        %add3A_1198 = vector.broadcast %add3A_1197 : i32 to vector<16xi32>
        %add3A_1199 = arith.addi %add3A_1198, %iota3A : vector<16xi32>
        %gather3A_1200 = arith.constant 0 : i32
        %gather3A_1201 = arith.constant 0 : i32
        %gather3A_1202 = tpu.memref_slice %arg6[%select_n3A_653, %gather3A_1200, %gather3A_1201] : memref<2x512x32xf32, #tpu.memory_space<vmem>> -> memref<1x512x32xf32, #tpu.memory_space<vmem>>
        %gather3A_1203 = tpu.memref_squeeze %gather3A_1202 : memref<1x512x32xf32, #tpu.memory_space<vmem>> -> memref<512x32xf32, #tpu.memory_space<vmem>>
        %gather3A_1204 = tpu.vector_load_idx %gather3A_1203[%add3A_1199, %broadcast_in_dim3A] : memref<512x32xf32, #tpu.memory_space<vmem>>[vector<16xi32>, vector<16xi32>], vector<16xf32>,
        %swap3A_1205 = arith.constant 2 : i32
        %swap3A_1206 = arith.index_cast %select_n3A_653 : i32 to index
        %swap3A_1207 = arith.index_cast %shift_right_logical3A_941 : i32 to index
        %swap3A_1208 = arith.index_cast %swap3A_1205 : i32 to index
        %swap3A_1209 = arith.index_cast %rem3A_943 : i32 to index
        %swap3A_1210 = arith.constant 16 : index
        %swap3A_1211 = tpu.vector_load %arg7[%swap3A_1206, %swap3A_1207, %swap3A_1208, %swap3A_1209, %swap3A_1210] {strides = array<i32>} : memref<2x4x4x8x128xf32, #tpu.memory_space<vmem>>, vector<16xf32>,
        tpu.vector_store %arg7[%swap3A_1206, %swap3A_1207, %swap3A_1208, %swap3A_1209, %swap3A_1210], %gather3A_1204 {strides = array<i32>} : memref<2x4x4x8x128xf32, #tpu.memory_space<vmem>>, vector<16xf32>,
        %add3A_1212 = arith.constant 288 : i32
        %add3A_1213 = vector.broadcast %add3A_1212 : i32 to vector<16xi32>
        %add3A_1214 = arith.addi %add3A_1213, %iota3A : vector<16xi32>
        %gather3A_1215 = arith.constant 0 : i32
        %gather3A_1216 = arith.constant 0 : i32
        %gather3A_1217 = tpu.memref_slice %arg6[%select_n3A_653, %gather3A_1215, %gather3A_1216] : memref<2x512x32xf32, #tpu.memory_space<vmem>> -> memref<1x512x32xf32, #tpu.memory_space<vmem>>
        %gather3A_1218 = tpu.memref_squeeze %gather3A_1217 : memref<1x512x32xf32, #tpu.memory_space<vmem>> -> memref<512x32xf32, #tpu.memory_space<vmem>>
        %gather3A_1219 = tpu.vector_load_idx %gather3A_1218[%add3A_1214, %broadcast_in_dim3A] : memref<512x32xf32, #tpu.memory_space<vmem>>[vector<16xi32>, vector<16xi32>], vector<16xf32>,
        %swap3A_1220 = arith.constant 2 : i32
        %swap3A_1221 = arith.index_cast %select_n3A_653 : i32 to index
        %swap3A_1222 = arith.index_cast %shift_right_logical3A_941 : i32 to index
        %swap3A_1223 = arith.index_cast %swap3A_1220 : i32 to index
        %swap3A_1224 = arith.index_cast %rem3A_943 : i32 to index
        %swap3A_1225 = arith.constant 32 : index
        %swap3A_1226 = tpu.vector_load %arg7[%swap3A_1221, %swap3A_1222, %swap3A_1223, %swap3A_1224, %swap3A_1225] {strides = array<i32>} : memref<2x4x4x8x128xf32, #tpu.memory_space<vmem>>, vector<16xf32>,
        tpu.vector_store %arg7[%swap3A_1221, %swap3A_1222, %swap3A_1223, %swap3A_1224, %swap3A_1225], %gather3A_1219 {strides = array<i32>} : memref<2x4x4x8x128xf32, #tpu.memory_space<vmem>>, vector<16xf32>,
        %add3A_1227 = arith.constant 304 : i32
        %add3A_1228 = vector.broadcast %add3A_1227 : i32 to vector<16xi32>
        %add3A_1229 = arith.addi %add3A_1228, %iota3A : vector<16xi32>
        %gather3A_1230 = arith.constant 0 : i32
        %gather3A_1231 = arith.constant 0 : i32
        %gather3A_1232 = tpu.memref_slice %arg6[%select_n3A_653, %gather3A_1230, %gather3A_1231] : memref<2x512x32xf32, #tpu.memory_space<vmem>> -> memref<1x512x32xf32, #tpu.memory_space<vmem>>
        %gather3A_1233 = tpu.memref_squeeze %gather3A_1232 : memref<1x512x32xf32, #tpu.memory_space<vmem>> -> memref<512x32xf32, #tpu.memory_space<vmem>>
        %gather3A_1234 = tpu.vector_load_idx %gather3A_1233[%add3A_1229, %broadcast_in_dim3A] : memref<512x32xf32, #tpu.memory_space<vmem>>[vector<16xi32>, vector<16xi32>], vector<16xf32>,
        %swap3A_1235 = arith.constant 2 : i32
        %swap3A_1236 = arith.index_cast %select_n3A_653 : i32 to index
        %swap3A_1237 = arith.index_cast %shift_right_logical3A_941 : i32 to index
        %swap3A_1238 = arith.index_cast %swap3A_1235 : i32 to index
        %swap3A_1239 = arith.index_cast %rem3A_943 : i32 to index
        %swap3A_1240 = arith.constant 48 : index
        %swap3A_1241 = tpu.vector_load %arg7[%swap3A_1236, %swap3A_1237, %swap3A_1238, %swap3A_1239, %swap3A_1240] {strides = array<i32>} : memref<2x4x4x8x128xf32, #tpu.memory_space<vmem>>, vector<16xf32>,
        tpu.vector_store %arg7[%swap3A_1236, %swap3A_1237, %swap3A_1238, %swap3A_1239, %swap3A_1240], %gather3A_1234 {strides = array<i32>} : memref<2x4x4x8x128xf32, #tpu.memory_space<vmem>>, vector<16xf32>,
        %add3A_1242 = arith.constant 320 : i32
        %add3A_1243 = vector.broadcast %add3A_1242 : i32 to vector<16xi32>
        %add3A_1244 = arith.addi %add3A_1243, %iota3A : vector<16xi32>
        %gather3A_1245 = arith.constant 0 : i32
        %gather3A_1246 = arith.constant 0 : i32
        %gather3A_1247 = tpu.memref_slice %arg6[%select_n3A_653, %gather3A_1245, %gather3A_1246] : memref<2x512x32xf32, #tpu.memory_space<vmem>> -> memref<1x512x32xf32, #tpu.memory_space<vmem>>
        %gather3A_1248 = tpu.memref_squeeze %gather3A_1247 : memref<1x512x32xf32, #tpu.memory_space<vmem>> -> memref<512x32xf32, #tpu.memory_space<vmem>>
        %gather3A_1249 = tpu.vector_load_idx %gather3A_1248[%add3A_1244, %broadcast_in_dim3A] : memref<512x32xf32, #tpu.memory_space<vmem>>[vector<16xi32>, vector<16xi32>], vector<16xf32>,
        %swap3A_1250 = arith.constant 2 : i32
        %swap3A_1251 = arith.index_cast %select_n3A_653 : i32 to index
        %swap3A_1252 = arith.index_cast %shift_right_logical3A_941 : i32 to index
        %swap3A_1253 = arith.index_cast %swap3A_1250 : i32 to index
        %swap3A_1254 = arith.index_cast %rem3A_943 : i32 to index
        %swap3A_1255 = arith.constant 64 : index
        %swap3A_1256 = tpu.vector_load %arg7[%swap3A_1251, %swap3A_1252, %swap3A_1253, %swap3A_1254, %swap3A_1255] {strides = array<i32>} : memref<2x4x4x8x128xf32, #tpu.memory_space<vmem>>, vector<16xf32>,
        tpu.vector_store %arg7[%swap3A_1251, %swap3A_1252, %swap3A_1253, %swap3A_1254, %swap3A_1255], %gather3A_1249 {strides = array<i32>} : memref<2x4x4x8x128xf32, #tpu.memory_space<vmem>>, vector<16xf32>,
        %add3A_1257 = arith.constant 336 : i32
        %add3A_1258 = vector.broadcast %add3A_1257 : i32 to vector<16xi32>
        %add3A_1259 = arith.addi %add3A_1258, %iota3A : vector<16xi32>
        %gather3A_1260 = arith.constant 0 : i32
        %gather3A_1261 = arith.constant 0 : i32
        %gather3A_1262 = tpu.memref_slice %arg6[%select_n3A_653, %gather3A_1260, %gather3A_1261] : memref<2x512x32xf32, #tpu.memory_space<vmem>> -> memref<1x512x32xf32, #tpu.memory_space<vmem>>
        %gather3A_1263 = tpu.memref_squeeze %gather3A_1262 : memref<1x512x32xf32, #tpu.memory_space<vmem>> -> memref<512x32xf32, #tpu.memory_space<vmem>>
        %gather3A_1264 = tpu.vector_load_idx %gather3A_1263[%add3A_1259, %broadcast_in_dim3A] : memref<512x32xf32, #tpu.memory_space<vmem>>[vector<16xi32>, vector<16xi32>], vector<16xf32>,
        %swap3A_1265 = arith.constant 2 : i32
        %swap3A_1266 = arith.index_cast %select_n3A_653 : i32 to index
        %swap3A_1267 = arith.index_cast %shift_right_logical3A_941 : i32 to index
        %swap3A_1268 = arith.index_cast %swap3A_1265 : i32 to index
        %swap3A_1269 = arith.index_cast %rem3A_943 : i32 to index
        %swap3A_1270 = arith.constant 80 : index
        %swap3A_1271 = tpu.vector_load %arg7[%swap3A_1266, %swap3A_1267, %swap3A_1268, %swap3A_1269, %swap3A_1270] {strides = array<i32>} : memref<2x4x4x8x128xf32, #tpu.memory_space<vmem>>, vector<16xf32>,
        tpu.vector_store %arg7[%swap3A_1266, %swap3A_1267, %swap3A_1268, %swap3A_1269, %swap3A_1270], %gather3A_1264 {strides = array<i32>} : memref<2x4x4x8x128xf32, #tpu.memory_space<vmem>>, vector<16xf32>,
        %add3A_1272 = arith.constant 352 : i32
        %add3A_1273 = vector.broadcast %add3A_1272 : i32 to vector<16xi32>
        %add3A_1274 = arith.addi %add3A_1273, %iota3A : vector<16xi32>
        %gather3A_1275 = arith.constant 0 : i32
        %gather3A_1276 = arith.constant 0 : i32
        %gather3A_1277 = tpu.memref_slice %arg6[%select_n3A_653, %gather3A_1275, %gather3A_1276] : memref<2x512x32xf32, #tpu.memory_space<vmem>> -> memref<1x512x32xf32, #tpu.memory_space<vmem>>
        %gather3A_1278 = tpu.memref_squeeze %gather3A_1277 : memref<1x512x32xf32, #tpu.memory_space<vmem>> -> memref<512x32xf32, #tpu.memory_space<vmem>>
        %gather3A_1279 = tpu.vector_load_idx %gather3A_1278[%add3A_1274, %broadcast_in_dim3A] : memref<512x32xf32, #tpu.memory_space<vmem>>[vector<16xi32>, vector<16xi32>], vector<16xf32>,
        %swap3A_1280 = arith.constant 2 : i32
        %swap3A_1281 = arith.index_cast %select_n3A_653 : i32 to index
        %swap3A_1282 = arith.index_cast %shift_right_logical3A_941 : i32 to index
        %swap3A_1283 = arith.index_cast %swap3A_1280 : i32 to index
        %swap3A_1284 = arith.index_cast %rem3A_943 : i32 to index
        %swap3A_1285 = arith.constant 96 : index
        %swap3A_1286 = tpu.vector_load %arg7[%swap3A_1281, %swap3A_1282, %swap3A_1283, %swap3A_1284, %swap3A_1285] {strides = array<i32>} : memref<2x4x4x8x128xf32, #tpu.memory_space<vmem>>, vector<16xf32>,
        tpu.vector_store %arg7[%swap3A_1281, %swap3A_1282, %swap3A_1283, %swap3A_1284, %swap3A_1285], %gather3A_1279 {strides = array<i32>} : memref<2x4x4x8x128xf32, #tpu.memory_space<vmem>>, vector<16xf32>,
        %add3A_1287 = arith.constant 368 : i32
        %add3A_1288 = vector.broadcast %add3A_1287 : i32 to vector<16xi32>
        %add3A_1289 = arith.addi %add3A_1288, %iota3A : vector<16xi32>
        %gather3A_1290 = arith.constant 0 : i32
        %gather3A_1291 = arith.constant 0 : i32
        %gather3A_1292 = tpu.memref_slice %arg6[%select_n3A_653, %gather3A_1290, %gather3A_1291] : memref<2x512x32xf32, #tpu.memory_space<vmem>> -> memref<1x512x32xf32, #tpu.memory_space<vmem>>
        %gather3A_1293 = tpu.memref_squeeze %gather3A_1292 : memref<1x512x32xf32, #tpu.memory_space<vmem>> -> memref<512x32xf32, #tpu.memory_space<vmem>>
        %gather3A_1294 = tpu.vector_load_idx %gather3A_1293[%add3A_1289, %broadcast_in_dim3A] : memref<512x32xf32, #tpu.memory_space<vmem>>[vector<16xi32>, vector<16xi32>], vector<16xf32>,
        %swap3A_1295 = arith.constant 2 : i32
        %swap3A_1296 = arith.index_cast %select_n3A_653 : i32 to index
        %swap3A_1297 = arith.index_cast %shift_right_logical3A_941 : i32 to index
        %swap3A_1298 = arith.index_cast %swap3A_1295 : i32 to index
        %swap3A_1299 = arith.index_cast %rem3A_943 : i32 to index
        %swap3A_1300 = arith.constant 112 : index
        %swap3A_1301 = tpu.vector_load %arg7[%swap3A_1296, %swap3A_1297, %swap3A_1298, %swap3A_1299, %swap3A_1300] {strides = array<i32>} : memref<2x4x4x8x128xf32, #tpu.memory_space<vmem>>, vector<16xf32>,
        tpu.vector_store %arg7[%swap3A_1296, %swap3A_1297, %swap3A_1298, %swap3A_1299, %swap3A_1300], %gather3A_1294 {strides = array<i32>} : memref<2x4x4x8x128xf32, #tpu.memory_space<vmem>>, vector<16xf32>,
        %add3A_1302 = arith.constant 384 : i32
        %add3A_1303 = vector.broadcast %add3A_1302 : i32 to vector<16xi32>
        %add3A_1304 = arith.addi %add3A_1303, %iota3A : vector<16xi32>
        %gather3A_1305 = arith.constant 0 : i32
        %gather3A_1306 = arith.constant 0 : i32
        %gather3A_1307 = tpu.memref_slice %arg6[%select_n3A_653, %gather3A_1305, %gather3A_1306] : memref<2x512x32xf32, #tpu.memory_space<vmem>> -> memref<1x512x32xf32, #tpu.memory_space<vmem>>
        %gather3A_1308 = tpu.memref_squeeze %gather3A_1307 : memref<1x512x32xf32, #tpu.memory_space<vmem>> -> memref<512x32xf32, #tpu.memory_space<vmem>>
        %gather3A_1309 = tpu.vector_load_idx %gather3A_1308[%add3A_1304, %broadcast_in_dim3A] : memref<512x32xf32, #tpu.memory_space<vmem>>[vector<16xi32>, vector<16xi32>], vector<16xf32>,
        %swap3A_1310 = arith.constant 3 : i32
        %swap3A_1311 = arith.index_cast %select_n3A_653 : i32 to index
        %swap3A_1312 = arith.index_cast %shift_right_logical3A_941 : i32 to index
        %swap3A_1313 = arith.index_cast %swap3A_1310 : i32 to index
        %swap3A_1314 = arith.index_cast %rem3A_943 : i32 to index
        %swap3A_1315 = arith.constant 0 : index
        %swap3A_1316 = tpu.vector_load %arg7[%swap3A_1311, %swap3A_1312, %swap3A_1313, %swap3A_1314, %swap3A_1315] {strides = array<i32>} : memref<2x4x4x8x128xf32, #tpu.memory_space<vmem>>, vector<16xf32>,
        tpu.vector_store %arg7[%swap3A_1311, %swap3A_1312, %swap3A_1313, %swap3A_1314, %swap3A_1315], %gather3A_1309 {strides = array<i32>} : memref<2x4x4x8x128xf32, #tpu.memory_space<vmem>>, vector<16xf32>,
        %add3A_1317 = arith.constant 400 : i32
        %add3A_1318 = vector.broadcast %add3A_1317 : i32 to vector<16xi32>
        %add3A_1319 = arith.addi %add3A_1318, %iota3A : vector<16xi32>
        %gather3A_1320 = arith.constant 0 : i32
        %gather3A_1321 = arith.constant 0 : i32
        %gather3A_1322 = tpu.memref_slice %arg6[%select_n3A_653, %gather3A_1320, %gather3A_1321] : memref<2x512x32xf32, #tpu.memory_space<vmem>> -> memref<1x512x32xf32, #tpu.memory_space<vmem>>
        %gather3A_1323 = tpu.memref_squeeze %gather3A_1322 : memref<1x512x32xf32, #tpu.memory_space<vmem>> -> memref<512x32xf32, #tpu.memory_space<vmem>>
        %gather3A_1324 = tpu.vector_load_idx %gather3A_1323[%add3A_1319, %broadcast_in_dim3A] : memref<512x32xf32, #tpu.memory_space<vmem>>[vector<16xi32>, vector<16xi32>], vector<16xf32>,
        %swap3A_1325 = arith.constant 3 : i32
        %swap3A_1326 = arith.index_cast %select_n3A_653 : i32 to index
        %swap3A_1327 = arith.index_cast %shift_right_logical3A_941 : i32 to index
        %swap3A_1328 = arith.index_cast %swap3A_1325 : i32 to index
        %swap3A_1329 = arith.index_cast %rem3A_943 : i32 to index
        %swap3A_1330 = arith.constant 16 : index
        %swap3A_1331 = tpu.vector_load %arg7[%swap3A_1326, %swap3A_1327, %swap3A_1328, %swap3A_1329, %swap3A_1330] {strides = array<i32>} : memref<2x4x4x8x128xf32, #tpu.memory_space<vmem>>, vector<16xf32>,
        tpu.vector_store %arg7[%swap3A_1326, %swap3A_1327, %swap3A_1328, %swap3A_1329, %swap3A_1330], %gather3A_1324 {strides = array<i32>} : memref<2x4x4x8x128xf32, #tpu.memory_space<vmem>>, vector<16xf32>,
        %add3A_1332 = arith.constant 416 : i32
        %add3A_1333 = vector.broadcast %add3A_1332 : i32 to vector<16xi32>
        %add3A_1334 = arith.addi %add3A_1333, %iota3A : vector<16xi32>
        %gather3A_1335 = arith.constant 0 : i32
        %gather3A_1336 = arith.constant 0 : i32
        %gather3A_1337 = tpu.memref_slice %arg6[%select_n3A_653, %gather3A_1335, %gather3A_1336] : memref<2x512x32xf32, #tpu.memory_space<vmem>> -> memref<1x512x32xf32, #tpu.memory_space<vmem>>
        %gather3A_1338 = tpu.memref_squeeze %gather3A_1337 : memref<1x512x32xf32, #tpu.memory_space<vmem>> -> memref<512x32xf32, #tpu.memory_space<vmem>>
        %gather3A_1339 = tpu.vector_load_idx %gather3A_1338[%add3A_1334, %broadcast_in_dim3A] : memref<512x32xf32, #tpu.memory_space<vmem>>[vector<16xi32>, vector<16xi32>], vector<16xf32>,
        %swap3A_1340 = arith.constant 3 : i32
        %swap3A_1341 = arith.index_cast %select_n3A_653 : i32 to index
        %swap3A_1342 = arith.index_cast %shift_right_logical3A_941 : i32 to index
        %swap3A_1343 = arith.index_cast %swap3A_1340 : i32 to index
        %swap3A_1344 = arith.index_cast %rem3A_943 : i32 to index
        %swap3A_1345 = arith.constant 32 : index
        %swap3A_1346 = tpu.vector_load %arg7[%swap3A_1341, %swap3A_1342, %swap3A_1343, %swap3A_1344, %swap3A_1345] {strides = array<i32>} : memref<2x4x4x8x128xf32, #tpu.memory_space<vmem>>, vector<16xf32>,
        tpu.vector_store %arg7[%swap3A_1341, %swap3A_1342, %swap3A_1343, %swap3A_1344, %swap3A_1345], %gather3A_1339 {strides = array<i32>} : memref<2x4x4x8x128xf32, #tpu.memory_space<vmem>>, vector<16xf32>,
        %add3A_1347 = arith.constant 432 : i32
        %add3A_1348 = vector.broadcast %add3A_1347 : i32 to vector<16xi32>
        %add3A_1349 = arith.addi %add3A_1348, %iota3A : vector<16xi32>
        %gather3A_1350 = arith.constant 0 : i32
        %gather3A_1351 = arith.constant 0 : i32
        %gather3A_1352 = tpu.memref_slice %arg6[%select_n3A_653, %gather3A_1350, %gather3A_1351] : memref<2x512x32xf32, #tpu.memory_space<vmem>> -> memref<1x512x32xf32, #tpu.memory_space<vmem>>
        %gather3A_1353 = tpu.memref_squeeze %gather3A_1352 : memref<1x512x32xf32, #tpu.memory_space<vmem>> -> memref<512x32xf32, #tpu.memory_space<vmem>>
        %gather3A_1354 = tpu.vector_load_idx %gather3A_1353[%add3A_1349, %broadcast_in_dim3A] : memref<512x32xf32, #tpu.memory_space<vmem>>[vector<16xi32>, vector<16xi32>], vector<16xf32>,
        %swap3A_1355 = arith.constant 3 : i32
        %swap3A_1356 = arith.index_cast %select_n3A_653 : i32 to index
        %swap3A_1357 = arith.index_cast %shift_right_logical3A_941 : i32 to index
        %swap3A_1358 = arith.index_cast %swap3A_1355 : i32 to index
        %swap3A_1359 = arith.index_cast %rem3A_943 : i32 to index
        %swap3A_1360 = arith.constant 48 : index
        %swap3A_1361 = tpu.vector_load %arg7[%swap3A_1356, %swap3A_1357, %swap3A_1358, %swap3A_1359, %swap3A_1360] {strides = array<i32>} : memref<2x4x4x8x128xf32, #tpu.memory_space<vmem>>, vector<16xf32>,
        tpu.vector_store %arg7[%swap3A_1356, %swap3A_1357, %swap3A_1358, %swap3A_1359, %swap3A_1360], %gather3A_1354 {strides = array<i32>} : memref<2x4x4x8x128xf32, #tpu.memory_space<vmem>>, vector<16xf32>,
        %add3A_1362 = arith.constant 448 : i32
        %add3A_1363 = vector.broadcast %add3A_1362 : i32 to vector<16xi32>
        %add3A_1364 = arith.addi %add3A_1363, %iota3A : vector<16xi32>
        %gather3A_1365 = arith.constant 0 : i32
        %gather3A_1366 = arith.constant 0 : i32
        %gather3A_1367 = tpu.memref_slice %arg6[%select_n3A_653, %gather3A_1365, %gather3A_1366] : memref<2x512x32xf32, #tpu.memory_space<vmem>> -> memref<1x512x32xf32, #tpu.memory_space<vmem>>
        %gather3A_1368 = tpu.memref_squeeze %gather3A_1367 : memref<1x512x32xf32, #tpu.memory_space<vmem>> -> memref<512x32xf32, #tpu.memory_space<vmem>>
        %gather3A_1369 = tpu.vector_load_idx %gather3A_1368[%add3A_1364, %broadcast_in_dim3A] : memref<512x32xf32, #tpu.memory_space<vmem>>[vector<16xi32>, vector<16xi32>], vector<16xf32>,
        %swap3A_1370 = arith.constant 3 : i32
        %swap3A_1371 = arith.index_cast %select_n3A_653 : i32 to index
        %swap3A_1372 = arith.index_cast %shift_right_logical3A_941 : i32 to index
        %swap3A_1373 = arith.index_cast %swap3A_1370 : i32 to index
        %swap3A_1374 = arith.index_cast %rem3A_943 : i32 to index
        %swap3A_1375 = arith.constant 64 : index
        %swap3A_1376 = tpu.vector_load %arg7[%swap3A_1371, %swap3A_1372, %swap3A_1373, %swap3A_1374, %swap3A_1375] {strides = array<i32>} : memref<2x4x4x8x128xf32, #tpu.memory_space<vmem>>, vector<16xf32>,
        tpu.vector_store %arg7[%swap3A_1371, %swap3A_1372, %swap3A_1373, %swap3A_1374, %swap3A_1375], %gather3A_1369 {strides = array<i32>} : memref<2x4x4x8x128xf32, #tpu.memory_space<vmem>>, vector<16xf32>,
        %add3A_1377 = arith.constant 464 : i32
        %add3A_1378 = vector.broadcast %add3A_1377 : i32 to vector<16xi32>
        %add3A_1379 = arith.addi %add3A_1378, %iota3A : vector<16xi32>
        %gather3A_1380 = arith.constant 0 : i32
        %gather3A_1381 = arith.constant 0 : i32
        %gather3A_1382 = tpu.memref_slice %arg6[%select_n3A_653, %gather3A_1380, %gather3A_1381] : memref<2x512x32xf32, #tpu.memory_space<vmem>> -> memref<1x512x32xf32, #tpu.memory_space<vmem>>
        %gather3A_1383 = tpu.memref_squeeze %gather3A_1382 : memref<1x512x32xf32, #tpu.memory_space<vmem>> -> memref<512x32xf32, #tpu.memory_space<vmem>>
        %gather3A_1384 = tpu.vector_load_idx %gather3A_1383[%add3A_1379, %broadcast_in_dim3A] : memref<512x32xf32, #tpu.memory_space<vmem>>[vector<16xi32>, vector<16xi32>], vector<16xf32>,
        %swap3A_1385 = arith.constant 3 : i32
        %swap3A_1386 = arith.index_cast %select_n3A_653 : i32 to index
        %swap3A_1387 = arith.index_cast %shift_right_logical3A_941 : i32 to index
        %swap3A_1388 = arith.index_cast %swap3A_1385 : i32 to index
        %swap3A_1389 = arith.index_cast %rem3A_943 : i32 to index
        %swap3A_1390 = arith.constant 80 : index
        %swap3A_1391 = tpu.vector_load %arg7[%swap3A_1386, %swap3A_1387, %swap3A_1388, %swap3A_1389, %swap3A_1390] {strides = array<i32>} : memref<2x4x4x8x128xf32, #tpu.memory_space<vmem>>, vector<16xf32>,
        tpu.vector_store %arg7[%swap3A_1386, %swap3A_1387, %swap3A_1388, %swap3A_1389, %swap3A_1390], %gather3A_1384 {strides = array<i32>} : memref<2x4x4x8x128xf32, #tpu.memory_space<vmem>>, vector<16xf32>,
        %add3A_1392 = arith.constant 480 : i32
        %add3A_1393 = vector.broadcast %add3A_1392 : i32 to vector<16xi32>
        %add3A_1394 = arith.addi %add3A_1393, %iota3A : vector<16xi32>
        %gather3A_1395 = arith.constant 0 : i32
        %gather3A_1396 = arith.constant 0 : i32
        %gather3A_1397 = tpu.memref_slice %arg6[%select_n3A_653, %gather3A_1395, %gather3A_1396] : memref<2x512x32xf32, #tpu.memory_space<vmem>> -> memref<1x512x32xf32, #tpu.memory_space<vmem>>
        %gather3A_1398 = tpu.memref_squeeze %gather3A_1397 : memref<1x512x32xf32, #tpu.memory_space<vmem>> -> memref<512x32xf32, #tpu.memory_space<vmem>>
        %gather3A_1399 = tpu.vector_load_idx %gather3A_1398[%add3A_1394, %broadcast_in_dim3A] : memref<512x32xf32, #tpu.memory_space<vmem>>[vector<16xi32>, vector<16xi32>], vector<16xf32>,
        %swap3A_1400 = arith.constant 3 : i32
        %swap3A_1401 = arith.index_cast %select_n3A_653 : i32 to index
        %swap3A_1402 = arith.index_cast %shift_right_logical3A_941 : i32 to index
        %swap3A_1403 = arith.index_cast %swap3A_1400 : i32 to index
        %swap3A_1404 = arith.index_cast %rem3A_943 : i32 to index
        %swap3A_1405 = arith.constant 96 : index
        %swap3A_1406 = tpu.vector_load %arg7[%swap3A_1401, %swap3A_1402, %swap3A_1403, %swap3A_1404, %swap3A_1405] {strides = array<i32>} : memref<2x4x4x8x128xf32, #tpu.memory_space<vmem>>, vector<16xf32>,
        tpu.vector_store %arg7[%swap3A_1401, %swap3A_1402, %swap3A_1403, %swap3A_1404, %swap3A_1405], %gather3A_1399 {strides = array<i32>} : memref<2x4x4x8x128xf32, #tpu.memory_space<vmem>>, vector<16xf32>,
        %add3A_1407 = arith.constant 496 : i32
        %add3A_1408 = vector.broadcast %add3A_1407 : i32 to vector<16xi32>
        %add3A_1409 = arith.addi %add3A_1408, %iota3A : vector<16xi32>
        %gather3A_1410 = arith.constant 0 : i32
        %gather3A_1411 = arith.constant 0 : i32
        %gather3A_1412 = tpu.memref_slice %arg6[%select_n3A_653, %gather3A_1410, %gather3A_1411] : memref<2x512x32xf32, #tpu.memory_space<vmem>> -> memref<1x512x32xf32, #tpu.memory_space<vmem>>
        %gather3A_1413 = tpu.memref_squeeze %gather3A_1412 : memref<1x512x32xf32, #tpu.memory_space<vmem>> -> memref<512x32xf32, #tpu.memory_space<vmem>>
        %gather3A_1414 = tpu.vector_load_idx %gather3A_1413[%add3A_1409, %broadcast_in_dim3A] : memref<512x32xf32, #tpu.memory_space<vmem>>[vector<16xi32>, vector<16xi32>], vector<16xf32>,
        %swap3A_1415 = arith.constant 3 : i32
        %swap3A_1416 = arith.index_cast %select_n3A_653 : i32 to index
        %swap3A_1417 = arith.index_cast %shift_right_logical3A_941 : i32 to index
        %swap3A_1418 = arith.index_cast %swap3A_1415 : i32 to index
        %swap3A_1419 = arith.index_cast %rem3A_943 : i32 to index
        %swap3A_1420 = arith.constant 112 : index
        %swap3A_1421 = tpu.vector_load %arg7[%swap3A_1416, %swap3A_1417, %swap3A_1418, %swap3A_1419, %swap3A_1420] {strides = array<i32>} : memref<2x4x4x8x128xf32, #tpu.memory_space<vmem>>, vector<16xf32>,
        tpu.vector_store %arg7[%swap3A_1416, %swap3A_1417, %swap3A_1418, %swap3A_1419, %swap3A_1420], %gather3A_1414 {strides = array<i32>} : memref<2x4x4x8x128xf32, #tpu.memory_space<vmem>>, vector<16xf32>,
      }
      %scan3A_850 = arith.constant 32 : i32
      %mul3A_851 = arith.constant 4 : i32
      %mul3A_852 = arith.muli %add3A, %mul3A_851 : i32
      %mul3A_853 = arith.constant 4 : i32
      %mul3A_854 = arith.muli %add3A, %mul3A_853 : i32
      %mul3A_855 = arith.constant 4 : i32
      %mul3A_856 = arith.muli %add3A, %mul3A_855 : i32
      %mul3A_857 = arith.constant 4 : i32
      %mul3A_858 = arith.muli %add3A, %mul3A_857 : i32
      %dma_start3A_859 = arith.constant 0 : i32
      %dma_start3A_860 = arith.constant 0 : i32
      %dma_start3A_861 = arith.constant 0 : i32
      %dma_start3A_862 = arith.constant 0 : i32
      %dma_start3A_863 = arith.constant 0 : i32
      %dma_start3A_864 = tpu.memref_slice %arg7[%select_n3A_653, %dma_start3A_859, %dma_start3A_861, %dma_start3A_862, %dma_start3A_863] : memref<2x4x4x8x128xf32, #tpu.memory_space<vmem>> -> memref<1x1x4x8x128xf32, #tpu.memory_space<vmem>>
      %dma_start3A_865 = tpu.memref_squeeze %dma_start3A_864 : memref<1x1x4x8x128xf32, #tpu.memory_space<vmem>> -> memref<4x8x128xf32, #tpu.memory_space<vmem>>
      %dma_start3A_866 = arith.constant 0 : i32
      %dma_start3A_867 = arith.constant 0 : i32
      %dma_start3A_868 = tpu.memref_slice %arg4[%scan3A_643, %dma_start3A_860, %mul3A_852, %dma_start3A_866, %dma_start3A_867] : memref<50x4x128x8x128xf32, #tpu.memory_space<hbm>> -> memref<1x1x4x8x128xf32, #tpu.memory_space<hbm>>
      %dma_start3A_869 = tpu.memref_squeeze %dma_start3A_868 : memref<1x1x4x8x128xf32, #tpu.memory_space<hbm>> -> memref<4x8x128xf32, #tpu.memory_space<hbm>>
      %dma_start3A_870 = arith.constant 0 : i32
      %dma_start3A_871 = arith.constant 0 : i32
      %dma_start3A_872 = tpu.memref_slice %arg4[%scan3A_643, %dma_start3A_860, %mul3A_852, %dma_start3A_870, %dma_start3A_871] : memref<50x4x128x8x128xf32, #tpu.memory_space<hbm>> -> memref<1x1x4x8x128xf32, #tpu.memory_space<hbm>>
      %dma_start3A_873 = tpu.memref_squeeze %dma_start3A_872 : memref<1x1x4x8x128xf32, #tpu.memory_space<hbm>> -> memref<4x8x128xf32, #tpu.memory_space<hbm>>
      %dma_start3A_874 = arith.constant 0 : i32
      %dma_start3A_875 = arith.constant 0 : i32
      %dma_start3A_876 = arith.constant 0 : i32
      %dma_start3A_877 = tpu.memref_slice %arg7[%select_n3A_653, %dma_start3A_859, %dma_start3A_874, %dma_start3A_875, %dma_start3A_876] : memref<2x4x4x8x128xf32, #tpu.memory_space<vmem>> -> memref<1x1x4x8x128xf32, #tpu.memory_space<vmem>>
      %dma_start3A_878 = tpu.memref_squeeze %dma_start3A_877 : memref<1x1x4x8x128xf32, #tpu.memory_space<vmem>> -> memref<4x8x128xf32, #tpu.memory_space<vmem>>
      tpu.enqueue_dma source(%dma_start3A_878 : memref<4x8x128xf32, #tpu.memory_space<vmem>>) target(%dma_start3A_873 : memref<4x8x128xf32, #tpu.memory_space<hbm>>) target_semaphore(%arg9 : memref<!tpu.dma_semaphore, #tpu.memory_space<semaphore_mem>>)
      %dma_start3A_879 = arith.constant 1 : i32
      %dma_start3A_880 = arith.constant 1 : i32
      %dma_start3A_881 = arith.constant 0 : i32
      %dma_start3A_882 = arith.constant 0 : i32
      %dma_start3A_883 = arith.constant 0 : i32
      %dma_start3A_884 = tpu.memref_slice %arg7[%select_n3A_653, %dma_start3A_879, %dma_start3A_881, %dma_start3A_882, %dma_start3A_883] : memref<2x4x4x8x128xf32, #tpu.memory_space<vmem>> -> memref<1x1x4x8x128xf32, #tpu.memory_space<vmem>>
      %dma_start3A_885 = tpu.memref_squeeze %dma_start3A_884 : memref<1x1x4x8x128xf32, #tpu.memory_space<vmem>> -> memref<4x8x128xf32, #tpu.memory_space<vmem>>
      %dma_start3A_886 = arith.constant 0 : i32
      %dma_start3A_887 = arith.constant 0 : i32
      %dma_start3A_888 = tpu.memref_slice %arg4[%scan3A_643, %dma_start3A_880, %mul3A_854, %dma_start3A_886, %dma_start3A_887] : memref<50x4x128x8x128xf32, #tpu.memory_space<hbm>> -> memref<1x1x4x8x128xf32, #tpu.memory_space<hbm>>
      %dma_start3A_889 = tpu.memref_squeeze %dma_start3A_888 : memref<1x1x4x8x128xf32, #tpu.memory_space<hbm>> -> memref<4x8x128xf32, #tpu.memory_space<hbm>>
      %dma_start3A_890 = arith.constant 0 : i32
      %dma_start3A_891 = arith.constant 0 : i32
      %dma_start3A_892 = tpu.memref_slice %arg4[%scan3A_643, %dma_start3A_880, %mul3A_854, %dma_start3A_890, %dma_start3A_891] : memref<50x4x128x8x128xf32, #tpu.memory_space<hbm>> -> memref<1x1x4x8x128xf32, #tpu.memory_space<hbm>>
      %dma_start3A_893 = tpu.memref_squeeze %dma_start3A_892 : memref<1x1x4x8x128xf32, #tpu.memory_space<hbm>> -> memref<4x8x128xf32, #tpu.memory_space<hbm>>
      %dma_start3A_894 = arith.constant 0 : i32
      %dma_start3A_895 = arith.constant 0 : i32
      %dma_start3A_896 = arith.constant 0 : i32
      %dma_start3A_897 = tpu.memref_slice %arg7[%select_n3A_653, %dma_start3A_879, %dma_start3A_894, %dma_start3A_895, %dma_start3A_896] : memref<2x4x4x8x128xf32, #tpu.memory_space<vmem>> -> memref<1x1x4x8x128xf32, #tpu.memory_space<vmem>>
      %dma_start3A_898 = tpu.memref_squeeze %dma_start3A_897 : memref<1x1x4x8x128xf32, #tpu.memory_space<vmem>> -> memref<4x8x128xf32, #tpu.memory_space<vmem>>
      tpu.enqueue_dma source(%dma_start3A_898 : memref<4x8x128xf32, #tpu.memory_space<vmem>>) target(%dma_start3A_893 : memref<4x8x128xf32, #tpu.memory_space<hbm>>) target_semaphore(%arg9 : memref<!tpu.dma_semaphore, #tpu.memory_space<semaphore_mem>>)
      %dma_start3A_899 = arith.constant 2 : i32
      %dma_start3A_900 = arith.constant 2 : i32
      %dma_start3A_901 = arith.constant 0 : i32
      %dma_start3A_902 = arith.constant 0 : i32
      %dma_start3A_903 = arith.constant 0 : i32
      %dma_start3A_904 = tpu.memref_slice %arg7[%select_n3A_653, %dma_start3A_899, %dma_start3A_901, %dma_start3A_902, %dma_start3A_903] : memref<2x4x4x8x128xf32, #tpu.memory_space<vmem>> -> memref<1x1x4x8x128xf32, #tpu.memory_space<vmem>>
      %dma_start3A_905 = tpu.memref_squeeze %dma_start3A_904 : memref<1x1x4x8x128xf32, #tpu.memory_space<vmem>> -> memref<4x8x128xf32, #tpu.memory_space<vmem>>
      %dma_start3A_906 = arith.constant 0 : i32
      %dma_start3A_907 = arith.constant 0 : i32
      %dma_start3A_908 = tpu.memref_slice %arg4[%scan3A_643, %dma_start3A_900, %mul3A_856, %dma_start3A_906, %dma_start3A_907] : memref<50x4x128x8x128xf32, #tpu.memory_space<hbm>> -> memref<1x1x4x8x128xf32, #tpu.memory_space<hbm>>
      %dma_start3A_909 = tpu.memref_squeeze %dma_start3A_908 : memref<1x1x4x8x128xf32, #tpu.memory_space<hbm>> -> memref<4x8x128xf32, #tpu.memory_space<hbm>>
      %dma_start3A_910 = arith.constant 0 : i32
      %dma_start3A_911 = arith.constant 0 : i32
      %dma_start3A_912 = tpu.memref_slice %arg4[%scan3A_643, %dma_start3A_900, %mul3A_856, %dma_start3A_910, %dma_start3A_911] : memref<50x4x128x8x128xf32, #tpu.memory_space<hbm>> -> memref<1x1x4x8x128xf32, #tpu.memory_space<hbm>>
      %dma_start3A_913 = tpu.memref_squeeze %dma_start3A_912 : memref<1x1x4x8x128xf32, #tpu.memory_space<hbm>> -> memref<4x8x128xf32, #tpu.memory_space<hbm>>
      %dma_start3A_914 = arith.constant 0 : i32
      %dma_start3A_915 = arith.constant 0 : i32
      %dma_start3A_916 = arith.constant 0 : i32
      %dma_start3A_917 = tpu.memref_slice %arg7[%select_n3A_653, %dma_start3A_899, %dma_start3A_914, %dma_start3A_915, %dma_start3A_916] : memref<2x4x4x8x128xf32, #tpu.memory_space<vmem>> -> memref<1x1x4x8x128xf32, #tpu.memory_space<vmem>>
      %dma_start3A_918 = tpu.memref_squeeze %dma_start3A_917 : memref<1x1x4x8x128xf32, #tpu.memory_space<vmem>> -> memref<4x8x128xf32, #tpu.memory_space<vmem>>
      tpu.enqueue_dma source(%dma_start3A_918 : memref<4x8x128xf32, #tpu.memory_space<vmem>>) target(%dma_start3A_913 : memref<4x8x128xf32, #tpu.memory_space<hbm>>) target_semaphore(%arg9 : memref<!tpu.dma_semaphore, #tpu.memory_space<semaphore_mem>>)
      %dma_start3A_919 = arith.constant 3 : i32
      %dma_start3A_920 = arith.constant 3 : i32
      %dma_start3A_921 = arith.constant 0 : i32
      %dma_start3A_922 = arith.constant 0 : i32
      %dma_start3A_923 = arith.constant 0 : i32
      %dma_start3A_924 = tpu.memref_slice %arg7[%select_n3A_653, %dma_start3A_919, %dma_start3A_921, %dma_start3A_922, %dma_start3A_923] : memref<2x4x4x8x128xf32, #tpu.memory_space<vmem>> -> memref<1x1x4x8x128xf32, #tpu.memory_space<vmem>>
      %dma_start3A_925 = tpu.memref_squeeze %dma_start3A_924 : memref<1x1x4x8x128xf32, #tpu.memory_space<vmem>> -> memref<4x8x128xf32, #tpu.memory_space<vmem>>
      %dma_start3A_926 = arith.constant 0 : i32
      %dma_start3A_927 = arith.constant 0 : i32
      %dma_start3A_928 = tpu.memref_slice %arg4[%scan3A_643, %dma_start3A_920, %mul3A_858, %dma_start3A_926, %dma_start3A_927] : memref<50x4x128x8x128xf32, #tpu.memory_space<hbm>> -> memref<1x1x4x8x128xf32, #tpu.memory_space<hbm>>
      %dma_start3A_929 = tpu.memref_squeeze %dma_start3A_928 : memref<1x1x4x8x128xf32, #tpu.memory_space<hbm>> -> memref<4x8x128xf32, #tpu.memory_space<hbm>>
      %dma_start3A_930 = arith.constant 0 : i32
      %dma_start3A_931 = arith.constant 0 : i32
      %dma_start3A_932 = tpu.memref_slice %arg4[%scan3A_643, %dma_start3A_920, %mul3A_858, %dma_start3A_930, %dma_start3A_931] : memref<50x4x128x8x128xf32, #tpu.memory_space<hbm>> -> memref<1x1x4x8x128xf32, #tpu.memory_space<hbm>>
      %dma_start3A_933 = tpu.memref_squeeze %dma_start3A_932 : memref<1x1x4x8x128xf32, #tpu.memory_space<hbm>> -> memref<4x8x128xf32, #tpu.memory_space<hbm>>
      %dma_start3A_934 = arith.constant 0 : i32
      %dma_start3A_935 = arith.constant 0 : i32
      %dma_start3A_936 = arith.constant 0 : i32
      %dma_start3A_937 = tpu.memref_slice %arg7[%select_n3A_653, %dma_start3A_919, %dma_start3A_934, %dma_start3A_935, %dma_start3A_936] : memref<2x4x4x8x128xf32, #tpu.memory_space<vmem>> -> memref<1x1x4x8x128xf32, #tpu.memory_space<vmem>>
      %dma_start3A_938 = tpu.memref_squeeze %dma_start3A_937 : memref<1x1x4x8x128xf32, #tpu.memory_space<vmem>> -> memref<4x8x128xf32, #tpu.memory_space<vmem>>
      tpu.enqueue_dma source(%dma_start3A_938 : memref<4x8x128xf32, #tpu.memory_space<vmem>>) target(%dma_start3A_933 : memref<4x8x128xf32, #tpu.memory_space<hbm>>) target_semaphore(%arg9 : memref<!tpu.dma_semaphore, #tpu.memory_space<semaphore_mem>>)
    }
    %scan3A_293 = arith.constant 48 : i32
    %shift_right_logical3A_294 = arith.constant 49 : i32
    %shift_right_logical3A_295 = arith.constant 3 : i32
    %shift_right_logical3A_296 = arith.shrui %shift_right_logical3A_294, %shift_right_logical3A_295 : i32
    %rem3A_297 = arith.constant 49 : i32
    %rem3A_298 = arith.constant 8 : i32
    %rem3A_299 = arith.remsi %rem3A_297, %rem3A_298 : i32
    %dma_wait3A_300 = arith.constant 0 : i32
    %dma_wait3A_301 = arith.constant 1 : i32
    %dma_wait3A_302 = arith.constant 0 : i32
    %dma_wait3A_303 = arith.constant 0 : i32
    %dma_wait3A_304 = tpu.memref_slice %arg6[%dma_wait3A_301, %dma_wait3A_302, %dma_wait3A_303] : memref<2x512x32xf32, #tpu.memory_space<vmem>> -> memref<1x128x32xf32, #tpu.memory_space<vmem>>
    %dma_wait3A_305 = tpu.memref_squeeze %dma_wait3A_304 : memref<1x128x32xf32, #tpu.memory_space<vmem>> -> memref<128x32xf32, #tpu.memory_space<vmem>>
    %dma_wait3A_306 = arith.constant 0 : i32
    %dma_wait3A_307 = tpu.memref_slice %arg5[%shift_right_logical3A_296, %dma_wait3A_300, %rem3A_299, %dma_wait3A_306] : memref<7x4x8x128xi32, #tpu.memory_space<vmem>> -> memref<1x1x1x128xi32, #tpu.memory_space<vmem>>
    %dma_wait3A_308 = tpu.memref_squeeze %dma_wait3A_307 : memref<1x1x1x128xi32, #tpu.memory_space<vmem>> -> memref<128xi32, #tpu.memory_space<vmem>>
    %dma_wait3A_309 = arith.constant 0 : i32
    %dma_wait3A_310 = arith.constant 0 : i32
    %dma_wait3A_311 = tpu.memref_slice %arg3[%dma_wait3A_309, %dma_wait3A_310] : memref<1000000x32xf32, #tpu.memory_space<hbm>> -> memref<1000000x32xf32, #tpu.memory_space<hbm>>
    tpu.wait_indirect_dma semaphore(%arg8 : memref<!tpu.dma_semaphore, #tpu.memory_space<semaphore_mem>>) src(%dma_wait3A_311 : memref<1000000x32xf32, #tpu.memory_space<hbm>>) dst(%dma_wait3A_305 : memref<128x32xf32, #tpu.memory_space<vmem>>)
    %dma_wait3A_312 = arith.constant 1 : i32
    %dma_wait3A_313 = arith.constant 1 : i32
    %dma_wait3A_314 = arith.constant 128 : i32
    %dma_wait3A_315 = arith.constant 0 : i32
    %dma_wait3A_316 = tpu.memref_slice %arg6[%dma_wait3A_313, %dma_wait3A_314, %dma_wait3A_315] : memref<2x512x32xf32, #tpu.memory_space<vmem>> -> memref<1x128x32xf32, #tpu.memory_space<vmem>>
    %dma_wait3A_317 = tpu.memref_squeeze %dma_wait3A_316 : memref<1x128x32xf32, #tpu.memory_space<vmem>> -> memref<128x32xf32, #tpu.memory_space<vmem>>
    %dma_wait3A_318 = arith.constant 0 : i32
    %dma_wait3A_319 = tpu.memref_slice %arg5[%shift_right_logical3A_296, %dma_wait3A_312, %rem3A_299, %dma_wait3A_318] : memref<7x4x8x128xi32, #tpu.memory_space<vmem>> -> memref<1x1x1x128xi32, #tpu.memory_space<vmem>>
    %dma_wait3A_320 = tpu.memref_squeeze %dma_wait3A_319 : memref<1x1x1x128xi32, #tpu.memory_space<vmem>> -> memref<128xi32, #tpu.memory_space<vmem>>
    %dma_wait3A_321 = arith.constant 0 : i32
    %dma_wait3A_322 = arith.constant 0 : i32
    %dma_wait3A_323 = tpu.memref_slice %arg3[%dma_wait3A_321, %dma_wait3A_322] : memref<1000000x32xf32, #tpu.memory_space<hbm>> -> memref<1000000x32xf32, #tpu.memory_space<hbm>>
    tpu.wait_indirect_dma semaphore(%arg8 : memref<!tpu.dma_semaphore, #tpu.memory_space<semaphore_mem>>) src(%dma_wait3A_323 : memref<1000000x32xf32, #tpu.memory_space<hbm>>) dst(%dma_wait3A_317 : memref<128x32xf32, #tpu.memory_space<vmem>>)
    %dma_wait3A_324 = arith.constant 2 : i32
    %dma_wait3A_325 = arith.constant 1 : i32
    %dma_wait3A_326 = arith.constant 256 : i32
    %dma_wait3A_327 = arith.constant 0 : i32
    %dma_wait3A_328 = tpu.memref_slice %arg6[%dma_wait3A_325, %dma_wait3A_326, %dma_wait3A_327] : memref<2x512x32xf32, #tpu.memory_space<vmem>> -> memref<1x128x32xf32, #tpu.memory_space<vmem>>
    %dma_wait3A_329 = tpu.memref_squeeze %dma_wait3A_328 : memref<1x128x32xf32, #tpu.memory_space<vmem>> -> memref<128x32xf32, #tpu.memory_space<vmem>>
    %dma_wait3A_330 = arith.constant 0 : i32
    %dma_wait3A_331 = tpu.memref_slice %arg5[%shift_right_logical3A_296, %dma_wait3A_324, %rem3A_299, %dma_wait3A_330] : memref<7x4x8x128xi32, #tpu.memory_space<vmem>> -> memref<1x1x1x128xi32, #tpu.memory_space<vmem>>
    %dma_wait3A_332 = tpu.memref_squeeze %dma_wait3A_331 : memref<1x1x1x128xi32, #tpu.memory_space<vmem>> -> memref<128xi32, #tpu.memory_space<vmem>>
    %dma_wait3A_333 = arith.constant 0 : i32
    %dma_wait3A_334 = arith.constant 0 : i32
    %dma_wait3A_335 = tpu.memref_slice %arg3[%dma_wait3A_333, %dma_wait3A_334] : memref<1000000x32xf32, #tpu.memory_space<hbm>> -> memref<1000000x32xf32, #tpu.memory_space<hbm>>
    tpu.wait_indirect_dma semaphore(%arg8 : memref<!tpu.dma_semaphore, #tpu.memory_space<semaphore_mem>>) src(%dma_wait3A_335 : memref<1000000x32xf32, #tpu.memory_space<hbm>>) dst(%dma_wait3A_329 : memref<128x32xf32, #tpu.memory_space<vmem>>)
    %dma_wait3A_336 = arith.constant 3 : i32
    %dma_wait3A_337 = arith.constant 1 : i32
    %dma_wait3A_338 = arith.constant 384 : i32
    %dma_wait3A_339 = arith.constant 0 : i32
    %dma_wait3A_340 = tpu.memref_slice %arg6[%dma_wait3A_337, %dma_wait3A_338, %dma_wait3A_339] : memref<2x512x32xf32, #tpu.memory_space<vmem>> -> memref<1x128x32xf32, #tpu.memory_space<vmem>>
    %dma_wait3A_341 = tpu.memref_squeeze %dma_wait3A_340 : memref<1x128x32xf32, #tpu.memory_space<vmem>> -> memref<128x32xf32, #tpu.memory_space<vmem>>
    %dma_wait3A_342 = arith.constant 0 : i32
    %dma_wait3A_343 = tpu.memref_slice %arg5[%shift_right_logical3A_296, %dma_wait3A_336, %rem3A_299, %dma_wait3A_342] : memref<7x4x8x128xi32, #tpu.memory_space<vmem>> -> memref<1x1x1x128xi32, #tpu.memory_space<vmem>>
    %dma_wait3A_344 = tpu.memref_squeeze %dma_wait3A_343 : memref<1x1x1x128xi32, #tpu.memory_space<vmem>> -> memref<128xi32, #tpu.memory_space<vmem>>
    %dma_wait3A_345 = arith.constant 0 : i32
    %dma_wait3A_346 = arith.constant 0 : i32
    %dma_wait3A_347 = tpu.memref_slice %arg3[%dma_wait3A_345, %dma_wait3A_346] : memref<1000000x32xf32, #tpu.memory_space<hbm>> -> memref<1000000x32xf32, #tpu.memory_space<hbm>>
    tpu.wait_indirect_dma semaphore(%arg8 : memref<!tpu.dma_semaphore, #tpu.memory_space<semaphore_mem>>) src(%dma_wait3A_347 : memref<1000000x32xf32, #tpu.memory_space<hbm>>) dst(%dma_wait3A_341 : memref<128x32xf32, #tpu.memory_space<vmem>>)
    %mul3A_348 = arith.constant 4 : i32
    %mul3A_349 = arith.muli %add3A, %mul3A_348 : i32
    %mul3A_350 = arith.constant 4 : i32
    %mul3A_351 = arith.muli %add3A, %mul3A_350 : i32
    %mul3A_352 = arith.constant 4 : i32
    %mul3A_353 = arith.muli %add3A, %mul3A_352 : i32
    %mul3A_354 = arith.constant 4 : i32
    %mul3A_355 = arith.muli %add3A, %mul3A_354 : i32
    %dma_wait3A_356 = arith.constant 0 : i32
    %dma_wait3A_357 = arith.constant 0 : i32
    %dma_wait3A_358 = arith.constant 48 : i32
    %dma_wait3A_359 = arith.constant 0 : i32
    %dma_wait3A_360 = arith.constant 0 : i32
    %dma_wait3A_361 = arith.constant 0 : i32
    %dma_wait3A_362 = arith.constant 0 : i32
    %dma_wait3A_363 = tpu.memref_slice %arg7[%dma_wait3A_356, %dma_wait3A_357, %dma_wait3A_360, %dma_wait3A_361, %dma_wait3A_362] : memref<2x4x4x8x128xf32, #tpu.memory_space<vmem>> -> memref<1x1x4x8x128xf32, #tpu.memory_space<vmem>>
    %dma_wait3A_364 = tpu.memref_squeeze %dma_wait3A_363 : memref<1x1x4x8x128xf32, #tpu.memory_space<vmem>> -> memref<4x8x128xf32, #tpu.memory_space<vmem>>
    %dma_wait3A_365 = arith.constant 0 : i32
    %dma_wait3A_366 = arith.constant 0 : i32
    %dma_wait3A_367 = tpu.memref_slice %arg4[%dma_wait3A_358, %dma_wait3A_359, %mul3A_349, %dma_wait3A_365, %dma_wait3A_366] : memref<50x4x128x8x128xf32, #tpu.memory_space<hbm>> -> memref<1x1x4x8x128xf32, #tpu.memory_space<hbm>>
    %dma_wait3A_368 = tpu.memref_squeeze %dma_wait3A_367 : memref<1x1x4x8x128xf32, #tpu.memory_space<hbm>> -> memref<4x8x128xf32, #tpu.memory_space<hbm>>
    %dma_wait3A_369 = arith.constant 0 : i32
    %dma_wait3A_370 = arith.constant 0 : i32
    %dma_wait3A_371 = tpu.memref_slice %arg4[%dma_wait3A_358, %dma_wait3A_359, %mul3A_349, %dma_wait3A_369, %dma_wait3A_370] : memref<50x4x128x8x128xf32, #tpu.memory_space<hbm>> -> memref<1x1x4x8x128xf32, #tpu.memory_space<hbm>>
    %dma_wait3A_372 = tpu.memref_squeeze %dma_wait3A_371 : memref<1x1x4x8x128xf32, #tpu.memory_space<hbm>> -> memref<4x8x128xf32, #tpu.memory_space<hbm>>
    %dma_wait3A_373 = arith.constant 0 : i32
    %dma_wait3A_374 = arith.constant 0 : i32
    %dma_wait3A_375 = arith.constant 0 : i32
    %dma_wait3A_376 = tpu.memref_slice %arg7[%dma_wait3A_356, %dma_wait3A_357, %dma_wait3A_373, %dma_wait3A_374, %dma_wait3A_375] : memref<2x4x4x8x128xf32, #tpu.memory_space<vmem>> -> memref<1x1x4x8x128xf32, #tpu.memory_space<vmem>>
    %dma_wait3A_377 = tpu.memref_squeeze %dma_wait3A_376 : memref<1x1x4x8x128xf32, #tpu.memory_space<vmem>> -> memref<4x8x128xf32, #tpu.memory_space<vmem>>
    tpu.wait_dma2 semaphore(%arg9 : memref<!tpu.dma_semaphore, #tpu.memory_space<semaphore_mem>>) src(%dma_wait3A_377 : memref<4x8x128xf32, #tpu.memory_space<vmem>>) dst(%dma_wait3A_372 : memref<4x8x128xf32, #tpu.memory_space<hbm>>)
    %dma_wait3A_378 = arith.constant 0 : i32
    %dma_wait3A_379 = arith.constant 1 : i32
    %dma_wait3A_380 = arith.constant 48 : i32
    %dma_wait3A_381 = arith.constant 1 : i32
    %dma_wait3A_382 = arith.constant 0 : i32
    %dma_wait3A_383 = arith.constant 0 : i32
    %dma_wait3A_384 = arith.constant 0 : i32
    %dma_wait3A_385 = tpu.memref_slice %arg7[%dma_wait3A_378, %dma_wait3A_379, %dma_wait3A_382, %dma_wait3A_383, %dma_wait3A_384] : memref<2x4x4x8x128xf32, #tpu.memory_space<vmem>> -> memref<1x1x4x8x128xf32, #tpu.memory_space<vmem>>
    %dma_wait3A_386 = tpu.memref_squeeze %dma_wait3A_385 : memref<1x1x4x8x128xf32, #tpu.memory_space<vmem>> -> memref<4x8x128xf32, #tpu.memory_space<vmem>>
    %dma_wait3A_387 = arith.constant 0 : i32
    %dma_wait3A_388 = arith.constant 0 : i32
    %dma_wait3A_389 = tpu.memref_slice %arg4[%dma_wait3A_380, %dma_wait3A_381, %mul3A_351, %dma_wait3A_387, %dma_wait3A_388] : memref<50x4x128x8x128xf32, #tpu.memory_space<hbm>> -> memref<1x1x4x8x128xf32, #tpu.memory_space<hbm>>
    %dma_wait3A_390 = tpu.memref_squeeze %dma_wait3A_389 : memref<1x1x4x8x128xf32, #tpu.memory_space<hbm>> -> memref<4x8x128xf32, #tpu.memory_space<hbm>>
    %dma_wait3A_391 = arith.constant 0 : i32
    %dma_wait3A_392 = arith.constant 0 : i32
    %dma_wait3A_393 = tpu.memref_slice %arg4[%dma_wait3A_380, %dma_wait3A_381, %mul3A_351, %dma_wait3A_391, %dma_wait3A_392] : memref<50x4x128x8x128xf32, #tpu.memory_space<hbm>> -> memref<1x1x4x8x128xf32, #tpu.memory_space<hbm>>
    %dma_wait3A_394 = tpu.memref_squeeze %dma_wait3A_393 : memref<1x1x4x8x128xf32, #tpu.memory_space<hbm>> -> memref<4x8x128xf32, #tpu.memory_space<hbm>>
    %dma_wait3A_395 = arith.constant 0 : i32
    %dma_wait3A_396 = arith.constant 0 : i32
    %dma_wait3A_397 = arith.constant 0 : i32
    %dma_wait3A_398 = tpu.memref_slice %arg7[%dma_wait3A_378, %dma_wait3A_379, %dma_wait3A_395, %dma_wait3A_396, %dma_wait3A_397] : memref<2x4x4x8x128xf32, #tpu.memory_space<vmem>> -> memref<1x1x4x8x128xf32, #tpu.memory_space<vmem>>
    %dma_wait3A_399 = tpu.memref_squeeze %dma_wait3A_398 : memref<1x1x4x8x128xf32, #tpu.memory_space<vmem>> -> memref<4x8x128xf32, #tpu.memory_space<vmem>>
    tpu.wait_dma2 semaphore(%arg9 : memref<!tpu.dma_semaphore, #tpu.memory_space<semaphore_mem>>) src(%dma_wait3A_399 : memref<4x8x128xf32, #tpu.memory_space<vmem>>) dst(%dma_wait3A_394 : memref<4x8x128xf32, #tpu.memory_space<hbm>>)
    %dma_wait3A_400 = arith.constant 0 : i32
    %dma_wait3A_401 = arith.constant 2 : i32
    %dma_wait3A_402 = arith.constant 48 : i32
    %dma_wait3A_403 = arith.constant 2 : i32
    %dma_wait3A_404 = arith.constant 0 : i32
    %dma_wait3A_405 = arith.constant 0 : i32
    %dma_wait3A_406 = arith.constant 0 : i32
    %dma_wait3A_407 = tpu.memref_slice %arg7[%dma_wait3A_400, %dma_wait3A_401, %dma_wait3A_404, %dma_wait3A_405, %dma_wait3A_406] : memref<2x4x4x8x128xf32, #tpu.memory_space<vmem>> -> memref<1x1x4x8x128xf32, #tpu.memory_space<vmem>>
    %dma_wait3A_408 = tpu.memref_squeeze %dma_wait3A_407 : memref<1x1x4x8x128xf32, #tpu.memory_space<vmem>> -> memref<4x8x128xf32, #tpu.memory_space<vmem>>
    %dma_wait3A_409 = arith.constant 0 : i32
    %dma_wait3A_410 = arith.constant 0 : i32
    %dma_wait3A_411 = tpu.memref_slice %arg4[%dma_wait3A_402, %dma_wait3A_403, %mul3A_353, %dma_wait3A_409, %dma_wait3A_410] : memref<50x4x128x8x128xf32, #tpu.memory_space<hbm>> -> memref<1x1x4x8x128xf32, #tpu.memory_space<hbm>>
    %dma_wait3A_412 = tpu.memref_squeeze %dma_wait3A_411 : memref<1x1x4x8x128xf32, #tpu.memory_space<hbm>> -> memref<4x8x128xf32, #tpu.memory_space<hbm>>
    %dma_wait3A_413 = arith.constant 0 : i32
    %dma_wait3A_414 = arith.constant 0 : i32
    %dma_wait3A_415 = tpu.memref_slice %arg4[%dma_wait3A_402, %dma_wait3A_403, %mul3A_353, %dma_wait3A_413, %dma_wait3A_414] : memref<50x4x128x8x128xf32, #tpu.memory_space<hbm>> -> memref<1x1x4x8x128xf32, #tpu.memory_space<hbm>>
    %dma_wait3A_416 = tpu.memref_squeeze %dma_wait3A_415 : memref<1x1x4x8x128xf32, #tpu.memory_space<hbm>> -> memref<4x8x128xf32, #tpu.memory_space<hbm>>
    %dma_wait3A_417 = arith.constant 0 : i32
    %dma_wait3A_418 = arith.constant 0 : i32
    %dma_wait3A_419 = arith.constant 0 : i32
    %dma_wait3A_420 = tpu.memref_slice %arg7[%dma_wait3A_400, %dma_wait3A_401, %dma_wait3A_417, %dma_wait3A_418, %dma_wait3A_419] : memref<2x4x4x8x128xf32, #tpu.memory_space<vmem>> -> memref<1x1x4x8x128xf32, #tpu.memory_space<vmem>>
    %dma_wait3A_421 = tpu.memref_squeeze %dma_wait3A_420 : memref<1x1x4x8x128xf32, #tpu.memory_space<vmem>> -> memref<4x8x128xf32, #tpu.memory_space<vmem>>
    tpu.wait_dma2 semaphore(%arg9 : memref<!tpu.dma_semaphore, #tpu.memory_space<semaphore_mem>>) src(%dma_wait3A_421 : memref<4x8x128xf32, #tpu.memory_space<vmem>>) dst(%dma_wait3A_416 : memref<4x8x128xf32, #tpu.memory_space<hbm>>)
    %dma_wait3A_422 = arith.constant 0 : i32
    %dma_wait3A_423 = arith.constant 3 : i32
    %dma_wait3A_424 = arith.constant 48 : i32
    %dma_wait3A_425 = arith.constant 3 : i32
    %dma_wait3A_426 = arith.constant 0 : i32
    %dma_wait3A_427 = arith.constant 0 : i32
    %dma_wait3A_428 = arith.constant 0 : i32
    %dma_wait3A_429 = tpu.memref_slice %arg7[%dma_wait3A_422, %dma_wait3A_423, %dma_wait3A_426, %dma_wait3A_427, %dma_wait3A_428] : memref<2x4x4x8x128xf32, #tpu.memory_space<vmem>> -> memref<1x1x4x8x128xf32, #tpu.memory_space<vmem>>
    %dma_wait3A_430 = tpu.memref_squeeze %dma_wait3A_429 : memref<1x1x4x8x128xf32, #tpu.memory_space<vmem>> -> memref<4x8x128xf32, #tpu.memory_space<vmem>>
    %dma_wait3A_431 = arith.constant 0 : i32
    %dma_wait3A_432 = arith.constant 0 : i32
    %dma_wait3A_433 = tpu.memref_slice %arg4[%dma_wait3A_424, %dma_wait3A_425, %mul3A_355, %dma_wait3A_431, %dma_wait3A_432] : memref<50x4x128x8x128xf32, #tpu.memory_space<hbm>> -> memref<1x1x4x8x128xf32, #tpu.memory_space<hbm>>
    %dma_wait3A_434 = tpu.memref_squeeze %dma_wait3A_433 : memref<1x1x4x8x128xf32, #tpu.memory_space<hbm>> -> memref<4x8x128xf32, #tpu.memory_space<hbm>>
    %dma_wait3A_435 = arith.constant 0 : i32
    %dma_wait3A_436 = arith.constant 0 : i32
    %dma_wait3A_437 = tpu.memref_slice %arg4[%dma_wait3A_424, %dma_wait3A_425, %mul3A_355, %dma_wait3A_435, %dma_wait3A_436] : memref<50x4x128x8x128xf32, #tpu.memory_space<hbm>> -> memref<1x1x4x8x128xf32, #tpu.memory_space<hbm>>
    %dma_wait3A_438 = tpu.memref_squeeze %dma_wait3A_437 : memref<1x1x4x8x128xf32, #tpu.memory_space<hbm>> -> memref<4x8x128xf32, #tpu.memory_space<hbm>>
    %dma_wait3A_439 = arith.constant 0 : i32
    %dma_wait3A_440 = arith.constant 0 : i32
    %dma_wait3A_441 = arith.constant 0 : i32
    %dma_wait3A_442 = tpu.memref_slice %arg7[%dma_wait3A_422, %dma_wait3A_423, %dma_wait3A_439, %dma_wait3A_440, %dma_wait3A_441] : memref<2x4x4x8x128xf32, #tpu.memory_space<vmem>> -> memref<1x1x4x8x128xf32, #tpu.memory_space<vmem>>
    %dma_wait3A_443 = tpu.memref_squeeze %dma_wait3A_442 : memref<1x1x4x8x128xf32, #tpu.memory_space<vmem>> -> memref<4x8x128xf32, #tpu.memory_space<vmem>>
    tpu.wait_dma2 semaphore(%arg9 : memref<!tpu.dma_semaphore, #tpu.memory_space<semaphore_mem>>) src(%dma_wait3A_443 : memref<4x8x128xf32, #tpu.memory_space<vmem>>) dst(%dma_wait3A_438 : memref<4x8x128xf32, #tpu.memory_space<hbm>>)
    %scan3A_444 = arith.constant 0 : i32
    %scan3A_445 = arith.constant 1 : i32
    %scan3A_446 = arith.constant 0 : i32
    %scan3A_447 = arith.constant 32 : i32
    %scan3A_448 = arith.addi %scan3A_446, %scan3A_447 : i32
    %scan3A_449 = arith.constant 1 : i32
    scf.for %scan3A_643 = %scan3A_446 to %scan3A_448 step %scan3A_449  : i32 {
      %shift_right_logical3A_644 = arith.constant 3 : i32
      %shift_right_logical3A_645 = arith.shrui %scan3A_643, %shift_right_logical3A_644 : i32
      %rem3A_646 = arith.constant 8 : i32
      %rem3A_647 = arith.remsi %scan3A_643, %rem3A_646 : i32
      %broadcast_in_dim3A = vector.broadcast %scan3A_643 : i32 to vector<16xi32>
      %add3A_648 = arith.constant 0 : i32
      %add3A_649 = vector.broadcast %add3A_648 : i32 to vector<16xi32>
      %add3A_650 = arith.addi %add3A_649, %iota3A : vector<16xi32>
      %gather3A = arith.constant 0 : i32
      %gather3A_651 = arith.constant 0 : i32
      %gather3A_652 = tpu.memref_slice %arg6[%scan3A_445, %gather3A, %gather3A_651] : memref<2x512x32xf32, #tpu.memory_space<vmem>> -> memref<1x512x32xf32, #tpu.memory_space<vmem>>
      %gather3A_653 = tpu.memref_squeeze %gather3A_652 : memref<1x512x32xf32, #tpu.memory_space<vmem>> -> memref<512x32xf32, #tpu.memory_space<vmem>>
      %gather3A_654 = tpu.vector_load_idx %gather3A_653[%add3A_650, %broadcast_in_dim3A] : memref<512x32xf32, #tpu.memory_space<vmem>>[vector<16xi32>, vector<16xi32>], vector<16xf32>,
      %swap3A = arith.constant 1 : i32
      %swap3A_655 = arith.constant 0 : i32
      %swap3A_656 = arith.index_cast %swap3A : i32 to index
      %swap3A_657 = arith.index_cast %shift_right_logical3A_645 : i32 to index
      %swap3A_658 = arith.index_cast %swap3A_655 : i32 to index
      %swap3A_659 = arith.index_cast %rem3A_647 : i32 to index
      %swap3A_660 = arith.constant 0 : index
      %swap3A_661 = tpu.vector_load %arg7[%swap3A_656, %swap3A_657, %swap3A_658, %swap3A_659, %swap3A_660] {strides = array<i32>} : memref<2x4x4x8x128xf32, #tpu.memory_space<vmem>>, vector<16xf32>,
      tpu.vector_store %arg7[%swap3A_656, %swap3A_657, %swap3A_658, %swap3A_659, %swap3A_660], %gather3A_654 {strides = array<i32>} : memref<2x4x4x8x128xf32, #tpu.memory_space<vmem>>, vector<16xf32>,
      %add3A_662 = arith.constant 16 : i32
      %add3A_663 = vector.broadcast %add3A_662 : i32 to vector<16xi32>
      %add3A_664 = arith.addi %add3A_663, %iota3A : vector<16xi32>
      %gather3A_665 = arith.constant 0 : i32
      %gather3A_666 = arith.constant 0 : i32
      %gather3A_667 = tpu.memref_slice %arg6[%scan3A_445, %gather3A_665, %gather3A_666] : memref<2x512x32xf32, #tpu.memory_space<vmem>> -> memref<1x512x32xf32, #tpu.memory_space<vmem>>
      %gather3A_668 = tpu.memref_squeeze %gather3A_667 : memref<1x512x32xf32, #tpu.memory_space<vmem>> -> memref<512x32xf32, #tpu.memory_space<vmem>>
      %gather3A_669 = tpu.vector_load_idx %gather3A_668[%add3A_664, %broadcast_in_dim3A] : memref<512x32xf32, #tpu.memory_space<vmem>>[vector<16xi32>, vector<16xi32>], vector<16xf32>,
      %swap3A_670 = arith.constant 1 : i32
      %swap3A_671 = arith.constant 0 : i32
      %swap3A_672 = arith.index_cast %swap3A_670 : i32 to index
      %swap3A_673 = arith.index_cast %shift_right_logical3A_645 : i32 to index
      %swap3A_674 = arith.index_cast %swap3A_671 : i32 to index
      %swap3A_675 = arith.index_cast %rem3A_647 : i32 to index
      %swap3A_676 = arith.constant 16 : index
      %swap3A_677 = tpu.vector_load %arg7[%swap3A_672, %swap3A_673, %swap3A_674, %swap3A_675, %swap3A_676] {strides = array<i32>} : memref<2x4x4x8x128xf32, #tpu.memory_space<vmem>>, vector<16xf32>,
      tpu.vector_store %arg7[%swap3A_672, %swap3A_673, %swap3A_674, %swap3A_675, %swap3A_676], %gather3A_669 {strides = array<i32>} : memref<2x4x4x8x128xf32, #tpu.memory_space<vmem>>, vector<16xf32>,
      %add3A_678 = arith.constant 32 : i32
      %add3A_679 = vector.broadcast %add3A_678 : i32 to vector<16xi32>
      %add3A_680 = arith.addi %add3A_679, %iota3A : vector<16xi32>
      %gather3A_681 = arith.constant 0 : i32
      %gather3A_682 = arith.constant 0 : i32
      %gather3A_683 = tpu.memref_slice %arg6[%scan3A_445, %gather3A_681, %gather3A_682] : memref<2x512x32xf32, #tpu.memory_space<vmem>> -> memref<1x512x32xf32, #tpu.memory_space<vmem>>
      %gather3A_684 = tpu.memref_squeeze %gather3A_683 : memref<1x512x32xf32, #tpu.memory_space<vmem>> -> memref<512x32xf32, #tpu.memory_space<vmem>>
      %gather3A_685 = tpu.vector_load_idx %gather3A_684[%add3A_680, %broadcast_in_dim3A] : memref<512x32xf32, #tpu.memory_space<vmem>>[vector<16xi32>, vector<16xi32>], vector<16xf32>,
      %swap3A_686 = arith.constant 1 : i32
      %swap3A_687 = arith.constant 0 : i32
      %swap3A_688 = arith.index_cast %swap3A_686 : i32 to index
      %swap3A_689 = arith.index_cast %shift_right_logical3A_645 : i32 to index
      %swap3A_690 = arith.index_cast %swap3A_687 : i32 to index
      %swap3A_691 = arith.index_cast %rem3A_647 : i32 to index
      %swap3A_692 = arith.constant 32 : index
      %swap3A_693 = tpu.vector_load %arg7[%swap3A_688, %swap3A_689, %swap3A_690, %swap3A_691, %swap3A_692] {strides = array<i32>} : memref<2x4x4x8x128xf32, #tpu.memory_space<vmem>>, vector<16xf32>,
      tpu.vector_store %arg7[%swap3A_688, %swap3A_689, %swap3A_690, %swap3A_691, %swap3A_692], %gather3A_685 {strides = array<i32>} : memref<2x4x4x8x128xf32, #tpu.memory_space<vmem>>, vector<16xf32>,
      %add3A_694 = arith.constant 48 : i32
      %add3A_695 = vector.broadcast %add3A_694 : i32 to vector<16xi32>
      %add3A_696 = arith.addi %add3A_695, %iota3A : vector<16xi32>
      %gather3A_697 = arith.constant 0 : i32
      %gather3A_698 = arith.constant 0 : i32
      %gather3A_699 = tpu.memref_slice %arg6[%scan3A_445, %gather3A_697, %gather3A_698] : memref<2x512x32xf32, #tpu.memory_space<vmem>> -> memref<1x512x32xf32, #tpu.memory_space<vmem>>
      %gather3A_700 = tpu.memref_squeeze %gather3A_699 : memref<1x512x32xf32, #tpu.memory_space<vmem>> -> memref<512x32xf32, #tpu.memory_space<vmem>>
      %gather3A_701 = tpu.vector_load_idx %gather3A_700[%add3A_696, %broadcast_in_dim3A] : memref<512x32xf32, #tpu.memory_space<vmem>>[vector<16xi32>, vector<16xi32>], vector<16xf32>,
      %swap3A_702 = arith.constant 1 : i32
      %swap3A_703 = arith.constant 0 : i32
      %swap3A_704 = arith.index_cast %swap3A_702 : i32 to index
      %swap3A_705 = arith.index_cast %shift_right_logical3A_645 : i32 to index
      %swap3A_706 = arith.index_cast %swap3A_703 : i32 to index
      %swap3A_707 = arith.index_cast %rem3A_647 : i32 to index
      %swap3A_708 = arith.constant 48 : index
      %swap3A_709 = tpu.vector_load %arg7[%swap3A_704, %swap3A_705, %swap3A_706, %swap3A_707, %swap3A_708] {strides = array<i32>} : memref<2x4x4x8x128xf32, #tpu.memory_space<vmem>>, vector<16xf32>,
      tpu.vector_store %arg7[%swap3A_704, %swap3A_705, %swap3A_706, %swap3A_707, %swap3A_708], %gather3A_701 {strides = array<i32>} : memref<2x4x4x8x128xf32, #tpu.memory_space<vmem>>, vector<16xf32>,
      %add3A_710 = arith.constant 64 : i32
      %add3A_711 = vector.broadcast %add3A_710 : i32 to vector<16xi32>
      %add3A_712 = arith.addi %add3A_711, %iota3A : vector<16xi32>
      %gather3A_713 = arith.constant 0 : i32
      %gather3A_714 = arith.constant 0 : i32
      %gather3A_715 = tpu.memref_slice %arg6[%scan3A_445, %gather3A_713, %gather3A_714] : memref<2x512x32xf32, #tpu.memory_space<vmem>> -> memref<1x512x32xf32, #tpu.memory_space<vmem>>
      %gather3A_716 = tpu.memref_squeeze %gather3A_715 : memref<1x512x32xf32, #tpu.memory_space<vmem>> -> memref<512x32xf32, #tpu.memory_space<vmem>>
      %gather3A_717 = tpu.vector_load_idx %gather3A_716[%add3A_712, %broadcast_in_dim3A] : memref<512x32xf32, #tpu.memory_space<vmem>>[vector<16xi32>, vector<16xi32>], vector<16xf32>,
      %swap3A_718 = arith.constant 1 : i32
      %swap3A_719 = arith.constant 0 : i32
      %swap3A_720 = arith.index_cast %swap3A_718 : i32 to index
      %swap3A_721 = arith.index_cast %shift_right_logical3A_645 : i32 to index
      %swap3A_722 = arith.index_cast %swap3A_719 : i32 to index
      %swap3A_723 = arith.index_cast %rem3A_647 : i32 to index
      %swap3A_724 = arith.constant 64 : index
      %swap3A_725 = tpu.vector_load %arg7[%swap3A_720, %swap3A_721, %swap3A_722, %swap3A_723, %swap3A_724] {strides = array<i32>} : memref<2x4x4x8x128xf32, #tpu.memory_space<vmem>>, vector<16xf32>,
      tpu.vector_store %arg7[%swap3A_720, %swap3A_721, %swap3A_722, %swap3A_723, %swap3A_724], %gather3A_717 {strides = array<i32>} : memref<2x4x4x8x128xf32, #tpu.memory_space<vmem>>, vector<16xf32>,
      %add3A_726 = arith.constant 80 : i32
      %add3A_727 = vector.broadcast %add3A_726 : i32 to vector<16xi32>
      %add3A_728 = arith.addi %add3A_727, %iota3A : vector<16xi32>
      %gather3A_729 = arith.constant 0 : i32
      %gather3A_730 = arith.constant 0 : i32
      %gather3A_731 = tpu.memref_slice %arg6[%scan3A_445, %gather3A_729, %gather3A_730] : memref<2x512x32xf32, #tpu.memory_space<vmem>> -> memref<1x512x32xf32, #tpu.memory_space<vmem>>
      %gather3A_732 = tpu.memref_squeeze %gather3A_731 : memref<1x512x32xf32, #tpu.memory_space<vmem>> -> memref<512x32xf32, #tpu.memory_space<vmem>>
      %gather3A_733 = tpu.vector_load_idx %gather3A_732[%add3A_728, %broadcast_in_dim3A] : memref<512x32xf32, #tpu.memory_space<vmem>>[vector<16xi32>, vector<16xi32>], vector<16xf32>,
      %swap3A_734 = arith.constant 1 : i32
      %swap3A_735 = arith.constant 0 : i32
      %swap3A_736 = arith.index_cast %swap3A_734 : i32 to index
      %swap3A_737 = arith.index_cast %shift_right_logical3A_645 : i32 to index
      %swap3A_738 = arith.index_cast %swap3A_735 : i32 to index
      %swap3A_739 = arith.index_cast %rem3A_647 : i32 to index
      %swap3A_740 = arith.constant 80 : index
      %swap3A_741 = tpu.vector_load %arg7[%swap3A_736, %swap3A_737, %swap3A_738, %swap3A_739, %swap3A_740] {strides = array<i32>} : memref<2x4x4x8x128xf32, #tpu.memory_space<vmem>>, vector<16xf32>,
      tpu.vector_store %arg7[%swap3A_736, %swap3A_737, %swap3A_738, %swap3A_739, %swap3A_740], %gather3A_733 {strides = array<i32>} : memref<2x4x4x8x128xf32, #tpu.memory_space<vmem>>, vector<16xf32>,
      %add3A_742 = arith.constant 96 : i32
      %add3A_743 = vector.broadcast %add3A_742 : i32 to vector<16xi32>
      %add3A_744 = arith.addi %add3A_743, %iota3A : vector<16xi32>
      %gather3A_745 = arith.constant 0 : i32
      %gather3A_746 = arith.constant 0 : i32
      %gather3A_747 = tpu.memref_slice %arg6[%scan3A_445, %gather3A_745, %gather3A_746] : memref<2x512x32xf32, #tpu.memory_space<vmem>> -> memref<1x512x32xf32, #tpu.memory_space<vmem>>
      %gather3A_748 = tpu.memref_squeeze %gather3A_747 : memref<1x512x32xf32, #tpu.memory_space<vmem>> -> memref<512x32xf32, #tpu.memory_space<vmem>>
      %gather3A_749 = tpu.vector_load_idx %gather3A_748[%add3A_744, %broadcast_in_dim3A] : memref<512x32xf32, #tpu.memory_space<vmem>>[vector<16xi32>, vector<16xi32>], vector<16xf32>,
      %swap3A_750 = arith.constant 1 : i32
      %swap3A_751 = arith.constant 0 : i32
      %swap3A_752 = arith.index_cast %swap3A_750 : i32 to index
      %swap3A_753 = arith.index_cast %shift_right_logical3A_645 : i32 to index
      %swap3A_754 = arith.index_cast %swap3A_751 : i32 to index
      %swap3A_755 = arith.index_cast %rem3A_647 : i32 to index
      %swap3A_756 = arith.constant 96 : index
      %swap3A_757 = tpu.vector_load %arg7[%swap3A_752, %swap3A_753, %swap3A_754, %swap3A_755, %swap3A_756] {strides = array<i32>} : memref<2x4x4x8x128xf32, #tpu.memory_space<vmem>>, vector<16xf32>,
      tpu.vector_store %arg7[%swap3A_752, %swap3A_753, %swap3A_754, %swap3A_755, %swap3A_756], %gather3A_749 {strides = array<i32>} : memref<2x4x4x8x128xf32, #tpu.memory_space<vmem>>, vector<16xf32>,
      %add3A_758 = arith.constant 112 : i32
      %add3A_759 = vector.broadcast %add3A_758 : i32 to vector<16xi32>
      %add3A_760 = arith.addi %add3A_759, %iota3A : vector<16xi32>
      %gather3A_761 = arith.constant 0 : i32
      %gather3A_762 = arith.constant 0 : i32
      %gather3A_763 = tpu.memref_slice %arg6[%scan3A_445, %gather3A_761, %gather3A_762] : memref<2x512x32xf32, #tpu.memory_space<vmem>> -> memref<1x512x32xf32, #tpu.memory_space<vmem>>
      %gather3A_764 = tpu.memref_squeeze %gather3A_763 : memref<1x512x32xf32, #tpu.memory_space<vmem>> -> memref<512x32xf32, #tpu.memory_space<vmem>>
      %gather3A_765 = tpu.vector_load_idx %gather3A_764[%add3A_760, %broadcast_in_dim3A] : memref<512x32xf32, #tpu.memory_space<vmem>>[vector<16xi32>, vector<16xi32>], vector<16xf32>,
      %swap3A_766 = arith.constant 1 : i32
      %swap3A_767 = arith.constant 0 : i32
      %swap3A_768 = arith.index_cast %swap3A_766 : i32 to index
      %swap3A_769 = arith.index_cast %shift_right_logical3A_645 : i32 to index
      %swap3A_770 = arith.index_cast %swap3A_767 : i32 to index
      %swap3A_771 = arith.index_cast %rem3A_647 : i32 to index
      %swap3A_772 = arith.constant 112 : index
      %swap3A_773 = tpu.vector_load %arg7[%swap3A_768, %swap3A_769, %swap3A_770, %swap3A_771, %swap3A_772] {strides = array<i32>} : memref<2x4x4x8x128xf32, #tpu.memory_space<vmem>>, vector<16xf32>,
      tpu.vector_store %arg7[%swap3A_768, %swap3A_769, %swap3A_770, %swap3A_771, %swap3A_772], %gather3A_765 {strides = array<i32>} : memref<2x4x4x8x128xf32, #tpu.memory_space<vmem>>, vector<16xf32>,
      %add3A_774 = arith.constant 128 : i32
      %add3A_775 = vector.broadcast %add3A_774 : i32 to vector<16xi32>
      %add3A_776 = arith.addi %add3A_775, %iota3A : vector<16xi32>
      %gather3A_777 = arith.constant 0 : i32
      %gather3A_778 = arith.constant 0 : i32
      %gather3A_779 = tpu.memref_slice %arg6[%scan3A_445, %gather3A_777, %gather3A_778] : memref<2x512x32xf32, #tpu.memory_space<vmem>> -> memref<1x512x32xf32, #tpu.memory_space<vmem>>
      %gather3A_780 = tpu.memref_squeeze %gather3A_779 : memref<1x512x32xf32, #tpu.memory_space<vmem>> -> memref<512x32xf32, #tpu.memory_space<vmem>>
      %gather3A_781 = tpu.vector_load_idx %gather3A_780[%add3A_776, %broadcast_in_dim3A] : memref<512x32xf32, #tpu.memory_space<vmem>>[vector<16xi32>, vector<16xi32>], vector<16xf32>,
      %swap3A_782 = arith.constant 1 : i32
      %swap3A_783 = arith.constant 1 : i32
      %swap3A_784 = arith.index_cast %swap3A_782 : i32 to index
      %swap3A_785 = arith.index_cast %shift_right_logical3A_645 : i32 to index
      %swap3A_786 = arith.index_cast %swap3A_783 : i32 to index
      %swap3A_787 = arith.index_cast %rem3A_647 : i32 to index
      %swap3A_788 = arith.constant 0 : index
      %swap3A_789 = tpu.vector_load %arg7[%swap3A_784, %swap3A_785, %swap3A_786, %swap3A_787, %swap3A_788] {strides = array<i32>} : memref<2x4x4x8x128xf32, #tpu.memory_space<vmem>>, vector<16xf32>,
      tpu.vector_store %arg7[%swap3A_784, %swap3A_785, %swap3A_786, %swap3A_787, %swap3A_788], %gather3A_781 {strides = array<i32>} : memref<2x4x4x8x128xf32, #tpu.memory_space<vmem>>, vector<16xf32>,
      %add3A_790 = arith.constant 144 : i32
      %add3A_791 = vector.broadcast %add3A_790 : i32 to vector<16xi32>
      %add3A_792 = arith.addi %add3A_791, %iota3A : vector<16xi32>
      %gather3A_793 = arith.constant 0 : i32
      %gather3A_794 = arith.constant 0 : i32
      %gather3A_795 = tpu.memref_slice %arg6[%scan3A_445, %gather3A_793, %gather3A_794] : memref<2x512x32xf32, #tpu.memory_space<vmem>> -> memref<1x512x32xf32, #tpu.memory_space<vmem>>
      %gather3A_796 = tpu.memref_squeeze %gather3A_795 : memref<1x512x32xf32, #tpu.memory_space<vmem>> -> memref<512x32xf32, #tpu.memory_space<vmem>>
      %gather3A_797 = tpu.vector_load_idx %gather3A_796[%add3A_792, %broadcast_in_dim3A] : memref<512x32xf32, #tpu.memory_space<vmem>>[vector<16xi32>, vector<16xi32>], vector<16xf32>,
      %swap3A_798 = arith.constant 1 : i32
      %swap3A_799 = arith.constant 1 : i32
      %swap3A_800 = arith.index_cast %swap3A_798 : i32 to index
      %swap3A_801 = arith.index_cast %shift_right_logical3A_645 : i32 to index
      %swap3A_802 = arith.index_cast %swap3A_799 : i32 to index
      %swap3A_803 = arith.index_cast %rem3A_647 : i32 to index
      %swap3A_804 = arith.constant 16 : index
      %swap3A_805 = tpu.vector_load %arg7[%swap3A_800, %swap3A_801, %swap3A_802, %swap3A_803, %swap3A_804] {strides = array<i32>} : memref<2x4x4x8x128xf32, #tpu.memory_space<vmem>>, vector<16xf32>,
      tpu.vector_store %arg7[%swap3A_800, %swap3A_801, %swap3A_802, %swap3A_803, %swap3A_804], %gather3A_797 {strides = array<i32>} : memref<2x4x4x8x128xf32, #tpu.memory_space<vmem>>, vector<16xf32>,
      %add3A_806 = arith.constant 160 : i32
      %add3A_807 = vector.broadcast %add3A_806 : i32 to vector<16xi32>
      %add3A_808 = arith.addi %add3A_807, %iota3A : vector<16xi32>
      %gather3A_809 = arith.constant 0 : i32
      %gather3A_810 = arith.constant 0 : i32
      %gather3A_811 = tpu.memref_slice %arg6[%scan3A_445, %gather3A_809, %gather3A_810] : memref<2x512x32xf32, #tpu.memory_space<vmem>> -> memref<1x512x32xf32, #tpu.memory_space<vmem>>
      %gather3A_812 = tpu.memref_squeeze %gather3A_811 : memref<1x512x32xf32, #tpu.memory_space<vmem>> -> memref<512x32xf32, #tpu.memory_space<vmem>>
      %gather3A_813 = tpu.vector_load_idx %gather3A_812[%add3A_808, %broadcast_in_dim3A] : memref<512x32xf32, #tpu.memory_space<vmem>>[vector<16xi32>, vector<16xi32>], vector<16xf32>,
      %swap3A_814 = arith.constant 1 : i32
      %swap3A_815 = arith.constant 1 : i32
      %swap3A_816 = arith.index_cast %swap3A_814 : i32 to index
      %swap3A_817 = arith.index_cast %shift_right_logical3A_645 : i32 to index
      %swap3A_818 = arith.index_cast %swap3A_815 : i32 to index
      %swap3A_819 = arith.index_cast %rem3A_647 : i32 to index
      %swap3A_820 = arith.constant 32 : index
      %swap3A_821 = tpu.vector_load %arg7[%swap3A_816, %swap3A_817, %swap3A_818, %swap3A_819, %swap3A_820] {strides = array<i32>} : memref<2x4x4x8x128xf32, #tpu.memory_space<vmem>>, vector<16xf32>,
      tpu.vector_store %arg7[%swap3A_816, %swap3A_817, %swap3A_818, %swap3A_819, %swap3A_820], %gather3A_813 {strides = array<i32>} : memref<2x4x4x8x128xf32, #tpu.memory_space<vmem>>, vector<16xf32>,
      %add3A_822 = arith.constant 176 : i32
      %add3A_823 = vector.broadcast %add3A_822 : i32 to vector<16xi32>
      %add3A_824 = arith.addi %add3A_823, %iota3A : vector<16xi32>
      %gather3A_825 = arith.constant 0 : i32
      %gather3A_826 = arith.constant 0 : i32
      %gather3A_827 = tpu.memref_slice %arg6[%scan3A_445, %gather3A_825, %gather3A_826] : memref<2x512x32xf32, #tpu.memory_space<vmem>> -> memref<1x512x32xf32, #tpu.memory_space<vmem>>
      %gather3A_828 = tpu.memref_squeeze %gather3A_827 : memref<1x512x32xf32, #tpu.memory_space<vmem>> -> memref<512x32xf32, #tpu.memory_space<vmem>>
      %gather3A_829 = tpu.vector_load_idx %gather3A_828[%add3A_824, %broadcast_in_dim3A] : memref<512x32xf32, #tpu.memory_space<vmem>>[vector<16xi32>, vector<16xi32>], vector<16xf32>,
      %swap3A_830 = arith.constant 1 : i32
      %swap3A_831 = arith.constant 1 : i32
      %swap3A_832 = arith.index_cast %swap3A_830 : i32 to index
      %swap3A_833 = arith.index_cast %shift_right_logical3A_645 : i32 to index
      %swap3A_834 = arith.index_cast %swap3A_831 : i32 to index
      %swap3A_835 = arith.index_cast %rem3A_647 : i32 to index
      %swap3A_836 = arith.constant 48 : index
      %swap3A_837 = tpu.vector_load %arg7[%swap3A_832, %swap3A_833, %swap3A_834, %swap3A_835, %swap3A_836] {strides = array<i32>} : memref<2x4x4x8x128xf32, #tpu.memory_space<vmem>>, vector<16xf32>,
      tpu.vector_store %arg7[%swap3A_832, %swap3A_833, %swap3A_834, %swap3A_835, %swap3A_836], %gather3A_829 {strides = array<i32>} : memref<2x4x4x8x128xf32, #tpu.memory_space<vmem>>, vector<16xf32>,
      %add3A_838 = arith.constant 192 : i32
      %add3A_839 = vector.broadcast %add3A_838 : i32 to vector<16xi32>
      %add3A_840 = arith.addi %add3A_839, %iota3A : vector<16xi32>
      %gather3A_841 = arith.constant 0 : i32
      %gather3A_842 = arith.constant 0 : i32
      %gather3A_843 = tpu.memref_slice %arg6[%scan3A_445, %gather3A_841, %gather3A_842] : memref<2x512x32xf32, #tpu.memory_space<vmem>> -> memref<1x512x32xf32, #tpu.memory_space<vmem>>
      %gather3A_844 = tpu.memref_squeeze %gather3A_843 : memref<1x512x32xf32, #tpu.memory_space<vmem>> -> memref<512x32xf32, #tpu.memory_space<vmem>>
      %gather3A_845 = tpu.vector_load_idx %gather3A_844[%add3A_840, %broadcast_in_dim3A] : memref<512x32xf32, #tpu.memory_space<vmem>>[vector<16xi32>, vector<16xi32>], vector<16xf32>,
      %swap3A_846 = arith.constant 1 : i32
      %swap3A_847 = arith.constant 1 : i32
      %swap3A_848 = arith.index_cast %swap3A_846 : i32 to index
      %swap3A_849 = arith.index_cast %shift_right_logical3A_645 : i32 to index
      %swap3A_850 = arith.index_cast %swap3A_847 : i32 to index
      %swap3A_851 = arith.index_cast %rem3A_647 : i32 to index
      %swap3A_852 = arith.constant 64 : index
      %swap3A_853 = tpu.vector_load %arg7[%swap3A_848, %swap3A_849, %swap3A_850, %swap3A_851, %swap3A_852] {strides = array<i32>} : memref<2x4x4x8x128xf32, #tpu.memory_space<vmem>>, vector<16xf32>,
      tpu.vector_store %arg7[%swap3A_848, %swap3A_849, %swap3A_850, %swap3A_851, %swap3A_852], %gather3A_845 {strides = array<i32>} : memref<2x4x4x8x128xf32, #tpu.memory_space<vmem>>, vector<16xf32>,
      %add3A_854 = arith.constant 208 : i32
      %add3A_855 = vector.broadcast %add3A_854 : i32 to vector<16xi32>
      %add3A_856 = arith.addi %add3A_855, %iota3A : vector<16xi32>
      %gather3A_857 = arith.constant 0 : i32
      %gather3A_858 = arith.constant 0 : i32
      %gather3A_859 = tpu.memref_slice %arg6[%scan3A_445, %gather3A_857, %gather3A_858] : memref<2x512x32xf32, #tpu.memory_space<vmem>> -> memref<1x512x32xf32, #tpu.memory_space<vmem>>
      %gather3A_860 = tpu.memref_squeeze %gather3A_859 : memref<1x512x32xf32, #tpu.memory_space<vmem>> -> memref<512x32xf32, #tpu.memory_space<vmem>>
      %gather3A_861 = tpu.vector_load_idx %gather3A_860[%add3A_856, %broadcast_in_dim3A] : memref<512x32xf32, #tpu.memory_space<vmem>>[vector<16xi32>, vector<16xi32>], vector<16xf32>,
      %swap3A_862 = arith.constant 1 : i32
      %swap3A_863 = arith.constant 1 : i32
      %swap3A_864 = arith.index_cast %swap3A_862 : i32 to index
      %swap3A_865 = arith.index_cast %shift_right_logical3A_645 : i32 to index
      %swap3A_866 = arith.index_cast %swap3A_863 : i32 to index
      %swap3A_867 = arith.index_cast %rem3A_647 : i32 to index
      %swap3A_868 = arith.constant 80 : index
      %swap3A_869 = tpu.vector_load %arg7[%swap3A_864, %swap3A_865, %swap3A_866, %swap3A_867, %swap3A_868] {strides = array<i32>} : memref<2x4x4x8x128xf32, #tpu.memory_space<vmem>>, vector<16xf32>,
      tpu.vector_store %arg7[%swap3A_864, %swap3A_865, %swap3A_866, %swap3A_867, %swap3A_868], %gather3A_861 {strides = array<i32>} : memref<2x4x4x8x128xf32, #tpu.memory_space<vmem>>, vector<16xf32>,
      %add3A_870 = arith.constant 224 : i32
      %add3A_871 = vector.broadcast %add3A_870 : i32 to vector<16xi32>
      %add3A_872 = arith.addi %add3A_871, %iota3A : vector<16xi32>
      %gather3A_873 = arith.constant 0 : i32
      %gather3A_874 = arith.constant 0 : i32
      %gather3A_875 = tpu.memref_slice %arg6[%scan3A_445, %gather3A_873, %gather3A_874] : memref<2x512x32xf32, #tpu.memory_space<vmem>> -> memref<1x512x32xf32, #tpu.memory_space<vmem>>
      %gather3A_876 = tpu.memref_squeeze %gather3A_875 : memref<1x512x32xf32, #tpu.memory_space<vmem>> -> memref<512x32xf32, #tpu.memory_space<vmem>>
      %gather3A_877 = tpu.vector_load_idx %gather3A_876[%add3A_872, %broadcast_in_dim3A] : memref<512x32xf32, #tpu.memory_space<vmem>>[vector<16xi32>, vector<16xi32>], vector<16xf32>,
      %swap3A_878 = arith.constant 1 : i32
      %swap3A_879 = arith.constant 1 : i32
      %swap3A_880 = arith.index_cast %swap3A_878 : i32 to index
      %swap3A_881 = arith.index_cast %shift_right_logical3A_645 : i32 to index
      %swap3A_882 = arith.index_cast %swap3A_879 : i32 to index
      %swap3A_883 = arith.index_cast %rem3A_647 : i32 to index
      %swap3A_884 = arith.constant 96 : index
      %swap3A_885 = tpu.vector_load %arg7[%swap3A_880, %swap3A_881, %swap3A_882, %swap3A_883, %swap3A_884] {strides = array<i32>} : memref<2x4x4x8x128xf32, #tpu.memory_space<vmem>>, vector<16xf32>,
      tpu.vector_store %arg7[%swap3A_880, %swap3A_881, %swap3A_882, %swap3A_883, %swap3A_884], %gather3A_877 {strides = array<i32>} : memref<2x4x4x8x128xf32, #tpu.memory_space<vmem>>, vector<16xf32>,
      %add3A_886 = arith.constant 240 : i32
      %add3A_887 = vector.broadcast %add3A_886 : i32 to vector<16xi32>
      %add3A_888 = arith.addi %add3A_887, %iota3A : vector<16xi32>
      %gather3A_889 = arith.constant 0 : i32
      %gather3A_890 = arith.constant 0 : i32
      %gather3A_891 = tpu.memref_slice %arg6[%scan3A_445, %gather3A_889, %gather3A_890] : memref<2x512x32xf32, #tpu.memory_space<vmem>> -> memref<1x512x32xf32, #tpu.memory_space<vmem>>
      %gather3A_892 = tpu.memref_squeeze %gather3A_891 : memref<1x512x32xf32, #tpu.memory_space<vmem>> -> memref<512x32xf32, #tpu.memory_space<vmem>>
      %gather3A_893 = tpu.vector_load_idx %gather3A_892[%add3A_888, %broadcast_in_dim3A] : memref<512x32xf32, #tpu.memory_space<vmem>>[vector<16xi32>, vector<16xi32>], vector<16xf32>,
      %swap3A_894 = arith.constant 1 : i32
      %swap3A_895 = arith.constant 1 : i32
      %swap3A_896 = arith.index_cast %swap3A_894 : i32 to index
      %swap3A_897 = arith.index_cast %shift_right_logical3A_645 : i32 to index
      %swap3A_898 = arith.index_cast %swap3A_895 : i32 to index
      %swap3A_899 = arith.index_cast %rem3A_647 : i32 to index
      %swap3A_900 = arith.constant 112 : index
      %swap3A_901 = tpu.vector_load %arg7[%swap3A_896, %swap3A_897, %swap3A_898, %swap3A_899, %swap3A_900] {strides = array<i32>} : memref<2x4x4x8x128xf32, #tpu.memory_space<vmem>>, vector<16xf32>,
      tpu.vector_store %arg7[%swap3A_896, %swap3A_897, %swap3A_898, %swap3A_899, %swap3A_900], %gather3A_893 {strides = array<i32>} : memref<2x4x4x8x128xf32, #tpu.memory_space<vmem>>, vector<16xf32>,
      %add3A_902 = arith.constant 256 : i32
      %add3A_903 = vector.broadcast %add3A_902 : i32 to vector<16xi32>
      %add3A_904 = arith.addi %add3A_903, %iota3A : vector<16xi32>
      %gather3A_905 = arith.constant 0 : i32
      %gather3A_906 = arith.constant 0 : i32
      %gather3A_907 = tpu.memref_slice %arg6[%scan3A_445, %gather3A_905, %gather3A_906] : memref<2x512x32xf32, #tpu.memory_space<vmem>> -> memref<1x512x32xf32, #tpu.memory_space<vmem>>
      %gather3A_908 = tpu.memref_squeeze %gather3A_907 : memref<1x512x32xf32, #tpu.memory_space<vmem>> -> memref<512x32xf32, #tpu.memory_space<vmem>>
      %gather3A_909 = tpu.vector_load_idx %gather3A_908[%add3A_904, %broadcast_in_dim3A] : memref<512x32xf32, #tpu.memory_space<vmem>>[vector<16xi32>, vector<16xi32>], vector<16xf32>,
      %swap3A_910 = arith.constant 1 : i32
      %swap3A_911 = arith.constant 2 : i32
      %swap3A_912 = arith.index_cast %swap3A_910 : i32 to index
      %swap3A_913 = arith.index_cast %shift_right_logical3A_645 : i32 to index
      %swap3A_914 = arith.index_cast %swap3A_911 : i32 to index
      %swap3A_915 = arith.index_cast %rem3A_647 : i32 to index
      %swap3A_916 = arith.constant 0 : index
      %swap3A_917 = tpu.vector_load %arg7[%swap3A_912, %swap3A_913, %swap3A_914, %swap3A_915, %swap3A_916] {strides = array<i32>} : memref<2x4x4x8x128xf32, #tpu.memory_space<vmem>>, vector<16xf32>,
      tpu.vector_store %arg7[%swap3A_912, %swap3A_913, %swap3A_914, %swap3A_915, %swap3A_916], %gather3A_909 {strides = array<i32>} : memref<2x4x4x8x128xf32, #tpu.memory_space<vmem>>, vector<16xf32>,
      %add3A_918 = arith.constant 272 : i32
      %add3A_919 = vector.broadcast %add3A_918 : i32 to vector<16xi32>
      %add3A_920 = arith.addi %add3A_919, %iota3A : vector<16xi32>
      %gather3A_921 = arith.constant 0 : i32
      %gather3A_922 = arith.constant 0 : i32
      %gather3A_923 = tpu.memref_slice %arg6[%scan3A_445, %gather3A_921, %gather3A_922] : memref<2x512x32xf32, #tpu.memory_space<vmem>> -> memref<1x512x32xf32, #tpu.memory_space<vmem>>
      %gather3A_924 = tpu.memref_squeeze %gather3A_923 : memref<1x512x32xf32, #tpu.memory_space<vmem>> -> memref<512x32xf32, #tpu.memory_space<vmem>>
      %gather3A_925 = tpu.vector_load_idx %gather3A_924[%add3A_920, %broadcast_in_dim3A] : memref<512x32xf32, #tpu.memory_space<vmem>>[vector<16xi32>, vector<16xi32>], vector<16xf32>,
      %swap3A_926 = arith.constant 1 : i32
      %swap3A_927 = arith.constant 2 : i32
      %swap3A_928 = arith.index_cast %swap3A_926 : i32 to index
      %swap3A_929 = arith.index_cast %shift_right_logical3A_645 : i32 to index
      %swap3A_930 = arith.index_cast %swap3A_927 : i32 to index
      %swap3A_931 = arith.index_cast %rem3A_647 : i32 to index
      %swap3A_932 = arith.constant 16 : index
      %swap3A_933 = tpu.vector_load %arg7[%swap3A_928, %swap3A_929, %swap3A_930, %swap3A_931, %swap3A_932] {strides = array<i32>} : memref<2x4x4x8x128xf32, #tpu.memory_space<vmem>>, vector<16xf32>,
      tpu.vector_store %arg7[%swap3A_928, %swap3A_929, %swap3A_930, %swap3A_931, %swap3A_932], %gather3A_925 {strides = array<i32>} : memref<2x4x4x8x128xf32, #tpu.memory_space<vmem>>, vector<16xf32>,
      %add3A_934 = arith.constant 288 : i32
      %add3A_935 = vector.broadcast %add3A_934 : i32 to vector<16xi32>
      %add3A_936 = arith.addi %add3A_935, %iota3A : vector<16xi32>
      %gather3A_937 = arith.constant 0 : i32
      %gather3A_938 = arith.constant 0 : i32
      %gather3A_939 = tpu.memref_slice %arg6[%scan3A_445, %gather3A_937, %gather3A_938] : memref<2x512x32xf32, #tpu.memory_space<vmem>> -> memref<1x512x32xf32, #tpu.memory_space<vmem>>
      %gather3A_940 = tpu.memref_squeeze %gather3A_939 : memref<1x512x32xf32, #tpu.memory_space<vmem>> -> memref<512x32xf32, #tpu.memory_space<vmem>>
      %gather3A_941 = tpu.vector_load_idx %gather3A_940[%add3A_936, %broadcast_in_dim3A] : memref<512x32xf32, #tpu.memory_space<vmem>>[vector<16xi32>, vector<16xi32>], vector<16xf32>,
      %swap3A_942 = arith.constant 1 : i32
      %swap3A_943 = arith.constant 2 : i32
      %swap3A_944 = arith.index_cast %swap3A_942 : i32 to index
      %swap3A_945 = arith.index_cast %shift_right_logical3A_645 : i32 to index
      %swap3A_946 = arith.index_cast %swap3A_943 : i32 to index
      %swap3A_947 = arith.index_cast %rem3A_647 : i32 to index
      %swap3A_948 = arith.constant 32 : index
      %swap3A_949 = tpu.vector_load %arg7[%swap3A_944, %swap3A_945, %swap3A_946, %swap3A_947, %swap3A_948] {strides = array<i32>} : memref<2x4x4x8x128xf32, #tpu.memory_space<vmem>>, vector<16xf32>,
      tpu.vector_store %arg7[%swap3A_944, %swap3A_945, %swap3A_946, %swap3A_947, %swap3A_948], %gather3A_941 {strides = array<i32>} : memref<2x4x4x8x128xf32, #tpu.memory_space<vmem>>, vector<16xf32>,
      %add3A_950 = arith.constant 304 : i32
      %add3A_951 = vector.broadcast %add3A_950 : i32 to vector<16xi32>
      %add3A_952 = arith.addi %add3A_951, %iota3A : vector<16xi32>
      %gather3A_953 = arith.constant 0 : i32
      %gather3A_954 = arith.constant 0 : i32
      %gather3A_955 = tpu.memref_slice %arg6[%scan3A_445, %gather3A_953, %gather3A_954] : memref<2x512x32xf32, #tpu.memory_space<vmem>> -> memref<1x512x32xf32, #tpu.memory_space<vmem>>
      %gather3A_956 = tpu.memref_squeeze %gather3A_955 : memref<1x512x32xf32, #tpu.memory_space<vmem>> -> memref<512x32xf32, #tpu.memory_space<vmem>>
      %gather3A_957 = tpu.vector_load_idx %gather3A_956[%add3A_952, %broadcast_in_dim3A] : memref<512x32xf32, #tpu.memory_space<vmem>>[vector<16xi32>, vector<16xi32>], vector<16xf32>,
      %swap3A_958 = arith.constant 1 : i32
      %swap3A_959 = arith.constant 2 : i32
      %swap3A_960 = arith.index_cast %swap3A_958 : i32 to index
      %swap3A_961 = arith.index_cast %shift_right_logical3A_645 : i32 to index
      %swap3A_962 = arith.index_cast %swap3A_959 : i32 to index
      %swap3A_963 = arith.index_cast %rem3A_647 : i32 to index
      %swap3A_964 = arith.constant 48 : index
      %swap3A_965 = tpu.vector_load %arg7[%swap3A_960, %swap3A_961, %swap3A_962, %swap3A_963, %swap3A_964] {strides = array<i32>} : memref<2x4x4x8x128xf32, #tpu.memory_space<vmem>>, vector<16xf32>,
      tpu.vector_store %arg7[%swap3A_960, %swap3A_961, %swap3A_962, %swap3A_963, %swap3A_964], %gather3A_957 {strides = array<i32>} : memref<2x4x4x8x128xf32, #tpu.memory_space<vmem>>, vector<16xf32>,
      %add3A_966 = arith.constant 320 : i32
      %add3A_967 = vector.broadcast %add3A_966 : i32 to vector<16xi32>
      %add3A_968 = arith.addi %add3A_967, %iota3A : vector<16xi32>
      %gather3A_969 = arith.constant 0 : i32
      %gather3A_970 = arith.constant 0 : i32
      %gather3A_971 = tpu.memref_slice %arg6[%scan3A_445, %gather3A_969, %gather3A_970] : memref<2x512x32xf32, #tpu.memory_space<vmem>> -> memref<1x512x32xf32, #tpu.memory_space<vmem>>
      %gather3A_972 = tpu.memref_squeeze %gather3A_971 : memref<1x512x32xf32, #tpu.memory_space<vmem>> -> memref<512x32xf32, #tpu.memory_space<vmem>>
      %gather3A_973 = tpu.vector_load_idx %gather3A_972[%add3A_968, %broadcast_in_dim3A] : memref<512x32xf32, #tpu.memory_space<vmem>>[vector<16xi32>, vector<16xi32>], vector<16xf32>,
      %swap3A_974 = arith.constant 1 : i32
      %swap3A_975 = arith.constant 2 : i32
      %swap3A_976 = arith.index_cast %swap3A_974 : i32 to index
      %swap3A_977 = arith.index_cast %shift_right_logical3A_645 : i32 to index
      %swap3A_978 = arith.index_cast %swap3A_975 : i32 to index
      %swap3A_979 = arith.index_cast %rem3A_647 : i32 to index
      %swap3A_980 = arith.constant 64 : index
      %swap3A_981 = tpu.vector_load %arg7[%swap3A_976, %swap3A_977, %swap3A_978, %swap3A_979, %swap3A_980] {strides = array<i32>} : memref<2x4x4x8x128xf32, #tpu.memory_space<vmem>>, vector<16xf32>,
      tpu.vector_store %arg7[%swap3A_976, %swap3A_977, %swap3A_978, %swap3A_979, %swap3A_980], %gather3A_973 {strides = array<i32>} : memref<2x4x4x8x128xf32, #tpu.memory_space<vmem>>, vector<16xf32>,
      %add3A_982 = arith.constant 336 : i32
      %add3A_983 = vector.broadcast %add3A_982 : i32 to vector<16xi32>
      %add3A_984 = arith.addi %add3A_983, %iota3A : vector<16xi32>
      %gather3A_985 = arith.constant 0 : i32
      %gather3A_986 = arith.constant 0 : i32
      %gather3A_987 = tpu.memref_slice %arg6[%scan3A_445, %gather3A_985, %gather3A_986] : memref<2x512x32xf32, #tpu.memory_space<vmem>> -> memref<1x512x32xf32, #tpu.memory_space<vmem>>
      %gather3A_988 = tpu.memref_squeeze %gather3A_987 : memref<1x512x32xf32, #tpu.memory_space<vmem>> -> memref<512x32xf32, #tpu.memory_space<vmem>>
      %gather3A_989 = tpu.vector_load_idx %gather3A_988[%add3A_984, %broadcast_in_dim3A] : memref<512x32xf32, #tpu.memory_space<vmem>>[vector<16xi32>, vector<16xi32>], vector<16xf32>,
      %swap3A_990 = arith.constant 1 : i32
      %swap3A_991 = arith.constant 2 : i32
      %swap3A_992 = arith.index_cast %swap3A_990 : i32 to index
      %swap3A_993 = arith.index_cast %shift_right_logical3A_645 : i32 to index
      %swap3A_994 = arith.index_cast %swap3A_991 : i32 to index
      %swap3A_995 = arith.index_cast %rem3A_647 : i32 to index
      %swap3A_996 = arith.constant 80 : index
      %swap3A_997 = tpu.vector_load %arg7[%swap3A_992, %swap3A_993, %swap3A_994, %swap3A_995, %swap3A_996] {strides = array<i32>} : memref<2x4x4x8x128xf32, #tpu.memory_space<vmem>>, vector<16xf32>,
      tpu.vector_store %arg7[%swap3A_992, %swap3A_993, %swap3A_994, %swap3A_995, %swap3A_996], %gather3A_989 {strides = array<i32>} : memref<2x4x4x8x128xf32, #tpu.memory_space<vmem>>, vector<16xf32>,
      %add3A_998 = arith.constant 352 : i32
      %add3A_999 = vector.broadcast %add3A_998 : i32 to vector<16xi32>
      %add3A_1000 = arith.addi %add3A_999, %iota3A : vector<16xi32>
      %gather3A_1001 = arith.constant 0 : i32
      %gather3A_1002 = arith.constant 0 : i32
      %gather3A_1003 = tpu.memref_slice %arg6[%scan3A_445, %gather3A_1001, %gather3A_1002] : memref<2x512x32xf32, #tpu.memory_space<vmem>> -> memref<1x512x32xf32, #tpu.memory_space<vmem>>
      %gather3A_1004 = tpu.memref_squeeze %gather3A_1003 : memref<1x512x32xf32, #tpu.memory_space<vmem>> -> memref<512x32xf32, #tpu.memory_space<vmem>>
      %gather3A_1005 = tpu.vector_load_idx %gather3A_1004[%add3A_1000, %broadcast_in_dim3A] : memref<512x32xf32, #tpu.memory_space<vmem>>[vector<16xi32>, vector<16xi32>], vector<16xf32>,
      %swap3A_1006 = arith.constant 1 : i32
      %swap3A_1007 = arith.constant 2 : i32
      %swap3A_1008 = arith.index_cast %swap3A_1006 : i32 to index
      %swap3A_1009 = arith.index_cast %shift_right_logical3A_645 : i32 to index
      %swap3A_1010 = arith.index_cast %swap3A_1007 : i32 to index
      %swap3A_1011 = arith.index_cast %rem3A_647 : i32 to index
      %swap3A_1012 = arith.constant 96 : index
      %swap3A_1013 = tpu.vector_load %arg7[%swap3A_1008, %swap3A_1009, %swap3A_1010, %swap3A_1011, %swap3A_1012] {strides = array<i32>} : memref<2x4x4x8x128xf32, #tpu.memory_space<vmem>>, vector<16xf32>,
      tpu.vector_store %arg7[%swap3A_1008, %swap3A_1009, %swap3A_1010, %swap3A_1011, %swap3A_1012], %gather3A_1005 {strides = array<i32>} : memref<2x4x4x8x128xf32, #tpu.memory_space<vmem>>, vector<16xf32>,
      %add3A_1014 = arith.constant 368 : i32
      %add3A_1015 = vector.broadcast %add3A_1014 : i32 to vector<16xi32>
      %add3A_1016 = arith.addi %add3A_1015, %iota3A : vector<16xi32>
      %gather3A_1017 = arith.constant 0 : i32
      %gather3A_1018 = arith.constant 0 : i32
      %gather3A_1019 = tpu.memref_slice %arg6[%scan3A_445, %gather3A_1017, %gather3A_1018] : memref<2x512x32xf32, #tpu.memory_space<vmem>> -> memref<1x512x32xf32, #tpu.memory_space<vmem>>
      %gather3A_1020 = tpu.memref_squeeze %gather3A_1019 : memref<1x512x32xf32, #tpu.memory_space<vmem>> -> memref<512x32xf32, #tpu.memory_space<vmem>>
      %gather3A_1021 = tpu.vector_load_idx %gather3A_1020[%add3A_1016, %broadcast_in_dim3A] : memref<512x32xf32, #tpu.memory_space<vmem>>[vector<16xi32>, vector<16xi32>], vector<16xf32>,
      %swap3A_1022 = arith.constant 1 : i32
      %swap3A_1023 = arith.constant 2 : i32
      %swap3A_1024 = arith.index_cast %swap3A_1022 : i32 to index
      %swap3A_1025 = arith.index_cast %shift_right_logical3A_645 : i32 to index
      %swap3A_1026 = arith.index_cast %swap3A_1023 : i32 to index
      %swap3A_1027 = arith.index_cast %rem3A_647 : i32 to index
      %swap3A_1028 = arith.constant 112 : index
      %swap3A_1029 = tpu.vector_load %arg7[%swap3A_1024, %swap3A_1025, %swap3A_1026, %swap3A_1027, %swap3A_1028] {strides = array<i32>} : memref<2x4x4x8x128xf32, #tpu.memory_space<vmem>>, vector<16xf32>,
      tpu.vector_store %arg7[%swap3A_1024, %swap3A_1025, %swap3A_1026, %swap3A_1027, %swap3A_1028], %gather3A_1021 {strides = array<i32>} : memref<2x4x4x8x128xf32, #tpu.memory_space<vmem>>, vector<16xf32>,
      %add3A_1030 = arith.constant 384 : i32
      %add3A_1031 = vector.broadcast %add3A_1030 : i32 to vector<16xi32>
      %add3A_1032 = arith.addi %add3A_1031, %iota3A : vector<16xi32>
      %gather3A_1033 = arith.constant 0 : i32
      %gather3A_1034 = arith.constant 0 : i32
      %gather3A_1035 = tpu.memref_slice %arg6[%scan3A_445, %gather3A_1033, %gather3A_1034] : memref<2x512x32xf32, #tpu.memory_space<vmem>> -> memref<1x512x32xf32, #tpu.memory_space<vmem>>
      %gather3A_1036 = tpu.memref_squeeze %gather3A_1035 : memref<1x512x32xf32, #tpu.memory_space<vmem>> -> memref<512x32xf32, #tpu.memory_space<vmem>>
      %gather3A_1037 = tpu.vector_load_idx %gather3A_1036[%add3A_1032, %broadcast_in_dim3A] : memref<512x32xf32, #tpu.memory_space<vmem>>[vector<16xi32>, vector<16xi32>], vector<16xf32>,
      %swap3A_1038 = arith.constant 1 : i32
      %swap3A_1039 = arith.constant 3 : i32
      %swap3A_1040 = arith.index_cast %swap3A_1038 : i32 to index
      %swap3A_1041 = arith.index_cast %shift_right_logical3A_645 : i32 to index
      %swap3A_1042 = arith.index_cast %swap3A_1039 : i32 to index
      %swap3A_1043 = arith.index_cast %rem3A_647 : i32 to index
      %swap3A_1044 = arith.constant 0 : index
      %swap3A_1045 = tpu.vector_load %arg7[%swap3A_1040, %swap3A_1041, %swap3A_1042, %swap3A_1043, %swap3A_1044] {strides = array<i32>} : memref<2x4x4x8x128xf32, #tpu.memory_space<vmem>>, vector<16xf32>,
      tpu.vector_store %arg7[%swap3A_1040, %swap3A_1041, %swap3A_1042, %swap3A_1043, %swap3A_1044], %gather3A_1037 {strides = array<i32>} : memref<2x4x4x8x128xf32, #tpu.memory_space<vmem>>, vector<16xf32>,
      %add3A_1046 = arith.constant 400 : i32
      %add3A_1047 = vector.broadcast %add3A_1046 : i32 to vector<16xi32>
      %add3A_1048 = arith.addi %add3A_1047, %iota3A : vector<16xi32>
      %gather3A_1049 = arith.constant 0 : i32
      %gather3A_1050 = arith.constant 0 : i32
      %gather3A_1051 = tpu.memref_slice %arg6[%scan3A_445, %gather3A_1049, %gather3A_1050] : memref<2x512x32xf32, #tpu.memory_space<vmem>> -> memref<1x512x32xf32, #tpu.memory_space<vmem>>
      %gather3A_1052 = tpu.memref_squeeze %gather3A_1051 : memref<1x512x32xf32, #tpu.memory_space<vmem>> -> memref<512x32xf32, #tpu.memory_space<vmem>>
      %gather3A_1053 = tpu.vector_load_idx %gather3A_1052[%add3A_1048, %broadcast_in_dim3A] : memref<512x32xf32, #tpu.memory_space<vmem>>[vector<16xi32>, vector<16xi32>], vector<16xf32>,
      %swap3A_1054 = arith.constant 1 : i32
      %swap3A_1055 = arith.constant 3 : i32
      %swap3A_1056 = arith.index_cast %swap3A_1054 : i32 to index
      %swap3A_1057 = arith.index_cast %shift_right_logical3A_645 : i32 to index
      %swap3A_1058 = arith.index_cast %swap3A_1055 : i32 to index
      %swap3A_1059 = arith.index_cast %rem3A_647 : i32 to index
      %swap3A_1060 = arith.constant 16 : index
      %swap3A_1061 = tpu.vector_load %arg7[%swap3A_1056, %swap3A_1057, %swap3A_1058, %swap3A_1059, %swap3A_1060] {strides = array<i32>} : memref<2x4x4x8x128xf32, #tpu.memory_space<vmem>>, vector<16xf32>,
      tpu.vector_store %arg7[%swap3A_1056, %swap3A_1057, %swap3A_1058, %swap3A_1059, %swap3A_1060], %gather3A_1053 {strides = array<i32>} : memref<2x4x4x8x128xf32, #tpu.memory_space<vmem>>, vector<16xf32>,
      %add3A_1062 = arith.constant 416 : i32
      %add3A_1063 = vector.broadcast %add3A_1062 : i32 to vector<16xi32>
      %add3A_1064 = arith.addi %add3A_1063, %iota3A : vector<16xi32>
      %gather3A_1065 = arith.constant 0 : i32
      %gather3A_1066 = arith.constant 0 : i32
      %gather3A_1067 = tpu.memref_slice %arg6[%scan3A_445, %gather3A_1065, %gather3A_1066] : memref<2x512x32xf32, #tpu.memory_space<vmem>> -> memref<1x512x32xf32, #tpu.memory_space<vmem>>
      %gather3A_1068 = tpu.memref_squeeze %gather3A_1067 : memref<1x512x32xf32, #tpu.memory_space<vmem>> -> memref<512x32xf32, #tpu.memory_space<vmem>>
      %gather3A_1069 = tpu.vector_load_idx %gather3A_1068[%add3A_1064, %broadcast_in_dim3A] : memref<512x32xf32, #tpu.memory_space<vmem>>[vector<16xi32>, vector<16xi32>], vector<16xf32>,
      %swap3A_1070 = arith.constant 1 : i32
      %swap3A_1071 = arith.constant 3 : i32
      %swap3A_1072 = arith.index_cast %swap3A_1070 : i32 to index
      %swap3A_1073 = arith.index_cast %shift_right_logical3A_645 : i32 to index
      %swap3A_1074 = arith.index_cast %swap3A_1071 : i32 to index
      %swap3A_1075 = arith.index_cast %rem3A_647 : i32 to index
      %swap3A_1076 = arith.constant 32 : index
      %swap3A_1077 = tpu.vector_load %arg7[%swap3A_1072, %swap3A_1073, %swap3A_1074, %swap3A_1075, %swap3A_1076] {strides = array<i32>} : memref<2x4x4x8x128xf32, #tpu.memory_space<vmem>>, vector<16xf32>,
      tpu.vector_store %arg7[%swap3A_1072, %swap3A_1073, %swap3A_1074, %swap3A_1075, %swap3A_1076], %gather3A_1069 {strides = array<i32>} : memref<2x4x4x8x128xf32, #tpu.memory_space<vmem>>, vector<16xf32>,
      %add3A_1078 = arith.constant 432 : i32
      %add3A_1079 = vector.broadcast %add3A_1078 : i32 to vector<16xi32>
      %add3A_1080 = arith.addi %add3A_1079, %iota3A : vector<16xi32>
      %gather3A_1081 = arith.constant 0 : i32
      %gather3A_1082 = arith.constant 0 : i32
      %gather3A_1083 = tpu.memref_slice %arg6[%scan3A_445, %gather3A_1081, %gather3A_1082] : memref<2x512x32xf32, #tpu.memory_space<vmem>> -> memref<1x512x32xf32, #tpu.memory_space<vmem>>
      %gather3A_1084 = tpu.memref_squeeze %gather3A_1083 : memref<1x512x32xf32, #tpu.memory_space<vmem>> -> memref<512x32xf32, #tpu.memory_space<vmem>>
      %gather3A_1085 = tpu.vector_load_idx %gather3A_1084[%add3A_1080, %broadcast_in_dim3A] : memref<512x32xf32, #tpu.memory_space<vmem>>[vector<16xi32>, vector<16xi32>], vector<16xf32>,
      %swap3A_1086 = arith.constant 1 : i32
      %swap3A_1087 = arith.constant 3 : i32
      %swap3A_1088 = arith.index_cast %swap3A_1086 : i32 to index
      %swap3A_1089 = arith.index_cast %shift_right_logical3A_645 : i32 to index
      %swap3A_1090 = arith.index_cast %swap3A_1087 : i32 to index
      %swap3A_1091 = arith.index_cast %rem3A_647 : i32 to index
      %swap3A_1092 = arith.constant 48 : index
      %swap3A_1093 = tpu.vector_load %arg7[%swap3A_1088, %swap3A_1089, %swap3A_1090, %swap3A_1091, %swap3A_1092] {strides = array<i32>} : memref<2x4x4x8x128xf32, #tpu.memory_space<vmem>>, vector<16xf32>,
      tpu.vector_store %arg7[%swap3A_1088, %swap3A_1089, %swap3A_1090, %swap3A_1091, %swap3A_1092], %gather3A_1085 {strides = array<i32>} : memref<2x4x4x8x128xf32, #tpu.memory_space<vmem>>, vector<16xf32>,
      %add3A_1094 = arith.constant 448 : i32
      %add3A_1095 = vector.broadcast %add3A_1094 : i32 to vector<16xi32>
      %add3A_1096 = arith.addi %add3A_1095, %iota3A : vector<16xi32>
      %gather3A_1097 = arith.constant 0 : i32
      %gather3A_1098 = arith.constant 0 : i32
      %gather3A_1099 = tpu.memref_slice %arg6[%scan3A_445, %gather3A_1097, %gather3A_1098] : memref<2x512x32xf32, #tpu.memory_space<vmem>> -> memref<1x512x32xf32, #tpu.memory_space<vmem>>
      %gather3A_1100 = tpu.memref_squeeze %gather3A_1099 : memref<1x512x32xf32, #tpu.memory_space<vmem>> -> memref<512x32xf32, #tpu.memory_space<vmem>>
      %gather3A_1101 = tpu.vector_load_idx %gather3A_1100[%add3A_1096, %broadcast_in_dim3A] : memref<512x32xf32, #tpu.memory_space<vmem>>[vector<16xi32>, vector<16xi32>], vector<16xf32>,
      %swap3A_1102 = arith.constant 1 : i32
      %swap3A_1103 = arith.constant 3 : i32
      %swap3A_1104 = arith.index_cast %swap3A_1102 : i32 to index
      %swap3A_1105 = arith.index_cast %shift_right_logical3A_645 : i32 to index
      %swap3A_1106 = arith.index_cast %swap3A_1103 : i32 to index
      %swap3A_1107 = arith.index_cast %rem3A_647 : i32 to index
      %swap3A_1108 = arith.constant 64 : index
      %swap3A_1109 = tpu.vector_load %arg7[%swap3A_1104, %swap3A_1105, %swap3A_1106, %swap3A_1107, %swap3A_1108] {strides = array<i32>} : memref<2x4x4x8x128xf32, #tpu.memory_space<vmem>>, vector<16xf32>,
      tpu.vector_store %arg7[%swap3A_1104, %swap3A_1105, %swap3A_1106, %swap3A_1107, %swap3A_1108], %gather3A_1101 {strides = array<i32>} : memref<2x4x4x8x128xf32, #tpu.memory_space<vmem>>, vector<16xf32>,
      %add3A_1110 = arith.constant 464 : i32
      %add3A_1111 = vector.broadcast %add3A_1110 : i32 to vector<16xi32>
      %add3A_1112 = arith.addi %add3A_1111, %iota3A : vector<16xi32>
      %gather3A_1113 = arith.constant 0 : i32
      %gather3A_1114 = arith.constant 0 : i32
      %gather3A_1115 = tpu.memref_slice %arg6[%scan3A_445, %gather3A_1113, %gather3A_1114] : memref<2x512x32xf32, #tpu.memory_space<vmem>> -> memref<1x512x32xf32, #tpu.memory_space<vmem>>
      %gather3A_1116 = tpu.memref_squeeze %gather3A_1115 : memref<1x512x32xf32, #tpu.memory_space<vmem>> -> memref<512x32xf32, #tpu.memory_space<vmem>>
      %gather3A_1117 = tpu.vector_load_idx %gather3A_1116[%add3A_1112, %broadcast_in_dim3A] : memref<512x32xf32, #tpu.memory_space<vmem>>[vector<16xi32>, vector<16xi32>], vector<16xf32>,
      %swap3A_1118 = arith.constant 1 : i32
      %swap3A_1119 = arith.constant 3 : i32
      %swap3A_1120 = arith.index_cast %swap3A_1118 : i32 to index
      %swap3A_1121 = arith.index_cast %shift_right_logical3A_645 : i32 to index
      %swap3A_1122 = arith.index_cast %swap3A_1119 : i32 to index
      %swap3A_1123 = arith.index_cast %rem3A_647 : i32 to index
      %swap3A_1124 = arith.constant 80 : index
      %swap3A_1125 = tpu.vector_load %arg7[%swap3A_1120, %swap3A_1121, %swap3A_1122, %swap3A_1123, %swap3A_1124] {strides = array<i32>} : memref<2x4x4x8x128xf32, #tpu.memory_space<vmem>>, vector<16xf32>,
      tpu.vector_store %arg7[%swap3A_1120, %swap3A_1121, %swap3A_1122, %swap3A_1123, %swap3A_1124], %gather3A_1117 {strides = array<i32>} : memref<2x4x4x8x128xf32, #tpu.memory_space<vmem>>, vector<16xf32>,
      %add3A_1126 = arith.constant 480 : i32
      %add3A_1127 = vector.broadcast %add3A_1126 : i32 to vector<16xi32>
      %add3A_1128 = arith.addi %add3A_1127, %iota3A : vector<16xi32>
      %gather3A_1129 = arith.constant 0 : i32
      %gather3A_1130 = arith.constant 0 : i32
      %gather3A_1131 = tpu.memref_slice %arg6[%scan3A_445, %gather3A_1129, %gather3A_1130] : memref<2x512x32xf32, #tpu.memory_space<vmem>> -> memref<1x512x32xf32, #tpu.memory_space<vmem>>
      %gather3A_1132 = tpu.memref_squeeze %gather3A_1131 : memref<1x512x32xf32, #tpu.memory_space<vmem>> -> memref<512x32xf32, #tpu.memory_space<vmem>>
      %gather3A_1133 = tpu.vector_load_idx %gather3A_1132[%add3A_1128, %broadcast_in_dim3A] : memref<512x32xf32, #tpu.memory_space<vmem>>[vector<16xi32>, vector<16xi32>], vector<16xf32>,
      %swap3A_1134 = arith.constant 1 : i32
      %swap3A_1135 = arith.constant 3 : i32
      %swap3A_1136 = arith.index_cast %swap3A_1134 : i32 to index
      %swap3A_1137 = arith.index_cast %shift_right_logical3A_645 : i32 to index
      %swap3A_1138 = arith.index_cast %swap3A_1135 : i32 to index
      %swap3A_1139 = arith.index_cast %rem3A_647 : i32 to index
      %swap3A_1140 = arith.constant 96 : index
      %swap3A_1141 = tpu.vector_load %arg7[%swap3A_1136, %swap3A_1137, %swap3A_1138, %swap3A_1139, %swap3A_1140] {strides = array<i32>} : memref<2x4x4x8x128xf32, #tpu.memory_space<vmem>>, vector<16xf32>,
      tpu.vector_store %arg7[%swap3A_1136, %swap3A_1137, %swap3A_1138, %swap3A_1139, %swap3A_1140], %gather3A_1133 {strides = array<i32>} : memref<2x4x4x8x128xf32, #tpu.memory_space<vmem>>, vector<16xf32>,
      %add3A_1142 = arith.constant 496 : i32
      %add3A_1143 = vector.broadcast %add3A_1142 : i32 to vector<16xi32>
      %add3A_1144 = arith.addi %add3A_1143, %iota3A : vector<16xi32>
      %gather3A_1145 = arith.constant 0 : i32
      %gather3A_1146 = arith.constant 0 : i32
      %gather3A_1147 = tpu.memref_slice %arg6[%scan3A_445, %gather3A_1145, %gather3A_1146] : memref<2x512x32xf32, #tpu.memory_space<vmem>> -> memref<1x512x32xf32, #tpu.memory_space<vmem>>
      %gather3A_1148 = tpu.memref_squeeze %gather3A_1147 : memref<1x512x32xf32, #tpu.memory_space<vmem>> -> memref<512x32xf32, #tpu.memory_space<vmem>>
      %gather3A_1149 = tpu.vector_load_idx %gather3A_1148[%add3A_1144, %broadcast_in_dim3A] : memref<512x32xf32, #tpu.memory_space<vmem>>[vector<16xi32>, vector<16xi32>], vector<16xf32>,
      %swap3A_1150 = arith.constant 1 : i32
      %swap3A_1151 = arith.constant 3 : i32
      %swap3A_1152 = arith.index_cast %swap3A_1150 : i32 to index
      %swap3A_1153 = arith.index_cast %shift_right_logical3A_645 : i32 to index
      %swap3A_1154 = arith.index_cast %swap3A_1151 : i32 to index
      %swap3A_1155 = arith.index_cast %rem3A_647 : i32 to index
      %swap3A_1156 = arith.constant 112 : index
      %swap3A_1157 = tpu.vector_load %arg7[%swap3A_1152, %swap3A_1153, %swap3A_1154, %swap3A_1155, %swap3A_1156] {strides = array<i32>} : memref<2x4x4x8x128xf32, #tpu.memory_space<vmem>>, vector<16xf32>,
      tpu.vector_store %arg7[%swap3A_1152, %swap3A_1153, %swap3A_1154, %swap3A_1155, %swap3A_1156], %gather3A_1149 {strides = array<i32>} : memref<2x4x4x8x128xf32, #tpu.memory_space<vmem>>, vector<16xf32>,
    }
    %scan3A_450 = arith.constant 32 : i32
    %mul3A_451 = arith.constant 4 : i32
    %mul3A_452 = arith.muli %add3A, %mul3A_451 : i32
    %mul3A_453 = arith.constant 4 : i32
    %mul3A_454 = arith.muli %add3A, %mul3A_453 : i32
    %mul3A_455 = arith.constant 4 : i32
    %mul3A_456 = arith.muli %add3A, %mul3A_455 : i32
    %mul3A_457 = arith.constant 4 : i32
    %mul3A_458 = arith.muli %add3A, %mul3A_457 : i32
    %dma_start3A_459 = arith.constant 1 : i32
    %dma_start3A_460 = arith.constant 0 : i32
    %dma_start3A_461 = arith.constant 49 : i32
    %dma_start3A_462 = arith.constant 0 : i32
    %dma_start3A_463 = arith.constant 0 : i32
    %dma_start3A_464 = arith.constant 0 : i32
    %dma_start3A_465 = arith.constant 0 : i32
    %dma_start3A_466 = tpu.memref_slice %arg7[%dma_start3A_459, %dma_start3A_460, %dma_start3A_463, %dma_start3A_464, %dma_start3A_465] : memref<2x4x4x8x128xf32, #tpu.memory_space<vmem>> -> memref<1x1x4x8x128xf32, #tpu.memory_space<vmem>>
    %dma_start3A_467 = tpu.memref_squeeze %dma_start3A_466 : memref<1x1x4x8x128xf32, #tpu.memory_space<vmem>> -> memref<4x8x128xf32, #tpu.memory_space<vmem>>
    %dma_start3A_468 = arith.constant 0 : i32
    %dma_start3A_469 = arith.constant 0 : i32
    %dma_start3A_470 = tpu.memref_slice %arg4[%dma_start3A_461, %dma_start3A_462, %mul3A_452, %dma_start3A_468, %dma_start3A_469] : memref<50x4x128x8x128xf32, #tpu.memory_space<hbm>> -> memref<1x1x4x8x128xf32, #tpu.memory_space<hbm>>
    %dma_start3A_471 = tpu.memref_squeeze %dma_start3A_470 : memref<1x1x4x8x128xf32, #tpu.memory_space<hbm>> -> memref<4x8x128xf32, #tpu.memory_space<hbm>>
    %dma_start3A_472 = arith.constant 0 : i32
    %dma_start3A_473 = arith.constant 0 : i32
    %dma_start3A_474 = tpu.memref_slice %arg4[%dma_start3A_461, %dma_start3A_462, %mul3A_452, %dma_start3A_472, %dma_start3A_473] : memref<50x4x128x8x128xf32, #tpu.memory_space<hbm>> -> memref<1x1x4x8x128xf32, #tpu.memory_space<hbm>>
    %dma_start3A_475 = tpu.memref_squeeze %dma_start3A_474 : memref<1x1x4x8x128xf32, #tpu.memory_space<hbm>> -> memref<4x8x128xf32, #tpu.memory_space<hbm>>
    %dma_start3A_476 = arith.constant 0 : i32
    %dma_start3A_477 = arith.constant 0 : i32
    %dma_start3A_478 = arith.constant 0 : i32
    %dma_start3A_479 = tpu.memref_slice %arg7[%dma_start3A_459, %dma_start3A_460, %dma_start3A_476, %dma_start3A_477, %dma_start3A_478] : memref<2x4x4x8x128xf32, #tpu.memory_space<vmem>> -> memref<1x1x4x8x128xf32, #tpu.memory_space<vmem>>
    %dma_start3A_480 = tpu.memref_squeeze %dma_start3A_479 : memref<1x1x4x8x128xf32, #tpu.memory_space<vmem>> -> memref<4x8x128xf32, #tpu.memory_space<vmem>>
    tpu.enqueue_dma source(%dma_start3A_480 : memref<4x8x128xf32, #tpu.memory_space<vmem>>) target(%dma_start3A_475 : memref<4x8x128xf32, #tpu.memory_space<hbm>>) target_semaphore(%arg9 : memref<!tpu.dma_semaphore, #tpu.memory_space<semaphore_mem>>)
    %dma_start3A_481 = arith.constant 1 : i32
    %dma_start3A_482 = arith.constant 1 : i32
    %dma_start3A_483 = arith.constant 49 : i32
    %dma_start3A_484 = arith.constant 1 : i32
    %dma_start3A_485 = arith.constant 0 : i32
    %dma_start3A_486 = arith.constant 0 : i32
    %dma_start3A_487 = arith.constant 0 : i32
    %dma_start3A_488 = tpu.memref_slice %arg7[%dma_start3A_481, %dma_start3A_482, %dma_start3A_485, %dma_start3A_486, %dma_start3A_487] : memref<2x4x4x8x128xf32, #tpu.memory_space<vmem>> -> memref<1x1x4x8x128xf32, #tpu.memory_space<vmem>>
    %dma_start3A_489 = tpu.memref_squeeze %dma_start3A_488 : memref<1x1x4x8x128xf32, #tpu.memory_space<vmem>> -> memref<4x8x128xf32, #tpu.memory_space<vmem>>
    %dma_start3A_490 = arith.constant 0 : i32
    %dma_start3A_491 = arith.constant 0 : i32
    %dma_start3A_492 = tpu.memref_slice %arg4[%dma_start3A_483, %dma_start3A_484, %mul3A_454, %dma_start3A_490, %dma_start3A_491] : memref<50x4x128x8x128xf32, #tpu.memory_space<hbm>> -> memref<1x1x4x8x128xf32, #tpu.memory_space<hbm>>
    %dma_start3A_493 = tpu.memref_squeeze %dma_start3A_492 : memref<1x1x4x8x128xf32, #tpu.memory_space<hbm>> -> memref<4x8x128xf32, #tpu.memory_space<hbm>>
    %dma_start3A_494 = arith.constant 0 : i32
    %dma_start3A_495 = arith.constant 0 : i32
    %dma_start3A_496 = tpu.memref_slice %arg4[%dma_start3A_483, %dma_start3A_484, %mul3A_454, %dma_start3A_494, %dma_start3A_495] : memref<50x4x128x8x128xf32, #tpu.memory_space<hbm>> -> memref<1x1x4x8x128xf32, #tpu.memory_space<hbm>>
    %dma_start3A_497 = tpu.memref_squeeze %dma_start3A_496 : memref<1x1x4x8x128xf32, #tpu.memory_space<hbm>> -> memref<4x8x128xf32, #tpu.memory_space<hbm>>
    %dma_start3A_498 = arith.constant 0 : i32
    %dma_start3A_499 = arith.constant 0 : i32
    %dma_start3A_500 = arith.constant 0 : i32
    %dma_start3A_501 = tpu.memref_slice %arg7[%dma_start3A_481, %dma_start3A_482, %dma_start3A_498, %dma_start3A_499, %dma_start3A_500] : memref<2x4x4x8x128xf32, #tpu.memory_space<vmem>> -> memref<1x1x4x8x128xf32, #tpu.memory_space<vmem>>
    %dma_start3A_502 = tpu.memref_squeeze %dma_start3A_501 : memref<1x1x4x8x128xf32, #tpu.memory_space<vmem>> -> memref<4x8x128xf32, #tpu.memory_space<vmem>>
    tpu.enqueue_dma source(%dma_start3A_502 : memref<4x8x128xf32, #tpu.memory_space<vmem>>) target(%dma_start3A_497 : memref<4x8x128xf32, #tpu.memory_space<hbm>>) target_semaphore(%arg9 : memref<!tpu.dma_semaphore, #tpu.memory_space<semaphore_mem>>)
    %dma_start3A_503 = arith.constant 1 : i32
    %dma_start3A_504 = arith.constant 2 : i32
    %dma_start3A_505 = arith.constant 49 : i32
    %dma_start3A_506 = arith.constant 2 : i32
    %dma_start3A_507 = arith.constant 0 : i32
    %dma_start3A_508 = arith.constant 0 : i32
    %dma_start3A_509 = arith.constant 0 : i32
    %dma_start3A_510 = tpu.memref_slice %arg7[%dma_start3A_503, %dma_start3A_504, %dma_start3A_507, %dma_start3A_508, %dma_start3A_509] : memref<2x4x4x8x128xf32, #tpu.memory_space<vmem>> -> memref<1x1x4x8x128xf32, #tpu.memory_space<vmem>>
    %dma_start3A_511 = tpu.memref_squeeze %dma_start3A_510 : memref<1x1x4x8x128xf32, #tpu.memory_space<vmem>> -> memref<4x8x128xf32, #tpu.memory_space<vmem>>
    %dma_start3A_512 = arith.constant 0 : i32
    %dma_start3A_513 = arith.constant 0 : i32
    %dma_start3A_514 = tpu.memref_slice %arg4[%dma_start3A_505, %dma_start3A_506, %mul3A_456, %dma_start3A_512, %dma_start3A_513] : memref<50x4x128x8x128xf32, #tpu.memory_space<hbm>> -> memref<1x1x4x8x128xf32, #tpu.memory_space<hbm>>
    %dma_start3A_515 = tpu.memref_squeeze %dma_start3A_514 : memref<1x1x4x8x128xf32, #tpu.memory_space<hbm>> -> memref<4x8x128xf32, #tpu.memory_space<hbm>>
    %dma_start3A_516 = arith.constant 0 : i32
    %dma_start3A_517 = arith.constant 0 : i32
    %dma_start3A_518 = tpu.memref_slice %arg4[%dma_start3A_505, %dma_start3A_506, %mul3A_456, %dma_start3A_516, %dma_start3A_517] : memref<50x4x128x8x128xf32, #tpu.memory_space<hbm>> -> memref<1x1x4x8x128xf32, #tpu.memory_space<hbm>>
    %dma_start3A_519 = tpu.memref_squeeze %dma_start3A_518 : memref<1x1x4x8x128xf32, #tpu.memory_space<hbm>> -> memref<4x8x128xf32, #tpu.memory_space<hbm>>
    %dma_start3A_520 = arith.constant 0 : i32
    %dma_start3A_521 = arith.constant 0 : i32
    %dma_start3A_522 = arith.constant 0 : i32
    %dma_start3A_523 = tpu.memref_slice %arg7[%dma_start3A_503, %dma_start3A_504, %dma_start3A_520, %dma_start3A_521, %dma_start3A_522] : memref<2x4x4x8x128xf32, #tpu.memory_space<vmem>> -> memref<1x1x4x8x128xf32, #tpu.memory_space<vmem>>
    %dma_start3A_524 = tpu.memref_squeeze %dma_start3A_523 : memref<1x1x4x8x128xf32, #tpu.memory_space<vmem>> -> memref<4x8x128xf32, #tpu.memory_space<vmem>>
    tpu.enqueue_dma source(%dma_start3A_524 : memref<4x8x128xf32, #tpu.memory_space<vmem>>) target(%dma_start3A_519 : memref<4x8x128xf32, #tpu.memory_space<hbm>>) target_semaphore(%arg9 : memref<!tpu.dma_semaphore, #tpu.memory_space<semaphore_mem>>)
    %dma_start3A_525 = arith.constant 1 : i32
    %dma_start3A_526 = arith.constant 3 : i32
    %dma_start3A_527 = arith.constant 49 : i32
    %dma_start3A_528 = arith.constant 3 : i32
    %dma_start3A_529 = arith.constant 0 : i32
    %dma_start3A_530 = arith.constant 0 : i32
    %dma_start3A_531 = arith.constant 0 : i32
    %dma_start3A_532 = tpu.memref_slice %arg7[%dma_start3A_525, %dma_start3A_526, %dma_start3A_529, %dma_start3A_530, %dma_start3A_531] : memref<2x4x4x8x128xf32, #tpu.memory_space<vmem>> -> memref<1x1x4x8x128xf32, #tpu.memory_space<vmem>>
    %dma_start3A_533 = tpu.memref_squeeze %dma_start3A_532 : memref<1x1x4x8x128xf32, #tpu.memory_space<vmem>> -> memref<4x8x128xf32, #tpu.memory_space<vmem>>
    %dma_start3A_534 = arith.constant 0 : i32
    %dma_start3A_535 = arith.constant 0 : i32
    %dma_start3A_536 = tpu.memref_slice %arg4[%dma_start3A_527, %dma_start3A_528, %mul3A_458, %dma_start3A_534, %dma_start3A_535] : memref<50x4x128x8x128xf32, #tpu.memory_space<hbm>> -> memref<1x1x4x8x128xf32, #tpu.memory_space<hbm>>
    %dma_start3A_537 = tpu.memref_squeeze %dma_start3A_536 : memref<1x1x4x8x128xf32, #tpu.memory_space<hbm>> -> memref<4x8x128xf32, #tpu.memory_space<hbm>>
    %dma_start3A_538 = arith.constant 0 : i32
    %dma_start3A_539 = arith.constant 0 : i32
    %dma_start3A_540 = tpu.memref_slice %arg4[%dma_start3A_527, %dma_start3A_528, %mul3A_458, %dma_start3A_538, %dma_start3A_539] : memref<50x4x128x8x128xf32, #tpu.memory_space<hbm>> -> memref<1x1x4x8x128xf32, #tpu.memory_space<hbm>>
    %dma_start3A_541 = tpu.memref_squeeze %dma_start3A_540 : memref<1x1x4x8x128xf32, #tpu.memory_space<hbm>> -> memref<4x8x128xf32, #tpu.memory_space<hbm>>
    %dma_start3A_542 = arith.constant 0 : i32
    %dma_start3A_543 = arith.constant 0 : i32
    %dma_start3A_544 = arith.constant 0 : i32
    %dma_start3A_545 = tpu.memref_slice %arg7[%dma_start3A_525, %dma_start3A_526, %dma_start3A_542, %dma_start3A_543, %dma_start3A_544] : memref<2x4x4x8x128xf32, #tpu.memory_space<vmem>> -> memref<1x1x4x8x128xf32, #tpu.memory_space<vmem>>
    %dma_start3A_546 = tpu.memref_squeeze %dma_start3A_545 : memref<1x1x4x8x128xf32, #tpu.memory_space<vmem>> -> memref<4x8x128xf32, #tpu.memory_space<vmem>>
    tpu.enqueue_dma source(%dma_start3A_546 : memref<4x8x128xf32, #tpu.memory_space<vmem>>) target(%dma_start3A_541 : memref<4x8x128xf32, #tpu.memory_space<hbm>>) target_semaphore(%arg9 : memref<!tpu.dma_semaphore, #tpu.memory_space<semaphore_mem>>)
    %mul3A_547 = arith.constant 4 : i32
    %mul3A_548 = arith.muli %add3A, %mul3A_547 : i32
    %mul3A_549 = arith.constant 4 : i32
    %mul3A_550 = arith.muli %add3A, %mul3A_549 : i32
    %mul3A_551 = arith.constant 4 : i32
    %mul3A_552 = arith.muli %add3A, %mul3A_551 : i32
    %mul3A_553 = arith.constant 4 : i32
    %mul3A_554 = arith.muli %add3A, %mul3A_553 : i32
    %dma_wait3A_555 = arith.constant 1 : i32
    %dma_wait3A_556 = arith.constant 0 : i32
    %dma_wait3A_557 = arith.constant 49 : i32
    %dma_wait3A_558 = arith.constant 0 : i32
    %dma_wait3A_559 = arith.constant 0 : i32
    %dma_wait3A_560 = arith.constant 0 : i32
    %dma_wait3A_561 = arith.constant 0 : i32
    %dma_wait3A_562 = tpu.memref_slice %arg7[%dma_wait3A_555, %dma_wait3A_556, %dma_wait3A_559, %dma_wait3A_560, %dma_wait3A_561] : memref<2x4x4x8x128xf32, #tpu.memory_space<vmem>> -> memref<1x1x4x8x128xf32, #tpu.memory_space<vmem>>
    %dma_wait3A_563 = tpu.memref_squeeze %dma_wait3A_562 : memref<1x1x4x8x128xf32, #tpu.memory_space<vmem>> -> memref<4x8x128xf32, #tpu.memory_space<vmem>>
    %dma_wait3A_564 = arith.constant 0 : i32
    %dma_wait3A_565 = arith.constant 0 : i32
    %dma_wait3A_566 = tpu.memref_slice %arg4[%dma_wait3A_557, %dma_wait3A_558, %mul3A_548, %dma_wait3A_564, %dma_wait3A_565] : memref<50x4x128x8x128xf32, #tpu.memory_space<hbm>> -> memref<1x1x4x8x128xf32, #tpu.memory_space<hbm>>
    %dma_wait3A_567 = tpu.memref_squeeze %dma_wait3A_566 : memref<1x1x4x8x128xf32, #tpu.memory_space<hbm>> -> memref<4x8x128xf32, #tpu.memory_space<hbm>>
    %dma_wait3A_568 = arith.constant 0 : i32
    %dma_wait3A_569 = arith.constant 0 : i32
    %dma_wait3A_570 = tpu.memref_slice %arg4[%dma_wait3A_557, %dma_wait3A_558, %mul3A_548, %dma_wait3A_568, %dma_wait3A_569] : memref<50x4x128x8x128xf32, #tpu.memory_space<hbm>> -> memref<1x1x4x8x128xf32, #tpu.memory_space<hbm>>
    %dma_wait3A_571 = tpu.memref_squeeze %dma_wait3A_570 : memref<1x1x4x8x128xf32, #tpu.memory_space<hbm>> -> memref<4x8x128xf32, #tpu.memory_space<hbm>>
    %dma_wait3A_572 = arith.constant 0 : i32
    %dma_wait3A_573 = arith.constant 0 : i32
    %dma_wait3A_574 = arith.constant 0 : i32
    %dma_wait3A_575 = tpu.memref_slice %arg7[%dma_wait3A_555, %dma_wait3A_556, %dma_wait3A_572, %dma_wait3A_573, %dma_wait3A_574] : memref<2x4x4x8x128xf32, #tpu.memory_space<vmem>> -> memref<1x1x4x8x128xf32, #tpu.memory_space<vmem>>
    %dma_wait3A_576 = tpu.memref_squeeze %dma_wait3A_575 : memref<1x1x4x8x128xf32, #tpu.memory_space<vmem>> -> memref<4x8x128xf32, #tpu.memory_space<vmem>>
    tpu.wait_dma2 semaphore(%arg9 : memref<!tpu.dma_semaphore, #tpu.memory_space<semaphore_mem>>) src(%dma_wait3A_576 : memref<4x8x128xf32, #tpu.memory_space<vmem>>) dst(%dma_wait3A_571 : memref<4x8x128xf32, #tpu.memory_space<hbm>>)
    %dma_wait3A_577 = arith.constant 1 : i32
    %dma_wait3A_578 = arith.constant 1 : i32
    %dma_wait3A_579 = arith.constant 49 : i32
    %dma_wait3A_580 = arith.constant 1 : i32
    %dma_wait3A_581 = arith.constant 0 : i32
    %dma_wait3A_582 = arith.constant 0 : i32
    %dma_wait3A_583 = arith.constant 0 : i32
    %dma_wait3A_584 = tpu.memref_slice %arg7[%dma_wait3A_577, %dma_wait3A_578, %dma_wait3A_581, %dma_wait3A_582, %dma_wait3A_583] : memref<2x4x4x8x128xf32, #tpu.memory_space<vmem>> -> memref<1x1x4x8x128xf32, #tpu.memory_space<vmem>>
    %dma_wait3A_585 = tpu.memref_squeeze %dma_wait3A_584 : memref<1x1x4x8x128xf32, #tpu.memory_space<vmem>> -> memref<4x8x128xf32, #tpu.memory_space<vmem>>
    %dma_wait3A_586 = arith.constant 0 : i32
    %dma_wait3A_587 = arith.constant 0 : i32
    %dma_wait3A_588 = tpu.memref_slice %arg4[%dma_wait3A_579, %dma_wait3A_580, %mul3A_550, %dma_wait3A_586, %dma_wait3A_587] : memref<50x4x128x8x128xf32, #tpu.memory_space<hbm>> -> memref<1x1x4x8x128xf32, #tpu.memory_space<hbm>>
    %dma_wait3A_589 = tpu.memref_squeeze %dma_wait3A_588 : memref<1x1x4x8x128xf32, #tpu.memory_space<hbm>> -> memref<4x8x128xf32, #tpu.memory_space<hbm>>
    %dma_wait3A_590 = arith.constant 0 : i32
    %dma_wait3A_591 = arith.constant 0 : i32
    %dma_wait3A_592 = tpu.memref_slice %arg4[%dma_wait3A_579, %dma_wait3A_580, %mul3A_550, %dma_wait3A_590, %dma_wait3A_591] : memref<50x4x128x8x128xf32, #tpu.memory_space<hbm>> -> memref<1x1x4x8x128xf32, #tpu.memory_space<hbm>>
    %dma_wait3A_593 = tpu.memref_squeeze %dma_wait3A_592 : memref<1x1x4x8x128xf32, #tpu.memory_space<hbm>> -> memref<4x8x128xf32, #tpu.memory_space<hbm>>
    %dma_wait3A_594 = arith.constant 0 : i32
    %dma_wait3A_595 = arith.constant 0 : i32
    %dma_wait3A_596 = arith.constant 0 : i32
    %dma_wait3A_597 = tpu.memref_slice %arg7[%dma_wait3A_577, %dma_wait3A_578, %dma_wait3A_594, %dma_wait3A_595, %dma_wait3A_596] : memref<2x4x4x8x128xf32, #tpu.memory_space<vmem>> -> memref<1x1x4x8x128xf32, #tpu.memory_space<vmem>>
    %dma_wait3A_598 = tpu.memref_squeeze %dma_wait3A_597 : memref<1x1x4x8x128xf32, #tpu.memory_space<vmem>> -> memref<4x8x128xf32, #tpu.memory_space<vmem>>
    tpu.wait_dma2 semaphore(%arg9 : memref<!tpu.dma_semaphore, #tpu.memory_space<semaphore_mem>>) src(%dma_wait3A_598 : memref<4x8x128xf32, #tpu.memory_space<vmem>>) dst(%dma_wait3A_593 : memref<4x8x128xf32, #tpu.memory_space<hbm>>)
    %dma_wait3A_599 = arith.constant 1 : i32
    %dma_wait3A_600 = arith.constant 2 : i32
    %dma_wait3A_601 = arith.constant 49 : i32
    %dma_wait3A_602 = arith.constant 2 : i32
    %dma_wait3A_603 = arith.constant 0 : i32
    %dma_wait3A_604 = arith.constant 0 : i32
    %dma_wait3A_605 = arith.constant 0 : i32
    %dma_wait3A_606 = tpu.memref_slice %arg7[%dma_wait3A_599, %dma_wait3A_600, %dma_wait3A_603, %dma_wait3A_604, %dma_wait3A_605] : memref<2x4x4x8x128xf32, #tpu.memory_space<vmem>> -> memref<1x1x4x8x128xf32, #tpu.memory_space<vmem>>
    %dma_wait3A_607 = tpu.memref_squeeze %dma_wait3A_606 : memref<1x1x4x8x128xf32, #tpu.memory_space<vmem>> -> memref<4x8x128xf32, #tpu.memory_space<vmem>>
    %dma_wait3A_608 = arith.constant 0 : i32
    %dma_wait3A_609 = arith.constant 0 : i32
    %dma_wait3A_610 = tpu.memref_slice %arg4[%dma_wait3A_601, %dma_wait3A_602, %mul3A_552, %dma_wait3A_608, %dma_wait3A_609] : memref<50x4x128x8x128xf32, #tpu.memory_space<hbm>> -> memref<1x1x4x8x128xf32, #tpu.memory_space<hbm>>
    %dma_wait3A_611 = tpu.memref_squeeze %dma_wait3A_610 : memref<1x1x4x8x128xf32, #tpu.memory_space<hbm>> -> memref<4x8x128xf32, #tpu.memory_space<hbm>>
    %dma_wait3A_612 = arith.constant 0 : i32
    %dma_wait3A_613 = arith.constant 0 : i32
    %dma_wait3A_614 = tpu.memref_slice %arg4[%dma_wait3A_601, %dma_wait3A_602, %mul3A_552, %dma_wait3A_612, %dma_wait3A_613] : memref<50x4x128x8x128xf32, #tpu.memory_space<hbm>> -> memref<1x1x4x8x128xf32, #tpu.memory_space<hbm>>
    %dma_wait3A_615 = tpu.memref_squeeze %dma_wait3A_614 : memref<1x1x4x8x128xf32, #tpu.memory_space<hbm>> -> memref<4x8x128xf32, #tpu.memory_space<hbm>>
    %dma_wait3A_616 = arith.constant 0 : i32
    %dma_wait3A_617 = arith.constant 0 : i32
    %dma_wait3A_618 = arith.constant 0 : i32
    %dma_wait3A_619 = tpu.memref_slice %arg7[%dma_wait3A_599, %dma_wait3A_600, %dma_wait3A_616, %dma_wait3A_617, %dma_wait3A_618] : memref<2x4x4x8x128xf32, #tpu.memory_space<vmem>> -> memref<1x1x4x8x128xf32, #tpu.memory_space<vmem>>
    %dma_wait3A_620 = tpu.memref_squeeze %dma_wait3A_619 : memref<1x1x4x8x128xf32, #tpu.memory_space<vmem>> -> memref<4x8x128xf32, #tpu.memory_space<vmem>>
    tpu.wait_dma2 semaphore(%arg9 : memref<!tpu.dma_semaphore, #tpu.memory_space<semaphore_mem>>) src(%dma_wait3A_620 : memref<4x8x128xf32, #tpu.memory_space<vmem>>) dst(%dma_wait3A_615 : memref<4x8x128xf32, #tpu.memory_space<hbm>>)
    %dma_wait3A_621 = arith.constant 1 : i32
    %dma_wait3A_622 = arith.constant 3 : i32
    %dma_wait3A_623 = arith.constant 49 : i32
    %dma_wait3A_624 = arith.constant 3 : i32
    %dma_wait3A_625 = arith.constant 0 : i32
    %dma_wait3A_626 = arith.constant 0 : i32
    %dma_wait3A_627 = arith.constant 0 : i32
    %dma_wait3A_628 = tpu.memref_slice %arg7[%dma_wait3A_621, %dma_wait3A_622, %dma_wait3A_625, %dma_wait3A_626, %dma_wait3A_627] : memref<2x4x4x8x128xf32, #tpu.memory_space<vmem>> -> memref<1x1x4x8x128xf32, #tpu.memory_space<vmem>>
    %dma_wait3A_629 = tpu.memref_squeeze %dma_wait3A_628 : memref<1x1x4x8x128xf32, #tpu.memory_space<vmem>> -> memref<4x8x128xf32, #tpu.memory_space<vmem>>
    %dma_wait3A_630 = arith.constant 0 : i32
    %dma_wait3A_631 = arith.constant 0 : i32
    %dma_wait3A_632 = tpu.memref_slice %arg4[%dma_wait3A_623, %dma_wait3A_624, %mul3A_554, %dma_wait3A_630, %dma_wait3A_631] : memref<50x4x128x8x128xf32, #tpu.memory_space<hbm>> -> memref<1x1x4x8x128xf32, #tpu.memory_space<hbm>>
    %dma_wait3A_633 = tpu.memref_squeeze %dma_wait3A_632 : memref<1x1x4x8x128xf32, #tpu.memory_space<hbm>> -> memref<4x8x128xf32, #tpu.memory_space<hbm>>
    %dma_wait3A_634 = arith.constant 0 : i32
    %dma_wait3A_635 = arith.constant 0 : i32
    %dma_wait3A_636 = tpu.memref_slice %arg4[%dma_wait3A_623, %dma_wait3A_624, %mul3A_554, %dma_wait3A_634, %dma_wait3A_635] : memref<50x4x128x8x128xf32, #tpu.memory_space<hbm>> -> memref<1x1x4x8x128xf32, #tpu.memory_space<hbm>>
    %dma_wait3A_637 = tpu.memref_squeeze %dma_wait3A_636 : memref<1x1x4x8x128xf32, #tpu.memory_space<hbm>> -> memref<4x8x128xf32, #tpu.memory_space<hbm>>
    %dma_wait3A_638 = arith.constant 0 : i32
    %dma_wait3A_639 = arith.constant 0 : i32
    %dma_wait3A_640 = arith.constant 0 : i32
    %dma_wait3A_641 = tpu.memref_slice %arg7[%dma_wait3A_621, %dma_wait3A_622, %dma_wait3A_638, %dma_wait3A_639, %dma_wait3A_640] : memref<2x4x4x8x128xf32, #tpu.memory_space<vmem>> -> memref<1x1x4x8x128xf32, #tpu.memory_space<vmem>>
    %dma_wait3A_642 = tpu.memref_squeeze %dma_wait3A_641 : memref<1x1x4x8x128xf32, #tpu.memory_space<vmem>> -> memref<4x8x128xf32, #tpu.memory_space<vmem>>
    tpu.wait_dma2 semaphore(%arg9 : memref<!tpu.dma_semaphore, #tpu.memory_space<semaphore_mem>>) src(%dma_wait3A_642 : memref<4x8x128xf32, #tpu.memory_space<vmem>>) dst(%dma_wait3A_637 : memref<4x8x128xf32, #tpu.memory_space<hbm>>)
    return
  }
}

</mosaic_0001>

<sc_bundles>
// kernel: kernel.3.cloned.1.call-start
scs
__scs_entry_jumppad:
0x0: {  	(pc) =	sbr.rel $0x88, $3  }
0x1: {  	(tag) =	ssettag $0x0;
	lr =	simm.s32 $0x1  }
0x2: {  	[smem:$0x3F9F] =	sst lr;
	_ =	strace $0xD0000000  }
0x3: {  	_ = 	snop  }
0x4: {  	_ = 	snop  }
0x5: {  	_ = 	snop  }
0x6: {  	_ = 	snop  }
0x7: {  	_ = 	snop  }
__scs_overlays_trampoline_lowered:
0x8: {  	[smem:$0x3FAE] =	sst s0  }
0x9: {  	[smem:$0x3FAF] =	sst s1  }
0xa: {  	[smem:$0x3FB0] =	sst s2  }
0xb: {  	[smem:$0x3FB1] =	sst s3  }
0xc: {  	[smem:$0x3FB2] =	sst s4  }
0xd: {  	[smem:$0x3FB3] =	sst s5  }
0xe: {  	[smem:$0x3FB4] =	sst s6  }
0xf: {  	[smem:$0x3FB5] =	sst s7  }
0x10: {  	[smem:$0x3FB6] =	sst s8  }
0x11: {  	[smem:$0x3FB7] =	sst s9;
	s0 =	simm.s32 @!p0 $0x0  }
0x12: {  	s1 =	sld [smem:$0x3F9D];
	s0 =	simm.s32 @p0 $0x1  }
0x13: {  	[smem:$0x3FB8] =	sst s0;
	s0 =	simm.s32 @!p1 $0x0  }
0x14: {  	s2 =	sld [smem:$0x3F9C];
	s0 =	simm.s32 @p1 $0x1  }
0x15: {  	[smem:$0x3FB9] =	sst s0;
	s0 =	simm.s32 @!p2 $0x0  }
0x16: {  	s3 =	sld [smem:$0x3FDB];
	s0 =	simm.s32 @p2 $0x1  }
0x17: {  	s4 =	simm.s32 $0x1BF5;
	[smem:$0x3FBB] =	sst s0  }
0x18: {  	s0 =	sld [smem:$0x3F9E];
	_ =	swait.ge [sflag:s4], $0x0  }
0x19: {  	s7 =	sld [smem:$0x3F9F]  }
0x1a: {  	s8 =	sadd.s32 $0xFFFFE003, lr  }
0x1b: {  	s9 =	sadd.s32 $0xFFFFFEF7, lr;
	s5 =	simm.s32 $0xFFFFFFFF;
	p2 =	slt.u32 s8, $0xFFFFF086  }
0x1c: {  	p1 =	slt.u32 s9, $0xF7A;
	s5 =	simm.s32 @!p2 $0x0  }
0x1d: {  	s5 =	simm.s32 @p1 $0x1;
	p0 =	seq.s32 s7, s2  }
0x1e: {  	s7 =	smul.u32 @!p0 $0xF7A, s2;
	p2 =	seq.s32 @!p0 s5, $0x0  }
0x1f: {  	s9 =	smul.u32 $0xF7A, s1;
	s8 =	simm.s32 @!p0 $0x1BF5;
	p2 =	por !p2, p0  }
0x20: {  	[sflag:s8] =	ssyncset.s32 @!p0 $0xFFFFF086;
	s6 =	sadd.s32 @!p0 s3, s7;
	s7 =	simm.s32 @!p0 $0x108  }
0x21: {  	s3 =	sadd.s32 s3, s9;
	s6 =	sadd.s32 @!p0 $0x88, s6;
	s7 =	simm.s32 @p2 $0x1082  }
0x22: {  	[simem:s7], [sflag:s8] =	dma.local @!p0 [hbm:s6], $0xF7A  }
0x23: {  	s9 =	sor.u32 $0xD0000000, s2;
	s6 =	simm.s32 $0x108;
	_ =	swait.ge @!p0 [sflag:s8], $0x0  }
0x24: {  	s3 =	sadd.s32 $0x88, s3;
	s6 =	simm.s32 @!p1 $0x1082;
	[sflag:s4] =	ssyncset.s32 $0xFFFFF086  }
0x25: {  	[simem:s6], [sflag:s4] =	dma.local [hbm:s3], $0xF7A  }
0x26: {  	[smem:$0x3F9F] =	sst s1;
	(tag) =	ssettag s2;
	_ =	strace s9  }
0x27: {  	s1 =	sld [smem:$0x3FAF]  }
0x28: {  	s2 =	sld [smem:$0x3FB0]  }
0x29: {  	s4 =	sld [smem:$0x3FB2]  }
0x2a: {  	p0 =	seq.s32 s5, $0x0;
	s5 =	sld [smem:$0x3FB3]  }
0x2b: {  	s6 =	sld [smem:$0x3FB4]  }
0x2c: {  	s7 =	sld [smem:$0x3FB5]  }
0x2d: {  	s3 =	simm.s32 $0x108;
	s8 =	sld [smem:$0x3FB6]  }
0x2e: {  	s3 =	simm.s32 @!p0 $0x1082;
	s9 =	sld [smem:$0x3FB7]  }
0x2f: {  	lr =	sadd.s32 s0, s3;
	s0 =	sld [smem:$0x3FAE]  }
0x30: {  	s3 =	sld [smem:$0x3FB1]  }
0x31: {  	[smem:$0x3FBA] =	sst s10  }
0x32: {  	s10 =	sld [smem:$0x3FB8];
	_ =	sdelay $0x3  }
0x33: {  	p0 =	seq.s32 s10, $0x1;
	s10 =	sld [smem:$0x3FBA];
	_ =	sdelay $0x3  }
0x34: {  	[smem:$0x3FBA] =	sst s10  }
0x35: {  	s10 =	sld [smem:$0x3FB9];
	_ =	sdelay $0x3  }
0x36: {  	p1 =	seq.s32 s10, $0x1;
	s10 =	sld [smem:$0x3FBA];
	_ =	sdelay $0x3  }
0x37: {  	[smem:$0x3FBA] =	sst s10  }
0x38: {  	s10 =	sld [smem:$0x3FBB]  }
0x39: {  	_ = 	snop;
	(pc) =	sbr.ind lr, $3  }
0x3a: {  	_ = 	snop  }
0x3b: {  	_ = 	snop  }
0x3c: {  	p2 =	seq.s32 s10, $0x1;
	s10 =	sld [smem:$0x3FBA]  }
0x3d: {  	_ =	shalt  }
0x3e: {  	_ =	shalt  }
0x3f: {  	_ =	shalt  }
0x40: {  	_ =	shalt  }
0x41: {  	_ =	shalt  }
0x42: {  	_ =	shalt  }
0x43: {  	_ =	shalt  }
0x44: {  	_ =	shalt  }
0x45: {  	_ =	shalt  }
0x46: {  	_ =	shalt  }
0x47: {  	_ =	shalt  }
0x48: {  	_ =	shalt  }
0x49: {  	_ =	shalt  }
0x4a: {  	_ =	shalt  }
0x4b: {  	_ =	shalt  }
0x4c: {  	_ =	shalt  }
0x4d: {  	_ =	shalt  }
0x4e: {  	_ =	shalt  }
0x4f: {  	_ =	shalt  }
0x50: {  	_ =	shalt  }
0x51: {  	_ =	shalt  }
0x52: {  	_ =	shalt  }
0x53: {  	_ =	shalt  }
0x54: {  	_ =	shalt  }
0x55: {  	_ =	shalt  }
0x56: {  	_ =	shalt  }
0x57: {  	_ =	shalt  }
0x58: {  	_ =	shalt  }
0x59: {  	_ =	shalt  }
0x5a: {  	_ =	shalt  }
0x5b: {  	_ =	shalt  }
0x5c: {  	_ =	shalt  }
0x5d: {  	_ =	shalt  }
0x5e: {  	_ =	shalt  }
0x5f: {  	_ =	shalt  }
0x60: {  	_ =	shalt  }
0x61: {  	_ =	shalt  }
0x62: {  	_ =	shalt  }
0x63: {  	_ =	shalt  }
0x64: {  	_ =	shalt  }
0x65: {  	_ =	shalt  }
0x66: {  	_ =	shalt  }
0x67: {  	_ =	shalt  }
0x68: {  	_ =	shalt  }
0x69: {  	_ =	shalt  }
0x6a: {  	_ =	shalt  }
0x6b: {  	_ =	shalt  }
0x6c: {  	_ =	shalt  }
0x6d: {  	_ =	shalt  }
0x6e: {  	_ =	shalt  }
0x6f: {  	_ =	shalt  }
0x70: {  	_ =	shalt  }
0x71: {  	_ =	shalt  }
0x72: {  	_ =	shalt  }
0x73: {  	_ =	shalt  }
0x74: {  	_ =	shalt  }
0x75: {  	_ =	shalt  }
0x76: {  	_ =	shalt  }
0x77: {  	_ =	shalt  }
0x78: {  	_ =	shalt  }
0x79: {  	_ =	shalt  }
0x7a: {  	_ =	shalt  }
0x7b: {  	_ =	shalt  }
0x7c: {  	_ =	shalt  }
0x7d: {  	_ =	shalt  }
0x7e: {  	_ =	shalt  }
0x7f: {  	_ =	shalt  }
0x80: {  	_ =	shalt  }
0x81: {  	_ =	shalt  }
0x82: {  	_ =	shalt  }
0x83: {  	_ =	shalt  }
0x84: {  	_ =	shalt  }
0x85: {  	_ =	shalt  }
0x86: {  	_ =	shalt  }
0x87: {  	_ =	shalt  }
.Lfunc_end0:
.L_simem_size_0:
called_computation_lowered:
.L_overlay_start_0:
0x88: {  	s2 =	sld [smem:$0x3FD9]  }
0x89: {  	s3 =	sld [smem:$0x3FFE];
	_ =	sdelay $0x1  }
0x8a: {  	s1 =	srdreg.scid  }
0x8b: {  	s0 =	sand.u32 $0x1, s1  }
0x8c: {  	s17 =	sshll.u32 s0, $0xA;
	s2 =	sadd.s32 s3, s2  }
0x8d: {  	s2 =	sadd.s32 s2, s17  }
0x8e: {  	[smem:$0x3FC6] =	sst s2  }
0x8f: {  	_ = 	snop  }
0x90: {  	s2 =	sld [smem:$0x3FD0];
	(tm) =	ssettm $0x1  }
0x91: {  	s18 =	sld [smem:$0x3FFB];
	_ =	sdelay $0x3  }
0x92: {  	_ =	strace s18  }
0x93: {  	s3 =	sld [smem:$0x3FFC];
	_ =	sdelay $0x3  }
0x94: {  	_ =	strace s3  }
0x95: {  	s3 =	sld [smem:$0x3FFD];
	_ =	sdelay $0x3  }
0x96: {  	_ =	strace s3  }
0x97: {  	_ =	strace $0x8FFFFFFF  }
0x98: {  	s19 =	sld [smem:$0x3FDB];
	_ =	sdelay $0x1  }
0x99: {  	s4 =	simm.s32 $_scs_section_size  }
0x9a: {  	s5 =	simm.s32 $_size__tile_overlayer_lowered;
	s6 =	simm.s32 $_tile_overlayer_lowered  }
0x9b: {  	s22 =	simm.s32 $0x1BFF;
	s21 =	sshll.u32 s6, $0x1;
	s3 =	sadd.s32 s4, s19  }
0x9c: {  	s7 =	simm.s32 $0x0;
	s20 =	sshll.u32 s5, $0x1;
	s5 =	sadd.s32 s21, s3  }
0x9d: {  	[timem:s7], [sflag:s22] =	dma.local [hbm:s5], s20  }
0x9e: {  	_ =	swait.ge [sflag:s22], s20  }
0x9f: {  	s4 =	ssub.s32 $0x0, s20;
	[sflag:s22] =	ssyncset.done $0x0  }
0xa0: {  	[sflag:s22] =	ssyncadd.s32 s4;
	_ =	sdelay $0x1  }
0xa1: {  	s23 =	simm.s32 $0x1B8B  }
0xa2: {  	_ =	swait.ge [sflag:s23], $0x1  }
0xa3: {  	[sflag:s23] =	ssyncset.done $0x0  }
0xa4: {  	s25 =	simm.s32 $0x1B8E;
	s24 =	sld [smem:$0x3FFE];
	[sflag:s23] =	ssyncadd.s32 $0xFFFFFFFF  }
0xa5: {  	s26 =	simm.s32 $execute0_lowered;
	[smem:$0x3FD2] =	sst s25  }
0xa6: {  	s5 =	sshll.u32 s26, $0x1;
	_ =	strace $0x80000046;
	[dreg:$0x1] =	wrdreg $0xFFFFFFFF  }
0xa7: {  	s28 =	simm.s32 $_size_execute0_lowered;
	s3 =	sadd.s32 s3, s5;
	[dreg:$0x0] =	wrdreg $0x0  }
0xa8: {  	s5 =	sshll.u32 s28, $0x1;
	[dreg:$0x2] =	wrdreg s3  }
0xa9: {  	[dreg:$0x3] =	wrdreg s5  }
0xaa: {  	[dreg:$0x4] =	wrdreg $0xC0  }
0xab: {  	_ =	task [dreg:s7], $0x5FFFF  }
0xac: {  	[dreg:$0x1] =	wrdreg $0xFFFFFFFF  }
0xad: {  	[dreg:$0x0] =	wrdreg $0x60  }
0xae: {  	[dreg:$0x2] =	wrdreg s24  }
0xaf: {  	[dreg:$0x3] =	wrdreg s2  }
0xb0: {  	[dreg:$0x4] =	wrdreg $0x9  }
0xb1: {  	_ =	task.clear_ibuf [dreg:s7], $0x5FFFF;
	_ =	strace $0x90000046  }
0xb2: {  	s29 =	simm.s32 $0x9;
	_ =	strace $0x80000048  }
0xb3: {  	_ =	swait.ge [sflag:s29], $0x1  }
0xb4: {  	[sflag:s29] =	ssyncadd.s32 $0xFFFFFFFF  }
0xb5: {  	_ =	strace $0x90000048  }
0xb6: {  	_ =	sfence  }
0xb7: {  	s30 =	sld [smem:$0x0];
	_ =	sdelay $0x2  }
0xb8: {  	s31 =	sshll.u32 s1, $0xD;
	s1 =	sshrl.u32 s1, $0x2  }
0xb9: {  	s3 =	sand.u32 $0x4000, s31;
	s1 =	sadd.s32 s1, s30  }
0xba: {  	s0 =	sor.u32 s3, s0;
	s1 =	sshll.u32 s1, $0x11  }
0xbb: {  	s0 =	sor.u32 s1, s0  }
0xbc: {  	s0 =	sadd.s32 $0x8F2B, s0  }
0xbd: {  	[sflag:s0] =	ssyncadd.remote.s32 $0x1  }
0xbe: {  	_ =	sfence.sel $0xFFFF  }
0xbf: {  	[dreg:$0x0] =	wrdreg $0xFFFFFFFF;
	(pc) =	sbr.abs _section_cstart, $3  }
0xc0: {  	[dreg:$0x1] =	wrdreg $0xFFFFFFFF  }
0xc1: {  	_ =	task.clear_ibuf [dreg:s7], $0x2FFFF;
	_ =	strace $0x9FFFFFFF  }
0xc2: {  	(tm) =	ssettm $0x7FFFFFFF  }
0xc3: {  	_ =	shalt  }
tec
execute0_lowered:
.L_overlay_start_1:
0x0: {  	(tag) =	ssettag $0x1  }
0x1: {  	s0 =	rddreg [dreg:$0x0]  }
0x2: {  	s2 =	rddreg [dreg:$0x1];
	s1 =	srdreg.scid  }
0x3: {  	s3 =	simm.s32 $0x0;
	s4 =	stileid.u32;
	s29 =	simm.s32 $0x1  }
0x4: {  	s30 =	simm.s32 $0xB000;
	s28 =	simm.s32 $0x0;
	s1 =	sand.u32 $0x1, s1  }
0x5: {  	[smem:$0x7FF] =	sst s3;
	s4 =	sshll.u32 s4, $0xD;
	s7 =	sadd.s32 $0x600, s0  }
0x6: {  	v0 =	vlaneseq.u32;
	s17 =	sadd.s32 $0x4000, s2;
	s18 =	sadd.s32 $0x8000, s2;
	s5 =	sshll.u32 s1, $0xC  }
0x7: {  	s19 =	sadd.s32 $0xC000, s2;
	v0 =	vmul.u32 $0x20, v0;
	s1 =	ssub.s32 $0x2, s1;
	s4 =	sor.u32 s5, s4  }
0x8: {  	_ =	strace $0x80000047;
	s6 =	sshrl.u32 s1, $0x1;
	s8 =	sshrl.u32 s4, $0x3  }
0x9: {  	s5 =	sadd.s32 $0xF42A00, s0;
	v1 =	vor.u32 $0x200, v0;
	s0 =	simm.s32 $0x2;
	s22 =	sor.u32 $0x4000, s8  }
0xa: {  	v2 =	vor.u32 $0x400, v0;
	v3 =	vor.u32 $0x600, v0;
	v4 =	vor.u32 $0x800, v0;
	s15 =	ssub.s32 s1, s6;
	s9 =	sor.u32 $0x8000, s8;
	s11 =	sadd.s32 s7, s22  }
0xb: {  	v5 =	vor.u32 $0xA00, v0;
	v6 =	vor.u32 $0xC00, v0;
	v7 =	vor.u32 $0xE00, v0;
	s10 =	sor.u32 $0xC000, s8;
	s23 =	sadd.s32 s7, s9;
	[dreg:$0x3] =	wrdreg s11  }
0xc: {  	v8 =	vor.u32 $0x1000, v0;
	v9 =	vor.u32 $0x1200, v0;
	v10 =	vor.u32 $0x1400, v0;
	s6 =	sadd.s32 s7, s8;
	s7 =	sadd.s32 s7, s10;
	[dreg:$0x4] =	wrdreg s23  }
0xd: {  	v11 =	vor.u32 $0x1600, v0;
	v12 =	vor.u32 $0x1800, v0;
	v13 =	vor.u32 $0x1A00, v0;
	s13 =	sadd.s32 s2, s8;
	s24 =	sadd.s32 $0x10000, s6;
	[dreg:$0x5] =	wrdreg s7  }
0xe: {  	v14 =	vor.u32 $0x1C00, v0;
	v15 =	vor.u32 $0x1E00, v0;
	v16 =	vor.u32 $0x2000, v0;
	s25 =	sadd.s32 $0x14000, s6;
	s26 =	sadd.s32 $0x18000, s6;
	[dreg:$0x6] =	wrdreg s24  }
0xf: {  	v17 =	vor.u32 $0x2200, v0;
	v18 =	vor.u32 $0x2400, v0;
	v19 =	vor.u32 $0x2600, v0;
	s1 =	sadd.s32 s2, s22;
	s31 =	sadd.s32 s2, s9;
	[dreg:$0x7] =	wrdreg s25  }
0x10: {  	v20 =	vor.u32 $0x2800, v0;
	v21 =	vor.u32 $0x2A00, v0;
	v22 =	vor.u32 $0x2C00, v0;
	s16 =	sadd.s32 s2, s10;
	s20 =	sadd.s32 $0x310000, s13;
	[dreg:$0x8] =	wrdreg s26  }
0x11: {  	v23 =	vor.u32 $0x2E00, v0;
	v24 =	vor.u32 $0x3000, v0;
	v25 =	vor.u32 $0x3200, v0;
	s21 =	sadd.s32 $0x314000, s13;
	s22 =	sadd.s32 $0x318000, s13;
	[dreg:$0x9] =	wrdreg s1  }
0x12: {  	v26 =	vor.u32 $0x3400, v0;
	v27 =	vor.u32 $0x3600, v0;
	v28 =	vor.u32 $0x3800, v0;
	[dreg:$0xa] =	wrdreg s31;
	s23 =	sadd.s32 $0x31C000, s13;
	s24 =	smax.u32 s15, $0x1  }
0x13: {  	v29 =	vor.u32 $0x3A00, v0;
	v30 =	vor.u32 $0x3C00, v0;
	v31 =	vor.u32 $0x3E00, v0;
	s25 =	simm.s32 $0x3;
	s1 =	simm.s32 $0x80;
	s26 =	simm.s32 $0x7000  }
.LBB2_1:
0x14: {  	[tilespmem:s3], [sflag:$0x3] =	stream.linear.gather [hbm4b:s6+s3], $0x1000, $0x38;
	[tilespmem:$0x17000] =	vst v63  }
0x15: {  	_ =	swait.ge [sflag:s25], $0x1000  }
0x16: {  	[sflag:s25] =	ssyncset.done $0x0  }
0x17: {  	s8 =	simm.s32 $0x1000;
	s7 =	rddreg [dreg:$0x3];
	[sflag:s25] =	ssyncadd.s32 $0xFFFFF000  }
0x18: {  	[tilespmem:s8], [sflag:$0x3] =	stream.linear.gather [hbm4b:s7+s3], $0x1000, $0x38;
	[tilespmem:$0x17000] =	vst v63  }
0x19: {  	_ =	swait.ge [sflag:s25], $0x1000  }
0x1a: {  	[sflag:s25] =	ssyncset.done $0x0  }
0x1b: {  	s31 =	simm.s32 $0x2000;
	s15 =	rddreg [dreg:$0x4];
	[sflag:s25] =	ssyncadd.s32 $0xFFFFF000  }
0x1c: {  	[tilespmem:s31], [sflag:$0x3] =	stream.linear.gather [hbm4b:s15+s3], $0x1000, $0x38;
	[tilespmem:$0x17000] =	vst v63  }
0x1d: {  	_ =	swait.ge [sflag:s25], $0x1000  }
0x1e: {  	[sflag:s25] =	ssyncset.done $0x0  }
0x1f: {  	s9 =	simm.s32 $0x3000;
	s8 =	rddreg [dreg:$0x5];
	[sflag:s25] =	ssyncadd.s32 $0xFFFFF000  }
0x20: {  	[tilespmem:s9], [sflag:$0x3] =	stream.linear.gather [hbm4b:s8+s3], $0x1000, $0x38;
	[tilespmem:$0x17000] =	vst v63  }
0x21: {  	_ =	swait.ge [sflag:s25], $0x1000  }
0x22: {  	[sflag:s25] =	ssyncset.done $0x0  }
0x23: {  	s11 =	simm.s32 $0x4000;
	s10 =	rddreg [dreg:$0x6];
	[sflag:s25] =	ssyncadd.s32 $0xFFFFF000  }
0x24: {  	[tilespmem:s11], [sflag:$0x3] =	stream.linear.gather [hbm4b:s10+s3], $0x1000, $0x38;
	[tilespmem:$0x17000] =	vst v63  }
0x25: {  	_ =	swait.ge [sflag:s25], $0x1000  }
0x26: {  	[sflag:s25] =	ssyncset.done $0x0  }
0x27: {  	s14 =	simm.s32 $0x5000;
	s12 =	rddreg [dreg:$0x7];
	[sflag:s25] =	ssyncadd.s32 $0xFFFFF000  }
0x28: {  	[tilespmem:s14], [sflag:$0x3] =	stream.linear.gather [hbm4b:s12+s3], $0x1000, $0x38;
	[tilespmem:$0x17000] =	vst v63  }
0x29: {  	_ =	swait.ge [sflag:s25], $0x1000  }
0x2a: {  	[sflag:s25] =	ssyncset.done $0x0  }
0x2b: {  	s31 =	simm.s32 $0x6000;
	s15 =	rddreg [dreg:$0x8];
	[sflag:s25] =	ssyncadd.s32 $0xFFFFF000  }
0x2c: {  	[tilespmem:s31], [sflag:$0x3] =	stream.linear.gather [hbm4b:s15+s3], $0x1000, $0x38;
	[tilespmem:$0x17000] =	vst v63  }
0x2d: {  	_ =	swait.ge [sflag:s25], $0x1000  }
0x2e: {  	[sflag:s25] =	ssyncset.done $0x0  }
0x2f: {  	[sflag:s25] =	ssyncadd.s32 $0xFFFFF000  }
0x30: {  	[tilespmem:s26], [sflag:$0x1] =	stream.indirect.gather [hbm4b:s5+s1], $0x20, s3, s1, $0xb8;
	[tilespmem:$0x17000] =	vst v63  }
0x31: {  	s8 =	simm.s32 $0x400;
	s9 =	simm.s32 $0x8000  }
0x32: {  	[tilespmem:s9], [sflag:$0x1] =	stream.indirect.gather [hbm4b:s5+s1], $0x20, s8, s1, $0xb8;
	[tilespmem:$0x17000] =	vst v63  }
0x33: {  	s10 =	simm.s32 $0x800;
	s11 =	simm.s32 $0x9000  }
0x34: {  	[tilespmem:s11], [sflag:$0x1] =	stream.indirect.gather [hbm4b:s5+s1], $0x20, s10, s1, $0xb8;
	[tilespmem:$0x17000] =	vst v63  }
0x35: {  	s12 =	simm.s32 $0xC00;
	s14 =	simm.s32 $0xA000  }
0x36: {  	[tilespmem:s14], [sflag:$0x1] =	stream.indirect.gather [hbm4b:s5+s1], $0x20, s12, s1, $0xb8;
	[tilespmem:$0x17000] =	vst v63  }
0x37: {  	_ =	swait.ge [sflag:s29], $0x1000  }
0x38: {  	[sflag:s29] =	ssyncset.done $0x0  }
0x39: {  	[sflag:s29] =	ssyncadd.s32 $0xFFFFF000  }
0x3a: {  	_ =	swait.ge [sflag:s29], $0x1000  }
0x3b: {  	[sflag:s29] =	ssyncset.done $0x0  }
0x3c: {  	[sflag:s29] =	ssyncadd.s32 $0xFFFFF000  }
0x3d: {  	_ =	swait.ge [sflag:s29], $0x1000  }
0x3e: {  	[sflag:s29] =	ssyncset.done $0x0  }
0x3f: {  	[sflag:s29] =	ssyncadd.s32 $0xFFFFF000  }
0x40: {  	_ =	swait.ge [sflag:s29], $0x1000  }
0x41: {  	v32 =	vmov s3;
	[sflag:s29] =	ssyncset.done $0x0  }
0x42: {  	v32 =	vand.u32 $0x1F, v32;
	[sflag:s29] =	ssyncadd.s32 $0xFFFFF000  }
0x43: {  	v32 =	vbroadcast v32, $0x0;
	[tilespmem:s30], [sflag:$0x1] =	stream.indirect.gather [hbm4b:s5+s1], $0x20, s1, s1, $0xb8;
	[tilespmem:$0x17000] =	vst v63  }
0x44: {  	s15 =	simm.s32 $0x480;
	s31 =	simm.s32 $0xC000  }
0x45: {  	v33 =	vor.u32 v0, v32;
	[tilespmem:s31], [sflag:$0x1] =	stream.indirect.gather [hbm4b:s5+s1], $0x20, s15, s1, $0xb8;
	[tilespmem:$0x17000] =	vst v63  }
0x46: {  	s9 =	simm.s32 $0x880;
	s10 =	simm.s32 $0xD000  }
0x47: {  	[tilespmem:s10], [sflag:$0x1] =	stream.indirect.gather [hbm4b:s5+s1], $0x20, s9, s1, $0xb8;
	[tilespmem:$0x17000] =	vst v63  }
0x48: {  	s11 =	simm.s32 $0xC80;
	s12 =	simm.s32 $0xE000  }
0x49: {  	[tilespmem:s12], [sflag:$0x1] =	stream.indirect.gather [hbm4b:s5+s1], $0x20, s11, s1, $0xb8;
	[tilespmem:$0x17000] =	vst v63  }
0x4a: {  	v33 =	vld.idx.msk [tilespmem:v33+s26+$0x0], $0xffff  }
0x4b: {  	v34 =	vor.u32 v1, v32;
	_ =	sdelay $0x1  }
0x4c: {  	s14 =	sand.u32 $0x3000, s3;
	s15 =	sand.u32 $0x380, s3  }
0x4d: {  	s8 =	sor.u32 s15, s14  }
0x4e: {  	[tilespmem:s8+$0xF000] =	vst v33  }
0x4f: {  	v33 =	vld.idx.msk [tilespmem:v34+s26+$0x0], $0xffff  }
0x50: {  	v63 =	vor.u32 v2, v32;
	_ =	sdelay $0x3  }
0x51: {  	[tilespmem:s8+$0xF010] =	vst v33  }
0x52: {  	v33 =	vld.idx.msk [tilespmem:v63+s26+$0x0], $0xffff  }
0x53: {  	v36 =	vor.u32 v3, v32;
	_ =	sdelay $0x3  }
0x54: {  	[tilespmem:s8+$0xF020] =	vst v33  }
0x55: {  	v33 =	vld.idx.msk [tilespmem:v36+s26+$0x0], $0xffff  }
0x56: {  	v37 =	vor.u32 v4, v32;
	_ =	sdelay $0x3  }
0x57: {  	[tilespmem:s8+$0xF030] =	vst v33  }
0x58: {  	v33 =	vld.idx.msk [tilespmem:v37+s26+$0x0], $0xffff  }
0x59: {  	v38 =	vor.u32 v5, v32;
	_ =	sdelay $0x3  }
0x5a: {  	[tilespmem:s8+$0xF040] =	vst v33  }
0x5b: {  	v33 =	vld.idx.msk [tilespmem:v38+s26+$0x0], $0xffff  }
0x5c: {  	v39 =	vor.u32 v6, v32;
	_ =	sdelay $0x3  }
0x5d: {  	[tilespmem:s8+$0xF050] =	vst v33  }
0x5e: {  	v33 =	vld.idx.msk [tilespmem:v39+s26+$0x0], $0xffff  }
0x5f: {  	v40 =	vor.u32 v7, v32;
	_ =	sdelay $0x3  }
0x60: {  	[tilespmem:s8+$0xF060] =	vst v33  }
0x61: {  	v33 =	vld.idx.msk [tilespmem:v40+s26+$0x0], $0xffff  }
0x62: {  	v41 =	vor.u32 v8, v32;
	_ =	sdelay $0x3  }
0x63: {  	[tilespmem:s8+$0xF070] =	vst v33  }
0x64: {  	v33 =	vld.idx.msk [tilespmem:v41+s26+$0x0], $0xffff  }
0x65: {  	v42 =	vor.u32 v9, v32;
	_ =	sdelay $0x3  }
0x66: {  	[tilespmem:s8+$0xF400] =	vst v33  }
0x67: {  	v33 =	vld.idx.msk [tilespmem:v42+s26+$0x0], $0xffff  }
0x68: {  	v43 =	vor.u32 v10, v32;
	_ =	sdelay $0x3  }
0x69: {  	[tilespmem:s8+$0xF410] =	vst v33  }
0x6a: {  	v33 =	vld.idx.msk [tilespmem:v43+s26+$0x0], $0xffff  }
0x6b: {  	v44 =	vor.u32 v11, v32;
	_ =	sdelay $0x3  }
0x6c: {  	[tilespmem:s8+$0xF420] =	vst v33  }
0x6d: {  	v33 =	vld.idx.msk [tilespmem:v44+s26+$0x0], $0xffff  }
0x6e: {  	v45 =	vor.u32 v12, v32;
	_ =	sdelay $0x3  }
0x6f: {  	[tilespmem:s8+$0xF430] =	vst v33  }
0x70: {  	v33 =	vld.idx.msk [tilespmem:v45+s26+$0x0], $0xffff  }
0x71: {  	v46 =	vor.u32 v13, v32;
	_ =	sdelay $0x3  }
0x72: {  	[tilespmem:s8+$0xF440] =	vst v33  }
0x73: {  	v33 =	vld.idx.msk [tilespmem:v46+s26+$0x0], $0xffff  }
0x74: {  	v47 =	vor.u32 v14, v32;
	_ =	sdelay $0x3  }
0x75: {  	[tilespmem:s8+$0xF450] =	vst v33  }
0x76: {  	v33 =	vld.idx.msk [tilespmem:v47+s26+$0x0], $0xffff  }
0x77: {  	v48 =	vor.u32 v15, v32;
	_ =	sdelay $0x3  }
0x78: {  	[tilespmem:s8+$0xF460] =	vst v33  }
0x79: {  	v33 =	vld.idx.msk [tilespmem:v48+s26+$0x0], $0xffff  }
0x7a: {  	v49 =	vor.u32 v16, v32;
	_ =	sdelay $0x3  }
0x7b: {  	[tilespmem:s8+$0xF470] =	vst v33  }
0x7c: {  	v33 =	vld.idx.msk [tilespmem:v49+s26+$0x0], $0xffff  }
0x7d: {  	v50 =	vor.u32 v17, v32;
	_ =	sdelay $0x3  }
0x7e: {  	[tilespmem:s8+$0xF800] =	vst v33  }
0x7f: {  	v33 =	vld.idx.msk [tilespmem:v50+s26+$0x0], $0xffff  }
0x80: {  	v51 =	vor.u32 v18, v32;
	_ =	sdelay $0x3  }
0x81: {  	[tilespmem:s8+$0xF810] =	vst v33  }
0x82: {  	v33 =	vld.idx.msk [tilespmem:v51+s26+$0x0], $0xffff  }
0x83: {  	v52 =	vor.u32 v19, v32;
	_ =	sdelay $0x3  }
0x84: {  	[tilespmem:s8+$0xF820] =	vst v33  }
0x85: {  	v33 =	vld.idx.msk [tilespmem:v52+s26+$0x0], $0xffff  }
0x86: {  	v53 =	vor.u32 v20, v32;
	_ =	sdelay $0x3  }
0x87: {  	[tilespmem:s8+$0xF830] =	vst v33  }
0x88: {  	v33 =	vld.idx.msk [tilespmem:v53+s26+$0x0], $0xffff  }
0x89: {  	v54 =	vor.u32 v21, v32;
	_ =	sdelay $0x3  }
0x8a: {  	[tilespmem:s8+$0xF840] =	vst v33  }
0x8b: {  	v33 =	vld.idx.msk [tilespmem:v54+s26+$0x0], $0xffff  }
0x8c: {  	v55 =	vor.u32 v22, v32;
	_ =	sdelay $0x3  }
0x8d: {  	[tilespmem:s8+$0xF850] =	vst v33  }
0x8e: {  	v33 =	vld.idx.msk [tilespmem:v55+s26+$0x0], $0xffff  }
0x8f: {  	v56 =	vor.u32 v23, v32;
	_ =	sdelay $0x3  }
0x90: {  	[tilespmem:s8+$0xF860] =	vst v33  }
0x91: {  	v33 =	vld.idx.msk [tilespmem:v56+s26+$0x0], $0xffff  }
0x92: {  	v57 =	vor.u32 v24, v32;
	_ =	sdelay $0x3  }
0x93: {  	[tilespmem:s8+$0xF870] =	vst v33  }
0x94: {  	v33 =	vld.idx.msk [tilespmem:v57+s26+$0x0], $0xffff  }
0x95: {  	v58 =	vor.u32 v25, v32;
	_ =	sdelay $0x1  }
0x96: {  	s7 =	sor.u32 s14, s3  }
0x97: {  	s10 =	sor.u32 $0xC00, s7  }
0x98: {  	[tilespmem:s10+$0xF000] =	vst v33  }
0x99: {  	v33 =	vld.idx.msk [tilespmem:v58+s26+$0x0], $0xffff  }
0x9a: {  	v59 =	vor.u32 v26, v32;
	_ =	sdelay $0x3  }
0x9b: {  	[tilespmem:s10+$0xF010] =	vst v33  }
0x9c: {  	v33 =	vld.idx.msk [tilespmem:v59+s26+$0x0], $0xffff  }
0x9d: {  	v60 =	vor.u32 v27, v32;
	_ =	sdelay $0x3  }
0x9e: {  	[tilespmem:s10+$0xF020] =	vst v33  }
0x9f: {  	v33 =	vld.idx.msk [tilespmem:v60+s26+$0x0], $0xffff  }
0xa0: {  	v61 =	vor.u32 v28, v32;
	_ =	sdelay $0x3  }
0xa1: {  	[tilespmem:s10+$0xF030] =	vst v33  }
0xa2: {  	v33 =	vld.idx.msk [tilespmem:v61+s26+$0x0], $0xffff  }
0xa3: {  	v62 =	vor.u32 v29, v32;
	_ =	sdelay $0x3  }
0xa4: {  	[tilespmem:s10+$0xF040] =	vst v33  }
0xa5: {  	v33 =	vld.idx.msk [tilespmem:v62+s26+$0x0], $0xffff  }
0xa6: {  	v63 =	vor.u32 v30, v32;
	_ =	sdelay $0x3  }
0xa7: {  	[tilespmem:s10+$0xF050] =	vst v33  }
0xa8: {  	v34 =	vld.idx.msk [tilespmem:v63+s26+$0x0], $0xffff  }
0xa9: {  	v33 =	vor.u32 v31, v32;
	_ =	sdelay $0x1  }
0xaa: {  	s31 =	simm.s32 $0x1  }
0xab: {  	s9 =	simm.s32 $0x2;
	s7 =	simm.s32 $0x0;
	s8 =	simm.s32 $0x0;
	v32 =	vmov s31  }
.LBB2_2:
0xac: {  	p0 =	sne.s32 s9, $0x1F;
	v32 =	vand.u32 $0x1F, v32;
	[tilespmem:s10+$0xF060] =	vst v34  }
0xad: {  	v32 =	vbroadcast v32, $0x0;
	v33 =	vld.idx.msk [tilespmem:v33+s26+$0x0], $0xffff;
	_ =	sdelay $0x1  }
0xae: {  	v34 =	vor.u32 v0, v32;
	_ =	sdelay $0x3  }
0xaf: {  	[tilespmem:s10+$0xF070] =	vst v33  }
0xb0: {  	v33 =	vld.idx.msk [tilespmem:v34+s26+$0x0], $0xffff;
	_ =	sdelay $0x1  }
0xb1: {  	v34 =	vor.u32 v1, v32  }
0xb2: {  	s7 =	sadd.s32 $0x200, s7;
	s8 =	sadd.s32 $0x80, s8  }
0xb3: {  	s11 =	sand.u32 $0x380, s8;
	s10 =	sand.u32 $0x3000, s7  }
0xb4: {  	s11 =	sor.u32 s11, s10  }
0xb5: {  	[tilespmem:s11+$0xF000] =	vst v33  }
0xb6: {  	v33 =	vld.idx.msk [tilespmem:v34+s26+$0x0], $0xffff;
	_ =	sdelay $0x1  }
0xb7: {  	v34 =	vor.u32 v2, v32;
	_ =	sdelay $0x3  }
0xb8: {  	[tilespmem:s11+$0xF010] =	vst v33  }
0xb9: {  	v33 =	vld.idx.msk [tilespmem:v34+s26+$0x0], $0xffff;
	_ =	sdelay $0x1  }
0xba: {  	v34 =	vor.u32 v3, v32;
	_ =	sdelay $0x3  }
0xbb: {  	[tilespmem:s11+$0xF020] =	vst v33  }
0xbc: {  	v33 =	vld.idx.msk [tilespmem:v34+s26+$0x0], $0xffff;
	_ =	sdelay $0x1  }
0xbd: {  	v34 =	vor.u32 v4, v32;
	_ =	sdelay $0x3  }
0xbe: {  	[tilespmem:s11+$0xF030] =	vst v33  }
0xbf: {  	v33 =	vld.idx.msk [tilespmem:v34+s26+$0x0], $0xffff;
	_ =	sdelay $0x1  }
0xc0: {  	v34 =	vor.u32 v5, v32;
	_ =	sdelay $0x3  }
0xc1: {  	[tilespmem:s11+$0xF040] =	vst v33  }
0xc2: {  	v33 =	vld.idx.msk [tilespmem:v34+s26+$0x0], $0xffff;
	_ =	sdelay $0x1  }
0xc3: {  	v34 =	vor.u32 v6, v32;
	_ =	sdelay $0x3  }
0xc4: {  	[tilespmem:s11+$0xF050] =	vst v33  }
0xc5: {  	v33 =	vld.idx.msk [tilespmem:v34+s26+$0x0], $0xffff;
	_ =	sdelay $0x1  }
0xc6: {  	v34 =	vor.u32 v7, v32;
	_ =	sdelay $0x3  }
0xc7: {  	[tilespmem:s11+$0xF060] =	vst v33  }
0xc8: {  	v33 =	vld.idx.msk [tilespmem:v34+s26+$0x0], $0xffff;
	_ =	sdelay $0x1  }
0xc9: {  	v34 =	vor.u32 v8, v32;
	_ =	sdelay $0x3  }
0xca: {  	[tilespmem:s11+$0xF070] =	vst v33  }
0xcb: {  	v33 =	vld.idx.msk [tilespmem:v34+s26+$0x0], $0xffff;
	_ =	sdelay $0x1  }
0xcc: {  	v34 =	vor.u32 v9, v32;
	_ =	sdelay $0x3  }
0xcd: {  	[tilespmem:s11+$0xF400] =	vst v33  }
0xce: {  	v33 =	vld.idx.msk [tilespmem:v34+s26+$0x0], $0xffff;
	_ =	sdelay $0x1  }
0xcf: {  	v34 =	vor.u32 v10, v32;
	_ =	sdelay $0x3  }
0xd0: {  	[tilespmem:s11+$0xF410] =	vst v33  }
0xd1: {  	v33 =	vld.idx.msk [tilespmem:v34+s26+$0x0], $0xffff;
	_ =	sdelay $0x1  }
0xd2: {  	v34 =	vor.u32 v11, v32;
	_ =	sdelay $0x3  }
0xd3: {  	[tilespmem:s11+$0xF420] =	vst v33  }
0xd4: {  	v33 =	vld.idx.msk [tilespmem:v34+s26+$0x0], $0xffff;
	_ =	sdelay $0x1  }
0xd5: {  	v34 =	vor.u32 v12, v32;
	_ =	sdelay $0x3  }
0xd6: {  	[tilespmem:s11+$0xF430] =	vst v33  }
0xd7: {  	v33 =	vld.idx.msk [tilespmem:v34+s26+$0x0], $0xffff;
	_ =	sdelay $0x1  }
0xd8: {  	v34 =	vor.u32 v13, v32;
	_ =	sdelay $0x3  }
0xd9: {  	[tilespmem:s11+$0xF440] =	vst v33  }
0xda: {  	v33 =	vld.idx.msk [tilespmem:v34+s26+$0x0], $0xffff;
	_ =	sdelay $0x1  }
0xdb: {  	v34 =	vor.u32 v14, v32;
	_ =	sdelay $0x3  }
0xdc: {  	[tilespmem:s11+$0xF450] =	vst v33  }
0xdd: {  	v33 =	vld.idx.msk [tilespmem:v34+s26+$0x0], $0xffff;
	_ =	sdelay $0x1  }
0xde: {  	v34 =	vor.u32 v15, v32;
	_ =	sdelay $0x3  }
0xdf: {  	[tilespmem:s11+$0xF460] =	vst v33  }
0xe0: {  	v33 =	vld.idx.msk [tilespmem:v34+s26+$0x0], $0xffff;
	_ =	sdelay $0x1  }
0xe1: {  	v34 =	vor.u32 v16, v32;
	_ =	sdelay $0x3  }
0xe2: {  	[tilespmem:s11+$0xF470] =	vst v33  }
0xe3: {  	v33 =	vld.idx.msk [tilespmem:v34+s26+$0x0], $0xffff;
	_ =	sdelay $0x1  }
0xe4: {  	v34 =	vor.u32 v17, v32;
	_ =	sdelay $0x3  }
0xe5: {  	[tilespmem:s11+$0xF800] =	vst v33  }
0xe6: {  	v33 =	vld.idx.msk [tilespmem:v34+s26+$0x0], $0xffff;
	_ =	sdelay $0x1  }
0xe7: {  	v34 =	vor.u32 v18, v32;
	_ =	sdelay $0x3  }
0xe8: {  	[tilespmem:s11+$0xF810] =	vst v33  }
0xe9: {  	v33 =	vld.idx.msk [tilespmem:v34+s26+$0x0], $0xffff;
	_ =	sdelay $0x1  }
0xea: {  	v34 =	vor.u32 v19, v32;
	_ =	sdelay $0x3  }
0xeb: {  	[tilespmem:s11+$0xF820] =	vst v33  }
0xec: {  	v33 =	vld.idx.msk [tilespmem:v34+s26+$0x0], $0xffff;
	_ =	sdelay $0x1  }
0xed: {  	v34 =	vor.u32 v20, v32;
	_ =	sdelay $0x3  }
0xee: {  	[tilespmem:s11+$0xF830] =	vst v33  }
0xef: {  	v33 =	vld.idx.msk [tilespmem:v34+s26+$0x0], $0xffff;
	_ =	sdelay $0x1  }
0xf0: {  	v34 =	vor.u32 v21, v32;
	_ =	sdelay $0x3  }
0xf1: {  	[tilespmem:s11+$0xF840] =	vst v33  }
0xf2: {  	v33 =	vld.idx.msk [tilespmem:v34+s26+$0x0], $0xffff;
	_ =	sdelay $0x1  }
0xf3: {  	v34 =	vor.u32 v22, v32;
	_ =	sdelay $0x3  }
0xf4: {  	[tilespmem:s11+$0xF850] =	vst v33  }
0xf5: {  	v33 =	vld.idx.msk [tilespmem:v34+s26+$0x0], $0xffff;
	_ =	sdelay $0x1  }
0xf6: {  	v34 =	vor.u32 v23, v32;
	_ =	sdelay $0x3  }
0xf7: {  	[tilespmem:s11+$0xF860] =	vst v33  }
0xf8: {  	v33 =	vld.idx.msk [tilespmem:v34+s26+$0x0], $0xffff;
	_ =	sdelay $0x1  }
0xf9: {  	v34 =	vor.u32 v24, v32;
	_ =	sdelay $0x3  }
0xfa: {  	[tilespmem:s11+$0xF870] =	vst v33  }
0xfb: {  	v33 =	vld.idx.msk [tilespmem:v34+s26+$0x0], $0xffff;
	_ =	sdelay $0x1  }
0xfc: {  	v34 =	vor.u32 v25, v32;
	_ =	sdelay $0x1  }
0xfd: {  	s10 =	sor.u32 s10, s8  }
0xfe: {  	s10 =	sor.u32 $0xC00, s10  }
0xff: {  	[tilespmem:s10+$0xF000] =	vst v33  }
0x100: {  	v33 =	vld.idx.msk [tilespmem:v34+s26+$0x0], $0xffff;
	_ =	sdelay $0x1  }
0x101: {  	v34 =	vor.u32 v26, v32;
	_ =	sdelay $0x3  }
0x102: {  	[tilespmem:s10+$0xF010] =	vst v33  }
0x103: {  	v33 =	vld.idx.msk [tilespmem:v34+s26+$0x0], $0xffff;
	_ =	sdelay $0x1  }
0x104: {  	v34 =	vor.u32 v27, v32;
	_ =	sdelay $0x3  }
0x105: {  	[tilespmem:s10+$0xF020] =	vst v33  }
0x106: {  	v33 =	vld.idx.msk [tilespmem:v34+s26+$0x0], $0xffff;
	_ =	sdelay $0x1  }
0x107: {  	v34 =	vor.u32 v28, v32;
	_ =	sdelay $0x3  }
0x108: {  	[tilespmem:s10+$0xF030] =	vst v33  }
0x109: {  	v33 =	vld.idx.msk [tilespmem:v34+s26+$0x0], $0xffff;
	_ =	sdelay $0x1  }
0x10a: {  	v34 =	vor.u32 v29, v32;
	_ =	sdelay $0x3  }
0x10b: {  	[tilespmem:s10+$0xF040] =	vst v33  }
0x10c: {  	v33 =	vld.idx.msk [tilespmem:v34+s26+$0x0], $0xffff;
	_ =	sdelay $0x1  }
0x10d: {  	v34 =	vor.u32 v30, v32;
	_ =	sdelay $0x3  }
0x10e: {  	[tilespmem:s10+$0xF050] =	vst v33  }
0x10f: {  	v34 =	vld.idx.msk [tilespmem:v34+s26+$0x0], $0xffff  }
.Ltmp0:
0x110: {  	(pc) =	sbr.rel @p0 .LBB2_2-.Ltmp0, $2  }
0x111: {  	v33 =	vor.u32 v31, v32;
	_ =	sdelay $0x2  }
0x112: {  	v32 =	vmov s9;
	s9 =	sadd.s32 $0x1, s9  }
0x113: {  	_ =	sdelay $0x1  }
0x114: {  	v32 =	vand.u32 $0x1F, v32  }
0x115: {  	[tilespmem:s10+$0xF060] =	vst v34;
	v32 =	vbroadcast v32, $0x0  }
0x116: {  	v33 =	vld.idx.msk [tilespmem:v33+s26+$0x0], $0xffff  }
0x117: {  	v61 =	vor.u32 v0, v32;
	_ =	sdelay $0x3  }
0x118: {  	[tilespmem:s10+$0xF070] =	vst v33  }
0x119: {  	v33 =	vld.idx.msk [tilespmem:v61+s26+$0x0], $0xffff  }
0x11a: {  	v62 =	vor.u32 v1, v32  }
0x11b: {  	s9 =	sadd.s32 $0x200, s7;
	s12 =	sadd.s32 $0x80, s8  }
0x11c: {  	s14 =	sand.u32 $0x3000, s9;
	s15 =	sand.u32 $0x380, s12  }
0x11d: {  	s9 =	sor.u32 s15, s14  }
0x11e: {  	[tilespmem:s9+$0xF000] =	vst v33  }
0x11f: {  	v33 =	vld.idx.msk [tilespmem:v62+s26+$0x0], $0xffff  }
0x120: {  	v63 =	vor.u32 v2, v32;
	_ =	sdelay $0x3  }
0x121: {  	[tilespmem:s9+$0xF010] =	vst v33  }
0x122: {  	v33 =	vld.idx.msk [tilespmem:v63+s26+$0x0], $0xffff  }
0x123: {  	v36 =	vor.u32 v3, v32;
	_ =	sdelay $0x3  }
0x124: {  	[tilespmem:s9+$0xF020] =	vst v33  }
0x125: {  	v33 =	vld.idx.msk [tilespmem:v36+s26+$0x0], $0xffff  }
0x126: {  	v37 =	vor.u32 v4, v32;
	_ =	sdelay $0x3  }
0x127: {  	[tilespmem:s9+$0xF030] =	vst v33  }
0x128: {  	v33 =	vld.idx.msk [tilespmem:v37+s26+$0x0], $0xffff  }
0x129: {  	v38 =	vor.u32 v5, v32;
	_ =	sdelay $0x3  }
0x12a: {  	[tilespmem:s9+$0xF040] =	vst v33  }
0x12b: {  	v33 =	vld.idx.msk [tilespmem:v38+s26+$0x0], $0xffff  }
0x12c: {  	v39 =	vor.u32 v6, v32;
	_ =	sdelay $0x3  }
0x12d: {  	[tilespmem:s9+$0xF050] =	vst v33  }
0x12e: {  	v33 =	vld.idx.msk [tilespmem:v39+s26+$0x0], $0xffff  }
0x12f: {  	v40 =	vor.u32 v7, v32;
	_ =	sdelay $0x3  }
0x130: {  	[tilespmem:s9+$0xF060] =	vst v33  }
0x131: {  	v33 =	vld.idx.msk [tilespmem:v40+s26+$0x0], $0xffff  }
0x132: {  	v41 =	vor.u32 v8, v32;
	_ =	sdelay $0x3  }
0x133: {  	[tilespmem:s9+$0xF070] =	vst v33  }
0x134: {  	v33 =	vld.idx.msk [tilespmem:v41+s26+$0x0], $0xffff  }
0x135: {  	v42 =	vor.u32 v9, v32;
	_ =	sdelay $0x3  }
0x136: {  	[tilespmem:s9+$0xF400] =	vst v33  }
0x137: {  	v33 =	vld.idx.msk [tilespmem:v42+s26+$0x0], $0xffff  }
0x138: {  	v43 =	vor.u32 v10, v32;
	_ =	sdelay $0x3  }
0x139: {  	[tilespmem:s9+$0xF410] =	vst v33  }
0x13a: {  	v33 =	vld.idx.msk [tilespmem:v43+s26+$0x0], $0xffff  }
0x13b: {  	v44 =	vor.u32 v11, v32;
	_ =	sdelay $0x3  }
0x13c: {  	[tilespmem:s9+$0xF420] =	vst v33  }
0x13d: {  	v33 =	vld.idx.msk [tilespmem:v44+s26+$0x0], $0xffff  }
0x13e: {  	v45 =	vor.u32 v12, v32;
	_ =	sdelay $0x3  }
0x13f: {  	[tilespmem:s9+$0xF430] =	vst v33  }
0x140: {  	v33 =	vld.idx.msk [tilespmem:v45+s26+$0x0], $0xffff  }
0x141: {  	v46 =	vor.u32 v13, v32;
	_ =	sdelay $0x3  }
0x142: {  	[tilespmem:s9+$0xF440] =	vst v33  }
0x143: {  	v33 =	vld.idx.msk [tilespmem:v46+s26+$0x0], $0xffff  }
0x144: {  	v47 =	vor.u32 v14, v32;
	_ =	sdelay $0x3  }
0x145: {  	[tilespmem:s9+$0xF450] =	vst v33  }
0x146: {  	v33 =	vld.idx.msk [tilespmem:v47+s26+$0x0], $0xffff  }
0x147: {  	v48 =	vor.u32 v15, v32;
	_ =	sdelay $0x3  }
0x148: {  	[tilespmem:s9+$0xF460] =	vst v33  }
0x149: {  	v33 =	vld.idx.msk [tilespmem:v48+s26+$0x0], $0xffff  }
0x14a: {  	v49 =	vor.u32 v16, v32;
	_ =	sdelay $0x3  }
0x14b: {  	[tilespmem:s9+$0xF470] =	vst v33  }
0x14c: {  	v33 =	vld.idx.msk [tilespmem:v49+s26+$0x0], $0xffff  }
0x14d: {  	v50 =	vor.u32 v17, v32;
	_ =	sdelay $0x3  }
0x14e: {  	[tilespmem:s9+$0xF800] =	vst v33  }
0x14f: {  	v33 =	vld.idx.msk [tilespmem:v50+s26+$0x0], $0xffff  }
0x150: {  	v51 =	vor.u32 v18, v32;
	_ =	sdelay $0x3  }
0x151: {  	[tilespmem:s9+$0xF810] =	vst v33  }
0x152: {  	v33 =	vld.idx.msk [tilespmem:v51+s26+$0x0], $0xffff  }
0x153: {  	v52 =	vor.u32 v19, v32;
	_ =	sdelay $0x3  }
0x154: {  	[tilespmem:s9+$0xF820] =	vst v33  }
0x155: {  	v33 =	vld.idx.msk [tilespmem:v52+s26+$0x0], $0xffff  }
0x156: {  	v53 =	vor.u32 v20, v32;
	_ =	sdelay $0x3  }
0x157: {  	[tilespmem:s9+$0xF830] =	vst v33  }
0x158: {  	v33 =	vld.idx.msk [tilespmem:v53+s26+$0x0], $0xffff  }
0x159: {  	v54 =	vor.u32 v21, v32;
	_ =	sdelay $0x3  }
0x15a: {  	[tilespmem:s9+$0xF840] =	vst v33  }
0x15b: {  	v33 =	vld.idx.msk [tilespmem:v54+s26+$0x0], $0xffff  }
0x15c: {  	v55 =	vor.u32 v22, v32;
	_ =	sdelay $0x3  }
0x15d: {  	[tilespmem:s9+$0xF850] =	vst v33  }
0x15e: {  	v33 =	vld.idx.msk [tilespmem:v55+s26+$0x0], $0xffff  }
0x15f: {  	v56 =	vor.u32 v23, v32;
	_ =	sdelay $0x3  }
0x160: {  	[tilespmem:s9+$0xF860] =	vst v33  }
0x161: {  	v33 =	vld.idx.msk [tilespmem:v56+s26+$0x0], $0xffff  }
0x162: {  	v57 =	vor.u32 v24, v32;
	_ =	sdelay $0x3  }
0x163: {  	[tilespmem:s9+$0xF870] =	vst v33  }
0x164: {  	v33 =	vld.idx.msk [tilespmem:v57+s26+$0x0], $0xffff  }
0x165: {  	v58 =	vor.u32 v25, v32;
	_ =	sdelay $0x1  }
0x166: {  	s7 =	sor.u32 s14, s12  }
0x167: {  	s7 =	sor.u32 $0xC00, s7  }
0x168: {  	[tilespmem:s7+$0xF000] =	vst v33  }
0x169: {  	v33 =	vld.idx.msk [tilespmem:v58+s26+$0x0], $0xffff  }
0x16a: {  	v59 =	vor.u32 v26, v32;
	_ =	sdelay $0x3  }
0x16b: {  	[tilespmem:s7+$0xF010] =	vst v33  }
0x16c: {  	v33 =	vld.idx.msk [tilespmem:v59+s26+$0x0], $0xffff  }
0x16d: {  	v60 =	vor.u32 v27, v32;
	_ =	sdelay $0x3  }
0x16e: {  	[tilespmem:s7+$0xF020] =	vst v33  }
0x16f: {  	v33 =	vld.idx.msk [tilespmem:v60+s26+$0x0], $0xffff  }
0x170: {  	v61 =	vor.u32 v28, v32;
	_ =	sdelay $0x3  }
0x171: {  	[tilespmem:s7+$0xF030] =	vst v33  }
0x172: {  	v33 =	vld.idx.msk [tilespmem:v61+s26+$0x0], $0xffff  }
0x173: {  	v62 =	vor.u32 v29, v32;
	_ =	sdelay $0x3  }
0x174: {  	[tilespmem:s7+$0xF040] =	vst v33  }
0x175: {  	v33 =	vld.idx.msk [tilespmem:v62+s26+$0x0], $0xffff  }
0x176: {  	v63 =	vor.u32 v30, v32;
	_ =	sdelay $0x3  }
0x177: {  	[tilespmem:s7+$0xF050] =	vst v33  }
0x178: {  	v33 =	vld.idx.msk [tilespmem:v63+s26+$0x0], $0xffff  }
0x179: {  	v32 =	vor.u32 v31, v32;
	_ =	sdelay $0x3  }
0x17a: {  	[tilespmem:s7+$0xF060] =	vst v33  }
0x17b: {  	v32 =	vld.idx.msk [tilespmem:v32+s26+$0x0], $0xffff;
	_ =	sdelay $0x4  }
0x17c: {  	s9 =	simm.s32 $0xF000;
	[tilespmem:s7+$0xF070] =	vst v32  }
0x17d: {  	[hbm4b:s13+s3] =	stream.linear.scatter [tilespmem:s9], [sflag:$0x2], $0x1000, $0x38;
	[tilespmem:$0x17000] =	vst v63  }
0x17e: {  	s11 =	simm.s32 $0x10000;
	s10 =	rddreg [dreg:$0x9]  }
0x17f: {  	[hbm4b:s10+s3] =	stream.linear.scatter [tilespmem:s11], [sflag:$0x2], $0x1000, $0x38;
	[tilespmem:$0x17000] =	vst v63  }
0x180: {  	s12 =	rddreg [dreg:$0xa];
	s14 =	simm.s32 $0x11000  }
0x181: {  	[hbm4b:s12+s3] =	stream.linear.scatter [tilespmem:s14], [sflag:$0x2], $0x1000, $0x38;
	[tilespmem:$0x17000] =	vst v63  }
0x182: {  	s31 =	simm.s32 $0x1;
	s15 =	simm.s32 $0x12000  }
0x183: {  	[hbm4b:s16+s3] =	stream.linear.scatter [tilespmem:s15], [sflag:$0x2], $0x1000, $0x38;
	[tilespmem:$0x17000] =	vst v63  }
.LBB2_4:
0x184: {  	_ =	swait.ge [sflag:s29], $0x1000  }
0x185: {  	[sflag:s29] =	ssyncset.done $0x0  }
0x186: {  	[sflag:s29] =	ssyncadd.s32 $0xFFFFF000  }
0x187: {  	_ =	swait.ge [sflag:s29], $0x1000  }
0x188: {  	[sflag:s29] =	ssyncset.done $0x0  }
0x189: {  	[sflag:s29] =	ssyncadd.s32 $0xFFFFF000  }
0x18a: {  	_ =	swait.ge [sflag:s29], $0x1000  }
0x18b: {  	s7 =	sadd.s32 $0x1, s31;
	s8 =	sshll.u32 s31, $0xE;
	[sflag:s29] =	ssyncset.done $0x0  }
0x18c: {  	s8 =	sand.u32 $0x4000, s8;
	s9 =	sshll.u32 s7, $0x9;
	[sflag:s29] =	ssyncadd.s32 $0xFFFFF000  }
0x18d: {  	s10 =	sshll.u32 s7, $0x7;
	s11 =	sxor.u32 $0x4000, s8;
	_ =	swait.ge [sflag:s29], $0x1000  }
0x18e: {  	s9 =	sand.u32 $0xF000, s9;
	s10 =	sand.u32 $0x380, s10;
	[sflag:s29] =	ssyncset.done $0x0  }
0x18f: {  	s11 =	sadd.s32 $0x7000, s11;
	s9 =	sor.u32 s10, s9;
	[sflag:s29] =	ssyncadd.s32 $0xFFFFF000  }
0x190: {  	[tilespmem:s11], [sflag:$0x1] =	stream.indirect.gather [hbm4b:s5+s1], $0x20, s9, s1, $0xb8;
	[tilespmem:$0x17000] =	vst v63  }
0x191: {  	s12 =	sor.u32 $0x400, s9;
	s11 =	sxor.u32 $0xC000, s8  }
0x192: {  	[tilespmem:s11], [sflag:$0x1] =	stream.indirect.gather [hbm4b:s5+s1], $0x20, s12, s1, $0xb8;
	[tilespmem:$0x17000] =	vst v63  }
0x193: {  	s14 =	sxor.u32 $0xD000, s8;
	s15 =	sor.u32 $0x800, s9  }
0x194: {  	[tilespmem:s14], [sflag:$0x1] =	stream.indirect.gather [hbm4b:s5+s1], $0x20, s15, s1, $0xb8;
	[tilespmem:$0x17000] =	vst v63  }
0x195: {  	s9 =	sor.u32 $0xC00, s9;
	s12 =	sxor.u32 $0xE000, s8  }
0x196: {  	[tilespmem:s12], [sflag:$0x1] =	stream.indirect.gather [hbm4b:s5+s1], $0x20, s9, s1, $0xb8;
	[tilespmem:$0x17000] =	vst v63  }
0x197: {  	_ =	swait.ge [sflag:s0], $0x1000  }
0x198: {  	[sflag:s0] =	ssyncset.done $0x0  }
0x199: {  	s10 =	simm.s32 $0x0;
	[sflag:s0] =	ssyncadd.s32 $0xFFFFF000  }
0x19a: {  	v32 =	vmov s10;
	_ =	swait.ge [sflag:s0], $0x1000  }
0x19b: {  	v32 =	vand.u32 $0x1F, v32;
	[sflag:s0] =	ssyncset.done $0x0  }
0x19c: {  	v32 =	vbroadcast v32, $0x0;
	[sflag:s0] =	ssyncadd.s32 $0xFFFFF000  }
0x19d: {  	_ =	swait.ge [sflag:s0], $0x1000  }
0x19e: {  	v33 =	vor.u32 v0, v32;
	[sflag:s0] =	ssyncset.done $0x0  }
0x19f: {  	[sflag:s0] =	ssyncadd.s32 $0xFFFFF000  }
0x1a0: {  	_ =	swait.ge [sflag:s0], $0x1000  }
0x1a1: {  	[sflag:s0] =	ssyncset.done $0x0  }
0x1a2: {  	s9 =	sadd.s32 $0x7000, s8;
	[sflag:s0] =	ssyncadd.s32 $0xFFFFF000  }
0x1a3: {  	v33 =	vld.idx.msk [tilespmem:v33+s9+$0x0], $0xffff  }
0x1a4: {  	v34 =	vor.u32 v1, v32  }
0x1a5: {  	s14 =	sand.u32 $0x3000, s10  }
0x1a6: {  	s11 =	sor.u32 s8, s14;
	s12 =	sand.u32 $0x380, s10  }
0x1a7: {  	s12 =	sadd.s32 s12, s11  }
0x1a8: {  	[tilespmem:s12+$0xF000] =	vst v33  }
0x1a9: {  	v33 =	vld.idx.msk [tilespmem:v34+s9+$0x0], $0xffff  }
0x1aa: {  	v63 =	vor.u32 v2, v32;
	_ =	sdelay $0x3  }
0x1ab: {  	[tilespmem:s12+$0xF010] =	vst v33  }
0x1ac: {  	v33 =	vld.idx.msk [tilespmem:v63+s9+$0x0], $0xffff  }
0x1ad: {  	v36 =	vor.u32 v3, v32;
	_ =	sdelay $0x3  }
0x1ae: {  	[tilespmem:s12+$0xF020] =	vst v33  }
0x1af: {  	v33 =	vld.idx.msk [tilespmem:v36+s9+$0x0], $0xffff  }
0x1b0: {  	v37 =	vor.u32 v4, v32;
	_ =	sdelay $0x3  }
0x1b1: {  	[tilespmem:s12+$0xF030] =	vst v33  }
0x1b2: {  	v33 =	vld.idx.msk [tilespmem:v37+s9+$0x0], $0xffff  }
0x1b3: {  	v38 =	vor.u32 v5, v32;
	_ =	sdelay $0x3  }
0x1b4: {  	[tilespmem:s12+$0xF040] =	vst v33  }
0x1b5: {  	v33 =	vld.idx.msk [tilespmem:v38+s9+$0x0], $0xffff  }
0x1b6: {  	v39 =	vor.u32 v6, v32;
	_ =	sdelay $0x3  }
0x1b7: {  	[tilespmem:s12+$0xF050] =	vst v33  }
0x1b8: {  	v33 =	vld.idx.msk [tilespmem:v39+s9+$0x0], $0xffff  }
0x1b9: {  	v40 =	vor.u32 v7, v32;
	_ =	sdelay $0x3  }
0x1ba: {  	[tilespmem:s12+$0xF060] =	vst v33  }
0x1bb: {  	v33 =	vld.idx.msk [tilespmem:v40+s9+$0x0], $0xffff  }
0x1bc: {  	v41 =	vor.u32 v8, v32;
	_ =	sdelay $0x3  }
0x1bd: {  	[tilespmem:s12+$0xF070] =	vst v33  }
0x1be: {  	v33 =	vld.idx.msk [tilespmem:v41+s9+$0x0], $0xffff  }
0x1bf: {  	v42 =	vor.u32 v9, v32;
	_ =	sdelay $0x3  }
0x1c0: {  	[tilespmem:s12+$0xF400] =	vst v33  }
0x1c1: {  	v33 =	vld.idx.msk [tilespmem:v42+s9+$0x0], $0xffff  }
0x1c2: {  	v43 =	vor.u32 v10, v32;
	_ =	sdelay $0x3  }
0x1c3: {  	[tilespmem:s12+$0xF410] =	vst v33  }
0x1c4: {  	v33 =	vld.idx.msk [tilespmem:v43+s9+$0x0], $0xffff  }
0x1c5: {  	v44 =	vor.u32 v11, v32;
	_ =	sdelay $0x3  }
0x1c6: {  	[tilespmem:s12+$0xF420] =	vst v33  }
0x1c7: {  	v33 =	vld.idx.msk [tilespmem:v44+s9+$0x0], $0xffff  }
0x1c8: {  	v45 =	vor.u32 v12, v32;
	_ =	sdelay $0x3  }
0x1c9: {  	[tilespmem:s12+$0xF430] =	vst v33  }
0x1ca: {  	v33 =	vld.idx.msk [tilespmem:v45+s9+$0x0], $0xffff  }
0x1cb: {  	v46 =	vor.u32 v13, v32;
	_ =	sdelay $0x3  }
0x1cc: {  	[tilespmem:s12+$0xF440] =	vst v33  }
0x1cd: {  	v33 =	vld.idx.msk [tilespmem:v46+s9+$0x0], $0xffff  }
0x1ce: {  	v47 =	vor.u32 v14, v32;
	_ =	sdelay $0x3  }
0x1cf: {  	[tilespmem:s12+$0xF450] =	vst v33  }
0x1d0: {  	v33 =	vld.idx.msk [tilespmem:v47+s9+$0x0], $0xffff  }
0x1d1: {  	v48 =	vor.u32 v15, v32;
	_ =	sdelay $0x3  }
0x1d2: {  	[tilespmem:s12+$0xF460] =	vst v33  }
0x1d3: {  	v33 =	vld.idx.msk [tilespmem:v48+s9+$0x0], $0xffff  }
0x1d4: {  	v49 =	vor.u32 v16, v32;
	_ =	sdelay $0x3  }
0x1d5: {  	[tilespmem:s12+$0xF470] =	vst v33  }
0x1d6: {  	v33 =	vld.idx.msk [tilespmem:v49+s9+$0x0], $0xffff  }
0x1d7: {  	v50 =	vor.u32 v17, v32;
	_ =	sdelay $0x3  }
0x1d8: {  	[tilespmem:s12+$0xF800] =	vst v33  }
0x1d9: {  	v33 =	vld.idx.msk [tilespmem:v50+s9+$0x0], $0xffff  }
0x1da: {  	v51 =	vor.u32 v18, v32;
	_ =	sdelay $0x3  }
0x1db: {  	[tilespmem:s12+$0xF810] =	vst v33  }
0x1dc: {  	v33 =	vld.idx.msk [tilespmem:v51+s9+$0x0], $0xffff  }
0x1dd: {  	v52 =	vor.u32 v19, v32;
	_ =	sdelay $0x3  }
0x1de: {  	[tilespmem:s12+$0xF820] =	vst v33  }
0x1df: {  	v33 =	vld.idx.msk [tilespmem:v52+s9+$0x0], $0xffff  }
0x1e0: {  	v53 =	vor.u32 v20, v32;
	_ =	sdelay $0x3  }
0x1e1: {  	[tilespmem:s12+$0xF830] =	vst v33  }
0x1e2: {  	v33 =	vld.idx.msk [tilespmem:v53+s9+$0x0], $0xffff  }
0x1e3: {  	v54 =	vor.u32 v21, v32;
	_ =	sdelay $0x3  }
0x1e4: {  	[tilespmem:s12+$0xF840] =	vst v33  }
0x1e5: {  	v33 =	vld.idx.msk [tilespmem:v54+s9+$0x0], $0xffff  }
0x1e6: {  	v55 =	vor.u32 v22, v32;
	_ =	sdelay $0x3  }
0x1e7: {  	[tilespmem:s12+$0xF850] =	vst v33  }
0x1e8: {  	v33 =	vld.idx.msk [tilespmem:v55+s9+$0x0], $0xffff  }
0x1e9: {  	v56 =	vor.u32 v23, v32;
	_ =	sdelay $0x3  }
0x1ea: {  	[tilespmem:s12+$0xF860] =	vst v33  }
0x1eb: {  	v33 =	vld.idx.msk [tilespmem:v56+s9+$0x0], $0xffff  }
0x1ec: {  	v57 =	vor.u32 v24, v32;
	_ =	sdelay $0x3  }
0x1ed: {  	[tilespmem:s12+$0xF870] =	vst v33  }
0x1ee: {  	v33 =	vld.idx.msk [tilespmem:v57+s9+$0x0], $0xffff  }
0x1ef: {  	v58 =	vor.u32 v25, v32;
	_ =	sdelay $0x1  }
0x1f0: {  	s11 =	sor.u32 s11, s10  }
0x1f1: {  	s14 =	sor.u32 $0xC00, s11  }
0x1f2: {  	[tilespmem:s14+$0xF000] =	vst v33  }
0x1f3: {  	v33 =	vld.idx.msk [tilespmem:v58+s9+$0x0], $0xffff  }
0x1f4: {  	v59 =	vor.u32 v26, v32;
	_ =	sdelay $0x3  }
0x1f5: {  	[tilespmem:s14+$0xF010] =	vst v33  }
0x1f6: {  	v33 =	vld.idx.msk [tilespmem:v59+s9+$0x0], $0xffff  }
0x1f7: {  	v60 =	vor.u32 v27, v32;
	_ =	sdelay $0x3  }
0x1f8: {  	[tilespmem:s14+$0xF020] =	vst v33  }
0x1f9: {  	v33 =	vld.idx.msk [tilespmem:v60+s9+$0x0], $0xffff  }
0x1fa: {  	v61 =	vor.u32 v28, v32;
	_ =	sdelay $0x3  }
0x1fb: {  	[tilespmem:s14+$0xF030] =	vst v33  }
0x1fc: {  	v33 =	vld.idx.msk [tilespmem:v61+s9+$0x0], $0xffff  }
0x1fd: {  	v62 =	vor.u32 v29, v32;
	_ =	sdelay $0x3  }
0x1fe: {  	[tilespmem:s14+$0xF040] =	vst v33  }
0x1ff: {  	v33 =	vld.idx.msk [tilespmem:v62+s9+$0x0], $0xffff  }
0x200: {  	v63 =	vor.u32 v30, v32;
	_ =	sdelay $0x3  }
0x201: {  	[tilespmem:s14+$0xF050] =	vst v33  }
0x202: {  	v34 =	vld.idx.msk [tilespmem:v63+s9+$0x0], $0xffff  }
0x203: {  	v33 =	vor.u32 v31, v32;
	_ =	sdelay $0x1  }
0x204: {  	s15 =	simm.s32 $0x1  }
0x205: {  	s11 =	simm.s32 $0x0;
	s12 =	simm.s32 $0x2;
	v32 =	vmov s15  }
.LBB2_5:
0x206: {  	p0 =	sne.s32 s12, $0x1F;
	v32 =	vand.u32 $0x1F, v32;
	[tilespmem:s14+$0xF060] =	vst v34  }
0x207: {  	v32 =	vbroadcast v32, $0x0;
	v33 =	vld.idx.msk [tilespmem:v33+s9+$0x0], $0xffff;
	_ =	sdelay $0x1  }
0x208: {  	v34 =	vor.u32 v0, v32;
	_ =	sdelay $0x3  }
0x209: {  	[tilespmem:s14+$0xF070] =	vst v33  }
0x20a: {  	v33 =	vld.idx.msk [tilespmem:v34+s9+$0x0], $0xffff;
	_ =	sdelay $0x1  }
0x20b: {  	s10 =	sadd.s32 $0x200, s10;
	v34 =	vor.u32 v1, v32  }
0x20c: {  	s11 =	sadd.s32 $0x80, s11;
	s14 =	sand.u32 $0x3000, s10  }
0x20d: {  	s15 =	sand.u32 $0x380, s11;
	s14 =	sor.u32 s8, s14  }
0x20e: {  	s15 =	sadd.s32 s15, s14  }
0x20f: {  	[tilespmem:s15+$0xF000] =	vst v33  }
0x210: {  	v33 =	vld.idx.msk [tilespmem:v34+s9+$0x0], $0xffff;
	_ =	sdelay $0x1  }
0x211: {  	v34 =	vor.u32 v2, v32;
	_ =	sdelay $0x3  }
0x212: {  	[tilespmem:s15+$0xF010] =	vst v33  }
0x213: {  	v33 =	vld.idx.msk [tilespmem:v34+s9+$0x0], $0xffff;
	_ =	sdelay $0x1  }
0x214: {  	v34 =	vor.u32 v3, v32;
	_ =	sdelay $0x3  }
0x215: {  	[tilespmem:s15+$0xF020] =	vst v33  }
0x216: {  	v33 =	vld.idx.msk [tilespmem:v34+s9+$0x0], $0xffff;
	_ =	sdelay $0x1  }
0x217: {  	v34 =	vor.u32 v4, v32;
	_ =	sdelay $0x3  }
0x218: {  	[tilespmem:s15+$0xF030] =	vst v33  }
0x219: {  	v33 =	vld.idx.msk [tilespmem:v34+s9+$0x0], $0xffff;
	_ =	sdelay $0x1  }
0x21a: {  	v34 =	vor.u32 v5, v32;
	_ =	sdelay $0x3  }
0x21b: {  	[tilespmem:s15+$0xF040] =	vst v33  }
0x21c: {  	v33 =	vld.idx.msk [tilespmem:v34+s9+$0x0], $0xffff;
	_ =	sdelay $0x1  }
0x21d: {  	v34 =	vor.u32 v6, v32;
	_ =	sdelay $0x3  }
0x21e: {  	[tilespmem:s15+$0xF050] =	vst v33  }
0x21f: {  	v33 =	vld.idx.msk [tilespmem:v34+s9+$0x0], $0xffff;
	_ =	sdelay $0x1  }
0x220: {  	v34 =	vor.u32 v7, v32;
	_ =	sdelay $0x3  }
0x221: {  	[tilespmem:s15+$0xF060] =	vst v33  }
0x222: {  	v33 =	vld.idx.msk [tilespmem:v34+s9+$0x0], $0xffff;
	_ =	sdelay $0x1  }
0x223: {  	v34 =	vor.u32 v8, v32;
	_ =	sdelay $0x3  }
0x224: {  	[tilespmem:s15+$0xF070] =	vst v33  }
0x225: {  	v33 =	vld.idx.msk [tilespmem:v34+s9+$0x0], $0xffff;
	_ =	sdelay $0x1  }
0x226: {  	v34 =	vor.u32 v9, v32;
	_ =	sdelay $0x3  }
0x227: {  	[tilespmem:s15+$0xF400] =	vst v33  }
0x228: {  	v33 =	vld.idx.msk [tilespmem:v34+s9+$0x0], $0xffff;
	_ =	sdelay $0x1  }
0x229: {  	v34 =	vor.u32 v10, v32;
	_ =	sdelay $0x3  }
0x22a: {  	[tilespmem:s15+$0xF410] =	vst v33  }
0x22b: {  	v33 =	vld.idx.msk [tilespmem:v34+s9+$0x0], $0xffff;
	_ =	sdelay $0x1  }
0x22c: {  	v34 =	vor.u32 v11, v32;
	_ =	sdelay $0x3  }
0x22d: {  	[tilespmem:s15+$0xF420] =	vst v33  }
0x22e: {  	v33 =	vld.idx.msk [tilespmem:v34+s9+$0x0], $0xffff;
	_ =	sdelay $0x1  }
0x22f: {  	v34 =	vor.u32 v12, v32;
	_ =	sdelay $0x3  }
0x230: {  	[tilespmem:s15+$0xF430] =	vst v33  }
0x231: {  	v33 =	vld.idx.msk [tilespmem:v34+s9+$0x0], $0xffff;
	_ =	sdelay $0x1  }
0x232: {  	v34 =	vor.u32 v13, v32;
	_ =	sdelay $0x3  }
0x233: {  	[tilespmem:s15+$0xF440] =	vst v33  }
0x234: {  	v33 =	vld.idx.msk [tilespmem:v34+s9+$0x0], $0xffff;
	_ =	sdelay $0x1  }
0x235: {  	v34 =	vor.u32 v14, v32;
	_ =	sdelay $0x3  }
0x236: {  	[tilespmem:s15+$0xF450] =	vst v33  }
0x237: {  	v33 =	vld.idx.msk [tilespmem:v34+s9+$0x0], $0xffff;
	_ =	sdelay $0x1  }
0x238: {  	v34 =	vor.u32 v15, v32;
	_ =	sdelay $0x3  }
0x239: {  	[tilespmem:s15+$0xF460] =	vst v33  }
0x23a: {  	v33 =	vld.idx.msk [tilespmem:v34+s9+$0x0], $0xffff;
	_ =	sdelay $0x1  }
0x23b: {  	v34 =	vor.u32 v16, v32;
	_ =	sdelay $0x3  }
0x23c: {  	[tilespmem:s15+$0xF470] =	vst v33  }
0x23d: {  	v33 =	vld.idx.msk [tilespmem:v34+s9+$0x0], $0xffff;
	_ =	sdelay $0x1  }
0x23e: {  	v34 =	vor.u32 v17, v32;
	_ =	sdelay $0x3  }
0x23f: {  	[tilespmem:s15+$0xF800] =	vst v33  }
0x240: {  	v33 =	vld.idx.msk [tilespmem:v34+s9+$0x0], $0xffff;
	_ =	sdelay $0x1  }
0x241: {  	v34 =	vor.u32 v18, v32;
	_ =	sdelay $0x3  }
0x242: {  	[tilespmem:s15+$0xF810] =	vst v33  }
0x243: {  	v33 =	vld.idx.msk [tilespmem:v34+s9+$0x0], $0xffff;
	_ =	sdelay $0x1  }
0x244: {  	v34 =	vor.u32 v19, v32;
	_ =	sdelay $0x3  }
0x245: {  	[tilespmem:s15+$0xF820] =	vst v33  }
0x246: {  	v33 =	vld.idx.msk [tilespmem:v34+s9+$0x0], $0xffff;
	_ =	sdelay $0x1  }
0x247: {  	v34 =	vor.u32 v20, v32;
	_ =	sdelay $0x3  }
0x248: {  	[tilespmem:s15+$0xF830] =	vst v33  }
0x249: {  	v33 =	vld.idx.msk [tilespmem:v34+s9+$0x0], $0xffff;
	_ =	sdelay $0x1  }
0x24a: {  	v34 =	vor.u32 v21, v32;
	_ =	sdelay $0x3  }
0x24b: {  	[tilespmem:s15+$0xF840] =	vst v33  }
0x24c: {  	v33 =	vld.idx.msk [tilespmem:v34+s9+$0x0], $0xffff;
	_ =	sdelay $0x1  }
0x24d: {  	v34 =	vor.u32 v22, v32;
	_ =	sdelay $0x3  }
0x24e: {  	[tilespmem:s15+$0xF850] =	vst v33  }
0x24f: {  	v33 =	vld.idx.msk [tilespmem:v34+s9+$0x0], $0xffff;
	_ =	sdelay $0x1  }
0x250: {  	v34 =	vor.u32 v23, v32;
	_ =	sdelay $0x3  }
0x251: {  	[tilespmem:s15+$0xF860] =	vst v33  }
0x252: {  	v33 =	vld.idx.msk [tilespmem:v34+s9+$0x0], $0xffff;
	_ =	sdelay $0x1  }
0x253: {  	v34 =	vor.u32 v24, v32;
	_ =	sdelay $0x3  }
0x254: {  	[tilespmem:s15+$0xF870] =	vst v33  }
0x255: {  	v33 =	vld.idx.msk [tilespmem:v34+s9+$0x0], $0xffff;
	_ =	sdelay $0x1  }
0x256: {  	v34 =	vor.u32 v25, v32;
	_ =	sdelay $0x1  }
0x257: {  	s14 =	sor.u32 s14, s11  }
0x258: {  	s14 =	sor.u32 $0xC00, s14  }
0x259: {  	[tilespmem:s14+$0xF000] =	vst v33  }
0x25a: {  	v33 =	vld.idx.msk [tilespmem:v34+s9+$0x0], $0xffff;
	_ =	sdelay $0x1  }
0x25b: {  	v34 =	vor.u32 v26, v32;
	_ =	sdelay $0x3  }
0x25c: {  	[tilespmem:s14+$0xF010] =	vst v33  }
0x25d: {  	v33 =	vld.idx.msk [tilespmem:v34+s9+$0x0], $0xffff;
	_ =	sdelay $0x1  }
0x25e: {  	v34 =	vor.u32 v27, v32;
	_ =	sdelay $0x3  }
0x25f: {  	[tilespmem:s14+$0xF020] =	vst v33  }
0x260: {  	v33 =	vld.idx.msk [tilespmem:v34+s9+$0x0], $0xffff;
	_ =	sdelay $0x1  }
0x261: {  	v34 =	vor.u32 v28, v32;
	_ =	sdelay $0x3  }
0x262: {  	[tilespmem:s14+$0xF030] =	vst v33  }
0x263: {  	v33 =	vld.idx.msk [tilespmem:v34+s9+$0x0], $0xffff;
	_ =	sdelay $0x1  }
0x264: {  	v34 =	vor.u32 v29, v32;
	_ =	sdelay $0x3  }
0x265: {  	[tilespmem:s14+$0xF040] =	vst v33  }
0x266: {  	v33 =	vld.idx.msk [tilespmem:v34+s9+$0x0], $0xffff;
	_ =	sdelay $0x1  }
0x267: {  	v34 =	vor.u32 v30, v32;
	_ =	sdelay $0x3  }
0x268: {  	[tilespmem:s14+$0xF050] =	vst v33  }
0x269: {  	v34 =	vld.idx.msk [tilespmem:v34+s9+$0x0], $0xffff  }
.Ltmp1:
0x26a: {  	(pc) =	sbr.rel @p0 .LBB2_5-.Ltmp1, $2  }
0x26b: {  	v33 =	vor.u32 v31, v32;
	_ =	sdelay $0x2  }
0x26c: {  	v32 =	vmov s12;
	s12 =	sadd.s32 $0x1, s12  }
0x26d: {  	_ =	sdelay $0x1  }
0x26e: {  	v32 =	vand.u32 $0x1F, v32  }
0x26f: {  	[tilespmem:s14+$0xF060] =	vst v34;
	v32 =	vbroadcast v32, $0x0  }
0x270: {  	v33 =	vld.idx.msk [tilespmem:v33+s9+$0x0], $0xffff  }
0x271: {  	v61 =	vor.u32 v0, v32;
	_ =	sdelay $0x3  }
0x272: {  	[tilespmem:s14+$0xF070] =	vst v33  }
0x273: {  	v33 =	vld.idx.msk [tilespmem:v61+s9+$0x0], $0xffff  }
0x274: {  	s10 =	sadd.s32 $0x200, s10;
	v62 =	vor.u32 v1, v32  }
0x275: {  	s11 =	sadd.s32 $0x80, s11;
	s12 =	sand.u32 $0x3000, s10  }
0x276: {  	s15 =	sor.u32 s8, s12;
	s14 =	sand.u32 $0x380, s11  }
0x277: {  	s12 =	sadd.s32 s14, s15  }
0x278: {  	[tilespmem:s12+$0xF000] =	vst v33  }
0x279: {  	v33 =	vld.idx.msk [tilespmem:v62+s9+$0x0], $0xffff  }
0x27a: {  	v63 =	vor.u32 v2, v32;
	_ =	sdelay $0x3  }
0x27b: {  	[tilespmem:s12+$0xF010] =	vst v33  }
0x27c: {  	v33 =	vld.idx.msk [tilespmem:v63+s9+$0x0], $0xffff  }
0x27d: {  	v36 =	vor.u32 v3, v32;
	_ =	sdelay $0x3  }
0x27e: {  	[tilespmem:s12+$0xF020] =	vst v33  }
0x27f: {  	v33 =	vld.idx.msk [tilespmem:v36+s9+$0x0], $0xffff  }
0x280: {  	v37 =	vor.u32 v4, v32;
	_ =	sdelay $0x3  }
0x281: {  	[tilespmem:s12+$0xF030] =	vst v33  }
0x282: {  	v33 =	vld.idx.msk [tilespmem:v37+s9+$0x0], $0xffff  }
0x283: {  	v38 =	vor.u32 v5, v32;
	_ =	sdelay $0x3  }
0x284: {  	[tilespmem:s12+$0xF040] =	vst v33  }
0x285: {  	v33 =	vld.idx.msk [tilespmem:v38+s9+$0x0], $0xffff  }
0x286: {  	v39 =	vor.u32 v6, v32;
	_ =	sdelay $0x3  }
0x287: {  	[tilespmem:s12+$0xF050] =	vst v33  }
0x288: {  	v33 =	vld.idx.msk [tilespmem:v39+s9+$0x0], $0xffff  }
0x289: {  	v40 =	vor.u32 v7, v32;
	_ =	sdelay $0x3  }
0x28a: {  	[tilespmem:s12+$0xF060] =	vst v33  }
0x28b: {  	v33 =	vld.idx.msk [tilespmem:v40+s9+$0x0], $0xffff  }
0x28c: {  	v41 =	vor.u32 v8, v32;
	_ =	sdelay $0x3  }
0x28d: {  	[tilespmem:s12+$0xF070] =	vst v33  }
0x28e: {  	v33 =	vld.idx.msk [tilespmem:v41+s9+$0x0], $0xffff  }
0x28f: {  	v42 =	vor.u32 v9, v32;
	_ =	sdelay $0x3  }
0x290: {  	[tilespmem:s12+$0xF400] =	vst v33  }
0x291: {  	v33 =	vld.idx.msk [tilespmem:v42+s9+$0x0], $0xffff  }
0x292: {  	v43 =	vor.u32 v10, v32;
	_ =	sdelay $0x3  }
0x293: {  	[tilespmem:s12+$0xF410] =	vst v33  }
0x294: {  	v33 =	vld.idx.msk [tilespmem:v43+s9+$0x0], $0xffff  }
0x295: {  	v44 =	vor.u32 v11, v32;
	_ =	sdelay $0x3  }
0x296: {  	[tilespmem:s12+$0xF420] =	vst v33  }
0x297: {  	v33 =	vld.idx.msk [tilespmem:v44+s9+$0x0], $0xffff  }
0x298: {  	v45 =	vor.u32 v12, v32;
	_ =	sdelay $0x3  }
0x299: {  	[tilespmem:s12+$0xF430] =	vst v33  }
0x29a: {  	v33 =	vld.idx.msk [tilespmem:v45+s9+$0x0], $0xffff  }
0x29b: {  	v46 =	vor.u32 v13, v32;
	_ =	sdelay $0x3  }
0x29c: {  	[tilespmem:s12+$0xF440] =	vst v33  }
0x29d: {  	v33 =	vld.idx.msk [tilespmem:v46+s9+$0x0], $0xffff  }
0x29e: {  	v47 =	vor.u32 v14, v32;
	_ =	sdelay $0x3  }
0x29f: {  	[tilespmem:s12+$0xF450] =	vst v33  }
0x2a0: {  	v33 =	vld.idx.msk [tilespmem:v47+s9+$0x0], $0xffff  }
0x2a1: {  	v48 =	vor.u32 v15, v32;
	_ =	sdelay $0x3  }
0x2a2: {  	[tilespmem:s12+$0xF460] =	vst v33  }
0x2a3: {  	v33 =	vld.idx.msk [tilespmem:v48+s9+$0x0], $0xffff  }
0x2a4: {  	v49 =	vor.u32 v16, v32;
	_ =	sdelay $0x3  }
0x2a5: {  	[tilespmem:s12+$0xF470] =	vst v33  }
0x2a6: {  	v33 =	vld.idx.msk [tilespmem:v49+s9+$0x0], $0xffff  }
0x2a7: {  	v50 =	vor.u32 v17, v32;
	_ =	sdelay $0x3  }
0x2a8: {  	[tilespmem:s12+$0xF800] =	vst v33  }
0x2a9: {  	v33 =	vld.idx.msk [tilespmem:v50+s9+$0x0], $0xffff  }
0x2aa: {  	v51 =	vor.u32 v18, v32;
	_ =	sdelay $0x3  }
0x2ab: {  	[tilespmem:s12+$0xF810] =	vst v33  }
0x2ac: {  	v33 =	vld.idx.msk [tilespmem:v51+s9+$0x0], $0xffff  }
0x2ad: {  	v52 =	vor.u32 v19, v32;
	_ =	sdelay $0x3  }
0x2ae: {  	[tilespmem:s12+$0xF820] =	vst v33  }
0x2af: {  	v33 =	vld.idx.msk [tilespmem:v52+s9+$0x0], $0xffff  }
0x2b0: {  	v53 =	vor.u32 v20, v32;
	_ =	sdelay $0x3  }
0x2b1: {  	[tilespmem:s12+$0xF830] =	vst v33  }
0x2b2: {  	v33 =	vld.idx.msk [tilespmem:v53+s9+$0x0], $0xffff  }
0x2b3: {  	v54 =	vor.u32 v21, v32;
	_ =	sdelay $0x3  }
0x2b4: {  	[tilespmem:s12+$0xF840] =	vst v33  }
0x2b5: {  	v33 =	vld.idx.msk [tilespmem:v54+s9+$0x0], $0xffff  }
0x2b6: {  	v55 =	vor.u32 v22, v32;
	_ =	sdelay $0x3  }
0x2b7: {  	[tilespmem:s12+$0xF850] =	vst v33  }
0x2b8: {  	v33 =	vld.idx.msk [tilespmem:v55+s9+$0x0], $0xffff  }
0x2b9: {  	v56 =	vor.u32 v23, v32;
	_ =	sdelay $0x3  }
0x2ba: {  	[tilespmem:s12+$0xF860] =	vst v33  }
0x2bb: {  	v33 =	vld.idx.msk [tilespmem:v56+s9+$0x0], $0xffff  }
0x2bc: {  	v57 =	vor.u32 v24, v32;
	_ =	sdelay $0x3  }
0x2bd: {  	[tilespmem:s12+$0xF870] =	vst v33  }
0x2be: {  	v33 =	vld.idx.msk [tilespmem:v57+s9+$0x0], $0xffff  }
0x2bf: {  	v58 =	vor.u32 v25, v32;
	_ =	sdelay $0x1  }
0x2c0: {  	s10 =	sor.u32 s15, s11  }
0x2c1: {  	s10 =	sor.u32 $0xC00, s10  }
0x2c2: {  	[tilespmem:s10+$0xF000] =	vst v33  }
0x2c3: {  	v33 =	vld.idx.msk [tilespmem:v58+s9+$0x0], $0xffff  }
0x2c4: {  	v59 =	vor.u32 v26, v32;
	_ =	sdelay $0x3  }
0x2c5: {  	[tilespmem:s10+$0xF010] =	vst v33  }
0x2c6: {  	v33 =	vld.idx.msk [tilespmem:v59+s9+$0x0], $0xffff  }
0x2c7: {  	v60 =	vor.u32 v27, v32;
	_ =	sdelay $0x3  }
0x2c8: {  	[tilespmem:s10+$0xF020] =	vst v33  }
0x2c9: {  	v33 =	vld.idx.msk [tilespmem:v60+s9+$0x0], $0xffff  }
0x2ca: {  	v61 =	vor.u32 v28, v32;
	_ =	sdelay $0x3  }
0x2cb: {  	[tilespmem:s10+$0xF030] =	vst v33  }
0x2cc: {  	v33 =	vld.idx.msk [tilespmem:v61+s9+$0x0], $0xffff  }
0x2cd: {  	v62 =	vor.u32 v29, v32;
	_ =	sdelay $0x3  }
0x2ce: {  	[tilespmem:s10+$0xF040] =	vst v33  }
0x2cf: {  	v33 =	vld.idx.msk [tilespmem:v62+s9+$0x0], $0xffff  }
0x2d0: {  	v63 =	vor.u32 v30, v32;
	_ =	sdelay $0x3  }
0x2d1: {  	[tilespmem:s10+$0xF050] =	vst v33  }
0x2d2: {  	v33 =	vld.idx.msk [tilespmem:v63+s9+$0x0], $0xffff  }
0x2d3: {  	v32 =	vor.u32 v31, v32;
	_ =	sdelay $0x3  }
0x2d4: {  	[tilespmem:s10+$0xF060] =	vst v33  }
0x2d5: {  	v32 =	vld.idx.msk [tilespmem:v32+s9+$0x0], $0xffff;
	_ =	sdelay $0x1  }
0x2d6: {  	s15 =	sshll.u32 s31, $0x13  }
0x2d7: {  	s9 =	sor.u32 s4, s15  }
0x2d8: {  	s9 =	sshrl.u32 s9, $0x3  }
0x2d9: {  	s12 =	sadd.s32 $0xF000, s8;
	s11 =	sadd.s32 s2, s9;
	[tilespmem:s10+$0xF070] =	vst v32  }
0x2da: {  	[hbm4b:s11+s3] =	stream.linear.scatter [tilespmem:s12], [sflag:$0x2], $0x1000, $0x38;
	[tilespmem:$0x17000] =	vst v63  }
0x2db: {  	p0 =	sne.s32 s7, $0x31;
	s15 =	sor.u32 $0x10000, s8;
	s14 =	sadd.s32 s9, s17  }
0x2dc: {  	[hbm4b:s14+s3] =	stream.linear.scatter [tilespmem:s15], [sflag:$0x2], $0x1000, $0x38;
	[tilespmem:$0x17000] =	vst v63  }
.Ltmp2:
0x2dd: {  	_ = 	snop;
	(pc) =	sbr.rel @p0 .LBB2_4-.Ltmp2, $4  }
0x2de: {  	s12 =	sadd.s32 s9, s18;
	s14 =	sadd.s32 $0x11000, s8  }
0x2df: {  	[hbm4b:s12+s3] =	stream.linear.scatter [tilespmem:s14], [sflag:$0x2], $0x1000, $0x38;
	[tilespmem:$0x17000] =	vst v63  }
0x2e0: {  	s31 =	smov.u32 s7;
	s9 =	sadd.s32 s9, s19;
	s15 =	sadd.s32 $0x12000, s8  }
0x2e1: {  	[hbm4b:s9+s3] =	stream.linear.scatter [tilespmem:s15], [sflag:$0x2], $0x1000, $0x38;
	[tilespmem:$0x17000] =	vst v63  }
0x2e2: {  	_ =	swait.ge [sflag:s29], $0x1000  }
0x2e3: {  	[sflag:s29] =	ssyncset.done $0x0  }
0x2e4: {  	[sflag:s29] =	ssyncadd.s32 $0xFFFFF000  }
0x2e5: {  	_ =	swait.ge [sflag:s29], $0x1000  }
0x2e6: {  	[sflag:s29] =	ssyncset.done $0x0  }
0x2e7: {  	[sflag:s29] =	ssyncadd.s32 $0xFFFFF000  }
0x2e8: {  	_ =	swait.ge [sflag:s29], $0x1000  }
0x2e9: {  	[sflag:s29] =	ssyncset.done $0x0  }
0x2ea: {  	[sflag:s29] =	ssyncadd.s32 $0xFFFFF000  }
0x2eb: {  	_ =	swait.ge [sflag:s29], $0x1000  }
0x2ec: {  	[sflag:s29] =	ssyncset.done $0x0  }
0x2ed: {  	[sflag:s29] =	ssyncadd.s32 $0xFFFFF000  }
0x2ee: {  	_ =	swait.ge [sflag:s0], $0x1000  }
0x2ef: {  	[sflag:s0] =	ssyncset.done $0x0  }
0x2f0: {  	s7 =	simm.s32 $0x0;
	[sflag:s0] =	ssyncadd.s32 $0xFFFFF000  }
0x2f1: {  	v32 =	vmov s7;
	_ =	swait.ge [sflag:s0], $0x1000  }
0x2f2: {  	v32 =	vand.u32 $0x1F, v32;
	[sflag:s0] =	ssyncset.done $0x0  }
0x2f3: {  	v32 =	vbroadcast v32, $0x0;
	[sflag:s0] =	ssyncadd.s32 $0xFFFFF000  }
0x2f4: {  	_ =	swait.ge [sflag:s0], $0x1000  }
0x2f5: {  	v33 =	vor.u32 v0, v32;
	[sflag:s0] =	ssyncset.done $0x0  }
0x2f6: {  	[sflag:s0] =	ssyncadd.s32 $0xFFFFF000  }
0x2f7: {  	_ =	swait.ge [sflag:s0], $0x1000  }
0x2f8: {  	[sflag:s0] =	ssyncset.done $0x0  }
0x2f9: {  	[sflag:s0] =	ssyncadd.s32 $0xFFFFF000  }
0x2fa: {  	v33 =	vld.idx.msk [tilespmem:v33+s30+$0x0], $0xffff  }
0x2fb: {  	v34 =	vor.u32 v1, v32  }
0x2fc: {  	s8 =	sand.u32 $0x3000, s7;
	s9 =	sand.u32 $0x380, s7  }
0x2fd: {  	s9 =	sor.u32 s9, s8  }
0x2fe: {  	s9 =	sadd.s32 $0xF000, s9  }
0x2ff: {  	[tilespmem:s9+$0x4000] =	vst v33  }
0x300: {  	v33 =	vld.idx.msk [tilespmem:v34+s30+$0x0], $0xffff  }
0x301: {  	v63 =	vor.u32 v2, v32;
	_ =	sdelay $0x3  }
0x302: {  	[tilespmem:s9+$0x4010] =	vst v33  }
0x303: {  	v33 =	vld.idx.msk [tilespmem:v63+s30+$0x0], $0xffff  }
0x304: {  	v36 =	vor.u32 v3, v32;
	_ =	sdelay $0x3  }
0x305: {  	[tilespmem:s9+$0x4020] =	vst v33  }
0x306: {  	v33 =	vld.idx.msk [tilespmem:v36+s30+$0x0], $0xffff  }
0x307: {  	v37 =	vor.u32 v4, v32;
	_ =	sdelay $0x3  }
0x308: {  	[tilespmem:s9+$0x4030] =	vst v33  }
0x309: {  	v33 =	vld.idx.msk [tilespmem:v37+s30+$0x0], $0xffff  }
0x30a: {  	v38 =	vor.u32 v5, v32;
	_ =	sdelay $0x3  }
0x30b: {  	[tilespmem:s9+$0x4040] =	vst v33  }
0x30c: {  	v33 =	vld.idx.msk [tilespmem:v38+s30+$0x0], $0xffff  }
0x30d: {  	v39 =	vor.u32 v6, v32;
	_ =	sdelay $0x3  }
0x30e: {  	[tilespmem:s9+$0x4050] =	vst v33  }
0x30f: {  	v33 =	vld.idx.msk [tilespmem:v39+s30+$0x0], $0xffff  }
0x310: {  	v40 =	vor.u32 v7, v32;
	_ =	sdelay $0x3  }
0x311: {  	[tilespmem:s9+$0x4060] =	vst v33  }
0x312: {  	v33 =	vld.idx.msk [tilespmem:v40+s30+$0x0], $0xffff  }
0x313: {  	v41 =	vor.u32 v8, v32;
	_ =	sdelay $0x3  }
0x314: {  	[tilespmem:s9+$0x4070] =	vst v33  }
0x315: {  	v33 =	vld.idx.msk [tilespmem:v41+s30+$0x0], $0xffff  }
0x316: {  	v42 =	vor.u32 v9, v32;
	_ =	sdelay $0x3  }
0x317: {  	[tilespmem:s9+$0x4400] =	vst v33  }
0x318: {  	v33 =	vld.idx.msk [tilespmem:v42+s30+$0x0], $0xffff  }
0x319: {  	v43 =	vor.u32 v10, v32;
	_ =	sdelay $0x3  }
0x31a: {  	[tilespmem:s9+$0x4410] =	vst v33  }
0x31b: {  	v33 =	vld.idx.msk [tilespmem:v43+s30+$0x0], $0xffff  }
0x31c: {  	v44 =	vor.u32 v11, v32;
	_ =	sdelay $0x3  }
0x31d: {  	[tilespmem:s9+$0x4420] =	vst v33  }
0x31e: {  	v33 =	vld.idx.msk [tilespmem:v44+s30+$0x0], $0xffff  }
0x31f: {  	v45 =	vor.u32 v12, v32;
	_ =	sdelay $0x3  }
0x320: {  	[tilespmem:s9+$0x4430] =	vst v33  }
0x321: {  	v33 =	vld.idx.msk [tilespmem:v45+s30+$0x0], $0xffff  }
0x322: {  	v46 =	vor.u32 v13, v32;
	_ =	sdelay $0x3  }
0x323: {  	[tilespmem:s9+$0x4440] =	vst v33  }
0x324: {  	v33 =	vld.idx.msk [tilespmem:v46+s30+$0x0], $0xffff  }
0x325: {  	v47 =	vor.u32 v14, v32;
	_ =	sdelay $0x3  }
0x326: {  	[tilespmem:s9+$0x4450] =	vst v33  }
0x327: {  	v33 =	vld.idx.msk [tilespmem:v47+s30+$0x0], $0xffff  }
0x328: {  	v48 =	vor.u32 v15, v32;
	_ =	sdelay $0x3  }
0x329: {  	[tilespmem:s9+$0x4460] =	vst v33  }
0x32a: {  	v33 =	vld.idx.msk [tilespmem:v48+s30+$0x0], $0xffff  }
0x32b: {  	v49 =	vor.u32 v16, v32;
	_ =	sdelay $0x3  }
0x32c: {  	[tilespmem:s9+$0x4470] =	vst v33  }
0x32d: {  	v33 =	vld.idx.msk [tilespmem:v49+s30+$0x0], $0xffff  }
0x32e: {  	v50 =	vor.u32 v17, v32;
	_ =	sdelay $0x3  }
0x32f: {  	[tilespmem:s9+$0x4800] =	vst v33  }
0x330: {  	v33 =	vld.idx.msk [tilespmem:v50+s30+$0x0], $0xffff  }
0x331: {  	v51 =	vor.u32 v18, v32;
	_ =	sdelay $0x3  }
0x332: {  	[tilespmem:s9+$0x4810] =	vst v33  }
0x333: {  	v33 =	vld.idx.msk [tilespmem:v51+s30+$0x0], $0xffff  }
0x334: {  	v52 =	vor.u32 v19, v32;
	_ =	sdelay $0x3  }
0x335: {  	[tilespmem:s9+$0x4820] =	vst v33  }
0x336: {  	v33 =	vld.idx.msk [tilespmem:v52+s30+$0x0], $0xffff  }
0x337: {  	v53 =	vor.u32 v20, v32;
	_ =	sdelay $0x3  }
0x338: {  	[tilespmem:s9+$0x4830] =	vst v33  }
0x339: {  	v33 =	vld.idx.msk [tilespmem:v53+s30+$0x0], $0xffff  }
0x33a: {  	v54 =	vor.u32 v21, v32;
	_ =	sdelay $0x3  }
0x33b: {  	[tilespmem:s9+$0x4840] =	vst v33  }
0x33c: {  	v33 =	vld.idx.msk [tilespmem:v54+s30+$0x0], $0xffff  }
0x33d: {  	v55 =	vor.u32 v22, v32;
	_ =	sdelay $0x3  }
0x33e: {  	[tilespmem:s9+$0x4850] =	vst v33  }
0x33f: {  	v33 =	vld.idx.msk [tilespmem:v55+s30+$0x0], $0xffff  }
0x340: {  	v56 =	vor.u32 v23, v32;
	_ =	sdelay $0x3  }
0x341: {  	[tilespmem:s9+$0x4860] =	vst v33  }
0x342: {  	v33 =	vld.idx.msk [tilespmem:v56+s30+$0x0], $0xffff  }
0x343: {  	v57 =	vor.u32 v24, v32;
	_ =	sdelay $0x3  }
0x344: {  	[tilespmem:s9+$0x4870] =	vst v33  }
0x345: {  	v33 =	vld.idx.msk [tilespmem:v57+s30+$0x0], $0xffff  }
0x346: {  	v58 =	vor.u32 v25, v32;
	_ =	sdelay $0x1  }
0x347: {  	s8 =	sor.u32 s8, s7  }
0x348: {  	s10 =	sor.u32 $0x4C00, s8  }
0x349: {  	[tilespmem:s10+$0xF000] =	vst v33  }
0x34a: {  	v33 =	vld.idx.msk [tilespmem:v58+s30+$0x0], $0xffff  }
0x34b: {  	v59 =	vor.u32 v26, v32;
	_ =	sdelay $0x3  }
0x34c: {  	[tilespmem:s10+$0xF010] =	vst v33  }
0x34d: {  	v33 =	vld.idx.msk [tilespmem:v59+s30+$0x0], $0xffff  }
0x34e: {  	v60 =	vor.u32 v27, v32;
	_ =	sdelay $0x3  }
0x34f: {  	[tilespmem:s10+$0xF020] =	vst v33  }
0x350: {  	v33 =	vld.idx.msk [tilespmem:v60+s30+$0x0], $0xffff  }
0x351: {  	v61 =	vor.u32 v28, v32;
	_ =	sdelay $0x3  }
0x352: {  	[tilespmem:s10+$0xF030] =	vst v33  }
0x353: {  	v33 =	vld.idx.msk [tilespmem:v61+s30+$0x0], $0xffff  }
0x354: {  	v62 =	vor.u32 v29, v32;
	_ =	sdelay $0x3  }
0x355: {  	[tilespmem:s10+$0xF040] =	vst v33  }
0x356: {  	v33 =	vld.idx.msk [tilespmem:v62+s30+$0x0], $0xffff  }
0x357: {  	v63 =	vor.u32 v30, v32;
	_ =	sdelay $0x3  }
0x358: {  	[tilespmem:s10+$0xF050] =	vst v33  }
0x359: {  	v34 =	vld.idx.msk [tilespmem:v63+s30+$0x0], $0xffff  }
0x35a: {  	v33 =	vor.u32 v31, v32;
	_ =	sdelay $0x1  }
0x35b: {  	s31 =	simm.s32 $0x1  }
0x35c: {  	s8 =	simm.s32 $0x0;
	s9 =	simm.s32 $0x2;
	v32 =	vmov s31  }
.LBB2_8:
0x35d: {  	p0 =	sne.s32 s9, $0x1F;
	v32 =	vand.u32 $0x1F, v32;
	[tilespmem:s10+$0xF060] =	vst v34  }
0x35e: {  	v32 =	vbroadcast v32, $0x0;
	v33 =	vld.idx.msk [tilespmem:v33+s30+$0x0], $0xffff;
	_ =	sdelay $0x1  }
0x35f: {  	v34 =	vor.u32 v0, v32;
	_ =	sdelay $0x3  }
0x360: {  	[tilespmem:s10+$0xF070] =	vst v33  }
0x361: {  	v33 =	vld.idx.msk [tilespmem:v34+s30+$0x0], $0xffff;
	_ =	sdelay $0x1  }
0x362: {  	s7 =	sadd.s32 $0x200, s7;
	s8 =	sadd.s32 $0x80, s8;
	v34 =	vor.u32 v1, v32  }
0x363: {  	s11 =	sand.u32 $0x380, s8;
	s10 =	sand.u32 $0x3000, s7  }
0x364: {  	s11 =	sor.u32 s11, s10  }
0x365: {  	s11 =	sadd.s32 $0xF000, s11  }
0x366: {  	[tilespmem:s11+$0x4000] =	vst v33  }
0x367: {  	v33 =	vld.idx.msk [tilespmem:v34+s30+$0x0], $0xffff;
	_ =	sdelay $0x1  }
0x368: {  	v34 =	vor.u32 v2, v32;
	_ =	sdelay $0x3  }
0x369: {  	[tilespmem:s11+$0x4010] =	vst v33  }
0x36a: {  	v33 =	vld.idx.msk [tilespmem:v34+s30+$0x0], $0xffff;
	_ =	sdelay $0x1  }
0x36b: {  	v34 =	vor.u32 v3, v32;
	_ =	sdelay $0x3  }
0x36c: {  	[tilespmem:s11+$0x4020] =	vst v33  }
0x36d: {  	v33 =	vld.idx.msk [tilespmem:v34+s30+$0x0], $0xffff;
	_ =	sdelay $0x1  }
0x36e: {  	v34 =	vor.u32 v4, v32;
	_ =	sdelay $0x3  }
0x36f: {  	[tilespmem:s11+$0x4030] =	vst v33  }
0x370: {  	v33 =	vld.idx.msk [tilespmem:v34+s30+$0x0], $0xffff;
	_ =	sdelay $0x1  }
0x371: {  	v34 =	vor.u32 v5, v32;
	_ =	sdelay $0x3  }
0x372: {  	[tilespmem:s11+$0x4040] =	vst v33  }
0x373: {  	v33 =	vld.idx.msk [tilespmem:v34+s30+$0x0], $0xffff;
	_ =	sdelay $0x1  }
0x374: {  	v34 =	vor.u32 v6, v32;
	_ =	sdelay $0x3  }
0x375: {  	[tilespmem:s11+$0x4050] =	vst v33  }
0x376: {  	v33 =	vld.idx.msk [tilespmem:v34+s30+$0x0], $0xffff;
	_ =	sdelay $0x1  }
0x377: {  	v34 =	vor.u32 v7, v32;
	_ =	sdelay $0x3  }
0x378: {  	[tilespmem:s11+$0x4060] =	vst v33  }
0x379: {  	v33 =	vld.idx.msk [tilespmem:v34+s30+$0x0], $0xffff;
	_ =	sdelay $0x1  }
0x37a: {  	v34 =	vor.u32 v8, v32;
	_ =	sdelay $0x3  }
0x37b: {  	[tilespmem:s11+$0x4070] =	vst v33  }
0x37c: {  	v33 =	vld.idx.msk [tilespmem:v34+s30+$0x0], $0xffff;
	_ =	sdelay $0x1  }
0x37d: {  	v34 =	vor.u32 v9, v32;
	_ =	sdelay $0x3  }
0x37e: {  	[tilespmem:s11+$0x4400] =	vst v33  }
0x37f: {  	v33 =	vld.idx.msk [tilespmem:v34+s30+$0x0], $0xffff;
	_ =	sdelay $0x1  }
0x380: {  	v34 =	vor.u32 v10, v32;
	_ =	sdelay $0x3  }
0x381: {  	[tilespmem:s11+$0x4410] =	vst v33  }
0x382: {  	v33 =	vld.idx.msk [tilespmem:v34+s30+$0x0], $0xffff;
	_ =	sdelay $0x1  }
0x383: {  	v34 =	vor.u32 v11, v32;
	_ =	sdelay $0x3  }
0x384: {  	[tilespmem:s11+$0x4420] =	vst v33  }
0x385: {  	v33 =	vld.idx.msk [tilespmem:v34+s30+$0x0], $0xffff;
	_ =	sdelay $0x1  }
0x386: {  	v34 =	vor.u32 v12, v32;
	_ =	sdelay $0x3  }
0x387: {  	[tilespmem:s11+$0x4430] =	vst v33  }
0x388: {  	v33 =	vld.idx.msk [tilespmem:v34+s30+$0x0], $0xffff;
	_ =	sdelay $0x1  }
0x389: {  	v34 =	vor.u32 v13, v32;
	_ =	sdelay $0x3  }
0x38a: {  	[tilespmem:s11+$0x4440] =	vst v33  }
0x38b: {  	v33 =	vld.idx.msk [tilespmem:v34+s30+$0x0], $0xffff;
	_ =	sdelay $0x1  }
0x38c: {  	v34 =	vor.u32 v14, v32;
	_ =	sdelay $0x3  }
0x38d: {  	[tilespmem:s11+$0x4450] =	vst v33  }
0x38e: {  	v33 =	vld.idx.msk [tilespmem:v34+s30+$0x0], $0xffff;
	_ =	sdelay $0x1  }
0x38f: {  	v34 =	vor.u32 v15, v32;
	_ =	sdelay $0x3  }
0x390: {  	[tilespmem:s11+$0x4460] =	vst v33  }
0x391: {  	v33 =	vld.idx.msk [tilespmem:v34+s30+$0x0], $0xffff;
	_ =	sdelay $0x1  }
0x392: {  	v34 =	vor.u32 v16, v32;
	_ =	sdelay $0x3  }
0x393: {  	[tilespmem:s11+$0x4470] =	vst v33  }
0x394: {  	v33 =	vld.idx.msk [tilespmem:v34+s30+$0x0], $0xffff;
	_ =	sdelay $0x1  }
0x395: {  	v34 =	vor.u32 v17, v32;
	_ =	sdelay $0x3  }
0x396: {  	[tilespmem:s11+$0x4800] =	vst v33  }
0x397: {  	v33 =	vld.idx.msk [tilespmem:v34+s30+$0x0], $0xffff;
	_ =	sdelay $0x1  }
0x398: {  	v34 =	vor.u32 v18, v32;
	_ =	sdelay $0x3  }
0x399: {  	[tilespmem:s11+$0x4810] =	vst v33  }
0x39a: {  	v33 =	vld.idx.msk [tilespmem:v34+s30+$0x0], $0xffff;
	_ =	sdelay $0x1  }
0x39b: {  	v34 =	vor.u32 v19, v32;
	_ =	sdelay $0x3  }
0x39c: {  	[tilespmem:s11+$0x4820] =	vst v33  }
0x39d: {  	v33 =	vld.idx.msk [tilespmem:v34+s30+$0x0], $0xffff;
	_ =	sdelay $0x1  }
0x39e: {  	v34 =	vor.u32 v20, v32;
	_ =	sdelay $0x3  }
0x39f: {  	[tilespmem:s11+$0x4830] =	vst v33  }
0x3a0: {  	v33 =	vld.idx.msk [tilespmem:v34+s30+$0x0], $0xffff;
	_ =	sdelay $0x1  }
0x3a1: {  	v34 =	vor.u32 v21, v32;
	_ =	sdelay $0x3  }
0x3a2: {  	[tilespmem:s11+$0x4840] =	vst v33  }
0x3a3: {  	v33 =	vld.idx.msk [tilespmem:v34+s30+$0x0], $0xffff;
	_ =	sdelay $0x1  }
0x3a4: {  	v34 =	vor.u32 v22, v32;
	_ =	sdelay $0x3  }
0x3a5: {  	[tilespmem:s11+$0x4850] =	vst v33  }
0x3a6: {  	v33 =	vld.idx.msk [tilespmem:v34+s30+$0x0], $0xffff;
	_ =	sdelay $0x1  }
0x3a7: {  	v34 =	vor.u32 v23, v32;
	_ =	sdelay $0x3  }
0x3a8: {  	[tilespmem:s11+$0x4860] =	vst v33  }
0x3a9: {  	v33 =	vld.idx.msk [tilespmem:v34+s30+$0x0], $0xffff;
	_ =	sdelay $0x1  }
0x3aa: {  	v34 =	vor.u32 v24, v32;
	_ =	sdelay $0x3  }
0x3ab: {  	[tilespmem:s11+$0x4870] =	vst v33  }
0x3ac: {  	v33 =	vld.idx.msk [tilespmem:v34+s30+$0x0], $0xffff;
	_ =	sdelay $0x1  }
0x3ad: {  	v34 =	vor.u32 v25, v32;
	_ =	sdelay $0x1  }
0x3ae: {  	s10 =	sor.u32 s10, s8  }
0x3af: {  	s10 =	sor.u32 $0x4C00, s10  }
0x3b0: {  	[tilespmem:s10+$0xF000] =	vst v33  }
0x3b1: {  	v33 =	vld.idx.msk [tilespmem:v34+s30+$0x0], $0xffff;
	_ =	sdelay $0x1  }
0x3b2: {  	v34 =	vor.u32 v26, v32;
	_ =	sdelay $0x3  }
0x3b3: {  	[tilespmem:s10+$0xF010] =	vst v33  }
0x3b4: {  	v33 =	vld.idx.msk [tilespmem:v34+s30+$0x0], $0xffff;
	_ =	sdelay $0x1  }
0x3b5: {  	v34 =	vor.u32 v27, v32;
	_ =	sdelay $0x3  }
0x3b6: {  	[tilespmem:s10+$0xF020] =	vst v33  }
0x3b7: {  	v33 =	vld.idx.msk [tilespmem:v34+s30+$0x0], $0xffff;
	_ =	sdelay $0x1  }
0x3b8: {  	v34 =	vor.u32 v28, v32;
	_ =	sdelay $0x3  }
0x3b9: {  	[tilespmem:s10+$0xF030] =	vst v33  }
0x3ba: {  	v33 =	vld.idx.msk [tilespmem:v34+s30+$0x0], $0xffff;
	_ =	sdelay $0x1  }
0x3bb: {  	v34 =	vor.u32 v29, v32;
	_ =	sdelay $0x3  }
0x3bc: {  	[tilespmem:s10+$0xF040] =	vst v33  }
0x3bd: {  	v33 =	vld.idx.msk [tilespmem:v34+s30+$0x0], $0xffff;
	_ =	sdelay $0x1  }
0x3be: {  	v34 =	vor.u32 v30, v32;
	_ =	sdelay $0x3  }
0x3bf: {  	[tilespmem:s10+$0xF050] =	vst v33  }
0x3c0: {  	v34 =	vld.idx.msk [tilespmem:v34+s30+$0x0], $0xffff  }
.Ltmp3:
0x3c1: {  	(pc) =	sbr.rel @p0 .LBB2_8-.Ltmp3, $2  }
0x3c2: {  	v33 =	vor.u32 v31, v32;
	_ =	sdelay $0x2  }
0x3c3: {  	v32 =	vmov s9;
	s9 =	sadd.s32 $0x1, s9  }
0x3c4: {  	_ =	sdelay $0x1  }
0x3c5: {  	v32 =	vand.u32 $0x1F, v32  }
0x3c6: {  	[tilespmem:s10+$0xF060] =	vst v34;
	v32 =	vbroadcast v32, $0x0  }
0x3c7: {  	v33 =	vld.idx.msk [tilespmem:v33+s30+$0x0], $0xffff  }
0x3c8: {  	v61 =	vor.u32 v0, v32;
	_ =	sdelay $0x3  }
0x3c9: {  	[tilespmem:s10+$0xF070] =	vst v33  }
0x3ca: {  	v33 =	vld.idx.msk [tilespmem:v61+s30+$0x0], $0xffff  }
0x3cb: {  	s9 =	sadd.s32 $0x200, s7;
	s8 =	sadd.s32 $0x80, s8;
	v62 =	vor.u32 v1, v32  }
0x3cc: {  	s11 =	sand.u32 $0x380, s8;
	s10 =	sand.u32 $0x3000, s9  }
0x3cd: {  	s9 =	sor.u32 s11, s10  }
0x3ce: {  	s9 =	sadd.s32 $0xF000, s9  }
0x3cf: {  	[tilespmem:s9+$0x4000] =	vst v33  }
0x3d0: {  	v33 =	vld.idx.msk [tilespmem:v62+s30+$0x0], $0xffff  }
0x3d1: {  	v63 =	vor.u32 v2, v32;
	_ =	sdelay $0x3  }
0x3d2: {  	[tilespmem:s9+$0x4010] =	vst v33  }
0x3d3: {  	v33 =	vld.idx.msk [tilespmem:v63+s30+$0x0], $0xffff  }
0x3d4: {  	v36 =	vor.u32 v3, v32;
	_ =	sdelay $0x3  }
0x3d5: {  	[tilespmem:s9+$0x4020] =	vst v33  }
0x3d6: {  	v33 =	vld.idx.msk [tilespmem:v36+s30+$0x0], $0xffff  }
0x3d7: {  	v37 =	vor.u32 v4, v32;
	_ =	sdelay $0x3  }
0x3d8: {  	[tilespmem:s9+$0x4030] =	vst v33  }
0x3d9: {  	v33 =	vld.idx.msk [tilespmem:v37+s30+$0x0], $0xffff  }
0x3da: {  	v38 =	vor.u32 v5, v32;
	_ =	sdelay $0x3  }
0x3db: {  	[tilespmem:s9+$0x4040] =	vst v33  }
0x3dc: {  	v33 =	vld.idx.msk [tilespmem:v38+s30+$0x0], $0xffff  }
0x3dd: {  	v39 =	vor.u32 v6, v32;
	_ =	sdelay $0x3  }
0x3de: {  	[tilespmem:s9+$0x4050] =	vst v33  }
0x3df: {  	v33 =	vld.idx.msk [tilespmem:v39+s30+$0x0], $0xffff  }
0x3e0: {  	v40 =	vor.u32 v7, v32;
	_ =	sdelay $0x3  }
0x3e1: {  	[tilespmem:s9+$0x4060] =	vst v33  }
0x3e2: {  	v33 =	vld.idx.msk [tilespmem:v40+s30+$0x0], $0xffff  }
0x3e3: {  	v41 =	vor.u32 v8, v32;
	_ =	sdelay $0x3  }
0x3e4: {  	[tilespmem:s9+$0x4070] =	vst v33  }
0x3e5: {  	v33 =	vld.idx.msk [tilespmem:v41+s30+$0x0], $0xffff  }
0x3e6: {  	v42 =	vor.u32 v9, v32;
	_ =	sdelay $0x3  }
0x3e7: {  	[tilespmem:s9+$0x4400] =	vst v33  }
0x3e8: {  	v33 =	vld.idx.msk [tilespmem:v42+s30+$0x0], $0xffff  }
0x3e9: {  	v43 =	vor.u32 v10, v32;
	_ =	sdelay $0x3  }
0x3ea: {  	[tilespmem:s9+$0x4410] =	vst v33  }
0x3eb: {  	v33 =	vld.idx.msk [tilespmem:v43+s30+$0x0], $0xffff  }
0x3ec: {  	v44 =	vor.u32 v11, v32;
	_ =	sdelay $0x3  }
0x3ed: {  	[tilespmem:s9+$0x4420] =	vst v33  }
0x3ee: {  	v33 =	vld.idx.msk [tilespmem:v44+s30+$0x0], $0xffff  }
0x3ef: {  	v45 =	vor.u32 v12, v32;
	_ =	sdelay $0x3  }
0x3f0: {  	[tilespmem:s9+$0x4430] =	vst v33  }
0x3f1: {  	v33 =	vld.idx.msk [tilespmem:v45+s30+$0x0], $0xffff  }
0x3f2: {  	v46 =	vor.u32 v13, v32;
	_ =	sdelay $0x3  }
0x3f3: {  	[tilespmem:s9+$0x4440] =	vst v33  }
0x3f4: {  	v33 =	vld.idx.msk [tilespmem:v46+s30+$0x0], $0xffff  }
0x3f5: {  	v47 =	vor.u32 v14, v32;
	_ =	sdelay $0x3  }
0x3f6: {  	[tilespmem:s9+$0x4450] =	vst v33  }
0x3f7: {  	v33 =	vld.idx.msk [tilespmem:v47+s30+$0x0], $0xffff  }
0x3f8: {  	v48 =	vor.u32 v15, v32;
	_ =	sdelay $0x3  }
0x3f9: {  	[tilespmem:s9+$0x4460] =	vst v33  }
0x3fa: {  	v33 =	vld.idx.msk [tilespmem:v48+s30+$0x0], $0xffff  }
0x3fb: {  	v49 =	vor.u32 v16, v32;
	_ =	sdelay $0x3  }
0x3fc: {  	[tilespmem:s9+$0x4470] =	vst v33  }
0x3fd: {  	v33 =	vld.idx.msk [tilespmem:v49+s30+$0x0], $0xffff  }
0x3fe: {  	v50 =	vor.u32 v17, v32;
	_ =	sdelay $0x3  }
0x3ff: {  	[tilespmem:s9+$0x4800] =	vst v33  }
0x400: {  	v33 =	vld.idx.msk [tilespmem:v50+s30+$0x0], $0xffff  }
0x401: {  	v51 =	vor.u32 v18, v32;
	_ =	sdelay $0x3  }
0x402: {  	[tilespmem:s9+$0x4810] =	vst v33  }
0x403: {  	v33 =	vld.idx.msk [tilespmem:v51+s30+$0x0], $0xffff  }
0x404: {  	v52 =	vor.u32 v19, v32;
	_ =	sdelay $0x3  }
0x405: {  	[tilespmem:s9+$0x4820] =	vst v33  }
0x406: {  	v33 =	vld.idx.msk [tilespmem:v52+s30+$0x0], $0xffff  }
0x407: {  	v53 =	vor.u32 v20, v32;
	_ =	sdelay $0x3  }
0x408: {  	[tilespmem:s9+$0x4830] =	vst v33  }
0x409: {  	v33 =	vld.idx.msk [tilespmem:v53+s30+$0x0], $0xffff  }
0x40a: {  	v54 =	vor.u32 v21, v32;
	_ =	sdelay $0x3  }
0x40b: {  	[tilespmem:s9+$0x4840] =	vst v33  }
0x40c: {  	v33 =	vld.idx.msk [tilespmem:v54+s30+$0x0], $0xffff  }
0x40d: {  	v55 =	vor.u32 v22, v32;
	_ =	sdelay $0x3  }
0x40e: {  	[tilespmem:s9+$0x4850] =	vst v33  }
0x40f: {  	v33 =	vld.idx.msk [tilespmem:v55+s30+$0x0], $0xffff  }
0x410: {  	v56 =	vor.u32 v23, v32;
	_ =	sdelay $0x3  }
0x411: {  	[tilespmem:s9+$0x4860] =	vst v33  }
0x412: {  	v33 =	vld.idx.msk [tilespmem:v56+s30+$0x0], $0xffff  }
0x413: {  	v57 =	vor.u32 v24, v32;
	_ =	sdelay $0x3  }
0x414: {  	[tilespmem:s9+$0x4870] =	vst v33  }
0x415: {  	v33 =	vld.idx.msk [tilespmem:v57+s30+$0x0], $0xffff  }
0x416: {  	v58 =	vor.u32 v25, v32;
	_ =	sdelay $0x1  }
0x417: {  	s7 =	sor.u32 s10, s8  }
0x418: {  	s7 =	sor.u32 $0x4C00, s7  }
0x419: {  	[tilespmem:s7+$0xF000] =	vst v33  }
0x41a: {  	v33 =	vld.idx.msk [tilespmem:v58+s30+$0x0], $0xffff  }
0x41b: {  	v59 =	vor.u32 v26, v32;
	_ =	sdelay $0x3  }
0x41c: {  	[tilespmem:s7+$0xF010] =	vst v33  }
0x41d: {  	v33 =	vld.idx.msk [tilespmem:v59+s30+$0x0], $0xffff  }
0x41e: {  	v60 =	vor.u32 v27, v32;
	_ =	sdelay $0x3  }
0x41f: {  	[tilespmem:s7+$0xF020] =	vst v33  }
0x420: {  	v33 =	vld.idx.msk [tilespmem:v60+s30+$0x0], $0xffff  }
0x421: {  	v61 =	vor.u32 v28, v32;
	_ =	sdelay $0x3  }
0x422: {  	[tilespmem:s7+$0xF030] =	vst v33  }
0x423: {  	v33 =	vld.idx.msk [tilespmem:v61+s30+$0x0], $0xffff  }
0x424: {  	v62 =	vor.u32 v29, v32;
	_ =	sdelay $0x3  }
0x425: {  	[tilespmem:s7+$0xF040] =	vst v33  }
0x426: {  	v33 =	vld.idx.msk [tilespmem:v62+s30+$0x0], $0xffff  }
0x427: {  	v63 =	vor.u32 v30, v32;
	_ =	sdelay $0x3  }
0x428: {  	[tilespmem:s7+$0xF050] =	vst v33  }
0x429: {  	v33 =	vld.idx.msk [tilespmem:v63+s30+$0x0], $0xffff  }
0x42a: {  	v32 =	vor.u32 v31, v32;
	_ =	sdelay $0x3  }
0x42b: {  	[tilespmem:s7+$0xF060] =	vst v33  }
0x42c: {  	v32 =	vld.idx.msk [tilespmem:v32+s30+$0x0], $0xffff;
	_ =	sdelay $0x4  }
0x42d: {  	s12 =	simm.s32 $0x13000;
	[tilespmem:s7+$0xF070] =	vst v32  }
0x42e: {  	[hbm4b:s20+s3] =	stream.linear.scatter [tilespmem:s12], [sflag:$0x2], $0x1000, $0x38;
	[tilespmem:$0x17000] =	vst v63  }
0x42f: {  	s14 =	simm.s32 $0x14000  }
0x430: {  	[hbm4b:s21+s3] =	stream.linear.scatter [tilespmem:s14], [sflag:$0x2], $0x1000, $0x38;
	[tilespmem:$0x17000] =	vst v63  }
0x431: {  	s15 =	simm.s32 $0x15000  }
0x432: {  	[hbm4b:s22+s3] =	stream.linear.scatter [tilespmem:s15], [sflag:$0x2], $0x1000, $0x38;
	[tilespmem:$0x17000] =	vst v63  }
0x433: {  	s31 =	simm.s32 $0x16000  }
0x434: {  	[hbm4b:s23+s3] =	stream.linear.scatter [tilespmem:s31], [sflag:$0x2], $0x1000, $0x38;
	[tilespmem:$0x17000] =	vst v63  }
0x435: {  	_ =	swait.ge [sflag:s0], $0x1000  }
0x436: {  	[sflag:s0] =	ssyncset.done $0x0  }
0x437: {  	[sflag:s0] =	ssyncadd.s32 $0xFFFFF000  }
0x438: {  	_ =	swait.ge [sflag:s0], $0x1000  }
0x439: {  	[sflag:s0] =	ssyncset.done $0x0  }
0x43a: {  	s28 =	sadd.s32 $0x1, s28;
	[sflag:s0] =	ssyncadd.s32 $0xFFFFF000  }
0x43b: {  	p0 =	sne.s32 s28, s24;
	_ =	swait.ge [sflag:s0], $0x1000  }
.Ltmp4:
0x43c: {  	[sflag:s0] =	ssyncset.done $0x0;
	(pc) =	sbr.rel @p0 .LBB2_1-.Ltmp4, $4  }
0x43d: {  	[sflag:s0] =	ssyncadd.s32 $0xFFFFF000  }
0x43e: {  	_ =	swait.ge [sflag:s0], $0x1000  }
0x43f: {  	[sflag:s0] =	ssyncset.done $0x0  }
0x440: {  	[sflag:s0] =	ssyncadd.s32 $0xFFFFF000  }
0x441: {  	_ =	sfence.sel $0x180000  }
0x442: {  	[bflag:$0x0] =	sbarrier.arrive $0xFFFF  }
0x443: {  	_ =	strace $0x90000047  }
0x444: {  	s0 =	stileid.u32;
	[bflag:$0x2] =	sbarrier.arrive $0xFFFF  }
0x445: {  	p0 =	sne.s32 s0, $0x0;
	s0 =	rddreg [dreg:$0x2]  }
0x446: {  	s0 =	sadd.s32 @!p0 $0x100000, s0  }
0x447: {  	[sflag:s0] =	ssyncadd.tile.s32 @!p0 $0x1;
	_ =	shalt  }
.Lfunc_end2:
_tile_overlayer_lowered:
.L_overlay_start_2:
0x448: {  	(tag) =	ssettag $0x2  }
0x449: {  	s0 =	rddreg [dreg:$0x0];
	s2 =	stileid.u32  }
0x44a: {  	s1 =	rddreg [dreg:$0x1];
	p0 =	sne.s32 s2, $0x0  }
0x44b: {  	s3 =	rddreg [dreg:$0x2];
	[bflag:$0x3] =	sbarrier.arrive $0xFFFF;
	s2 =	simm.s32 @!p0 $0x1C03  }
0x44c: {  	[timem:s3], [sflag:s2] =	dma.local @!p0 [hbm:s0], s1  }
0x44d: {  	s0 =	simm.s32 @!p0 $0x3  }
0x44e: {  	_ =	swait.ge @!p0 [sflag:s0], s1  }
0x44f: {  	s1 =	ssub.s32 @!p0 $0x0, s1;
	[sflag:s0] =	ssyncset.done @!p0 $0x0  }
0x450: {  	[sflag:s0] =	ssyncadd.s32 @!p0 s1  }
0x451: {  	[bflag:$0x3] =	sbarrier.arrive $0xFFFF  }
0x452: {  	_ =	shalt  }

</sc_bundles>
